<compile_context>
chip_gen: v7x
topology: tpu7x:2x2x1
jax: 0.10.2.dev20260603
libtpu: 0.0.44.dev20260713+nightly
codegen_flags: <defaults>
</compile_context>

<pallas_src>
import functools

import jax
import jax.numpy as jnp
from jax import lax
from jax.experimental import pallas as pl
from jax.experimental.pallas import tpu as pltpu
from jax.experimental.pallas import tpu_sc as plsc

N = 10000
E = 320000
D = 128
NC = 2
NS = 16
NW = NC * NS
EPW = E // NW
CHUNK = 80
NCHUNK = EPW // CHUNK
RPT = 624
REM = N - NS * RPT

_MESH = plsc.VectorSubcoreMesh(
    core_axis_name="c", subcore_axis_name="s", num_cores=NC, num_subcores=NS
)


_ZCHUNKS = [(k * CHUNK, CHUNK) for k in range(7)] + [(7 * CHUNK, 64)]


NPAIR = NCHUNK // 2


def _seg_sum(table, src1, dst1, zerosD, with_deg):
    out_type = [jax.ShapeDtypeStruct((NC, N, D), jnp.float32)]
    scratch = [
        pltpu.VMEM((2, 2, CHUNK), jnp.int32),
        pltpu.VMEM((2, 2, CHUNK), jnp.int32),
        pltpu.VMEM((CHUNK, D), jnp.float32),
        pltpu.VMEM((CHUNK, D), jnp.float32),
        pltpu.VMEM_SHARED((N, D), jnp.float32),
        pltpu.SemaphoreType.DMA,
        pltpu.SemaphoreType.DMA,
        pltpu.SemaphoreType.DMA,
        pltpu.SemaphoreType.DMA,
        pltpu.SemaphoreType.DMA,
        pltpu.SemaphoreType.DMA,
    ]
    if with_deg:
        out_type.append(jax.ShapeDtypeStruct((NW * N,), jnp.float32))
        scratch.append(pltpu.VMEM((N,), jnp.float32))

    @functools.partial(
        pl.kernel, out_type=tuple(out_type), mesh=_MESH, scratch_types=scratch,
        compiler_params=pltpu.CompilerParams(needs_layout_passes=False),
    )
    def k(table_h, src_h, dst_h, zd_h, out_h, *rest):
        if with_deg:
            deg_h, idxpA, idxpB, rows0, rows1, accS, iA, iB, g0, g1, s0, s1, hist = rest
        else:
            idxpA, idxpB, rows0, rows1, accS, iA, iB, g0, g1, s0, s1 = rest
        cid = lax.axis_index("c")
        sid = lax.axis_index("s")
        wid = sid * NC + cid
        base = wid * EPW
        ones16 = jnp.ones((16,), jnp.float32)

        def hist_update(idxp, a):
            if with_deg:
                for kk in range(CHUNK // 16):
                    idx = idxp[a, 1, pl.ds(kk * 16, 16)]
                    plsc.addupdate_scatter(hist, [idx], ones16)

        pltpu.sync_copy(zd_h, rows0)
        for off, sz in _ZCHUNKS:
            pltpu.async_copy(rows0.at[pl.ds(0, sz)],
                             accS.at[pl.ds(sid * RPT + off, sz)], g0)

        @pl.when(sid == 0)
        def _():
            pltpu.async_copy(rows0.at[pl.ds(0, REM)],
                             accS.at[pl.ds(NS * RPT, REM)], g0)

        if with_deg:
            z16 = jnp.zeros((16,), jnp.float32)

            def zstep(i, carry):
                hist[pl.ds(i * 16, 16)] = z16
                return carry

            lax.fori_loop(0, N // 16, zstep, 0)
        for off, sz in _ZCHUNKS:
            pltpu.make_async_copy(rows0.at[pl.ds(0, sz)],
                                  accS.at[pl.ds(sid * RPT + off, sz)], g0).wait()

        @pl.when(sid == 0)
        def _():
            pltpu.make_async_copy(rows0.at[pl.ds(0, REM)],
                                  accS.at[pl.ds(NS * RPT, REM)], g0).wait()

        plsc.subcore_barrier()

        def idx_copies(u, idxp):
            c0 = base + 2 * u * CHUNK
            return [(src_h.at[pl.ds(c0, CHUNK)], idxp.at[0, 0]),
                    (dst_h.at[pl.ds(c0, CHUNK)], idxp.at[0, 1]),
                    (src_h.at[pl.ds(c0 + CHUNK, CHUNK)], idxp.at[1, 0]),
                    (dst_h.at[pl.ds(c0 + CHUNK, CHUNK)], idxp.at[1, 1])]

        def wait_idx(u, idxp, isem):
            for s_, d_ in idx_copies(u, idxp):
                pltpu.make_async_copy(s_, d_, isem).wait()

        def load_idx(u, idxp, isem):
            for s_, d_ in idx_copies(u, idxp):
                pltpu.async_copy(s_, d_, isem)

        def wait_scat(rows, idxp, a, ssem):
            pltpu.make_async_copy(rows, accS.at[idxp.at[a, 1]], ssem).wait()

        def do_pair(u, idxp, isem, wait_prev_scat, load_next):
            wait_idx(u, idxp, isem)
            if wait_prev_scat:
                wait_scat(rows0, idxp, 0, s0)
                wait_scat(rows1, idxp, 1, s1)
            if load_next is not None:
                load_next()
            pltpu.async_copy(table_h.at[idxp.at[0, 0]], rows0, g0)
            pltpu.async_copy(table_h.at[idxp.at[1, 0]], rows1, g1)
            hist_update(idxp, 0)
            hist_update(idxp, 1)
            pltpu.make_async_copy(table_h.at[idxp.at[0, 0]], rows0, g0).wait()
            pltpu.async_copy(rows0, accS.at[idxp.at[0, 1]], s0, add=True)
            pltpu.make_async_copy(table_h.at[idxp.at[1, 0]], rows1, g1).wait()
            pltpu.async_copy(rows1, accS.at[idxp.at[1, 1]], s1, add=True)

        for s_, d_ in idx_copies(0, idxpA):
            pltpu.sync_copy(s_, d_)
        load_idx(1, idxpB, iB)
        pltpu.async_copy(table_h.at[idxpA.at[0, 0]], rows0, g0)
        pltpu.async_copy(table_h.at[idxpA.at[1, 0]], rows1, g1)
        hist_update(idxpA, 0)
        hist_update(idxpA, 1)
        pltpu.make_async_copy(table_h.at[idxpA.at[0, 0]], rows0, g0).wait()
        pltpu.async_copy(rows0, accS.at[idxpA.at[0, 1]], s0, add=True)
        pltpu.make_async_copy(table_h.at[idxpA.at[1, 0]], rows1, g1).wait()
        pltpu.async_copy(rows1, accS.at[idxpA.at[1, 1]], s1, add=True)

        def super_body(ss, carry):
            u = 2 * ss + 1
            do_pair(u, idxpB, iB, True,
                    lambda: load_idx(u + 1, idxpA, iA))
            do_pair(u + 1, idxpA, iA, True,
                    lambda: load_idx(u + 2, idxpB, iB))
            return carry

        lax.fori_loop(0, (NPAIR - 2) // 2, super_body, 0)

        ct = base + (NCHUNK - 1) * CHUNK
        tail_copies = [(src_h.at[pl.ds(ct, CHUNK)], idxpA.at[0, 0]),
                       (dst_h.at[pl.ds(ct, CHUNK)], idxpA.at[0, 1])]

        def load_tail():
            for s_, d_ in tail_copies:
                pltpu.async_copy(s_, d_, iA)

        do_pair(NPAIR - 1, idxpB, iB, True, load_tail)
        for s_, d_ in tail_copies:
            pltpu.make_async_copy(s_, d_, iA).wait()
        wait_scat(rows0, idxpA, 0, s0)
        pltpu.async_copy(table_h.at[idxpA.at[0, 0]], rows0, g0)
        hist_update(idxpA, 0)
        pltpu.make_async_copy(table_h.at[idxpA.at[0, 0]], rows0, g0).wait()
        pltpu.async_copy(rows0, accS.at[idxpA.at[0, 1]], s0, add=True)
        wait_scat(rows0, idxpA, 0, s0)
        wait_scat(rows1, idxpB, 1, s1)

        plsc.subcore_barrier()
        bufs = (rows0, rows1)
        sems = (g0, g1)
        for r, (off, sz) in enumerate(_ZCHUNKS):
            p = r % 2
            if r >= 2:
                po, psz = _ZCHUNKS[r - 2]
                pltpu.make_async_copy(
                    bufs[p].at[pl.ds(0, psz)],
                    out_h.at[cid, pl.ds(sid * RPT + po, psz)], sems[p]).wait()
            pltpu.sync_copy(accS.at[pl.ds(sid * RPT + off, sz)],
                            bufs[p].at[pl.ds(0, sz)])
            pltpu.async_copy(bufs[p].at[pl.ds(0, sz)],
                             out_h.at[cid, pl.ds(sid * RPT + off, sz)], sems[p])
        for r in (len(_ZCHUNKS) - 2, len(_ZCHUNKS) - 1):
            off, sz = _ZCHUNKS[r]
            pltpu.make_async_copy(
                bufs[r % 2].at[pl.ds(0, sz)],
                out_h.at[cid, pl.ds(sid * RPT + off, sz)], sems[r % 2]).wait()

        @pl.when(sid == 0)
        def _():
            pltpu.sync_copy(accS.at[pl.ds(NS * RPT, REM)], rows0.at[pl.ds(0, REM)])
            pltpu.sync_copy(rows0.at[pl.ds(0, REM)],
                            out_h.at[cid, pl.ds(NS * RPT, REM)])

        if with_deg:
            pltpu.sync_copy(hist, deg_h.at[pl.ds(wid * N, N)])

    return k(table, src1, dst1, zerosD)


_ROWBLK = 1000
_GRID = (N // _ROWBLK,)


def _tc_pre(h, Wn, Ws, b):
    def body(h_ref, wn_ref, ws_ref, b_ref, p_ref, s_ref):
        hb = h_ref[...]
        p_ref[...] = jnp.dot(hb, wn_ref[...], preferred_element_type=jnp.float32)
        s_ref[...] = jnp.dot(hb, ws_ref[...], preferred_element_type=jnp.float32) + b_ref[...]

    return pl.pallas_call(
        body,
        grid=_GRID,
        in_specs=[
            pl.BlockSpec((_ROWBLK, D), lambda i: (i, 0)),
            pl.BlockSpec((D, D), lambda i: (0, 0)),
            pl.BlockSpec((D, D), lambda i: (0, 0)),
            pl.BlockSpec((1, D), lambda i: (0, 0)),
        ],
        out_specs=[
            pl.BlockSpec((_ROWBLK, D), lambda i: (i, 0)),
            pl.BlockSpec((_ROWBLK, D), lambda i: (i, 0)),
        ],
        out_shape=[
            jax.ShapeDtypeStruct((N, D), jnp.float32),
            jax.ShapeDtypeStruct((N, D), jnp.float32),
        ],
    )(h, Wn, Ws, b.reshape(1, D))


def _tc_mid(s1, agg1, deg, Wn, Ws, b):
    def body(s_ref, a_ref, d_ref, wn_ref, ws_ref, b_ref, p_ref, s2_ref):
        a = a_ref[0] + a_ref[1]
        degc = jnp.sum(d_ref[...], axis=1, keepdims=True)
        h1 = s_ref[...] + a / jnp.maximum(degc, 1.0)
        p_ref[...] = jnp.dot(h1, wn_ref[...], preferred_element_type=jnp.float32)
        s2_ref[...] = jnp.dot(h1, ws_ref[...], preferred_element_type=jnp.float32) + b_ref[...]

    return pl.pallas_call(
        body,
        grid=_GRID,
        in_specs=[
            pl.BlockSpec((_ROWBLK, D), lambda i: (i, 0)),
            pl.BlockSpec((NC, _ROWBLK, D), lambda i: (0, i, 0)),
            pl.BlockSpec((_ROWBLK, NW), lambda i: (i, 0)),
            pl.BlockSpec((D, D), lambda i: (0, 0)),
            pl.BlockSpec((D, D), lambda i: (0, 0)),
            pl.BlockSpec((1, D), lambda i: (0, 0)),
        ],
        out_specs=[
            pl.BlockSpec((_ROWBLK, D), lambda i: (i, 0)),
            pl.BlockSpec((_ROWBLK, D), lambda i: (i, 0)),
        ],
        out_shape=[
            jax.ShapeDtypeStruct((N, D), jnp.float32),
            jax.ShapeDtypeStruct((N, D), jnp.float32),
        ],
    )(s1, agg1, deg, Wn, Ws, b.reshape(1, D))


def _tc_post(s2, agg2, deg):
    def body(s_ref, a_ref, d_ref, o_ref):
        a = a_ref[0] + a_ref[1]
        degc = jnp.sum(d_ref[...], axis=1, keepdims=True)
        h2 = s_ref[...] + a / jnp.maximum(degc, 1.0)
        norm = jnp.sqrt(jnp.sum(h2 * h2, axis=1, keepdims=True))
        o_ref[...] = h2 / jnp.maximum(norm, 1e-12)

    return pl.pallas_call(
        body,
        grid=_GRID,
        in_specs=[
            pl.BlockSpec((_ROWBLK, D), lambda i: (i, 0)),
            pl.BlockSpec((NC, _ROWBLK, D), lambda i: (0, i, 0)),
            pl.BlockSpec((_ROWBLK, NW), lambda i: (i, 0)),
        ],
        out_specs=pl.BlockSpec((_ROWBLK, D), lambda i: (i, 0)),
        out_shape=jax.ShapeDtypeStruct((N, D), jnp.float32),
    )(s2, agg2, deg)


def kernel(x, edge_index, W_self1, W_neigh1, b1, W_self2, W_neigh2, b2):
    src = edge_index[0].astype(jnp.int32)
    dst = edge_index[1].astype(jnp.int32)
    zerosD = jnp.zeros((CHUNK, D), jnp.float32)

    p1, s1 = _tc_pre(x, W_neigh1, W_self1, b1)
    agg1, deg_flat = _seg_sum(p1, src, dst, zerosD, with_deg=True)
    degT = deg_flat.reshape(NW, N).T
    p2, s2 = _tc_mid(s1, agg1, degT, W_neigh2, W_self2, b2)
    agg2, = _seg_sum(p2, src, dst, zerosD, with_deg=False)
    return _tc_post(s2, agg2, degT)

# --- scband reference (transcript-rebuilt; emitter-appended) ---
"""Pipeline reference for scband-graph-sage-61203283968626 (READ-ONLY COPY).

The authoritative reference and input builder live on the scoring server;
editing this copy changes nothing except your own understanding.
"""

import jax, jax.numpy as jnp
import numpy as np

N_NODES = 10000
N_EDGES = 320000
D_IN = 128
D_HID = 128
D_OUT = 128


def setup_inputs(seed: int = 0) -> dict:
    key = jax.random.key(seed)
    ks = jax.random.split(key, 9)
    x = jax.random.normal(ks[0], (N_NODES, D_IN), dtype=jnp.float32)
    edge_index = jax.random.randint(ks[1], (2, N_EDGES), 0, N_NODES, dtype=jnp.int64)
    s1 = 1.0 / np.sqrt(D_IN)
    s2 = 1.0 / np.sqrt(D_HID)
    W_self1 = jax.random.uniform(ks[2], (D_IN, D_HID), jnp.float32, -s1, s1)
    W_neigh1 = jax.random.uniform(ks[3], (D_IN, D_HID), jnp.float32, -s1, s1)
    b1 = jax.random.uniform(ks[4], (D_HID,), jnp.float32, -s1, s1)
    W_self2 = jax.random.uniform(ks[5], (D_HID, D_OUT), jnp.float32, -s2, s2)
    W_neigh2 = jax.random.uniform(ks[6], (D_HID, D_OUT), jnp.float32, -s2, s2)
    b2 = jax.random.uniform(ks[7], (D_OUT,), jnp.float32, -s2, s2)
    return {"x": x, "edge_index": edge_index,
            "W_self1": W_self1, "W_neigh1": W_neigh1, "b1": b1,
            "W_self2": W_self2, "W_neigh2": W_neigh2, "b2": b2}


def _sage_conv(h, src, dst, W_self, W_neigh, b, num_nodes):
    # mean aggregation of in-neighbor features (DGL SAGEConv, aggregator='mean')
    msg = h[src]  # gather [E, d]
    agg = jax.ops.segment_sum(msg, dst, num_segments=num_nodes)
    deg = jax.ops.segment_sum(jnp.ones((src.shape[0],), h.dtype), dst, num_segments=num_nodes)
    h_neigh = agg / jnp.clip(deg, 1.0, None)[:, None]
    return h @ W_self + h_neigh @ W_neigh + b


def reference(x, edge_index, W_self1, W_neigh1, b1, W_self2, W_neigh2, b2):
    src = edge_index[0]
    dst = edge_index[1]
    n = x.shape[0]
    h = _sage_conv(x, src, dst, W_self1, W_neigh1, b1, n)
    h = _sage_conv(h, src, dst, W_self2, W_neigh2, b2, n)
    # F.normalize(h, p=2, dim=1) with eps=1e-12
    norm = jnp.sqrt(jnp.sum(h * h, axis=1, keepdims=True))
    return h / jnp.clip(norm, 1e-12, None)

if __name__ == "__main__":
    import jax
    _d = setup_inputs()
    print(jax.jit(kernel)(*tuple(_d.values())))

</pallas_src>

<mosaic_0001>
#map = affine_map<(d0, d1) -> (0, 0)>
#map1 = affine_map<(d0, d1) -> (0)>
#map2 = affine_map<(d0, d1) -> (0, 0, 0)>
module attributes {stable_mosaic.version = 14 : i64} {
  func.func @k(%arg0: i32, %arg1: i32, %arg2: memref<10000x128xf32, #tpu.memory_space<hbm>>, %arg3: memref<320000xi32, #tpu.memory_space<hbm>>, %arg4: memref<320000xi32, #tpu.memory_space<hbm>>, %arg5: memref<80x128xf32, #tpu.memory_space<hbm>>, %arg6: memref<2x10000x128xf32, #tpu.memory_space<hbm>>, %arg7: memref<2x2x80xi32, #tpu.memory_space<vmem>>, %arg8: memref<2x2x80xi32, #tpu.memory_space<vmem>>, %arg9: memref<80x128xf32, #tpu.memory_space<vmem>>, %arg10: memref<80x128xf32, #tpu.memory_space<vmem>>, %arg11: memref<10000x128xf32, #tpu.memory_space<vmem_shared>>, %arg12: memref<!tpu.dma_semaphore, #tpu.memory_space<semaphore_mem>>, %arg13: memref<!tpu.dma_semaphore, #tpu.memory_space<semaphore_mem>>, %arg14: memref<!tpu.dma_semaphore, #tpu.memory_space<semaphore_mem>>, %arg15: memref<!tpu.dma_semaphore, #tpu.memory_space<semaphore_mem>>, %arg16: memref<!tpu.dma_semaphore, #tpu.memory_space<semaphore_mem>>, %arg17: memref<!tpu.dma_semaphore, #tpu.memory_space<semaphore_mem>>) attributes {dimension_semantics = [#tpu.dimension_semantics<core_parallel>, #tpu.dimension_semantics<subcore_parallel>], iteration_bounds = array<i64: 2, 16>, scalar_prefetch = 0 : i64, scratch_operands = 11 : i64, tpu.core_type = #tpu.core_type<sc_vector_subcore>, window_params = [{transform_indices = #map}, {transform_indices = #map1}, {transform_indices = #map1}, {transform_indices = #map}, {transform_indices = #map2}]} {
    %mul3A = arith.constant 2 : i32
    %mul3A_0 = arith.muli %arg1, %mul3A : i32
    %add3A = arith.addi %mul3A_0, %arg0 : i32
    %mul3A_1 = arith.constant 10000 : i32
    %mul3A_2 = arith.muli %add3A, %mul3A_1 : i32
    %broadcast_in_dim3A = arith.constant 1.000000e+00 : f32
    %broadcast_in_dim3A_3 = vector.broadcast %broadcast_in_dim3A : f32 to vector<16xf32>
    "tpu.region"() ({
      %run_scoped3A_839 = tpu.sem_alloc : memref<!tpu.dma_semaphore, #tpu.memory_space<semaphore_mem>>
      tpu.enqueue_dma source(%arg5 : memref<80x128xf32, #tpu.memory_space<hbm>>) target(%arg9 : memref<80x128xf32, #tpu.memory_space<vmem>>) target_semaphore(%run_scoped3A_839 : memref<!tpu.dma_semaphore, #tpu.memory_space<semaphore_mem>>)
      tpu.wait_dma2 semaphore(%run_scoped3A_839 : memref<!tpu.dma_semaphore, #tpu.memory_space<semaphore_mem>>) src(%arg5 : memref<80x128xf32, #tpu.memory_space<hbm>>) dst(%arg9 : memref<80x128xf32, #tpu.memory_space<vmem>>)
      tpu.yield
    }) : () -> ()
    %mul3A_4 = arith.constant 624 : i32
    %mul3A_5 = arith.muli %arg1, %mul3A_4 : i32
    %add3A_6 = arith.constant 0 : i32
    %add3A_7 = arith.addi %mul3A_5, %add3A_6 : i32
    %dma_start3A = arith.constant 0 : i32
    %dma_start3A_8 = arith.constant 0 : i32
    %dma_start3A_9 = tpu.memref_slice %arg9[%dma_start3A, %dma_start3A_8] : memref<80x128xf32, #tpu.memory_space<vmem>> -> memref<80x128xf32, #tpu.memory_space<vmem>>
    %dma_start3A_10 = arith.constant 0 : i32
    %dma_start3A_11 = tpu.memref_slice %arg11[%add3A_7, %dma_start3A_10] : memref<10000x128xf32, #tpu.memory_space<vmem_shared>> -> memref<80x128xf32, #tpu.memory_space<vmem_shared>>
    %dma_start3A_12 = arith.constant 0 : i32
    %dma_start3A_13 = tpu.memref_slice %arg11[%add3A_7, %dma_start3A_12] : memref<10000x128xf32, #tpu.memory_space<vmem_shared>> -> memref<80x128xf32, #tpu.memory_space<vmem_shared>>
    %dma_start3A_14 = arith.constant 0 : i32
    %dma_start3A_15 = arith.constant 0 : i32
    %dma_start3A_16 = tpu.memref_slice %arg9[%dma_start3A_14, %dma_start3A_15] : memref<80x128xf32, #tpu.memory_space<vmem>> -> memref<80x128xf32, #tpu.memory_space<vmem>>
    tpu.enqueue_dma source(%dma_start3A_16 : memref<80x128xf32, #tpu.memory_space<vmem>>) target(%dma_start3A_13 : memref<80x128xf32, #tpu.memory_space<vmem_shared>>) target_semaphore(%arg14 : memref<!tpu.dma_semaphore, #tpu.memory_space<semaphore_mem>>)
    %mul3A_17 = arith.constant 624 : i32
    %mul3A_18 = arith.muli %arg1, %mul3A_17 : i32
    %add3A_19 = arith.constant 80 : i32
    %add3A_20 = arith.addi %mul3A_18, %add3A_19 : i32
    %dma_start3A_21 = arith.constant 0 : i32
    %dma_start3A_22 = arith.constant 0 : i32
    %dma_start3A_23 = tpu.memref_slice %arg9[%dma_start3A_21, %dma_start3A_22] : memref<80x128xf32, #tpu.memory_space<vmem>> -> memref<80x128xf32, #tpu.memory_space<vmem>>
    %dma_start3A_24 = arith.constant 0 : i32
    %dma_start3A_25 = tpu.memref_slice %arg11[%add3A_20, %dma_start3A_24] : memref<10000x128xf32, #tpu.memory_space<vmem_shared>> -> memref<80x128xf32, #tpu.memory_space<vmem_shared>>
    %dma_start3A_26 = arith.constant 0 : i32
    %dma_start3A_27 = tpu.memref_slice %arg11[%add3A_20, %dma_start3A_26] : memref<10000x128xf32, #tpu.memory_space<vmem_shared>> -> memref<80x128xf32, #tpu.memory_space<vmem_shared>>
    %dma_start3A_28 = arith.constant 0 : i32
    %dma_start3A_29 = arith.constant 0 : i32
    %dma_start3A_30 = tpu.memref_slice %arg9[%dma_start3A_28, %dma_start3A_29] : memref<80x128xf32, #tpu.memory_space<vmem>> -> memref<80x128xf32, #tpu.memory_space<vmem>>
    tpu.enqueue_dma source(%dma_start3A_30 : memref<80x128xf32, #tpu.memory_space<vmem>>) target(%dma_start3A_27 : memref<80x128xf32, #tpu.memory_space<vmem_shared>>) target_semaphore(%arg14 : memref<!tpu.dma_semaphore, #tpu.memory_space<semaphore_mem>>)
    %mul3A_31 = arith.constant 624 : i32
    %mul3A_32 = arith.muli %arg1, %mul3A_31 : i32
    %add3A_33 = arith.constant 160 : i32
    %add3A_34 = arith.addi %mul3A_32, %add3A_33 : i32
    %dma_start3A_35 = arith.constant 0 : i32
    %dma_start3A_36 = arith.constant 0 : i32
    %dma_start3A_37 = tpu.memref_slice %arg9[%dma_start3A_35, %dma_start3A_36] : memref<80x128xf32, #tpu.memory_space<vmem>> -> memref<80x128xf32, #tpu.memory_space<vmem>>
    %dma_start3A_38 = arith.constant 0 : i32
    %dma_start3A_39 = tpu.memref_slice %arg11[%add3A_34, %dma_start3A_38] : memref<10000x128xf32, #tpu.memory_space<vmem_shared>> -> memref<80x128xf32, #tpu.memory_space<vmem_shared>>
    %dma_start3A_40 = arith.constant 0 : i32
    %dma_start3A_41 = tpu.memref_slice %arg11[%add3A_34, %dma_start3A_40] : memref<10000x128xf32, #tpu.memory_space<vmem_shared>> -> memref<80x128xf32, #tpu.memory_space<vmem_shared>>
    %dma_start3A_42 = arith.constant 0 : i32
    %dma_start3A_43 = arith.constant 0 : i32
    %dma_start3A_44 = tpu.memref_slice %arg9[%dma_start3A_42, %dma_start3A_43] : memref<80x128xf32, #tpu.memory_space<vmem>> -> memref<80x128xf32, #tpu.memory_space<vmem>>
    tpu.enqueue_dma source(%dma_start3A_44 : memref<80x128xf32, #tpu.memory_space<vmem>>) target(%dma_start3A_41 : memref<80x128xf32, #tpu.memory_space<vmem_shared>>) target_semaphore(%arg14 : memref<!tpu.dma_semaphore, #tpu.memory_space<semaphore_mem>>)
    %mul3A_45 = arith.constant 624 : i32
    %mul3A_46 = arith.muli %arg1, %mul3A_45 : i32
    %add3A_47 = arith.constant 240 : i32
    %add3A_48 = arith.addi %mul3A_46, %add3A_47 : i32
    %dma_start3A_49 = arith.constant 0 : i32
    %dma_start3A_50 = arith.constant 0 : i32
    %dma_start3A_51 = tpu.memref_slice %arg9[%dma_start3A_49, %dma_start3A_50] : memref<80x128xf32, #tpu.memory_space<vmem>> -> memref<80x128xf32, #tpu.memory_space<vmem>>
    %dma_start3A_52 = arith.constant 0 : i32
    %dma_start3A_53 = tpu.memref_slice %arg11[%add3A_48, %dma_start3A_52] : memref<10000x128xf32, #tpu.memory_space<vmem_shared>> -> memref<80x128xf32, #tpu.memory_space<vmem_shared>>
    %dma_start3A_54 = arith.constant 0 : i32
    %dma_start3A_55 = tpu.memref_slice %arg11[%add3A_48, %dma_start3A_54] : memref<10000x128xf32, #tpu.memory_space<vmem_shared>> -> memref<80x128xf32, #tpu.memory_space<vmem_shared>>
    %dma_start3A_56 = arith.constant 0 : i32
    %dma_start3A_57 = arith.constant 0 : i32
    %dma_start3A_58 = tpu.memref_slice %arg9[%dma_start3A_56, %dma_start3A_57] : memref<80x128xf32, #tpu.memory_space<vmem>> -> memref<80x128xf32, #tpu.memory_space<vmem>>
    tpu.enqueue_dma source(%dma_start3A_58 : memref<80x128xf32, #tpu.memory_space<vmem>>) target(%dma_start3A_55 : memref<80x128xf32, #tpu.memory_space<vmem_shared>>) target_semaphore(%arg14 : memref<!tpu.dma_semaphore, #tpu.memory_space<semaphore_mem>>)
    %mul3A_59 = arith.constant 624 : i32
    %mul3A_60 = arith.muli %arg1, %mul3A_59 : i32
    %add3A_61 = arith.constant 320 : i32
    %add3A_62 = arith.addi %mul3A_60, %add3A_61 : i32
    %dma_start3A_63 = arith.constant 0 : i32
    %dma_start3A_64 = arith.constant 0 : i32
    %dma_start3A_65 = tpu.memref_slice %arg9[%dma_start3A_63, %dma_start3A_64] : memref<80x128xf32, #tpu.memory_space<vmem>> -> memref<80x128xf32, #tpu.memory_space<vmem>>
    %dma_start3A_66 = arith.constant 0 : i32
    %dma_start3A_67 = tpu.memref_slice %arg11[%add3A_62, %dma_start3A_66] : memref<10000x128xf32, #tpu.memory_space<vmem_shared>> -> memref<80x128xf32, #tpu.memory_space<vmem_shared>>
    %dma_start3A_68 = arith.constant 0 : i32
    %dma_start3A_69 = tpu.memref_slice %arg11[%add3A_62, %dma_start3A_68] : memref<10000x128xf32, #tpu.memory_space<vmem_shared>> -> memref<80x128xf32, #tpu.memory_space<vmem_shared>>
    %dma_start3A_70 = arith.constant 0 : i32
    %dma_start3A_71 = arith.constant 0 : i32
    %dma_start3A_72 = tpu.memref_slice %arg9[%dma_start3A_70, %dma_start3A_71] : memref<80x128xf32, #tpu.memory_space<vmem>> -> memref<80x128xf32, #tpu.memory_space<vmem>>
    tpu.enqueue_dma source(%dma_start3A_72 : memref<80x128xf32, #tpu.memory_space<vmem>>) target(%dma_start3A_69 : memref<80x128xf32, #tpu.memory_space<vmem_shared>>) target_semaphore(%arg14 : memref<!tpu.dma_semaphore, #tpu.memory_space<semaphore_mem>>)
    %mul3A_73 = arith.constant 624 : i32
    %mul3A_74 = arith.muli %arg1, %mul3A_73 : i32
    %add3A_75 = arith.constant 400 : i32
    %add3A_76 = arith.addi %mul3A_74, %add3A_75 : i32
    %dma_start3A_77 = arith.constant 0 : i32
    %dma_start3A_78 = arith.constant 0 : i32
    %dma_start3A_79 = tpu.memref_slice %arg9[%dma_start3A_77, %dma_start3A_78] : memref<80x128xf32, #tpu.memory_space<vmem>> -> memref<80x128xf32, #tpu.memory_space<vmem>>
    %dma_start3A_80 = arith.constant 0 : i32
    %dma_start3A_81 = tpu.memref_slice %arg11[%add3A_76, %dma_start3A_80] : memref<10000x128xf32, #tpu.memory_space<vmem_shared>> -> memref<80x128xf32, #tpu.memory_space<vmem_shared>>
    %dma_start3A_82 = arith.constant 0 : i32
    %dma_start3A_83 = tpu.memref_slice %arg11[%add3A_76, %dma_start3A_82] : memref<10000x128xf32, #tpu.memory_space<vmem_shared>> -> memref<80x128xf32, #tpu.memory_space<vmem_shared>>
    %dma_start3A_84 = arith.constant 0 : i32
    %dma_start3A_85 = arith.constant 0 : i32
    %dma_start3A_86 = tpu.memref_slice %arg9[%dma_start3A_84, %dma_start3A_85] : memref<80x128xf32, #tpu.memory_space<vmem>> -> memref<80x128xf32, #tpu.memory_space<vmem>>
    tpu.enqueue_dma source(%dma_start3A_86 : memref<80x128xf32, #tpu.memory_space<vmem>>) target(%dma_start3A_83 : memref<80x128xf32, #tpu.memory_space<vmem_shared>>) target_semaphore(%arg14 : memref<!tpu.dma_semaphore, #tpu.memory_space<semaphore_mem>>)
    %mul3A_87 = arith.constant 624 : i32
    %mul3A_88 = arith.muli %arg1, %mul3A_87 : i32
    %add3A_89 = arith.constant 480 : i32
    %add3A_90 = arith.addi %mul3A_88, %add3A_89 : i32
    %dma_start3A_91 = arith.constant 0 : i32
    %dma_start3A_92 = arith.constant 0 : i32
    %dma_start3A_93 = tpu.memref_slice %arg9[%dma_start3A_91, %dma_start3A_92] : memref<80x128xf32, #tpu.memory_space<vmem>> -> memref<80x128xf32, #tpu.memory_space<vmem>>
    %dma_start3A_94 = arith.constant 0 : i32
    %dma_start3A_95 = tpu.memref_slice %arg11[%add3A_90, %dma_start3A_94] : memref<10000x128xf32, #tpu.memory_space<vmem_shared>> -> memref<80x128xf32, #tpu.memory_space<vmem_shared>>
    %dma_start3A_96 = arith.constant 0 : i32
    %dma_start3A_97 = tpu.memref_slice %arg11[%add3A_90, %dma_start3A_96] : memref<10000x128xf32, #tpu.memory_space<vmem_shared>> -> memref<80x128xf32, #tpu.memory_space<vmem_shared>>
    %dma_start3A_98 = arith.constant 0 : i32
    %dma_start3A_99 = arith.constant 0 : i32
    %dma_start3A_100 = tpu.memref_slice %arg9[%dma_start3A_98, %dma_start3A_99] : memref<80x128xf32, #tpu.memory_space<vmem>> -> memref<80x128xf32, #tpu.memory_space<vmem>>
    tpu.enqueue_dma source(%dma_start3A_100 : memref<80x128xf32, #tpu.memory_space<vmem>>) target(%dma_start3A_97 : memref<80x128xf32, #tpu.memory_space<vmem_shared>>) target_semaphore(%arg14 : memref<!tpu.dma_semaphore, #tpu.memory_space<semaphore_mem>>)
    %mul3A_101 = arith.constant 624 : i32
    %mul3A_102 = arith.muli %arg1, %mul3A_101 : i32
    %add3A_103 = arith.constant 560 : i32
    %add3A_104 = arith.addi %mul3A_102, %add3A_103 : i32
    %dma_start3A_105 = arith.constant 0 : i32
    %dma_start3A_106 = arith.constant 0 : i32
    %dma_start3A_107 = tpu.memref_slice %arg9[%dma_start3A_105, %dma_start3A_106] : memref<80x128xf32, #tpu.memory_space<vmem>> -> memref<64x128xf32, #tpu.memory_space<vmem>>
    %dma_start3A_108 = arith.constant 0 : i32
    %dma_start3A_109 = tpu.memref_slice %arg11[%add3A_104, %dma_start3A_108] : memref<10000x128xf32, #tpu.memory_space<vmem_shared>> -> memref<64x128xf32, #tpu.memory_space<vmem_shared>>
    %dma_start3A_110 = arith.constant 0 : i32
    %dma_start3A_111 = tpu.memref_slice %arg11[%add3A_104, %dma_start3A_110] : memref<10000x128xf32, #tpu.memory_space<vmem_shared>> -> memref<64x128xf32, #tpu.memory_space<vmem_shared>>
    %dma_start3A_112 = arith.constant 0 : i32
    %dma_start3A_113 = arith.constant 0 : i32
    %dma_start3A_114 = tpu.memref_slice %arg9[%dma_start3A_112, %dma_start3A_113] : memref<80x128xf32, #tpu.memory_space<vmem>> -> memref<64x128xf32, #tpu.memory_space<vmem>>
    tpu.enqueue_dma source(%dma_start3A_114 : memref<64x128xf32, #tpu.memory_space<vmem>>) target(%dma_start3A_111 : memref<64x128xf32, #tpu.memory_space<vmem_shared>>) target_semaphore(%arg14 : memref<!tpu.dma_semaphore, #tpu.memory_space<semaphore_mem>>)
    %eq3A = arith.constant 0 : i32
    %eq3A_115 = arith.cmpi eq, %arg1, %eq3A : i32
    %convert_element_type3A = arith.extui %eq3A_115 : i1 to i32
    %cond3A = arith.constant 0 : i32
    %cond3A_116 = arith.cmpi ne, %convert_element_type3A, %cond3A : i32
    scf.if %cond3A_116 {
      %dma_start3A_839 = arith.constant 0 : i32
      %dma_start3A_840 = arith.constant 0 : i32
      %dma_start3A_841 = tpu.memref_slice %arg9[%dma_start3A_839, %dma_start3A_840] : memref<80x128xf32, #tpu.memory_space<vmem>> -> memref<16x128xf32, #tpu.memory_space<vmem>>
      %dma_start3A_842 = arith.constant 9984 : i32
      %dma_start3A_843 = arith.constant 0 : i32
      %dma_start3A_844 = tpu.memref_slice %arg11[%dma_start3A_842, %dma_start3A_843] : memref<10000x128xf32, #tpu.memory_space<vmem_shared>> -> memref<16x128xf32, #tpu.memory_space<vmem_shared>>
      %dma_start3A_845 = arith.constant 9984 : i32
      %dma_start3A_846 = arith.constant 0 : i32
      %dma_start3A_847 = tpu.memref_slice %arg11[%dma_start3A_845, %dma_start3A_846] : memref<10000x128xf32, #tpu.memory_space<vmem_shared>> -> memref<16x128xf32, #tpu.memory_space<vmem_shared>>
      %dma_start3A_848 = arith.constant 0 : i32
      %dma_start3A_849 = arith.constant 0 : i32
      %dma_start3A_850 = tpu.memref_slice %arg9[%dma_start3A_848, %dma_start3A_849] : memref<80x128xf32, #tpu.memory_space<vmem>> -> memref<16x128xf32, #tpu.memory_space<vmem>>
      tpu.enqueue_dma source(%dma_start3A_850 : memref<16x128xf32, #tpu.memory_space<vmem>>) target(%dma_start3A_847 : memref<16x128xf32, #tpu.memory_space<vmem_shared>>) target_semaphore(%arg14 : memref<!tpu.dma_semaphore, #tpu.memory_space<semaphore_mem>>)
    } else {
    }
    %mul3A_117 = arith.constant 624 : i32
    %mul3A_118 = arith.muli %arg1, %mul3A_117 : i32
    %add3A_119 = arith.constant 0 : i32
    %add3A_120 = arith.addi %mul3A_118, %add3A_119 : i32
    %dma_wait3A = arith.constant 0 : i32
    %dma_wait3A_121 = arith.constant 0 : i32
    %dma_wait3A_122 = tpu.memref_slice %arg9[%dma_wait3A, %dma_wait3A_121] : memref<80x128xf32, #tpu.memory_space<vmem>> -> memref<80x128xf32, #tpu.memory_space<vmem>>
    %dma_wait3A_123 = arith.constant 0 : i32
    %dma_wait3A_124 = tpu.memref_slice %arg11[%add3A_120, %dma_wait3A_123] : memref<10000x128xf32, #tpu.memory_space<vmem_shared>> -> memref<80x128xf32, #tpu.memory_space<vmem_shared>>
    %dma_wait3A_125 = arith.constant 0 : i32
    %dma_wait3A_126 = tpu.memref_slice %arg11[%add3A_120, %dma_wait3A_125] : memref<10000x128xf32, #tpu.memory_space<vmem_shared>> -> memref<80x128xf32, #tpu.memory_space<vmem_shared>>
    %dma_wait3A_127 = arith.constant 0 : i32
    %dma_wait3A_128 = arith.constant 0 : i32
    %dma_wait3A_129 = tpu.memref_slice %arg9[%dma_wait3A_127, %dma_wait3A_128] : memref<80x128xf32, #tpu.memory_space<vmem>> -> memref<80x128xf32, #tpu.memory_space<vmem>>
    tpu.wait_dma2 semaphore(%arg14 : memref<!tpu.dma_semaphore, #tpu.memory_space<semaphore_mem>>) src(%dma_wait3A_129 : memref<80x128xf32, #tpu.memory_space<vmem>>) dst(%dma_wait3A_126 : memref<80x128xf32, #tpu.memory_space<vmem_shared>>)
    %mul3A_130 = arith.constant 624 : i32
    %mul3A_131 = arith.muli %arg1, %mul3A_130 : i32
    %add3A_132 = arith.constant 80 : i32
    %add3A_133 = arith.addi %mul3A_131, %add3A_132 : i32
    %dma_wait3A_134 = arith.constant 0 : i32
    %dma_wait3A_135 = arith.constant 0 : i32
    %dma_wait3A_136 = tpu.memref_slice %arg9[%dma_wait3A_134, %dma_wait3A_135] : memref<80x128xf32, #tpu.memory_space<vmem>> -> memref<80x128xf32, #tpu.memory_space<vmem>>
    %dma_wait3A_137 = arith.constant 0 : i32
    %dma_wait3A_138 = tpu.memref_slice %arg11[%add3A_133, %dma_wait3A_137] : memref<10000x128xf32, #tpu.memory_space<vmem_shared>> -> memref<80x128xf32, #tpu.memory_space<vmem_shared>>
    %dma_wait3A_139 = arith.constant 0 : i32
    %dma_wait3A_140 = tpu.memref_slice %arg11[%add3A_133, %dma_wait3A_139] : memref<10000x128xf32, #tpu.memory_space<vmem_shared>> -> memref<80x128xf32, #tpu.memory_space<vmem_shared>>
    %dma_wait3A_141 = arith.constant 0 : i32
    %dma_wait3A_142 = arith.constant 0 : i32
    %dma_wait3A_143 = tpu.memref_slice %arg9[%dma_wait3A_141, %dma_wait3A_142] : memref<80x128xf32, #tpu.memory_space<vmem>> -> memref<80x128xf32, #tpu.memory_space<vmem>>
    tpu.wait_dma2 semaphore(%arg14 : memref<!tpu.dma_semaphore, #tpu.memory_space<semaphore_mem>>) src(%dma_wait3A_143 : memref<80x128xf32, #tpu.memory_space<vmem>>) dst(%dma_wait3A_140 : memref<80x128xf32, #tpu.memory_space<vmem_shared>>)
    %mul3A_144 = arith.constant 624 : i32
    %mul3A_145 = arith.muli %arg1, %mul3A_144 : i32
    %add3A_146 = arith.constant 160 : i32
    %add3A_147 = arith.addi %mul3A_145, %add3A_146 : i32
    %dma_wait3A_148 = arith.constant 0 : i32
    %dma_wait3A_149 = arith.constant 0 : i32
    %dma_wait3A_150 = tpu.memref_slice %arg9[%dma_wait3A_148, %dma_wait3A_149] : memref<80x128xf32, #tpu.memory_space<vmem>> -> memref<80x128xf32, #tpu.memory_space<vmem>>
    %dma_wait3A_151 = arith.constant 0 : i32
    %dma_wait3A_152 = tpu.memref_slice %arg11[%add3A_147, %dma_wait3A_151] : memref<10000x128xf32, #tpu.memory_space<vmem_shared>> -> memref<80x128xf32, #tpu.memory_space<vmem_shared>>
    %dma_wait3A_153 = arith.constant 0 : i32
    %dma_wait3A_154 = tpu.memref_slice %arg11[%add3A_147, %dma_wait3A_153] : memref<10000x128xf32, #tpu.memory_space<vmem_shared>> -> memref<80x128xf32, #tpu.memory_space<vmem_shared>>
    %dma_wait3A_155 = arith.constant 0 : i32
    %dma_wait3A_156 = arith.constant 0 : i32
    %dma_wait3A_157 = tpu.memref_slice %arg9[%dma_wait3A_155, %dma_wait3A_156] : memref<80x128xf32, #tpu.memory_space<vmem>> -> memref<80x128xf32, #tpu.memory_space<vmem>>
    tpu.wait_dma2 semaphore(%arg14 : memref<!tpu.dma_semaphore, #tpu.memory_space<semaphore_mem>>) src(%dma_wait3A_157 : memref<80x128xf32, #tpu.memory_space<vmem>>) dst(%dma_wait3A_154 : memref<80x128xf32, #tpu.memory_space<vmem_shared>>)
    %mul3A_158 = arith.constant 624 : i32
    %mul3A_159 = arith.muli %arg1, %mul3A_158 : i32
    %add3A_160 = arith.constant 240 : i32
    %add3A_161 = arith.addi %mul3A_159, %add3A_160 : i32
    %dma_wait3A_162 = arith.constant 0 : i32
    %dma_wait3A_163 = arith.constant 0 : i32
    %dma_wait3A_164 = tpu.memref_slice %arg9[%dma_wait3A_162, %dma_wait3A_163] : memref<80x128xf32, #tpu.memory_space<vmem>> -> memref<80x128xf32, #tpu.memory_space<vmem>>
    %dma_wait3A_165 = arith.constant 0 : i32
    %dma_wait3A_166 = tpu.memref_slice %arg11[%add3A_161, %dma_wait3A_165] : memref<10000x128xf32, #tpu.memory_space<vmem_shared>> -> memref<80x128xf32, #tpu.memory_space<vmem_shared>>
    %dma_wait3A_167 = arith.constant 0 : i32
    %dma_wait3A_168 = tpu.memref_slice %arg11[%add3A_161, %dma_wait3A_167] : memref<10000x128xf32, #tpu.memory_space<vmem_shared>> -> memref<80x128xf32, #tpu.memory_space<vmem_shared>>
    %dma_wait3A_169 = arith.constant 0 : i32
    %dma_wait3A_170 = arith.constant 0 : i32
    %dma_wait3A_171 = tpu.memref_slice %arg9[%dma_wait3A_169, %dma_wait3A_170] : memref<80x128xf32, #tpu.memory_space<vmem>> -> memref<80x128xf32, #tpu.memory_space<vmem>>
    tpu.wait_dma2 semaphore(%arg14 : memref<!tpu.dma_semaphore, #tpu.memory_space<semaphore_mem>>) src(%dma_wait3A_171 : memref<80x128xf32, #tpu.memory_space<vmem>>) dst(%dma_wait3A_168 : memref<80x128xf32, #tpu.memory_space<vmem_shared>>)
    %mul3A_172 = arith.constant 624 : i32
    %mul3A_173 = arith.muli %arg1, %mul3A_172 : i32
    %add3A_174 = arith.constant 320 : i32
    %add3A_175 = arith.addi %mul3A_173, %add3A_174 : i32
    %dma_wait3A_176 = arith.constant 0 : i32
    %dma_wait3A_177 = arith.constant 0 : i32
    %dma_wait3A_178 = tpu.memref_slice %arg9[%dma_wait3A_176, %dma_wait3A_177] : memref<80x128xf32, #tpu.memory_space<vmem>> -> memref<80x128xf32, #tpu.memory_space<vmem>>
    %dma_wait3A_179 = arith.constant 0 : i32
    %dma_wait3A_180 = tpu.memref_slice %arg11[%add3A_175, %dma_wait3A_179] : memref<10000x128xf32, #tpu.memory_space<vmem_shared>> -> memref<80x128xf32, #tpu.memory_space<vmem_shared>>
    %dma_wait3A_181 = arith.constant 0 : i32
    %dma_wait3A_182 = tpu.memref_slice %arg11[%add3A_175, %dma_wait3A_181] : memref<10000x128xf32, #tpu.memory_space<vmem_shared>> -> memref<80x128xf32, #tpu.memory_space<vmem_shared>>
    %dma_wait3A_183 = arith.constant 0 : i32
    %dma_wait3A_184 = arith.constant 0 : i32
    %dma_wait3A_185 = tpu.memref_slice %arg9[%dma_wait3A_183, %dma_wait3A_184] : memref<80x128xf32, #tpu.memory_space<vmem>> -> memref<80x128xf32, #tpu.memory_space<vmem>>
    tpu.wait_dma2 semaphore(%arg14 : memref<!tpu.dma_semaphore, #tpu.memory_space<semaphore_mem>>) src(%dma_wait3A_185 : memref<80x128xf32, #tpu.memory_space<vmem>>) dst(%dma_wait3A_182 : memref<80x128xf32, #tpu.memory_space<vmem_shared>>)
    %mul3A_186 = arith.constant 624 : i32
    %mul3A_187 = arith.muli %arg1, %mul3A_186 : i32
    %add3A_188 = arith.constant 400 : i32
    %add3A_189 = arith.addi %mul3A_187, %add3A_188 : i32
    %dma_wait3A_190 = arith.constant 0 : i32
    %dma_wait3A_191 = arith.constant 0 : i32
    %dma_wait3A_192 = tpu.memref_slice %arg9[%dma_wait3A_190, %dma_wait3A_191] : memref<80x128xf32, #tpu.memory_space<vmem>> -> memref<80x128xf32, #tpu.memory_space<vmem>>
    %dma_wait3A_193 = arith.constant 0 : i32
    %dma_wait3A_194 = tpu.memref_slice %arg11[%add3A_189, %dma_wait3A_193] : memref<10000x128xf32, #tpu.memory_space<vmem_shared>> -> memref<80x128xf32, #tpu.memory_space<vmem_shared>>
    %dma_wait3A_195 = arith.constant 0 : i32
    %dma_wait3A_196 = tpu.memref_slice %arg11[%add3A_189, %dma_wait3A_195] : memref<10000x128xf32, #tpu.memory_space<vmem_shared>> -> memref<80x128xf32, #tpu.memory_space<vmem_shared>>
    %dma_wait3A_197 = arith.constant 0 : i32
    %dma_wait3A_198 = arith.constant 0 : i32
    %dma_wait3A_199 = tpu.memref_slice %arg9[%dma_wait3A_197, %dma_wait3A_198] : memref<80x128xf32, #tpu.memory_space<vmem>> -> memref<80x128xf32, #tpu.memory_space<vmem>>
    tpu.wait_dma2 semaphore(%arg14 : memref<!tpu.dma_semaphore, #tpu.memory_space<semaphore_mem>>) src(%dma_wait3A_199 : memref<80x128xf32, #tpu.memory_space<vmem>>) dst(%dma_wait3A_196 : memref<80x128xf32, #tpu.memory_space<vmem_shared>>)
    %mul3A_200 = arith.constant 624 : i32
    %mul3A_201 = arith.muli %arg1, %mul3A_200 : i32
    %add3A_202 = arith.constant 480 : i32
    %add3A_203 = arith.addi %mul3A_201, %add3A_202 : i32
    %dma_wait3A_204 = arith.constant 0 : i32
    %dma_wait3A_205 = arith.constant 0 : i32
    %dma_wait3A_206 = tpu.memref_slice %arg9[%dma_wait3A_204, %dma_wait3A_205] : memref<80x128xf32, #tpu.memory_space<vmem>> -> memref<80x128xf32, #tpu.memory_space<vmem>>
    %dma_wait3A_207 = arith.constant 0 : i32
    %dma_wait3A_208 = tpu.memref_slice %arg11[%add3A_203, %dma_wait3A_207] : memref<10000x128xf32, #tpu.memory_space<vmem_shared>> -> memref<80x128xf32, #tpu.memory_space<vmem_shared>>
    %dma_wait3A_209 = arith.constant 0 : i32
    %dma_wait3A_210 = tpu.memref_slice %arg11[%add3A_203, %dma_wait3A_209] : memref<10000x128xf32, #tpu.memory_space<vmem_shared>> -> memref<80x128xf32, #tpu.memory_space<vmem_shared>>
    %dma_wait3A_211 = arith.constant 0 : i32
    %dma_wait3A_212 = arith.constant 0 : i32
    %dma_wait3A_213 = tpu.memref_slice %arg9[%dma_wait3A_211, %dma_wait3A_212] : memref<80x128xf32, #tpu.memory_space<vmem>> -> memref<80x128xf32, #tpu.memory_space<vmem>>
    tpu.wait_dma2 semaphore(%arg14 : memref<!tpu.dma_semaphore, #tpu.memory_space<semaphore_mem>>) src(%dma_wait3A_213 : memref<80x128xf32, #tpu.memory_space<vmem>>) dst(%dma_wait3A_210 : memref<80x128xf32, #tpu.memory_space<vmem_shared>>)
    %mul3A_214 = arith.constant 624 : i32
    %mul3A_215 = arith.muli %arg1, %mul3A_214 : i32
    %add3A_216 = arith.constant 560 : i32
    %add3A_217 = arith.addi %mul3A_215, %add3A_216 : i32
    %dma_wait3A_218 = arith.constant 0 : i32
    %dma_wait3A_219 = arith.constant 0 : i32
    %dma_wait3A_220 = tpu.memref_slice %arg9[%dma_wait3A_218, %dma_wait3A_219] : memref<80x128xf32, #tpu.memory_space<vmem>> -> memref<64x128xf32, #tpu.memory_space<vmem>>
    %dma_wait3A_221 = arith.constant 0 : i32
    %dma_wait3A_222 = tpu.memref_slice %arg11[%add3A_217, %dma_wait3A_221] : memref<10000x128xf32, #tpu.memory_space<vmem_shared>> -> memref<64x128xf32, #tpu.memory_space<vmem_shared>>
    %dma_wait3A_223 = arith.constant 0 : i32
    %dma_wait3A_224 = tpu.memref_slice %arg11[%add3A_217, %dma_wait3A_223] : memref<10000x128xf32, #tpu.memory_space<vmem_shared>> -> memref<64x128xf32, #tpu.memory_space<vmem_shared>>
    %dma_wait3A_225 = arith.constant 0 : i32
    %dma_wait3A_226 = arith.constant 0 : i32
    %dma_wait3A_227 = tpu.memref_slice %arg9[%dma_wait3A_225, %dma_wait3A_226] : memref<80x128xf32, #tpu.memory_space<vmem>> -> memref<64x128xf32, #tpu.memory_space<vmem>>
    tpu.wait_dma2 semaphore(%arg14 : memref<!tpu.dma_semaphore, #tpu.memory_space<semaphore_mem>>) src(%dma_wait3A_227 : memref<64x128xf32, #tpu.memory_space<vmem>>) dst(%dma_wait3A_224 : memref<64x128xf32, #tpu.memory_space<vmem_shared>>)
    %eq3A_228 = arith.constant 0 : i32
    %eq3A_229 = arith.cmpi eq, %arg1, %eq3A_228 : i32
    %convert_element_type3A_230 = arith.extui %eq3A_229 : i1 to i32
    %cond3A_231 = arith.constant 0 : i32
    %cond3A_232 = arith.cmpi ne, %convert_element_type3A_230, %cond3A_231 : i32
    scf.if %cond3A_232 {
      %dma_wait3A_839 = arith.constant 0 : i32
      %dma_wait3A_840 = arith.constant 0 : i32
      %dma_wait3A_841 = tpu.memref_slice %arg9[%dma_wait3A_839, %dma_wait3A_840] : memref<80x128xf32, #tpu.memory_space<vmem>> -> memref<16x128xf32, #tpu.memory_space<vmem>>
      %dma_wait3A_842 = arith.constant 9984 : i32
      %dma_wait3A_843 = arith.constant 0 : i32
      %dma_wait3A_844 = tpu.memref_slice %arg11[%dma_wait3A_842, %dma_wait3A_843] : memref<10000x128xf32, #tpu.memory_space<vmem_shared>> -> memref<16x128xf32, #tpu.memory_space<vmem_shared>>
      %dma_wait3A_845 = arith.constant 9984 : i32
      %dma_wait3A_846 = arith.constant 0 : i32
      %dma_wait3A_847 = tpu.memref_slice %arg11[%dma_wait3A_845, %dma_wait3A_846] : memref<10000x128xf32, #tpu.memory_space<vmem_shared>> -> memref<16x128xf32, #tpu.memory_space<vmem_shared>>
      %dma_wait3A_848 = arith.constant 0 : i32
      %dma_wait3A_849 = arith.constant 0 : i32
      %dma_wait3A_850 = tpu.memref_slice %arg9[%dma_wait3A_848, %dma_wait3A_849] : memref<80x128xf32, #tpu.memory_space<vmem>> -> memref<16x128xf32, #tpu.memory_space<vmem>>
      tpu.wait_dma2 semaphore(%arg14 : memref<!tpu.dma_semaphore, #tpu.memory_space<semaphore_mem>>) src(%dma_wait3A_850 : memref<16x128xf32, #tpu.memory_space<vmem>>) dst(%dma_wait3A_847 : memref<16x128xf32, #tpu.memory_space<vmem_shared>>)
    } else {
    }
    %barrier3A = arith.constant 0 : index
    tpu.barrier barrier_id(%barrier3A)
    %add3A_233 = arith.constant 0 : i32
    %add3A_234 = arith.addi %mul3A_2, %add3A_233 : i32
    %add3A_235 = arith.constant 80 : i32
    %add3A_236 = arith.addi %add3A_234, %add3A_235 : i32
    %add3A_237 = arith.constant 80 : i32
    %add3A_238 = arith.addi %add3A_234, %add3A_237 : i32
    %run_scoped3A = arith.constant 0 : i32
    %run_scoped3A_239 = arith.constant 0 : i32
    "tpu.region"() ({
      %run_scoped3A_839 = tpu.sem_alloc : memref<!tpu.dma_semaphore, #tpu.memory_space<semaphore_mem>>
      %dma_start3A_840 = arith.constant 0 : i32
      %dma_start3A_841 = tpu.memref_slice %arg7[%run_scoped3A, %run_scoped3A_239, %dma_start3A_840] : memref<2x2x80xi32, #tpu.memory_space<vmem>> -> memref<1x1x80xi32, #tpu.memory_space<vmem>>
      %dma_start3A_842 = tpu.memref_squeeze %dma_start3A_841 : memref<1x1x80xi32, #tpu.memory_space<vmem>> -> memref<80xi32, #tpu.memory_space<vmem>>
      %dma_start3A_843 = tpu.memref_slice %arg3[%add3A_234] : memref<320000xi32, #tpu.memory_space<hbm>> -> memref<80xi32, #tpu.memory_space<hbm>>
      %dma_start3A_844 = arith.constant 0 : i32
      %dma_start3A_845 = tpu.memref_slice %arg7[%run_scoped3A, %run_scoped3A_239, %dma_start3A_844] : memref<2x2x80xi32, #tpu.memory_space<vmem>> -> memref<1x1x80xi32, #tpu.memory_space<vmem>>
      %dma_start3A_846 = tpu.memref_squeeze %dma_start3A_845 : memref<1x1x80xi32, #tpu.memory_space<vmem>> -> memref<80xi32, #tpu.memory_space<vmem>>
      %dma_start3A_847 = tpu.memref_slice %arg3[%add3A_234] : memref<320000xi32, #tpu.memory_space<hbm>> -> memref<80xi32, #tpu.memory_space<hbm>>
      tpu.enqueue_dma source(%dma_start3A_847 : memref<80xi32, #tpu.memory_space<hbm>>) target(%dma_start3A_846 : memref<80xi32, #tpu.memory_space<vmem>>) target_semaphore(%run_scoped3A_839 : memref<!tpu.dma_semaphore, #tpu.memory_space<semaphore_mem>>)
      %dma_wait3A_848 = arith.constant 0 : i32
      %dma_wait3A_849 = tpu.memref_slice %arg7[%run_scoped3A, %run_scoped3A_239, %dma_wait3A_848] : memref<2x2x80xi32, #tpu.memory_space<vmem>> -> memref<1x1x80xi32, #tpu.memory_space<vmem>>
      %dma_wait3A_850 = tpu.memref_squeeze %dma_wait3A_849 : memref<1x1x80xi32, #tpu.memory_space<vmem>> -> memref<80xi32, #tpu.memory_space<vmem>>
      %dma_wait3A_851 = tpu.memref_slice %arg3[%add3A_234] : memref<320000xi32, #tpu.memory_space<hbm>> -> memref<80xi32, #tpu.memory_space<hbm>>
      %dma_wait3A_852 = arith.constant 0 : i32
      %dma_wait3A_853 = tpu.memref_slice %arg7[%run_scoped3A, %run_scoped3A_239, %dma_wait3A_852] : memref<2x2x80xi32, #tpu.memory_space<vmem>> -> memref<1x1x80xi32, #tpu.memory_space<vmem>>
      %dma_wait3A_854 = tpu.memref_squeeze %dma_wait3A_853 : memref<1x1x80xi32, #tpu.memory_space<vmem>> -> memref<80xi32, #tpu.memory_space<vmem>>
      %dma_wait3A_855 = tpu.memref_slice %arg3[%add3A_234] : memref<320000xi32, #tpu.memory_space<hbm>> -> memref<80xi32, #tpu.memory_space<hbm>>
      tpu.wait_dma2 semaphore(%run_scoped3A_839 : memref<!tpu.dma_semaphore, #tpu.memory_space<semaphore_mem>>) src(%dma_wait3A_855 : memref<80xi32, #tpu.memory_space<hbm>>) dst(%dma_wait3A_854 : memref<80xi32, #tpu.memory_space<vmem>>)
      tpu.yield
    }) : () -> ()
    %run_scoped3A_240 = arith.constant 0 : i32
    %run_scoped3A_241 = arith.constant 1 : i32
    "tpu.region"() ({
      %run_scoped3A_839 = tpu.sem_alloc : memref<!tpu.dma_semaphore, #tpu.memory_space<semaphore_mem>>
      %dma_start3A_840 = arith.constant 0 : i32
      %dma_start3A_841 = tpu.memref_slice %arg7[%run_scoped3A_240, %run_scoped3A_241, %dma_start3A_840] : memref<2x2x80xi32, #tpu.memory_space<vmem>> -> memref<1x1x80xi32, #tpu.memory_space<vmem>>
      %dma_start3A_842 = tpu.memref_squeeze %dma_start3A_841 : memref<1x1x80xi32, #tpu.memory_space<vmem>> -> memref<80xi32, #tpu.memory_space<vmem>>
      %dma_start3A_843 = tpu.memref_slice %arg4[%add3A_234] : memref<320000xi32, #tpu.memory_space<hbm>> -> memref<80xi32, #tpu.memory_space<hbm>>
      %dma_start3A_844 = arith.constant 0 : i32
      %dma_start3A_845 = tpu.memref_slice %arg7[%run_scoped3A_240, %run_scoped3A_241, %dma_start3A_844] : memref<2x2x80xi32, #tpu.memory_space<vmem>> -> memref<1x1x80xi32, #tpu.memory_space<vmem>>
      %dma_start3A_846 = tpu.memref_squeeze %dma_start3A_845 : memref<1x1x80xi32, #tpu.memory_space<vmem>> -> memref<80xi32, #tpu.memory_space<vmem>>
      %dma_start3A_847 = tpu.memref_slice %arg4[%add3A_234] : memref<320000xi32, #tpu.memory_space<hbm>> -> memref<80xi32, #tpu.memory_space<hbm>>
      tpu.enqueue_dma source(%dma_start3A_847 : memref<80xi32, #tpu.memory_space<hbm>>) target(%dma_start3A_846 : memref<80xi32, #tpu.memory_space<vmem>>) target_semaphore(%run_scoped3A_839 : memref<!tpu.dma_semaphore, #tpu.memory_space<semaphore_mem>>)
      %dma_wait3A_848 = arith.constant 0 : i32
      %dma_wait3A_849 = tpu.memref_slice %arg7[%run_scoped3A_240, %run_scoped3A_241, %dma_wait3A_848] : memref<2x2x80xi32, #tpu.memory_space<vmem>> -> memref<1x1x80xi32, #tpu.memory_space<vmem>>
      %dma_wait3A_850 = tpu.memref_squeeze %dma_wait3A_849 : memref<1x1x80xi32, #tpu.memory_space<vmem>> -> memref<80xi32, #tpu.memory_space<vmem>>
      %dma_wait3A_851 = tpu.memref_slice %arg4[%add3A_234] : memref<320000xi32, #tpu.memory_space<hbm>> -> memref<80xi32, #tpu.memory_space<hbm>>
      %dma_wait3A_852 = arith.constant 0 : i32
      %dma_wait3A_853 = tpu.memref_slice %arg7[%run_scoped3A_240, %run_scoped3A_241, %dma_wait3A_852] : memref<2x2x80xi32, #tpu.memory_space<vmem>> -> memref<1x1x80xi32, #tpu.memory_space<vmem>>
      %dma_wait3A_854 = tpu.memref_squeeze %dma_wait3A_853 : memref<1x1x80xi32, #tpu.memory_space<vmem>> -> memref<80xi32, #tpu.memory_space<vmem>>
      %dma_wait3A_855 = tpu.memref_slice %arg4[%add3A_234] : memref<320000xi32, #tpu.memory_space<hbm>> -> memref<80xi32, #tpu.memory_space<hbm>>
      tpu.wait_dma2 semaphore(%run_scoped3A_839 : memref<!tpu.dma_semaphore, #tpu.memory_space<semaphore_mem>>) src(%dma_wait3A_855 : memref<80xi32, #tpu.memory_space<hbm>>) dst(%dma_wait3A_854 : memref<80xi32, #tpu.memory_space<vmem>>)
      tpu.yield
    }) : () -> ()
    %run_scoped3A_242 = arith.constant 1 : i32
    %run_scoped3A_243 = arith.constant 0 : i32
    "tpu.region"() ({
      %run_scoped3A_839 = tpu.sem_alloc : memref<!tpu.dma_semaphore, #tpu.memory_space<semaphore_mem>>
      %dma_start3A_840 = arith.constant 0 : i32
      %dma_start3A_841 = tpu.memref_slice %arg7[%run_scoped3A_242, %run_scoped3A_243, %dma_start3A_840] : memref<2x2x80xi32, #tpu.memory_space<vmem>> -> memref<1x1x80xi32, #tpu.memory_space<vmem>>
      %dma_start3A_842 = tpu.memref_squeeze %dma_start3A_841 : memref<1x1x80xi32, #tpu.memory_space<vmem>> -> memref<80xi32, #tpu.memory_space<vmem>>
      %dma_start3A_843 = tpu.memref_slice %arg3[%add3A_236] : memref<320000xi32, #tpu.memory_space<hbm>> -> memref<80xi32, #tpu.memory_space<hbm>>
      %dma_start3A_844 = arith.constant 0 : i32
      %dma_start3A_845 = tpu.memref_slice %arg7[%run_scoped3A_242, %run_scoped3A_243, %dma_start3A_844] : memref<2x2x80xi32, #tpu.memory_space<vmem>> -> memref<1x1x80xi32, #tpu.memory_space<vmem>>
      %dma_start3A_846 = tpu.memref_squeeze %dma_start3A_845 : memref<1x1x80xi32, #tpu.memory_space<vmem>> -> memref<80xi32, #tpu.memory_space<vmem>>
      %dma_start3A_847 = tpu.memref_slice %arg3[%add3A_236] : memref<320000xi32, #tpu.memory_space<hbm>> -> memref<80xi32, #tpu.memory_space<hbm>>
      tpu.enqueue_dma source(%dma_start3A_847 : memref<80xi32, #tpu.memory_space<hbm>>) target(%dma_start3A_846 : memref<80xi32, #tpu.memory_space<vmem>>) target_semaphore(%run_scoped3A_839 : memref<!tpu.dma_semaphore, #tpu.memory_space<semaphore_mem>>)
      %dma_wait3A_848 = arith.constant 0 : i32
      %dma_wait3A_849 = tpu.memref_slice %arg7[%run_scoped3A_242, %run_scoped3A_243, %dma_wait3A_848] : memref<2x2x80xi32, #tpu.memory_space<vmem>> -> memref<1x1x80xi32, #tpu.memory_space<vmem>>
      %dma_wait3A_850 = tpu.memref_squeeze %dma_wait3A_849 : memref<1x1x80xi32, #tpu.memory_space<vmem>> -> memref<80xi32, #tpu.memory_space<vmem>>
      %dma_wait3A_851 = tpu.memref_slice %arg3[%add3A_236] : memref<320000xi32, #tpu.memory_space<hbm>> -> memref<80xi32, #tpu.memory_space<hbm>>
      %dma_wait3A_852 = arith.constant 0 : i32
      %dma_wait3A_853 = tpu.memref_slice %arg7[%run_scoped3A_242, %run_scoped3A_243, %dma_wait3A_852] : memref<2x2x80xi32, #tpu.memory_space<vmem>> -> memref<1x1x80xi32, #tpu.memory_space<vmem>>
      %dma_wait3A_854 = tpu.memref_squeeze %dma_wait3A_853 : memref<1x1x80xi32, #tpu.memory_space<vmem>> -> memref<80xi32, #tpu.memory_space<vmem>>
      %dma_wait3A_855 = tpu.memref_slice %arg3[%add3A_236] : memref<320000xi32, #tpu.memory_space<hbm>> -> memref<80xi32, #tpu.memory_space<hbm>>
      tpu.wait_dma2 semaphore(%run_scoped3A_839 : memref<!tpu.dma_semaphore, #tpu.memory_space<semaphore_mem>>) src(%dma_wait3A_855 : memref<80xi32, #tpu.memory_space<hbm>>) dst(%dma_wait3A_854 : memref<80xi32, #tpu.memory_space<vmem>>)
      tpu.yield
    }) : () -> ()
    %run_scoped3A_244 = arith.constant 1 : i32
    %run_scoped3A_245 = arith.constant 1 : i32
    "tpu.region"() ({
      %run_scoped3A_839 = tpu.sem_alloc : memref<!tpu.dma_semaphore, #tpu.memory_space<semaphore_mem>>
      %dma_start3A_840 = arith.constant 0 : i32
      %dma_start3A_841 = tpu.memref_slice %arg7[%run_scoped3A_244, %run_scoped3A_245, %dma_start3A_840] : memref<2x2x80xi32, #tpu.memory_space<vmem>> -> memref<1x1x80xi32, #tpu.memory_space<vmem>>
      %dma_start3A_842 = tpu.memref_squeeze %dma_start3A_841 : memref<1x1x80xi32, #tpu.memory_space<vmem>> -> memref<80xi32, #tpu.memory_space<vmem>>
      %dma_start3A_843 = tpu.memref_slice %arg4[%add3A_238] : memref<320000xi32, #tpu.memory_space<hbm>> -> memref<80xi32, #tpu.memory_space<hbm>>
      %dma_start3A_844 = arith.constant 0 : i32
      %dma_start3A_845 = tpu.memref_slice %arg7[%run_scoped3A_244, %run_scoped3A_245, %dma_start3A_844] : memref<2x2x80xi32, #tpu.memory_space<vmem>> -> memref<1x1x80xi32, #tpu.memory_space<vmem>>
      %dma_start3A_846 = tpu.memref_squeeze %dma_start3A_845 : memref<1x1x80xi32, #tpu.memory_space<vmem>> -> memref<80xi32, #tpu.memory_space<vmem>>
      %dma_start3A_847 = tpu.memref_slice %arg4[%add3A_238] : memref<320000xi32, #tpu.memory_space<hbm>> -> memref<80xi32, #tpu.memory_space<hbm>>
      tpu.enqueue_dma source(%dma_start3A_847 : memref<80xi32, #tpu.memory_space<hbm>>) target(%dma_start3A_846 : memref<80xi32, #tpu.memory_space<vmem>>) target_semaphore(%run_scoped3A_839 : memref<!tpu.dma_semaphore, #tpu.memory_space<semaphore_mem>>)
      %dma_wait3A_848 = arith.constant 0 : i32
      %dma_wait3A_849 = tpu.memref_slice %arg7[%run_scoped3A_244, %run_scoped3A_245, %dma_wait3A_848] : memref<2x2x80xi32, #tpu.memory_space<vmem>> -> memref<1x1x80xi32, #tpu.memory_space<vmem>>
      %dma_wait3A_850 = tpu.memref_squeeze %dma_wait3A_849 : memref<1x1x80xi32, #tpu.memory_space<vmem>> -> memref<80xi32, #tpu.memory_space<vmem>>
      %dma_wait3A_851 = tpu.memref_slice %arg4[%add3A_238] : memref<320000xi32, #tpu.memory_space<hbm>> -> memref<80xi32, #tpu.memory_space<hbm>>
      %dma_wait3A_852 = arith.constant 0 : i32
      %dma_wait3A_853 = tpu.memref_slice %arg7[%run_scoped3A_244, %run_scoped3A_245, %dma_wait3A_852] : memref<2x2x80xi32, #tpu.memory_space<vmem>> -> memref<1x1x80xi32, #tpu.memory_space<vmem>>
      %dma_wait3A_854 = tpu.memref_squeeze %dma_wait3A_853 : memref<1x1x80xi32, #tpu.memory_space<vmem>> -> memref<80xi32, #tpu.memory_space<vmem>>
      %dma_wait3A_855 = tpu.memref_slice %arg4[%add3A_238] : memref<320000xi32, #tpu.memory_space<hbm>> -> memref<80xi32, #tpu.memory_space<hbm>>
      tpu.wait_dma2 semaphore(%run_scoped3A_839 : memref<!tpu.dma_semaphore, #tpu.memory_space<semaphore_mem>>) src(%dma_wait3A_855 : memref<80xi32, #tpu.memory_space<hbm>>) dst(%dma_wait3A_854 : memref<80xi32, #tpu.memory_space<vmem>>)
      tpu.yield
    }) : () -> ()
    %add3A_246 = arith.constant 160 : i32
    %add3A_247 = arith.addi %mul3A_2, %add3A_246 : i32
    %add3A_248 = arith.constant 80 : i32
    %add3A_249 = arith.addi %add3A_247, %add3A_248 : i32
    %add3A_250 = arith.constant 80 : i32
    %add3A_251 = arith.addi %add3A_247, %add3A_250 : i32
    %dma_start3A_252 = arith.constant 0 : i32
    %dma_start3A_253 = arith.constant 0 : i32
    %dma_start3A_254 = arith.constant 0 : i32
    %dma_start3A_255 = tpu.memref_slice %arg8[%dma_start3A_252, %dma_start3A_253, %dma_start3A_254] : memref<2x2x80xi32, #tpu.memory_space<vmem>> -> memref<1x1x80xi32, #tpu.memory_space<vmem>>
    %dma_start3A_256 = tpu.memref_squeeze %dma_start3A_255 : memref<1x1x80xi32, #tpu.memory_space<vmem>> -> memref<80xi32, #tpu.memory_space<vmem>>
    %dma_start3A_257 = tpu.memref_slice %arg3[%add3A_247] : memref<320000xi32, #tpu.memory_space<hbm>> -> memref<80xi32, #tpu.memory_space<hbm>>
    %dma_start3A_258 = arith.constant 0 : i32
    %dma_start3A_259 = tpu.memref_slice %arg8[%dma_start3A_252, %dma_start3A_253, %dma_start3A_258] : memref<2x2x80xi32, #tpu.memory_space<vmem>> -> memref<1x1x80xi32, #tpu.memory_space<vmem>>
    %dma_start3A_260 = tpu.memref_squeeze %dma_start3A_259 : memref<1x1x80xi32, #tpu.memory_space<vmem>> -> memref<80xi32, #tpu.memory_space<vmem>>
    %dma_start3A_261 = tpu.memref_slice %arg3[%add3A_247] : memref<320000xi32, #tpu.memory_space<hbm>> -> memref<80xi32, #tpu.memory_space<hbm>>
    tpu.enqueue_dma source(%dma_start3A_261 : memref<80xi32, #tpu.memory_space<hbm>>) target(%dma_start3A_260 : memref<80xi32, #tpu.memory_space<vmem>>) target_semaphore(%arg13 : memref<!tpu.dma_semaphore, #tpu.memory_space<semaphore_mem>>)
    %dma_start3A_262 = arith.constant 0 : i32
    %dma_start3A_263 = arith.constant 1 : i32
    %dma_start3A_264 = arith.constant 0 : i32
    %dma_start3A_265 = tpu.memref_slice %arg8[%dma_start3A_262, %dma_start3A_263, %dma_start3A_264] : memref<2x2x80xi32, #tpu.memory_space<vmem>> -> memref<1x1x80xi32, #tpu.memory_space<vmem>>
    %dma_start3A_266 = tpu.memref_squeeze %dma_start3A_265 : memref<1x1x80xi32, #tpu.memory_space<vmem>> -> memref<80xi32, #tpu.memory_space<vmem>>
    %dma_start3A_267 = tpu.memref_slice %arg4[%add3A_247] : memref<320000xi32, #tpu.memory_space<hbm>> -> memref<80xi32, #tpu.memory_space<hbm>>
    %dma_start3A_268 = arith.constant 0 : i32
    %dma_start3A_269 = tpu.memref_slice %arg8[%dma_start3A_262, %dma_start3A_263, %dma_start3A_268] : memref<2x2x80xi32, #tpu.memory_space<vmem>> -> memref<1x1x80xi32, #tpu.memory_space<vmem>>
    %dma_start3A_270 = tpu.memref_squeeze %dma_start3A_269 : memref<1x1x80xi32, #tpu.memory_space<vmem>> -> memref<80xi32, #tpu.memory_space<vmem>>
    %dma_start3A_271 = tpu.memref_slice %arg4[%add3A_247] : memref<320000xi32, #tpu.memory_space<hbm>> -> memref<80xi32, #tpu.memory_space<hbm>>
    tpu.enqueue_dma source(%dma_start3A_271 : memref<80xi32, #tpu.memory_space<hbm>>) target(%dma_start3A_270 : memref<80xi32, #tpu.memory_space<vmem>>) target_semaphore(%arg13 : memref<!tpu.dma_semaphore, #tpu.memory_space<semaphore_mem>>)
    %dma_start3A_272 = arith.constant 1 : i32
    %dma_start3A_273 = arith.constant 0 : i32
    %dma_start3A_274 = arith.constant 0 : i32
    %dma_start3A_275 = tpu.memref_slice %arg8[%dma_start3A_272, %dma_start3A_273, %dma_start3A_274] : memref<2x2x80xi32, #tpu.memory_space<vmem>> -> memref<1x1x80xi32, #tpu.memory_space<vmem>>
    %dma_start3A_276 = tpu.memref_squeeze %dma_start3A_275 : memref<1x1x80xi32, #tpu.memory_space<vmem>> -> memref<80xi32, #tpu.memory_space<vmem>>
    %dma_start3A_277 = tpu.memref_slice %arg3[%add3A_249] : memref<320000xi32, #tpu.memory_space<hbm>> -> memref<80xi32, #tpu.memory_space<hbm>>
    %dma_start3A_278 = arith.constant 0 : i32
    %dma_start3A_279 = tpu.memref_slice %arg8[%dma_start3A_272, %dma_start3A_273, %dma_start3A_278] : memref<2x2x80xi32, #tpu.memory_space<vmem>> -> memref<1x1x80xi32, #tpu.memory_space<vmem>>
    %dma_start3A_280 = tpu.memref_squeeze %dma_start3A_279 : memref<1x1x80xi32, #tpu.memory_space<vmem>> -> memref<80xi32, #tpu.memory_space<vmem>>
    %dma_start3A_281 = tpu.memref_slice %arg3[%add3A_249] : memref<320000xi32, #tpu.memory_space<hbm>> -> memref<80xi32, #tpu.memory_space<hbm>>
    tpu.enqueue_dma source(%dma_start3A_281 : memref<80xi32, #tpu.memory_space<hbm>>) target(%dma_start3A_280 : memref<80xi32, #tpu.memory_space<vmem>>) target_semaphore(%arg13 : memref<!tpu.dma_semaphore, #tpu.memory_space<semaphore_mem>>)
    %dma_start3A_282 = arith.constant 1 : i32
    %dma_start3A_283 = arith.constant 1 : i32
    %dma_start3A_284 = arith.constant 0 : i32
    %dma_start3A_285 = tpu.memref_slice %arg8[%dma_start3A_282, %dma_start3A_283, %dma_start3A_284] : memref<2x2x80xi32, #tpu.memory_space<vmem>> -> memref<1x1x80xi32, #tpu.memory_space<vmem>>
    %dma_start3A_286 = tpu.memref_squeeze %dma_start3A_285 : memref<1x1x80xi32, #tpu.memory_space<vmem>> -> memref<80xi32, #tpu.memory_space<vmem>>
    %dma_start3A_287 = tpu.memref_slice %arg4[%add3A_251] : memref<320000xi32, #tpu.memory_space<hbm>> -> memref<80xi32, #tpu.memory_space<hbm>>
    %dma_start3A_288 = arith.constant 0 : i32
    %dma_start3A_289 = tpu.memref_slice %arg8[%dma_start3A_282, %dma_start3A_283, %dma_start3A_288] : memref<2x2x80xi32, #tpu.memory_space<vmem>> -> memref<1x1x80xi32, #tpu.memory_space<vmem>>
    %dma_start3A_290 = tpu.memref_squeeze %dma_start3A_289 : memref<1x1x80xi32, #tpu.memory_space<vmem>> -> memref<80xi32, #tpu.memory_space<vmem>>
    %dma_start3A_291 = tpu.memref_slice %arg4[%add3A_251] : memref<320000xi32, #tpu.memory_space<hbm>> -> memref<80xi32, #tpu.memory_space<hbm>>
    tpu.enqueue_dma source(%dma_start3A_291 : memref<80xi32, #tpu.memory_space<hbm>>) target(%dma_start3A_290 : memref<80xi32, #tpu.memory_space<vmem>>) target_semaphore(%arg13 : memref<!tpu.dma_semaphore, #tpu.memory_space<semaphore_mem>>)
    %dma_start3A_292 = arith.constant 0 : i32
    %dma_start3A_293 = arith.constant 0 : i32
    %dma_start3A_294 = arith.constant 0 : i32
    %dma_start3A_295 = tpu.memref_slice %arg7[%dma_start3A_292, %dma_start3A_293, %dma_start3A_294] : memref<2x2x80xi32, #tpu.memory_space<vmem>> -> memref<1x1x80xi32, #tpu.memory_space<vmem>>
    %dma_start3A_296 = tpu.memref_squeeze %dma_start3A_295 : memref<1x1x80xi32, #tpu.memory_space<vmem>> -> memref<80xi32, #tpu.memory_space<vmem>>
    %dma_start3A_297 = arith.constant 0 : i32
    %dma_start3A_298 = arith.constant 0 : i32
    %dma_start3A_299 = tpu.memref_slice %arg2[%dma_start3A_297, %dma_start3A_298] : memref<10000x128xf32, #tpu.memory_space<hbm>> -> memref<10000x128xf32, #tpu.memory_space<hbm>>
    tpu.enqueue_indirect_dma source(%dma_start3A_299 : memref<10000x128xf32, #tpu.memory_space<hbm>>) target(%arg9 : memref<80x128xf32, #tpu.memory_space<vmem>>) offsets(%dma_start3A_296 : memref<80xi32, #tpu.memory_space<vmem>>) semaphore(%arg14 : memref<!tpu.dma_semaphore, #tpu.memory_space<semaphore_mem>>)
    %dma_start3A_300 = arith.constant 1 : i32
    %dma_start3A_301 = arith.constant 0 : i32
    %dma_start3A_302 = arith.constant 0 : i32
    %dma_start3A_303 = tpu.memref_slice %arg7[%dma_start3A_300, %dma_start3A_301, %dma_start3A_302] : memref<2x2x80xi32, #tpu.memory_space<vmem>> -> memref<1x1x80xi32, #tpu.memory_space<vmem>>
    %dma_start3A_304 = tpu.memref_squeeze %dma_start3A_303 : memref<1x1x80xi32, #tpu.memory_space<vmem>> -> memref<80xi32, #tpu.memory_space<vmem>>
    %dma_start3A_305 = arith.constant 0 : i32
    %dma_start3A_306 = arith.constant 0 : i32
    %dma_start3A_307 = tpu.memref_slice %arg2[%dma_start3A_305, %dma_start3A_306] : memref<10000x128xf32, #tpu.memory_space<hbm>> -> memref<10000x128xf32, #tpu.memory_space<hbm>>
    tpu.enqueue_indirect_dma source(%dma_start3A_307 : memref<10000x128xf32, #tpu.memory_space<hbm>>) target(%arg10 : memref<80x128xf32, #tpu.memory_space<vmem>>) offsets(%dma_start3A_304 : memref<80xi32, #tpu.memory_space<vmem>>) semaphore(%arg15 : memref<!tpu.dma_semaphore, #tpu.memory_space<semaphore_mem>>)
    %dma_wait3A_308 = arith.constant 0 : i32
    %dma_wait3A_309 = arith.constant 0 : i32
    %dma_wait3A_310 = arith.constant 0 : i32
    %dma_wait3A_311 = tpu.memref_slice %arg7[%dma_wait3A_308, %dma_wait3A_309, %dma_wait3A_310] : memref<2x2x80xi32, #tpu.memory_space<vmem>> -> memref<1x1x80xi32, #tpu.memory_space<vmem>>
    %dma_wait3A_312 = tpu.memref_squeeze %dma_wait3A_311 : memref<1x1x80xi32, #tpu.memory_space<vmem>> -> memref<80xi32, #tpu.memory_space<vmem>>
    %dma_wait3A_313 = arith.constant 0 : i32
    %dma_wait3A_314 = arith.constant 0 : i32
    %dma_wait3A_315 = tpu.memref_slice %arg2[%dma_wait3A_313, %dma_wait3A_314] : memref<10000x128xf32, #tpu.memory_space<hbm>> -> memref<10000x128xf32, #tpu.memory_space<hbm>>
    tpu.wait_indirect_dma semaphore(%arg14 : memref<!tpu.dma_semaphore, #tpu.memory_space<semaphore_mem>>) src(%dma_wait3A_315 : memref<10000x128xf32, #tpu.memory_space<hbm>>) dst(%arg9 : memref<80x128xf32, #tpu.memory_space<vmem>>)
    %dma_start3A_316 = arith.constant 0 : i32
    %dma_start3A_317 = arith.constant 1 : i32
    %dma_start3A_318 = arith.constant 0 : i32
    %dma_start3A_319 = tpu.memref_slice %arg7[%dma_start3A_316, %dma_start3A_317, %dma_start3A_318] : memref<2x2x80xi32, #tpu.memory_space<vmem>> -> memref<1x1x80xi32, #tpu.memory_space<vmem>>
    %dma_start3A_320 = tpu.memref_squeeze %dma_start3A_319 : memref<1x1x80xi32, #tpu.memory_space<vmem>> -> memref<80xi32, #tpu.memory_space<vmem>>
    %dma_start3A_321 = arith.constant 0 : i32
    %dma_start3A_322 = arith.constant 0 : i32
    %dma_start3A_323 = tpu.memref_slice %arg11[%dma_start3A_321, %dma_start3A_322] : memref<10000x128xf32, #tpu.memory_space<vmem_shared>> -> memref<10000x128xf32, #tpu.memory_space<vmem_shared>>
    tpu.enqueue_indirect_dma source(%arg9 : memref<80x128xf32, #tpu.memory_space<vmem>>) target(%dma_start3A_323 : memref<10000x128xf32, #tpu.memory_space<vmem_shared>>) offsets(%dma_start3A_320 : memref<80xi32, #tpu.memory_space<vmem>>) semaphore(%arg16 : memref<!tpu.dma_semaphore, #tpu.memory_space<semaphore_mem>>) {add = true}
    %dma_wait3A_324 = arith.constant 1 : i32
    %dma_wait3A_325 = arith.constant 0 : i32
    %dma_wait3A_326 = arith.constant 0 : i32
    %dma_wait3A_327 = tpu.memref_slice %arg7[%dma_wait3A_324, %dma_wait3A_325, %dma_wait3A_326] : memref<2x2x80xi32, #tpu.memory_space<vmem>> -> memref<1x1x80xi32, #tpu.memory_space<vmem>>
    %dma_wait3A_328 = tpu.memref_squeeze %dma_wait3A_327 : memref<1x1x80xi32, #tpu.memory_space<vmem>> -> memref<80xi32, #tpu.memory_space<vmem>>
    %dma_wait3A_329 = arith.constant 0 : i32
    %dma_wait3A_330 = arith.constant 0 : i32
    %dma_wait3A_331 = tpu.memref_slice %arg2[%dma_wait3A_329, %dma_wait3A_330] : memref<10000x128xf32, #tpu.memory_space<hbm>> -> memref<10000x128xf32, #tpu.memory_space<hbm>>
    tpu.wait_indirect_dma semaphore(%arg15 : memref<!tpu.dma_semaphore, #tpu.memory_space<semaphore_mem>>) src(%dma_wait3A_331 : memref<10000x128xf32, #tpu.memory_space<hbm>>) dst(%arg10 : memref<80x128xf32, #tpu.memory_space<vmem>>)
    %dma_start3A_332 = arith.constant 1 : i32
    %dma_start3A_333 = arith.constant 1 : i32
    %dma_start3A_334 = arith.constant 0 : i32
    %dma_start3A_335 = tpu.memref_slice %arg7[%dma_start3A_332, %dma_start3A_333, %dma_start3A_334] : memref<2x2x80xi32, #tpu.memory_space<vmem>> -> memref<1x1x80xi32, #tpu.memory_space<vmem>>
    %dma_start3A_336 = tpu.memref_squeeze %dma_start3A_335 : memref<1x1x80xi32, #tpu.memory_space<vmem>> -> memref<80xi32, #tpu.memory_space<vmem>>
    %dma_start3A_337 = arith.constant 0 : i32
    %dma_start3A_338 = arith.constant 0 : i32
    %dma_start3A_339 = tpu.memref_slice %arg11[%dma_start3A_337, %dma_start3A_338] : memref<10000x128xf32, #tpu.memory_space<vmem_shared>> -> memref<10000x128xf32, #tpu.memory_space<vmem_shared>>
    tpu.enqueue_indirect_dma source(%arg10 : memref<80x128xf32, #tpu.memory_space<vmem>>) target(%dma_start3A_339 : memref<10000x128xf32, #tpu.memory_space<vmem_shared>>) offsets(%dma_start3A_336 : memref<80xi32, #tpu.memory_space<vmem>>) semaphore(%arg17 : memref<!tpu.dma_semaphore, #tpu.memory_space<semaphore_mem>>) {add = true}
    %scan3A = arith.constant 0 : i32
    %scan3A_340 = arith.constant 0 : i32
    %scan3A_341 = arith.constant 30 : i32
    %scan3A_342 = arith.addi %scan3A_340, %scan3A_341 : i32
    %scan3A_343 = arith.constant 1 : i32
    scf.for %scan3A_839 = %scan3A_340 to %scan3A_342 step %scan3A_343  : i32 {
      %mul3A_840 = arith.constant 2 : i32
      %mul3A_841 = arith.muli %mul3A_840, %scan3A_839 : i32
      %add3A_842 = arith.constant 1 : i32
      %add3A_843 = arith.addi %mul3A_841, %add3A_842 : i32
      %mul3A_844 = arith.constant 2 : i32
      %mul3A_845 = arith.muli %mul3A_844, %add3A_843 : i32
      %mul3A_846 = arith.constant 80 : i32
      %mul3A_847 = arith.muli %mul3A_845, %mul3A_846 : i32
      %add3A_848 = arith.addi %mul3A_2, %mul3A_847 : i32
      %add3A_849 = arith.constant 80 : i32
      %add3A_850 = arith.addi %add3A_848, %add3A_849 : i32
      %add3A_851 = arith.constant 80 : i32
      %add3A_852 = arith.addi %add3A_848, %add3A_851 : i32
      %dma_wait3A_853 = arith.constant 0 : i32
      %dma_wait3A_854 = arith.constant 0 : i32
      %dma_wait3A_855 = arith.constant 0 : i32
      %dma_wait3A_856 = tpu.memref_slice %arg8[%dma_wait3A_853, %dma_wait3A_854, %dma_wait3A_855] : memref<2x2x80xi32, #tpu.memory_space<vmem>> -> memref<1x1x80xi32, #tpu.memory_space<vmem>>
      %dma_wait3A_857 = tpu.memref_squeeze %dma_wait3A_856 : memref<1x1x80xi32, #tpu.memory_space<vmem>> -> memref<80xi32, #tpu.memory_space<vmem>>
      %dma_wait3A_858 = tpu.memref_slice %arg3[%add3A_848] : memref<320000xi32, #tpu.memory_space<hbm>> -> memref<80xi32, #tpu.memory_space<hbm>>
      %dma_wait3A_859 = arith.constant 0 : i32
      %dma_wait3A_860 = tpu.memref_slice %arg8[%dma_wait3A_853, %dma_wait3A_854, %dma_wait3A_859] : memref<2x2x80xi32, #tpu.memory_space<vmem>> -> memref<1x1x80xi32, #tpu.memory_space<vmem>>
      %dma_wait3A_861 = tpu.memref_squeeze %dma_wait3A_860 : memref<1x1x80xi32, #tpu.memory_space<vmem>> -> memref<80xi32, #tpu.memory_space<vmem>>
      %dma_wait3A_862 = tpu.memref_slice %arg3[%add3A_848] : memref<320000xi32, #tpu.memory_space<hbm>> -> memref<80xi32, #tpu.memory_space<hbm>>
      tpu.wait_dma2 semaphore(%arg13 : memref<!tpu.dma_semaphore, #tpu.memory_space<semaphore_mem>>) src(%dma_wait3A_862 : memref<80xi32, #tpu.memory_space<hbm>>) dst(%dma_wait3A_861 : memref<80xi32, #tpu.memory_space<vmem>>)
      %dma_wait3A_863 = arith.constant 0 : i32
      %dma_wait3A_864 = arith.constant 1 : i32
      %dma_wait3A_865 = arith.constant 0 : i32
      %dma_wait3A_866 = tpu.memref_slice %arg8[%dma_wait3A_863, %dma_wait3A_864, %dma_wait3A_865] : memref<2x2x80xi32, #tpu.memory_space<vmem>> -> memref<1x1x80xi32, #tpu.memory_space<vmem>>
      %dma_wait3A_867 = tpu.memref_squeeze %dma_wait3A_866 : memref<1x1x80xi32, #tpu.memory_space<vmem>> -> memref<80xi32, #tpu.memory_space<vmem>>
      %dma_wait3A_868 = tpu.memref_slice %arg4[%add3A_848] : memref<320000xi32, #tpu.memory_space<hbm>> -> memref<80xi32, #tpu.memory_space<hbm>>
      %dma_wait3A_869 = arith.constant 0 : i32
      %dma_wait3A_870 = tpu.memref_slice %arg8[%dma_wait3A_863, %dma_wait3A_864, %dma_wait3A_869] : memref<2x2x80xi32, #tpu.memory_space<vmem>> -> memref<1x1x80xi32, #tpu.memory_space<vmem>>
      %dma_wait3A_871 = tpu.memref_squeeze %dma_wait3A_870 : memref<1x1x80xi32, #tpu.memory_space<vmem>> -> memref<80xi32, #tpu.memory_space<vmem>>
      %dma_wait3A_872 = tpu.memref_slice %arg4[%add3A_848] : memref<320000xi32, #tpu.memory_space<hbm>> -> memref<80xi32, #tpu.memory_space<hbm>>
      tpu.wait_dma2 semaphore(%arg13 : memref<!tpu.dma_semaphore, #tpu.memory_space<semaphore_mem>>) src(%dma_wait3A_872 : memref<80xi32, #tpu.memory_space<hbm>>) dst(%dma_wait3A_871 : memref<80xi32, #tpu.memory_space<vmem>>)
      %dma_wait3A_873 = arith.constant 1 : i32
      %dma_wait3A_874 = arith.constant 0 : i32
      %dma_wait3A_875 = arith.constant 0 : i32
      %dma_wait3A_876 = tpu.memref_slice %arg8[%dma_wait3A_873, %dma_wait3A_874, %dma_wait3A_875] : memref<2x2x80xi32, #tpu.memory_space<vmem>> -> memref<1x1x80xi32, #tpu.memory_space<vmem>>
      %dma_wait3A_877 = tpu.memref_squeeze %dma_wait3A_876 : memref<1x1x80xi32, #tpu.memory_space<vmem>> -> memref<80xi32, #tpu.memory_space<vmem>>
      %dma_wait3A_878 = tpu.memref_slice %arg3[%add3A_850] : memref<320000xi32, #tpu.memory_space<hbm>> -> memref<80xi32, #tpu.memory_space<hbm>>
      %dma_wait3A_879 = arith.constant 0 : i32
      %dma_wait3A_880 = tpu.memref_slice %arg8[%dma_wait3A_873, %dma_wait3A_874, %dma_wait3A_879] : memref<2x2x80xi32, #tpu.memory_space<vmem>> -> memref<1x1x80xi32, #tpu.memory_space<vmem>>
      %dma_wait3A_881 = tpu.memref_squeeze %dma_wait3A_880 : memref<1x1x80xi32, #tpu.memory_space<vmem>> -> memref<80xi32, #tpu.memory_space<vmem>>
      %dma_wait3A_882 = tpu.memref_slice %arg3[%add3A_850] : memref<320000xi32, #tpu.memory_space<hbm>> -> memref<80xi32, #tpu.memory_space<hbm>>
      tpu.wait_dma2 semaphore(%arg13 : memref<!tpu.dma_semaphore, #tpu.memory_space<semaphore_mem>>) src(%dma_wait3A_882 : memref<80xi32, #tpu.memory_space<hbm>>) dst(%dma_wait3A_881 : memref<80xi32, #tpu.memory_space<vmem>>)
      %dma_wait3A_883 = arith.constant 1 : i32
      %dma_wait3A_884 = arith.constant 1 : i32
      %dma_wait3A_885 = arith.constant 0 : i32
      %dma_wait3A_886 = tpu.memref_slice %arg8[%dma_wait3A_883, %dma_wait3A_884, %dma_wait3A_885] : memref<2x2x80xi32, #tpu.memory_space<vmem>> -> memref<1x1x80xi32, #tpu.memory_space<vmem>>
      %dma_wait3A_887 = tpu.memref_squeeze %dma_wait3A_886 : memref<1x1x80xi32, #tpu.memory_space<vmem>> -> memref<80xi32, #tpu.memory_space<vmem>>
      %dma_wait3A_888 = tpu.memref_slice %arg4[%add3A_852] : memref<320000xi32, #tpu.memory_space<hbm>> -> memref<80xi32, #tpu.memory_space<hbm>>
      %dma_wait3A_889 = arith.constant 0 : i32
      %dma_wait3A_890 = tpu.memref_slice %arg8[%dma_wait3A_883, %dma_wait3A_884, %dma_wait3A_889] : memref<2x2x80xi32, #tpu.memory_space<vmem>> -> memref<1x1x80xi32, #tpu.memory_space<vmem>>
      %dma_wait3A_891 = tpu.memref_squeeze %dma_wait3A_890 : memref<1x1x80xi32, #tpu.memory_space<vmem>> -> memref<80xi32, #tpu.memory_space<vmem>>
      %dma_wait3A_892 = tpu.memref_slice %arg4[%add3A_852] : memref<320000xi32, #tpu.memory_space<hbm>> -> memref<80xi32, #tpu.memory_space<hbm>>
      tpu.wait_dma2 semaphore(%arg13 : memref<!tpu.dma_semaphore, #tpu.memory_space<semaphore_mem>>) src(%dma_wait3A_892 : memref<80xi32, #tpu.memory_space<hbm>>) dst(%dma_wait3A_891 : memref<80xi32, #tpu.memory_space<vmem>>)
      %dma_wait3A_893 = arith.constant 0 : i32
      %dma_wait3A_894 = arith.constant 1 : i32
      %dma_wait3A_895 = arith.constant 0 : i32
      %dma_wait3A_896 = tpu.memref_slice %arg8[%dma_wait3A_893, %dma_wait3A_894, %dma_wait3A_895] : memref<2x2x80xi32, #tpu.memory_space<vmem>> -> memref<1x1x80xi32, #tpu.memory_space<vmem>>
      %dma_wait3A_897 = tpu.memref_squeeze %dma_wait3A_896 : memref<1x1x80xi32, #tpu.memory_space<vmem>> -> memref<80xi32, #tpu.memory_space<vmem>>
      %dma_wait3A_898 = arith.constant 0 : i32
      %dma_wait3A_899 = arith.constant 0 : i32
      %dma_wait3A_900 = tpu.memref_slice %arg11[%dma_wait3A_898, %dma_wait3A_899] : memref<10000x128xf32, #tpu.memory_space<vmem_shared>> -> memref<10000x128xf32, #tpu.memory_space<vmem_shared>>
      tpu.wait_indirect_dma semaphore(%arg16 : memref<!tpu.dma_semaphore, #tpu.memory_space<semaphore_mem>>) src(%arg9 : memref<80x128xf32, #tpu.memory_space<vmem>>) dst(%dma_wait3A_900 : memref<10000x128xf32, #tpu.memory_space<vmem_shared>>)
      %dma_wait3A_901 = arith.constant 1 : i32
      %dma_wait3A_902 = arith.constant 1 : i32
      %dma_wait3A_903 = arith.constant 0 : i32
      %dma_wait3A_904 = tpu.memref_slice %arg8[%dma_wait3A_901, %dma_wait3A_902, %dma_wait3A_903] : memref<2x2x80xi32, #tpu.memory_space<vmem>> -> memref<1x1x80xi32, #tpu.memory_space<vmem>>
      %dma_wait3A_905 = tpu.memref_squeeze %dma_wait3A_904 : memref<1x1x80xi32, #tpu.memory_space<vmem>> -> memref<80xi32, #tpu.memory_space<vmem>>
      %dma_wait3A_906 = arith.constant 0 : i32
      %dma_wait3A_907 = arith.constant 0 : i32
      %dma_wait3A_908 = tpu.memref_slice %arg11[%dma_wait3A_906, %dma_wait3A_907] : memref<10000x128xf32, #tpu.memory_space<vmem_shared>> -> memref<10000x128xf32, #tpu.memory_space<vmem_shared>>
      tpu.wait_indirect_dma semaphore(%arg17 : memref<!tpu.dma_semaphore, #tpu.memory_space<semaphore_mem>>) src(%arg10 : memref<80x128xf32, #tpu.memory_space<vmem>>) dst(%dma_wait3A_908 : memref<10000x128xf32, #tpu.memory_space<vmem_shared>>)
      %add3A_909 = arith.constant 1 : i32
      %add3A_910 = arith.addi %add3A_843, %add3A_909 : i32
      %mul3A_911 = arith.constant 2 : i32
      %mul3A_912 = arith.muli %mul3A_911, %add3A_910 : i32
      %mul3A_913 = arith.constant 80 : i32
      %mul3A_914 = arith.muli %mul3A_912, %mul3A_913 : i32
      %add3A_915 = arith.addi %mul3A_2, %mul3A_914 : i32
      %add3A_916 = arith.constant 80 : i32
      %add3A_917 = arith.addi %add3A_915, %add3A_916 : i32
      %add3A_918 = arith.constant 80 : i32
      %add3A_919 = arith.addi %add3A_915, %add3A_918 : i32
      %dma_start3A_920 = arith.constant 0 : i32
      %dma_start3A_921 = arith.constant 0 : i32
      %dma_start3A_922 = arith.constant 0 : i32
      %dma_start3A_923 = tpu.memref_slice %arg7[%dma_start3A_920, %dma_start3A_921, %dma_start3A_922] : memref<2x2x80xi32, #tpu.memory_space<vmem>> -> memref<1x1x80xi32, #tpu.memory_space<vmem>>
      %dma_start3A_924 = tpu.memref_squeeze %dma_start3A_923 : memref<1x1x80xi32, #tpu.memory_space<vmem>> -> memref<80xi32, #tpu.memory_space<vmem>>
      %dma_start3A_925 = tpu.memref_slice %arg3[%add3A_915] : memref<320000xi32, #tpu.memory_space<hbm>> -> memref<80xi32, #tpu.memory_space<hbm>>
      %dma_start3A_926 = arith.constant 0 : i32
      %dma_start3A_927 = tpu.memref_slice %arg7[%dma_start3A_920, %dma_start3A_921, %dma_start3A_926] : memref<2x2x80xi32, #tpu.memory_space<vmem>> -> memref<1x1x80xi32, #tpu.memory_space<vmem>>
      %dma_start3A_928 = tpu.memref_squeeze %dma_start3A_927 : memref<1x1x80xi32, #tpu.memory_space<vmem>> -> memref<80xi32, #tpu.memory_space<vmem>>
      %dma_start3A_929 = tpu.memref_slice %arg3[%add3A_915] : memref<320000xi32, #tpu.memory_space<hbm>> -> memref<80xi32, #tpu.memory_space<hbm>>
      tpu.enqueue_dma source(%dma_start3A_929 : memref<80xi32, #tpu.memory_space<hbm>>) target(%dma_start3A_928 : memref<80xi32, #tpu.memory_space<vmem>>) target_semaphore(%arg12 : memref<!tpu.dma_semaphore, #tpu.memory_space<semaphore_mem>>)
      %dma_start3A_930 = arith.constant 0 : i32
      %dma_start3A_931 = arith.constant 1 : i32
      %dma_start3A_932 = arith.constant 0 : i32
      %dma_start3A_933 = tpu.memref_slice %arg7[%dma_start3A_930, %dma_start3A_931, %dma_start3A_932] : memref<2x2x80xi32, #tpu.memory_space<vmem>> -> memref<1x1x80xi32, #tpu.memory_space<vmem>>
      %dma_start3A_934 = tpu.memref_squeeze %dma_start3A_933 : memref<1x1x80xi32, #tpu.memory_space<vmem>> -> memref<80xi32, #tpu.memory_space<vmem>>
      %dma_start3A_935 = tpu.memref_slice %arg4[%add3A_915] : memref<320000xi32, #tpu.memory_space<hbm>> -> memref<80xi32, #tpu.memory_space<hbm>>
      %dma_start3A_936 = arith.constant 0 : i32
      %dma_start3A_937 = tpu.memref_slice %arg7[%dma_start3A_930, %dma_start3A_931, %dma_start3A_936] : memref<2x2x80xi32, #tpu.memory_space<vmem>> -> memref<1x1x80xi32, #tpu.memory_space<vmem>>
      %dma_start3A_938 = tpu.memref_squeeze %dma_start3A_937 : memref<1x1x80xi32, #tpu.memory_space<vmem>> -> memref<80xi32, #tpu.memory_space<vmem>>
      %dma_start3A_939 = tpu.memref_slice %arg4[%add3A_915] : memref<320000xi32, #tpu.memory_space<hbm>> -> memref<80xi32, #tpu.memory_space<hbm>>
      tpu.enqueue_dma source(%dma_start3A_939 : memref<80xi32, #tpu.memory_space<hbm>>) target(%dma_start3A_938 : memref<80xi32, #tpu.memory_space<vmem>>) target_semaphore(%arg12 : memref<!tpu.dma_semaphore, #tpu.memory_space<semaphore_mem>>)
      %dma_start3A_940 = arith.constant 1 : i32
      %dma_start3A_941 = arith.constant 0 : i32
      %dma_start3A_942 = arith.constant 0 : i32
      %dma_start3A_943 = tpu.memref_slice %arg7[%dma_start3A_940, %dma_start3A_941, %dma_start3A_942] : memref<2x2x80xi32, #tpu.memory_space<vmem>> -> memref<1x1x80xi32, #tpu.memory_space<vmem>>
      %dma_start3A_944 = tpu.memref_squeeze %dma_start3A_943 : memref<1x1x80xi32, #tpu.memory_space<vmem>> -> memref<80xi32, #tpu.memory_space<vmem>>
      %dma_start3A_945 = tpu.memref_slice %arg3[%add3A_917] : memref<320000xi32, #tpu.memory_space<hbm>> -> memref<80xi32, #tpu.memory_space<hbm>>
      %dma_start3A_946 = arith.constant 0 : i32
      %dma_start3A_947 = tpu.memref_slice %arg7[%dma_start3A_940, %dma_start3A_941, %dma_start3A_946] : memref<2x2x80xi32, #tpu.memory_space<vmem>> -> memref<1x1x80xi32, #tpu.memory_space<vmem>>
      %dma_start3A_948 = tpu.memref_squeeze %dma_start3A_947 : memref<1x1x80xi32, #tpu.memory_space<vmem>> -> memref<80xi32, #tpu.memory_space<vmem>>
      %dma_start3A_949 = tpu.memref_slice %arg3[%add3A_917] : memref<320000xi32, #tpu.memory_space<hbm>> -> memref<80xi32, #tpu.memory_space<hbm>>
      tpu.enqueue_dma source(%dma_start3A_949 : memref<80xi32, #tpu.memory_space<hbm>>) target(%dma_start3A_948 : memref<80xi32, #tpu.memory_space<vmem>>) target_semaphore(%arg12 : memref<!tpu.dma_semaphore, #tpu.memory_space<semaphore_mem>>)
      %dma_start3A_950 = arith.constant 1 : i32
      %dma_start3A_951 = arith.constant 1 : i32
      %dma_start3A_952 = arith.constant 0 : i32
      %dma_start3A_953 = tpu.memref_slice %arg7[%dma_start3A_950, %dma_start3A_951, %dma_start3A_952] : memref<2x2x80xi32, #tpu.memory_space<vmem>> -> memref<1x1x80xi32, #tpu.memory_space<vmem>>
      %dma_start3A_954 = tpu.memref_squeeze %dma_start3A_953 : memref<1x1x80xi32, #tpu.memory_space<vmem>> -> memref<80xi32, #tpu.memory_space<vmem>>
      %dma_start3A_955 = tpu.memref_slice %arg4[%add3A_919] : memref<320000xi32, #tpu.memory_space<hbm>> -> memref<80xi32, #tpu.memory_space<hbm>>
      %dma_start3A_956 = arith.constant 0 : i32
      %dma_start3A_957 = tpu.memref_slice %arg7[%dma_start3A_950, %dma_start3A_951, %dma_start3A_956] : memref<2x2x80xi32, #tpu.memory_space<vmem>> -> memref<1x1x80xi32, #tpu.memory_space<vmem>>
      %dma_start3A_958 = tpu.memref_squeeze %dma_start3A_957 : memref<1x1x80xi32, #tpu.memory_space<vmem>> -> memref<80xi32, #tpu.memory_space<vmem>>
      %dma_start3A_959 = tpu.memref_slice %arg4[%add3A_919] : memref<320000xi32, #tpu.memory_space<hbm>> -> memref<80xi32, #tpu.memory_space<hbm>>
      tpu.enqueue_dma source(%dma_start3A_959 : memref<80xi32, #tpu.memory_space<hbm>>) target(%dma_start3A_958 : memref<80xi32, #tpu.memory_space<vmem>>) target_semaphore(%arg12 : memref<!tpu.dma_semaphore, #tpu.memory_space<semaphore_mem>>)
      %dma_start3A_960 = arith.constant 0 : i32
      %dma_start3A_961 = arith.constant 0 : i32
      %dma_start3A_962 = arith.constant 0 : i32
      %dma_start3A_963 = tpu.memref_slice %arg8[%dma_start3A_960, %dma_start3A_961, %dma_start3A_962] : memref<2x2x80xi32, #tpu.memory_space<vmem>> -> memref<1x1x80xi32, #tpu.memory_space<vmem>>
      %dma_start3A_964 = tpu.memref_squeeze %dma_start3A_963 : memref<1x1x80xi32, #tpu.memory_space<vmem>> -> memref<80xi32, #tpu.memory_space<vmem>>
      %dma_start3A_965 = arith.constant 0 : i32
      %dma_start3A_966 = arith.constant 0 : i32
      %dma_start3A_967 = tpu.memref_slice %arg2[%dma_start3A_965, %dma_start3A_966] : memref<10000x128xf32, #tpu.memory_space<hbm>> -> memref<10000x128xf32, #tpu.memory_space<hbm>>
      tpu.enqueue_indirect_dma source(%dma_start3A_967 : memref<10000x128xf32, #tpu.memory_space<hbm>>) target(%arg9 : memref<80x128xf32, #tpu.memory_space<vmem>>) offsets(%dma_start3A_964 : memref<80xi32, #tpu.memory_space<vmem>>) semaphore(%arg14 : memref<!tpu.dma_semaphore, #tpu.memory_space<semaphore_mem>>)
      %dma_start3A_968 = arith.constant 1 : i32
      %dma_start3A_969 = arith.constant 0 : i32
      %dma_start3A_970 = arith.constant 0 : i32
      %dma_start3A_971 = tpu.memref_slice %arg8[%dma_start3A_968, %dma_start3A_969, %dma_start3A_970] : memref<2x2x80xi32, #tpu.memory_space<vmem>> -> memref<1x1x80xi32, #tpu.memory_space<vmem>>
      %dma_start3A_972 = tpu.memref_squeeze %dma_start3A_971 : memref<1x1x80xi32, #tpu.memory_space<vmem>> -> memref<80xi32, #tpu.memory_space<vmem>>
      %dma_start3A_973 = arith.constant 0 : i32
      %dma_start3A_974 = arith.constant 0 : i32
      %dma_start3A_975 = tpu.memref_slice %arg2[%dma_start3A_973, %dma_start3A_974] : memref<10000x128xf32, #tpu.memory_space<hbm>> -> memref<10000x128xf32, #tpu.memory_space<hbm>>
      tpu.enqueue_indirect_dma source(%dma_start3A_975 : memref<10000x128xf32, #tpu.memory_space<hbm>>) target(%arg10 : memref<80x128xf32, #tpu.memory_space<vmem>>) offsets(%dma_start3A_972 : memref<80xi32, #tpu.memory_space<vmem>>) semaphore(%arg15 : memref<!tpu.dma_semaphore, #tpu.memory_space<semaphore_mem>>)
      %dma_wait3A_976 = arith.constant 0 : i32
      %dma_wait3A_977 = arith.constant 0 : i32
      %dma_wait3A_978 = arith.constant 0 : i32
      %dma_wait3A_979 = tpu.memref_slice %arg8[%dma_wait3A_976, %dma_wait3A_977, %dma_wait3A_978] : memref<2x2x80xi32, #tpu.memory_space<vmem>> -> memref<1x1x80xi32, #tpu.memory_space<vmem>>
      %dma_wait3A_980 = tpu.memref_squeeze %dma_wait3A_979 : memref<1x1x80xi32, #tpu.memory_space<vmem>> -> memref<80xi32, #tpu.memory_space<vmem>>
      %dma_wait3A_981 = arith.constant 0 : i32
      %dma_wait3A_982 = arith.constant 0 : i32
      %dma_wait3A_983 = tpu.memref_slice %arg2[%dma_wait3A_981, %dma_wait3A_982] : memref<10000x128xf32, #tpu.memory_space<hbm>> -> memref<10000x128xf32, #tpu.memory_space<hbm>>
      tpu.wait_indirect_dma semaphore(%arg14 : memref<!tpu.dma_semaphore, #tpu.memory_space<semaphore_mem>>) src(%dma_wait3A_983 : memref<10000x128xf32, #tpu.memory_space<hbm>>) dst(%arg9 : memref<80x128xf32, #tpu.memory_space<vmem>>)
      %dma_start3A_984 = arith.constant 0 : i32
      %dma_start3A_985 = arith.constant 1 : i32
      %dma_start3A_986 = arith.constant 0 : i32
      %dma_start3A_987 = tpu.memref_slice %arg8[%dma_start3A_984, %dma_start3A_985, %dma_start3A_986] : memref<2x2x80xi32, #tpu.memory_space<vmem>> -> memref<1x1x80xi32, #tpu.memory_space<vmem>>
      %dma_start3A_988 = tpu.memref_squeeze %dma_start3A_987 : memref<1x1x80xi32, #tpu.memory_space<vmem>> -> memref<80xi32, #tpu.memory_space<vmem>>
      %dma_start3A_989 = arith.constant 0 : i32
      %dma_start3A_990 = arith.constant 0 : i32
      %dma_start3A_991 = tpu.memref_slice %arg11[%dma_start3A_989, %dma_start3A_990] : memref<10000x128xf32, #tpu.memory_space<vmem_shared>> -> memref<10000x128xf32, #tpu.memory_space<vmem_shared>>
      tpu.enqueue_indirect_dma source(%arg9 : memref<80x128xf32, #tpu.memory_space<vmem>>) target(%dma_start3A_991 : memref<10000x128xf32, #tpu.memory_space<vmem_shared>>) offsets(%dma_start3A_988 : memref<80xi32, #tpu.memory_space<vmem>>) semaphore(%arg16 : memref<!tpu.dma_semaphore, #tpu.memory_space<semaphore_mem>>) {add = true}
      %dma_wait3A_992 = arith.constant 1 : i32
      %dma_wait3A_993 = arith.constant 0 : i32
      %dma_wait3A_994 = arith.constant 0 : i32
      %dma_wait3A_995 = tpu.memref_slice %arg8[%dma_wait3A_992, %dma_wait3A_993, %dma_wait3A_994] : memref<2x2x80xi32, #tpu.memory_space<vmem>> -> memref<1x1x80xi32, #tpu.memory_space<vmem>>
      %dma_wait3A_996 = tpu.memref_squeeze %dma_wait3A_995 : memref<1x1x80xi32, #tpu.memory_space<vmem>> -> memref<80xi32, #tpu.memory_space<vmem>>
      %dma_wait3A_997 = arith.constant 0 : i32
      %dma_wait3A_998 = arith.constant 0 : i32
      %dma_wait3A_999 = tpu.memref_slice %arg2[%dma_wait3A_997, %dma_wait3A_998] : memref<10000x128xf32, #tpu.memory_space<hbm>> -> memref<10000x128xf32, #tpu.memory_space<hbm>>
      tpu.wait_indirect_dma semaphore(%arg15 : memref<!tpu.dma_semaphore, #tpu.memory_space<semaphore_mem>>) src(%dma_wait3A_999 : memref<10000x128xf32, #tpu.memory_space<hbm>>) dst(%arg10 : memref<80x128xf32, #tpu.memory_space<vmem>>)
      %dma_start3A_1000 = arith.constant 1 : i32
      %dma_start3A_1001 = arith.constant 1 : i32
      %dma_start3A_1002 = arith.constant 0 : i32
      %dma_start3A_1003 = tpu.memref_slice %arg8[%dma_start3A_1000, %dma_start3A_1001, %dma_start3A_1002] : memref<2x2x80xi32, #tpu.memory_space<vmem>> -> memref<1x1x80xi32, #tpu.memory_space<vmem>>
      %dma_start3A_1004 = tpu.memref_squeeze %dma_start3A_1003 : memref<1x1x80xi32, #tpu.memory_space<vmem>> -> memref<80xi32, #tpu.memory_space<vmem>>
      %dma_start3A_1005 = arith.constant 0 : i32
      %dma_start3A_1006 = arith.constant 0 : i32
      %dma_start3A_1007 = tpu.memref_slice %arg11[%dma_start3A_1005, %dma_start3A_1006] : memref<10000x128xf32, #tpu.memory_space<vmem_shared>> -> memref<10000x128xf32, #tpu.memory_space<vmem_shared>>
      tpu.enqueue_indirect_dma source(%arg10 : memref<80x128xf32, #tpu.memory_space<vmem>>) target(%dma_start3A_1007 : memref<10000x128xf32, #tpu.memory_space<vmem_shared>>) offsets(%dma_start3A_1004 : memref<80xi32, #tpu.memory_space<vmem>>) semaphore(%arg17 : memref<!tpu.dma_semaphore, #tpu.memory_space<semaphore_mem>>) {add = true}
      %add3A_1008 = arith.constant 1 : i32
      %add3A_1009 = arith.addi %add3A_843, %add3A_1008 : i32
      %mul3A_1010 = arith.constant 2 : i32
      %mul3A_1011 = arith.muli %mul3A_1010, %add3A_1009 : i32
      %mul3A_1012 = arith.constant 80 : i32
      %mul3A_1013 = arith.muli %mul3A_1011, %mul3A_1012 : i32
      %add3A_1014 = arith.addi %mul3A_2, %mul3A_1013 : i32
      %add3A_1015 = arith.constant 80 : i32
      %add3A_1016 = arith.addi %add3A_1014, %add3A_1015 : i32
      %add3A_1017 = arith.constant 80 : i32
      %add3A_1018 = arith.addi %add3A_1014, %add3A_1017 : i32
      %dma_wait3A_1019 = arith.constant 0 : i32
      %dma_wait3A_1020 = arith.constant 0 : i32
      %dma_wait3A_1021 = arith.constant 0 : i32
      %dma_wait3A_1022 = tpu.memref_slice %arg7[%dma_wait3A_1019, %dma_wait3A_1020, %dma_wait3A_1021] : memref<2x2x80xi32, #tpu.memory_space<vmem>> -> memref<1x1x80xi32, #tpu.memory_space<vmem>>
      %dma_wait3A_1023 = tpu.memref_squeeze %dma_wait3A_1022 : memref<1x1x80xi32, #tpu.memory_space<vmem>> -> memref<80xi32, #tpu.memory_space<vmem>>
      %dma_wait3A_1024 = tpu.memref_slice %arg3[%add3A_1014] : memref<320000xi32, #tpu.memory_space<hbm>> -> memref<80xi32, #tpu.memory_space<hbm>>
      %dma_wait3A_1025 = arith.constant 0 : i32
      %dma_wait3A_1026 = tpu.memref_slice %arg7[%dma_wait3A_1019, %dma_wait3A_1020, %dma_wait3A_1025] : memref<2x2x80xi32, #tpu.memory_space<vmem>> -> memref<1x1x80xi32, #tpu.memory_space<vmem>>
      %dma_wait3A_1027 = tpu.memref_squeeze %dma_wait3A_1026 : memref<1x1x80xi32, #tpu.memory_space<vmem>> -> memref<80xi32, #tpu.memory_space<vmem>>
      %dma_wait3A_1028 = tpu.memref_slice %arg3[%add3A_1014] : memref<320000xi32, #tpu.memory_space<hbm>> -> memref<80xi32, #tpu.memory_space<hbm>>
      tpu.wait_dma2 semaphore(%arg12 : memref<!tpu.dma_semaphore, #tpu.memory_space<semaphore_mem>>) src(%dma_wait3A_1028 : memref<80xi32, #tpu.memory_space<hbm>>) dst(%dma_wait3A_1027 : memref<80xi32, #tpu.memory_space<vmem>>)
      %dma_wait3A_1029 = arith.constant 0 : i32
      %dma_wait3A_1030 = arith.constant 1 : i32
      %dma_wait3A_1031 = arith.constant 0 : i32
      %dma_wait3A_1032 = tpu.memref_slice %arg7[%dma_wait3A_1029, %dma_wait3A_1030, %dma_wait3A_1031] : memref<2x2x80xi32, #tpu.memory_space<vmem>> -> memref<1x1x80xi32, #tpu.memory_space<vmem>>
      %dma_wait3A_1033 = tpu.memref_squeeze %dma_wait3A_1032 : memref<1x1x80xi32, #tpu.memory_space<vmem>> -> memref<80xi32, #tpu.memory_space<vmem>>
      %dma_wait3A_1034 = tpu.memref_slice %arg4[%add3A_1014] : memref<320000xi32, #tpu.memory_space<hbm>> -> memref<80xi32, #tpu.memory_space<hbm>>
      %dma_wait3A_1035 = arith.constant 0 : i32
      %dma_wait3A_1036 = tpu.memref_slice %arg7[%dma_wait3A_1029, %dma_wait3A_1030, %dma_wait3A_1035] : memref<2x2x80xi32, #tpu.memory_space<vmem>> -> memref<1x1x80xi32, #tpu.memory_space<vmem>>
      %dma_wait3A_1037 = tpu.memref_squeeze %dma_wait3A_1036 : memref<1x1x80xi32, #tpu.memory_space<vmem>> -> memref<80xi32, #tpu.memory_space<vmem>>
      %dma_wait3A_1038 = tpu.memref_slice %arg4[%add3A_1014] : memref<320000xi32, #tpu.memory_space<hbm>> -> memref<80xi32, #tpu.memory_space<hbm>>
      tpu.wait_dma2 semaphore(%arg12 : memref<!tpu.dma_semaphore, #tpu.memory_space<semaphore_mem>>) src(%dma_wait3A_1038 : memref<80xi32, #tpu.memory_space<hbm>>) dst(%dma_wait3A_1037 : memref<80xi32, #tpu.memory_space<vmem>>)
      %dma_wait3A_1039 = arith.constant 1 : i32
      %dma_wait3A_1040 = arith.constant 0 : i32
      %dma_wait3A_1041 = arith.constant 0 : i32
      %dma_wait3A_1042 = tpu.memref_slice %arg7[%dma_wait3A_1039, %dma_wait3A_1040, %dma_wait3A_1041] : memref<2x2x80xi32, #tpu.memory_space<vmem>> -> memref<1x1x80xi32, #tpu.memory_space<vmem>>
      %dma_wait3A_1043 = tpu.memref_squeeze %dma_wait3A_1042 : memref<1x1x80xi32, #tpu.memory_space<vmem>> -> memref<80xi32, #tpu.memory_space<vmem>>
      %dma_wait3A_1044 = tpu.memref_slice %arg3[%add3A_1016] : memref<320000xi32, #tpu.memory_space<hbm>> -> memref<80xi32, #tpu.memory_space<hbm>>
      %dma_wait3A_1045 = arith.constant 0 : i32
      %dma_wait3A_1046 = tpu.memref_slice %arg7[%dma_wait3A_1039, %dma_wait3A_1040, %dma_wait3A_1045] : memref<2x2x80xi32, #tpu.memory_space<vmem>> -> memref<1x1x80xi32, #tpu.memory_space<vmem>>
      %dma_wait3A_1047 = tpu.memref_squeeze %dma_wait3A_1046 : memref<1x1x80xi32, #tpu.memory_space<vmem>> -> memref<80xi32, #tpu.memory_space<vmem>>
      %dma_wait3A_1048 = tpu.memref_slice %arg3[%add3A_1016] : memref<320000xi32, #tpu.memory_space<hbm>> -> memref<80xi32, #tpu.memory_space<hbm>>
      tpu.wait_dma2 semaphore(%arg12 : memref<!tpu.dma_semaphore, #tpu.memory_space<semaphore_mem>>) src(%dma_wait3A_1048 : memref<80xi32, #tpu.memory_space<hbm>>) dst(%dma_wait3A_1047 : memref<80xi32, #tpu.memory_space<vmem>>)
      %dma_wait3A_1049 = arith.constant 1 : i32
      %dma_wait3A_1050 = arith.constant 1 : i32
      %dma_wait3A_1051 = arith.constant 0 : i32
      %dma_wait3A_1052 = tpu.memref_slice %arg7[%dma_wait3A_1049, %dma_wait3A_1050, %dma_wait3A_1051] : memref<2x2x80xi32, #tpu.memory_space<vmem>> -> memref<1x1x80xi32, #tpu.memory_space<vmem>>
      %dma_wait3A_1053 = tpu.memref_squeeze %dma_wait3A_1052 : memref<1x1x80xi32, #tpu.memory_space<vmem>> -> memref<80xi32, #tpu.memory_space<vmem>>
      %dma_wait3A_1054 = tpu.memref_slice %arg4[%add3A_1018] : memref<320000xi32, #tpu.memory_space<hbm>> -> memref<80xi32, #tpu.memory_space<hbm>>
      %dma_wait3A_1055 = arith.constant 0 : i32
      %dma_wait3A_1056 = tpu.memref_slice %arg7[%dma_wait3A_1049, %dma_wait3A_1050, %dma_wait3A_1055] : memref<2x2x80xi32, #tpu.memory_space<vmem>> -> memref<1x1x80xi32, #tpu.memory_space<vmem>>
      %dma_wait3A_1057 = tpu.memref_squeeze %dma_wait3A_1056 : memref<1x1x80xi32, #tpu.memory_space<vmem>> -> memref<80xi32, #tpu.memory_space<vmem>>
      %dma_wait3A_1058 = tpu.memref_slice %arg4[%add3A_1018] : memref<320000xi32, #tpu.memory_space<hbm>> -> memref<80xi32, #tpu.memory_space<hbm>>
      tpu.wait_dma2 semaphore(%arg12 : memref<!tpu.dma_semaphore, #tpu.memory_space<semaphore_mem>>) src(%dma_wait3A_1058 : memref<80xi32, #tpu.memory_space<hbm>>) dst(%dma_wait3A_1057 : memref<80xi32, #tpu.memory_space<vmem>>)
      %dma_wait3A_1059 = arith.constant 0 : i32
      %dma_wait3A_1060 = arith.constant 1 : i32
      %dma_wait3A_1061 = arith.constant 0 : i32
      %dma_wait3A_1062 = tpu.memref_slice %arg7[%dma_wait3A_1059, %dma_wait3A_1060, %dma_wait3A_1061] : memref<2x2x80xi32, #tpu.memory_space<vmem>> -> memref<1x1x80xi32, #tpu.memory_space<vmem>>
      %dma_wait3A_1063 = tpu.memref_squeeze %dma_wait3A_1062 : memref<1x1x80xi32, #tpu.memory_space<vmem>> -> memref<80xi32, #tpu.memory_space<vmem>>
      %dma_wait3A_1064 = arith.constant 0 : i32
      %dma_wait3A_1065 = arith.constant 0 : i32
      %dma_wait3A_1066 = tpu.memref_slice %arg11[%dma_wait3A_1064, %dma_wait3A_1065] : memref<10000x128xf32, #tpu.memory_space<vmem_shared>> -> memref<10000x128xf32, #tpu.memory_space<vmem_shared>>
      tpu.wait_indirect_dma semaphore(%arg16 : memref<!tpu.dma_semaphore, #tpu.memory_space<semaphore_mem>>) src(%arg9 : memref<80x128xf32, #tpu.memory_space<vmem>>) dst(%dma_wait3A_1066 : memref<10000x128xf32, #tpu.memory_space<vmem_shared>>)
      %dma_wait3A_1067 = arith.constant 1 : i32
      %dma_wait3A_1068 = arith.constant 1 : i32
      %dma_wait3A_1069 = arith.constant 0 : i32
      %dma_wait3A_1070 = tpu.memref_slice %arg7[%dma_wait3A_1067, %dma_wait3A_1068, %dma_wait3A_1069] : memref<2x2x80xi32, #tpu.memory_space<vmem>> -> memref<1x1x80xi32, #tpu.memory_space<vmem>>
      %dma_wait3A_1071 = tpu.memref_squeeze %dma_wait3A_1070 : memref<1x1x80xi32, #tpu.memory_space<vmem>> -> memref<80xi32, #tpu.memory_space<vmem>>
      %dma_wait3A_1072 = arith.constant 0 : i32
      %dma_wait3A_1073 = arith.constant 0 : i32
      %dma_wait3A_1074 = tpu.memref_slice %arg11[%dma_wait3A_1072, %dma_wait3A_1073] : memref<10000x128xf32, #tpu.memory_space<vmem_shared>> -> memref<10000x128xf32, #tpu.memory_space<vmem_shared>>
      tpu.wait_indirect_dma semaphore(%arg17 : memref<!tpu.dma_semaphore, #tpu.memory_space<semaphore_mem>>) src(%arg10 : memref<80x128xf32, #tpu.memory_space<vmem>>) dst(%dma_wait3A_1074 : memref<10000x128xf32, #tpu.memory_space<vmem_shared>>)
      %add3A_1075 = arith.constant 2 : i32
      %add3A_1076 = arith.addi %add3A_843, %add3A_1075 : i32
      %mul3A_1077 = arith.constant 2 : i32
      %mul3A_1078 = arith.muli %mul3A_1077, %add3A_1076 : i32
      %mul3A_1079 = arith.constant 80 : i32
      %mul3A_1080 = arith.muli %mul3A_1078, %mul3A_1079 : i32
      %add3A_1081 = arith.addi %mul3A_2, %mul3A_1080 : i32
      %add3A_1082 = arith.constant 80 : i32
      %add3A_1083 = arith.addi %add3A_1081, %add3A_1082 : i32
      %add3A_1084 = arith.constant 80 : i32
      %add3A_1085 = arith.addi %add3A_1081, %add3A_1084 : i32
      %dma_start3A_1086 = arith.constant 0 : i32
      %dma_start3A_1087 = arith.constant 0 : i32
      %dma_start3A_1088 = arith.constant 0 : i32
      %dma_start3A_1089 = tpu.memref_slice %arg8[%dma_start3A_1086, %dma_start3A_1087, %dma_start3A_1088] : memref<2x2x80xi32, #tpu.memory_space<vmem>> -> memref<1x1x80xi32, #tpu.memory_space<vmem>>
      %dma_start3A_1090 = tpu.memref_squeeze %dma_start3A_1089 : memref<1x1x80xi32, #tpu.memory_space<vmem>> -> memref<80xi32, #tpu.memory_space<vmem>>
      %dma_start3A_1091 = tpu.memref_slice %arg3[%add3A_1081] : memref<320000xi32, #tpu.memory_space<hbm>> -> memref<80xi32, #tpu.memory_space<hbm>>
      %dma_start3A_1092 = arith.constant 0 : i32
      %dma_start3A_1093 = tpu.memref_slice %arg8[%dma_start3A_1086, %dma_start3A_1087, %dma_start3A_1092] : memref<2x2x80xi32, #tpu.memory_space<vmem>> -> memref<1x1x80xi32, #tpu.memory_space<vmem>>
      %dma_start3A_1094 = tpu.memref_squeeze %dma_start3A_1093 : memref<1x1x80xi32, #tpu.memory_space<vmem>> -> memref<80xi32, #tpu.memory_space<vmem>>
      %dma_start3A_1095 = tpu.memref_slice %arg3[%add3A_1081] : memref<320000xi32, #tpu.memory_space<hbm>> -> memref<80xi32, #tpu.memory_space<hbm>>
      tpu.enqueue_dma source(%dma_start3A_1095 : memref<80xi32, #tpu.memory_space<hbm>>) target(%dma_start3A_1094 : memref<80xi32, #tpu.memory_space<vmem>>) target_semaphore(%arg13 : memref<!tpu.dma_semaphore, #tpu.memory_space<semaphore_mem>>)
      %dma_start3A_1096 = arith.constant 0 : i32
      %dma_start3A_1097 = arith.constant 1 : i32
      %dma_start3A_1098 = arith.constant 0 : i32
      %dma_start3A_1099 = tpu.memref_slice %arg8[%dma_start3A_1096, %dma_start3A_1097, %dma_start3A_1098] : memref<2x2x80xi32, #tpu.memory_space<vmem>> -> memref<1x1x80xi32, #tpu.memory_space<vmem>>
      %dma_start3A_1100 = tpu.memref_squeeze %dma_start3A_1099 : memref<1x1x80xi32, #tpu.memory_space<vmem>> -> memref<80xi32, #tpu.memory_space<vmem>>
      %dma_start3A_1101 = tpu.memref_slice %arg4[%add3A_1081] : memref<320000xi32, #tpu.memory_space<hbm>> -> memref<80xi32, #tpu.memory_space<hbm>>
      %dma_start3A_1102 = arith.constant 0 : i32
      %dma_start3A_1103 = tpu.memref_slice %arg8[%dma_start3A_1096, %dma_start3A_1097, %dma_start3A_1102] : memref<2x2x80xi32, #tpu.memory_space<vmem>> -> memref<1x1x80xi32, #tpu.memory_space<vmem>>
      %dma_start3A_1104 = tpu.memref_squeeze %dma_start3A_1103 : memref<1x1x80xi32, #tpu.memory_space<vmem>> -> memref<80xi32, #tpu.memory_space<vmem>>
      %dma_start3A_1105 = tpu.memref_slice %arg4[%add3A_1081] : memref<320000xi32, #tpu.memory_space<hbm>> -> memref<80xi32, #tpu.memory_space<hbm>>
      tpu.enqueue_dma source(%dma_start3A_1105 : memref<80xi32, #tpu.memory_space<hbm>>) target(%dma_start3A_1104 : memref<80xi32, #tpu.memory_space<vmem>>) target_semaphore(%arg13 : memref<!tpu.dma_semaphore, #tpu.memory_space<semaphore_mem>>)
      %dma_start3A_1106 = arith.constant 1 : i32
      %dma_start3A_1107 = arith.constant 0 : i32
      %dma_start3A_1108 = arith.constant 0 : i32
      %dma_start3A_1109 = tpu.memref_slice %arg8[%dma_start3A_1106, %dma_start3A_1107, %dma_start3A_1108] : memref<2x2x80xi32, #tpu.memory_space<vmem>> -> memref<1x1x80xi32, #tpu.memory_space<vmem>>
      %dma_start3A_1110 = tpu.memref_squeeze %dma_start3A_1109 : memref<1x1x80xi32, #tpu.memory_space<vmem>> -> memref<80xi32, #tpu.memory_space<vmem>>
      %dma_start3A_1111 = tpu.memref_slice %arg3[%add3A_1083] : memref<320000xi32, #tpu.memory_space<hbm>> -> memref<80xi32, #tpu.memory_space<hbm>>
      %dma_start3A_1112 = arith.constant 0 : i32
      %dma_start3A_1113 = tpu.memref_slice %arg8[%dma_start3A_1106, %dma_start3A_1107, %dma_start3A_1112] : memref<2x2x80xi32, #tpu.memory_space<vmem>> -> memref<1x1x80xi32, #tpu.memory_space<vmem>>
      %dma_start3A_1114 = tpu.memref_squeeze %dma_start3A_1113 : memref<1x1x80xi32, #tpu.memory_space<vmem>> -> memref<80xi32, #tpu.memory_space<vmem>>
      %dma_start3A_1115 = tpu.memref_slice %arg3[%add3A_1083] : memref<320000xi32, #tpu.memory_space<hbm>> -> memref<80xi32, #tpu.memory_space<hbm>>
      tpu.enqueue_dma source(%dma_start3A_1115 : memref<80xi32, #tpu.memory_space<hbm>>) target(%dma_start3A_1114 : memref<80xi32, #tpu.memory_space<vmem>>) target_semaphore(%arg13 : memref<!tpu.dma_semaphore, #tpu.memory_space<semaphore_mem>>)
      %dma_start3A_1116 = arith.constant 1 : i32
      %dma_start3A_1117 = arith.constant 1 : i32
      %dma_start3A_1118 = arith.constant 0 : i32
      %dma_start3A_1119 = tpu.memref_slice %arg8[%dma_start3A_1116, %dma_start3A_1117, %dma_start3A_1118] : memref<2x2x80xi32, #tpu.memory_space<vmem>> -> memref<1x1x80xi32, #tpu.memory_space<vmem>>
      %dma_start3A_1120 = tpu.memref_squeeze %dma_start3A_1119 : memref<1x1x80xi32, #tpu.memory_space<vmem>> -> memref<80xi32, #tpu.memory_space<vmem>>
      %dma_start3A_1121 = tpu.memref_slice %arg4[%add3A_1085] : memref<320000xi32, #tpu.memory_space<hbm>> -> memref<80xi32, #tpu.memory_space<hbm>>
      %dma_start3A_1122 = arith.constant 0 : i32
      %dma_start3A_1123 = tpu.memref_slice %arg8[%dma_start3A_1116, %dma_start3A_1117, %dma_start3A_1122] : memref<2x2x80xi32, #tpu.memory_space<vmem>> -> memref<1x1x80xi32, #tpu.memory_space<vmem>>
      %dma_start3A_1124 = tpu.memref_squeeze %dma_start3A_1123 : memref<1x1x80xi32, #tpu.memory_space<vmem>> -> memref<80xi32, #tpu.memory_space<vmem>>
      %dma_start3A_1125 = tpu.memref_slice %arg4[%add3A_1085] : memref<320000xi32, #tpu.memory_space<hbm>> -> memref<80xi32, #tpu.memory_space<hbm>>
      tpu.enqueue_dma source(%dma_start3A_1125 : memref<80xi32, #tpu.memory_space<hbm>>) target(%dma_start3A_1124 : memref<80xi32, #tpu.memory_space<vmem>>) target_semaphore(%arg13 : memref<!tpu.dma_semaphore, #tpu.memory_space<semaphore_mem>>)
      %dma_start3A_1126 = arith.constant 0 : i32
      %dma_start3A_1127 = arith.constant 0 : i32
      %dma_start3A_1128 = arith.constant 0 : i32
      %dma_start3A_1129 = tpu.memref_slice %arg7[%dma_start3A_1126, %dma_start3A_1127, %dma_start3A_1128] : memref<2x2x80xi32, #tpu.memory_space<vmem>> -> memref<1x1x80xi32, #tpu.memory_space<vmem>>
      %dma_start3A_1130 = tpu.memref_squeeze %dma_start3A_1129 : memref<1x1x80xi32, #tpu.memory_space<vmem>> -> memref<80xi32, #tpu.memory_space<vmem>>
      %dma_start3A_1131 = arith.constant 0 : i32
      %dma_start3A_1132 = arith.constant 0 : i32
      %dma_start3A_1133 = tpu.memref_slice %arg2[%dma_start3A_1131, %dma_start3A_1132] : memref<10000x128xf32, #tpu.memory_space<hbm>> -> memref<10000x128xf32, #tpu.memory_space<hbm>>
      tpu.enqueue_indirect_dma source(%dma_start3A_1133 : memref<10000x128xf32, #tpu.memory_space<hbm>>) target(%arg9 : memref<80x128xf32, #tpu.memory_space<vmem>>) offsets(%dma_start3A_1130 : memref<80xi32, #tpu.memory_space<vmem>>) semaphore(%arg14 : memref<!tpu.dma_semaphore, #tpu.memory_space<semaphore_mem>>)
      %dma_start3A_1134 = arith.constant 1 : i32
      %dma_start3A_1135 = arith.constant 0 : i32
      %dma_start3A_1136 = arith.constant 0 : i32
      %dma_start3A_1137 = tpu.memref_slice %arg7[%dma_start3A_1134, %dma_start3A_1135, %dma_start3A_1136] : memref<2x2x80xi32, #tpu.memory_space<vmem>> -> memref<1x1x80xi32, #tpu.memory_space<vmem>>
      %dma_start3A_1138 = tpu.memref_squeeze %dma_start3A_1137 : memref<1x1x80xi32, #tpu.memory_space<vmem>> -> memref<80xi32, #tpu.memory_space<vmem>>
      %dma_start3A_1139 = arith.constant 0 : i32
      %dma_start3A_1140 = arith.constant 0 : i32
      %dma_start3A_1141 = tpu.memref_slice %arg2[%dma_start3A_1139, %dma_start3A_1140] : memref<10000x128xf32, #tpu.memory_space<hbm>> -> memref<10000x128xf32, #tpu.memory_space<hbm>>
      tpu.enqueue_indirect_dma source(%dma_start3A_1141 : memref<10000x128xf32, #tpu.memory_space<hbm>>) target(%arg10 : memref<80x128xf32, #tpu.memory_space<vmem>>) offsets(%dma_start3A_1138 : memref<80xi32, #tpu.memory_space<vmem>>) semaphore(%arg15 : memref<!tpu.dma_semaphore, #tpu.memory_space<semaphore_mem>>)
      %dma_wait3A_1142 = arith.constant 0 : i32
      %dma_wait3A_1143 = arith.constant 0 : i32
      %dma_wait3A_1144 = arith.constant 0 : i32
      %dma_wait3A_1145 = tpu.memref_slice %arg7[%dma_wait3A_1142, %dma_wait3A_1143, %dma_wait3A_1144] : memref<2x2x80xi32, #tpu.memory_space<vmem>> -> memref<1x1x80xi32, #tpu.memory_space<vmem>>
      %dma_wait3A_1146 = tpu.memref_squeeze %dma_wait3A_1145 : memref<1x1x80xi32, #tpu.memory_space<vmem>> -> memref<80xi32, #tpu.memory_space<vmem>>
      %dma_wait3A_1147 = arith.constant 0 : i32
      %dma_wait3A_1148 = arith.constant 0 : i32
      %dma_wait3A_1149 = tpu.memref_slice %arg2[%dma_wait3A_1147, %dma_wait3A_1148] : memref<10000x128xf32, #tpu.memory_space<hbm>> -> memref<10000x128xf32, #tpu.memory_space<hbm>>
      tpu.wait_indirect_dma semaphore(%arg14 : memref<!tpu.dma_semaphore, #tpu.memory_space<semaphore_mem>>) src(%dma_wait3A_1149 : memref<10000x128xf32, #tpu.memory_space<hbm>>) dst(%arg9 : memref<80x128xf32, #tpu.memory_space<vmem>>)
      %dma_start3A_1150 = arith.constant 0 : i32
      %dma_start3A_1151 = arith.constant 1 : i32
      %dma_start3A_1152 = arith.constant 0 : i32
      %dma_start3A_1153 = tpu.memref_slice %arg7[%dma_start3A_1150, %dma_start3A_1151, %dma_start3A_1152] : memref<2x2x80xi32, #tpu.memory_space<vmem>> -> memref<1x1x80xi32, #tpu.memory_space<vmem>>
      %dma_start3A_1154 = tpu.memref_squeeze %dma_start3A_1153 : memref<1x1x80xi32, #tpu.memory_space<vmem>> -> memref<80xi32, #tpu.memory_space<vmem>>
      %dma_start3A_1155 = arith.constant 0 : i32
      %dma_start3A_1156 = arith.constant 0 : i32
      %dma_start3A_1157 = tpu.memref_slice %arg11[%dma_start3A_1155, %dma_start3A_1156] : memref<10000x128xf32, #tpu.memory_space<vmem_shared>> -> memref<10000x128xf32, #tpu.memory_space<vmem_shared>>
      tpu.enqueue_indirect_dma source(%arg9 : memref<80x128xf32, #tpu.memory_space<vmem>>) target(%dma_start3A_1157 : memref<10000x128xf32, #tpu.memory_space<vmem_shared>>) offsets(%dma_start3A_1154 : memref<80xi32, #tpu.memory_space<vmem>>) semaphore(%arg16 : memref<!tpu.dma_semaphore, #tpu.memory_space<semaphore_mem>>) {add = true}
      %dma_wait3A_1158 = arith.constant 1 : i32
      %dma_wait3A_1159 = arith.constant 0 : i32
      %dma_wait3A_1160 = arith.constant 0 : i32
      %dma_wait3A_1161 = tpu.memref_slice %arg7[%dma_wait3A_1158, %dma_wait3A_1159, %dma_wait3A_1160] : memref<2x2x80xi32, #tpu.memory_space<vmem>> -> memref<1x1x80xi32, #tpu.memory_space<vmem>>
      %dma_wait3A_1162 = tpu.memref_squeeze %dma_wait3A_1161 : memref<1x1x80xi32, #tpu.memory_space<vmem>> -> memref<80xi32, #tpu.memory_space<vmem>>
      %dma_wait3A_1163 = arith.constant 0 : i32
      %dma_wait3A_1164 = arith.constant 0 : i32
      %dma_wait3A_1165 = tpu.memref_slice %arg2[%dma_wait3A_1163, %dma_wait3A_1164] : memref<10000x128xf32, #tpu.memory_space<hbm>> -> memref<10000x128xf32, #tpu.memory_space<hbm>>
      tpu.wait_indirect_dma semaphore(%arg15 : memref<!tpu.dma_semaphore, #tpu.memory_space<semaphore_mem>>) src(%dma_wait3A_1165 : memref<10000x128xf32, #tpu.memory_space<hbm>>) dst(%arg10 : memref<80x128xf32, #tpu.memory_space<vmem>>)
      %dma_start3A_1166 = arith.constant 1 : i32
      %dma_start3A_1167 = arith.constant 1 : i32
      %dma_start3A_1168 = arith.constant 0 : i32
      %dma_start3A_1169 = tpu.memref_slice %arg7[%dma_start3A_1166, %dma_start3A_1167, %dma_start3A_1168] : memref<2x2x80xi32, #tpu.memory_space<vmem>> -> memref<1x1x80xi32, #tpu.memory_space<vmem>>
      %dma_start3A_1170 = tpu.memref_squeeze %dma_start3A_1169 : memref<1x1x80xi32, #tpu.memory_space<vmem>> -> memref<80xi32, #tpu.memory_space<vmem>>
      %dma_start3A_1171 = arith.constant 0 : i32
      %dma_start3A_1172 = arith.constant 0 : i32
      %dma_start3A_1173 = tpu.memref_slice %arg11[%dma_start3A_1171, %dma_start3A_1172] : memref<10000x128xf32, #tpu.memory_space<vmem_shared>> -> memref<10000x128xf32, #tpu.memory_space<vmem_shared>>
      tpu.enqueue_indirect_dma source(%arg10 : memref<80x128xf32, #tpu.memory_space<vmem>>) target(%dma_start3A_1173 : memref<10000x128xf32, #tpu.memory_space<vmem_shared>>) offsets(%dma_start3A_1170 : memref<80xi32, #tpu.memory_space<vmem>>) semaphore(%arg17 : memref<!tpu.dma_semaphore, #tpu.memory_space<semaphore_mem>>) {add = true}
    }
    %scan3A_344 = arith.constant 30 : i32
    %add3A_345 = arith.constant 9920 : i32
    %add3A_346 = arith.addi %mul3A_2, %add3A_345 : i32
    %add3A_347 = arith.constant 9760 : i32
    %add3A_348 = arith.addi %mul3A_2, %add3A_347 : i32
    %add3A_349 = arith.constant 80 : i32
    %add3A_350 = arith.addi %add3A_348, %add3A_349 : i32
    %add3A_351 = arith.constant 80 : i32
    %add3A_352 = arith.addi %add3A_348, %add3A_351 : i32
    %dma_wait3A_353 = arith.constant 0 : i32
    %dma_wait3A_354 = arith.constant 0 : i32
    %dma_wait3A_355 = arith.constant 0 : i32
    %dma_wait3A_356 = tpu.memref_slice %arg8[%dma_wait3A_353, %dma_wait3A_354, %dma_wait3A_355] : memref<2x2x80xi32, #tpu.memory_space<vmem>> -> memref<1x1x80xi32, #tpu.memory_space<vmem>>
    %dma_wait3A_357 = tpu.memref_squeeze %dma_wait3A_356 : memref<1x1x80xi32, #tpu.memory_space<vmem>> -> memref<80xi32, #tpu.memory_space<vmem>>
    %dma_wait3A_358 = tpu.memref_slice %arg3[%add3A_348] : memref<320000xi32, #tpu.memory_space<hbm>> -> memref<80xi32, #tpu.memory_space<hbm>>
    %dma_wait3A_359 = arith.constant 0 : i32
    %dma_wait3A_360 = tpu.memref_slice %arg8[%dma_wait3A_353, %dma_wait3A_354, %dma_wait3A_359] : memref<2x2x80xi32, #tpu.memory_space<vmem>> -> memref<1x1x80xi32, #tpu.memory_space<vmem>>
    %dma_wait3A_361 = tpu.memref_squeeze %dma_wait3A_360 : memref<1x1x80xi32, #tpu.memory_space<vmem>> -> memref<80xi32, #tpu.memory_space<vmem>>
    %dma_wait3A_362 = tpu.memref_slice %arg3[%add3A_348] : memref<320000xi32, #tpu.memory_space<hbm>> -> memref<80xi32, #tpu.memory_space<hbm>>
    tpu.wait_dma2 semaphore(%arg13 : memref<!tpu.dma_semaphore, #tpu.memory_space<semaphore_mem>>) src(%dma_wait3A_362 : memref<80xi32, #tpu.memory_space<hbm>>) dst(%dma_wait3A_361 : memref<80xi32, #tpu.memory_space<vmem>>)
    %dma_wait3A_363 = arith.constant 0 : i32
    %dma_wait3A_364 = arith.constant 1 : i32
    %dma_wait3A_365 = arith.constant 0 : i32
    %dma_wait3A_366 = tpu.memref_slice %arg8[%dma_wait3A_363, %dma_wait3A_364, %dma_wait3A_365] : memref<2x2x80xi32, #tpu.memory_space<vmem>> -> memref<1x1x80xi32, #tpu.memory_space<vmem>>
    %dma_wait3A_367 = tpu.memref_squeeze %dma_wait3A_366 : memref<1x1x80xi32, #tpu.memory_space<vmem>> -> memref<80xi32, #tpu.memory_space<vmem>>
    %dma_wait3A_368 = tpu.memref_slice %arg4[%add3A_348] : memref<320000xi32, #tpu.memory_space<hbm>> -> memref<80xi32, #tpu.memory_space<hbm>>
    %dma_wait3A_369 = arith.constant 0 : i32
    %dma_wait3A_370 = tpu.memref_slice %arg8[%dma_wait3A_363, %dma_wait3A_364, %dma_wait3A_369] : memref<2x2x80xi32, #tpu.memory_space<vmem>> -> memref<1x1x80xi32, #tpu.memory_space<vmem>>
    %dma_wait3A_371 = tpu.memref_squeeze %dma_wait3A_370 : memref<1x1x80xi32, #tpu.memory_space<vmem>> -> memref<80xi32, #tpu.memory_space<vmem>>
    %dma_wait3A_372 = tpu.memref_slice %arg4[%add3A_348] : memref<320000xi32, #tpu.memory_space<hbm>> -> memref<80xi32, #tpu.memory_space<hbm>>
    tpu.wait_dma2 semaphore(%arg13 : memref<!tpu.dma_semaphore, #tpu.memory_space<semaphore_mem>>) src(%dma_wait3A_372 : memref<80xi32, #tpu.memory_space<hbm>>) dst(%dma_wait3A_371 : memref<80xi32, #tpu.memory_space<vmem>>)
    %dma_wait3A_373 = arith.constant 1 : i32
    %dma_wait3A_374 = arith.constant 0 : i32
    %dma_wait3A_375 = arith.constant 0 : i32
    %dma_wait3A_376 = tpu.memref_slice %arg8[%dma_wait3A_373, %dma_wait3A_374, %dma_wait3A_375] : memref<2x2x80xi32, #tpu.memory_space<vmem>> -> memref<1x1x80xi32, #tpu.memory_space<vmem>>
    %dma_wait3A_377 = tpu.memref_squeeze %dma_wait3A_376 : memref<1x1x80xi32, #tpu.memory_space<vmem>> -> memref<80xi32, #tpu.memory_space<vmem>>
    %dma_wait3A_378 = tpu.memref_slice %arg3[%add3A_350] : memref<320000xi32, #tpu.memory_space<hbm>> -> memref<80xi32, #tpu.memory_space<hbm>>
    %dma_wait3A_379 = arith.constant 0 : i32
    %dma_wait3A_380 = tpu.memref_slice %arg8[%dma_wait3A_373, %dma_wait3A_374, %dma_wait3A_379] : memref<2x2x80xi32, #tpu.memory_space<vmem>> -> memref<1x1x80xi32, #tpu.memory_space<vmem>>
    %dma_wait3A_381 = tpu.memref_squeeze %dma_wait3A_380 : memref<1x1x80xi32, #tpu.memory_space<vmem>> -> memref<80xi32, #tpu.memory_space<vmem>>
    %dma_wait3A_382 = tpu.memref_slice %arg3[%add3A_350] : memref<320000xi32, #tpu.memory_space<hbm>> -> memref<80xi32, #tpu.memory_space<hbm>>
    tpu.wait_dma2 semaphore(%arg13 : memref<!tpu.dma_semaphore, #tpu.memory_space<semaphore_mem>>) src(%dma_wait3A_382 : memref<80xi32, #tpu.memory_space<hbm>>) dst(%dma_wait3A_381 : memref<80xi32, #tpu.memory_space<vmem>>)
    %dma_wait3A_383 = arith.constant 1 : i32
    %dma_wait3A_384 = arith.constant 1 : i32
    %dma_wait3A_385 = arith.constant 0 : i32
    %dma_wait3A_386 = tpu.memref_slice %arg8[%dma_wait3A_383, %dma_wait3A_384, %dma_wait3A_385] : memref<2x2x80xi32, #tpu.memory_space<vmem>> -> memref<1x1x80xi32, #tpu.memory_space<vmem>>
    %dma_wait3A_387 = tpu.memref_squeeze %dma_wait3A_386 : memref<1x1x80xi32, #tpu.memory_space<vmem>> -> memref<80xi32, #tpu.memory_space<vmem>>
    %dma_wait3A_388 = tpu.memref_slice %arg4[%add3A_352] : memref<320000xi32, #tpu.memory_space<hbm>> -> memref<80xi32, #tpu.memory_space<hbm>>
    %dma_wait3A_389 = arith.constant 0 : i32
    %dma_wait3A_390 = tpu.memref_slice %arg8[%dma_wait3A_383, %dma_wait3A_384, %dma_wait3A_389] : memref<2x2x80xi32, #tpu.memory_space<vmem>> -> memref<1x1x80xi32, #tpu.memory_space<vmem>>
    %dma_wait3A_391 = tpu.memref_squeeze %dma_wait3A_390 : memref<1x1x80xi32, #tpu.memory_space<vmem>> -> memref<80xi32, #tpu.memory_space<vmem>>
    %dma_wait3A_392 = tpu.memref_slice %arg4[%add3A_352] : memref<320000xi32, #tpu.memory_space<hbm>> -> memref<80xi32, #tpu.memory_space<hbm>>
    tpu.wait_dma2 semaphore(%arg13 : memref<!tpu.dma_semaphore, #tpu.memory_space<semaphore_mem>>) src(%dma_wait3A_392 : memref<80xi32, #tpu.memory_space<hbm>>) dst(%dma_wait3A_391 : memref<80xi32, #tpu.memory_space<vmem>>)
    %dma_wait3A_393 = arith.constant 0 : i32
    %dma_wait3A_394 = arith.constant 1 : i32
    %dma_wait3A_395 = arith.constant 0 : i32
    %dma_wait3A_396 = tpu.memref_slice %arg8[%dma_wait3A_393, %dma_wait3A_394, %dma_wait3A_395] : memref<2x2x80xi32, #tpu.memory_space<vmem>> -> memref<1x1x80xi32, #tpu.memory_space<vmem>>
    %dma_wait3A_397 = tpu.memref_squeeze %dma_wait3A_396 : memref<1x1x80xi32, #tpu.memory_space<vmem>> -> memref<80xi32, #tpu.memory_space<vmem>>
    %dma_wait3A_398 = arith.constant 0 : i32
    %dma_wait3A_399 = arith.constant 0 : i32
    %dma_wait3A_400 = tpu.memref_slice %arg11[%dma_wait3A_398, %dma_wait3A_399] : memref<10000x128xf32, #tpu.memory_space<vmem_shared>> -> memref<10000x128xf32, #tpu.memory_space<vmem_shared>>
    tpu.wait_indirect_dma semaphore(%arg16 : memref<!tpu.dma_semaphore, #tpu.memory_space<semaphore_mem>>) src(%arg9 : memref<80x128xf32, #tpu.memory_space<vmem>>) dst(%dma_wait3A_400 : memref<10000x128xf32, #tpu.memory_space<vmem_shared>>)
    %dma_wait3A_401 = arith.constant 1 : i32
    %dma_wait3A_402 = arith.constant 1 : i32
    %dma_wait3A_403 = arith.constant 0 : i32
    %dma_wait3A_404 = tpu.memref_slice %arg8[%dma_wait3A_401, %dma_wait3A_402, %dma_wait3A_403] : memref<2x2x80xi32, #tpu.memory_space<vmem>> -> memref<1x1x80xi32, #tpu.memory_space<vmem>>
    %dma_wait3A_405 = tpu.memref_squeeze %dma_wait3A_404 : memref<1x1x80xi32, #tpu.memory_space<vmem>> -> memref<80xi32, #tpu.memory_space<vmem>>
    %dma_wait3A_406 = arith.constant 0 : i32
    %dma_wait3A_407 = arith.constant 0 : i32
    %dma_wait3A_408 = tpu.memref_slice %arg11[%dma_wait3A_406, %dma_wait3A_407] : memref<10000x128xf32, #tpu.memory_space<vmem_shared>> -> memref<10000x128xf32, #tpu.memory_space<vmem_shared>>
    tpu.wait_indirect_dma semaphore(%arg17 : memref<!tpu.dma_semaphore, #tpu.memory_space<semaphore_mem>>) src(%arg10 : memref<80x128xf32, #tpu.memory_space<vmem>>) dst(%dma_wait3A_408 : memref<10000x128xf32, #tpu.memory_space<vmem_shared>>)
    %dma_start3A_409 = arith.constant 0 : i32
    %dma_start3A_410 = arith.constant 0 : i32
    %dma_start3A_411 = arith.constant 0 : i32
    %dma_start3A_412 = tpu.memref_slice %arg7[%dma_start3A_409, %dma_start3A_410, %dma_start3A_411] : memref<2x2x80xi32, #tpu.memory_space<vmem>> -> memref<1x1x80xi32, #tpu.memory_space<vmem>>
    %dma_start3A_413 = tpu.memref_squeeze %dma_start3A_412 : memref<1x1x80xi32, #tpu.memory_space<vmem>> -> memref<80xi32, #tpu.memory_space<vmem>>
    %dma_start3A_414 = tpu.memref_slice %arg3[%add3A_346] : memref<320000xi32, #tpu.memory_space<hbm>> -> memref<80xi32, #tpu.memory_space<hbm>>
    %dma_start3A_415 = arith.constant 0 : i32
    %dma_start3A_416 = tpu.memref_slice %arg7[%dma_start3A_409, %dma_start3A_410, %dma_start3A_415] : memref<2x2x80xi32, #tpu.memory_space<vmem>> -> memref<1x1x80xi32, #tpu.memory_space<vmem>>
    %dma_start3A_417 = tpu.memref_squeeze %dma_start3A_416 : memref<1x1x80xi32, #tpu.memory_space<vmem>> -> memref<80xi32, #tpu.memory_space<vmem>>
    %dma_start3A_418 = tpu.memref_slice %arg3[%add3A_346] : memref<320000xi32, #tpu.memory_space<hbm>> -> memref<80xi32, #tpu.memory_space<hbm>>
    tpu.enqueue_dma source(%dma_start3A_418 : memref<80xi32, #tpu.memory_space<hbm>>) target(%dma_start3A_417 : memref<80xi32, #tpu.memory_space<vmem>>) target_semaphore(%arg12 : memref<!tpu.dma_semaphore, #tpu.memory_space<semaphore_mem>>)
    %dma_start3A_419 = arith.constant 0 : i32
    %dma_start3A_420 = arith.constant 1 : i32
    %dma_start3A_421 = arith.constant 0 : i32
    %dma_start3A_422 = tpu.memref_slice %arg7[%dma_start3A_419, %dma_start3A_420, %dma_start3A_421] : memref<2x2x80xi32, #tpu.memory_space<vmem>> -> memref<1x1x80xi32, #tpu.memory_space<vmem>>
    %dma_start3A_423 = tpu.memref_squeeze %dma_start3A_422 : memref<1x1x80xi32, #tpu.memory_space<vmem>> -> memref<80xi32, #tpu.memory_space<vmem>>
    %dma_start3A_424 = tpu.memref_slice %arg4[%add3A_346] : memref<320000xi32, #tpu.memory_space<hbm>> -> memref<80xi32, #tpu.memory_space<hbm>>
    %dma_start3A_425 = arith.constant 0 : i32
    %dma_start3A_426 = tpu.memref_slice %arg7[%dma_start3A_419, %dma_start3A_420, %dma_start3A_425] : memref<2x2x80xi32, #tpu.memory_space<vmem>> -> memref<1x1x80xi32, #tpu.memory_space<vmem>>
    %dma_start3A_427 = tpu.memref_squeeze %dma_start3A_426 : memref<1x1x80xi32, #tpu.memory_space<vmem>> -> memref<80xi32, #tpu.memory_space<vmem>>
    %dma_start3A_428 = tpu.memref_slice %arg4[%add3A_346] : memref<320000xi32, #tpu.memory_space<hbm>> -> memref<80xi32, #tpu.memory_space<hbm>>
    tpu.enqueue_dma source(%dma_start3A_428 : memref<80xi32, #tpu.memory_space<hbm>>) target(%dma_start3A_427 : memref<80xi32, #tpu.memory_space<vmem>>) target_semaphore(%arg12 : memref<!tpu.dma_semaphore, #tpu.memory_space<semaphore_mem>>)
    %dma_start3A_429 = arith.constant 0 : i32
    %dma_start3A_430 = arith.constant 0 : i32
    %dma_start3A_431 = arith.constant 0 : i32
    %dma_start3A_432 = tpu.memref_slice %arg8[%dma_start3A_429, %dma_start3A_430, %dma_start3A_431] : memref<2x2x80xi32, #tpu.memory_space<vmem>> -> memref<1x1x80xi32, #tpu.memory_space<vmem>>
    %dma_start3A_433 = tpu.memref_squeeze %dma_start3A_432 : memref<1x1x80xi32, #tpu.memory_space<vmem>> -> memref<80xi32, #tpu.memory_space<vmem>>
    %dma_start3A_434 = arith.constant 0 : i32
    %dma_start3A_435 = arith.constant 0 : i32
    %dma_start3A_436 = tpu.memref_slice %arg2[%dma_start3A_434, %dma_start3A_435] : memref<10000x128xf32, #tpu.memory_space<hbm>> -> memref<10000x128xf32, #tpu.memory_space<hbm>>
    tpu.enqueue_indirect_dma source(%dma_start3A_436 : memref<10000x128xf32, #tpu.memory_space<hbm>>) target(%arg9 : memref<80x128xf32, #tpu.memory_space<vmem>>) offsets(%dma_start3A_433 : memref<80xi32, #tpu.memory_space<vmem>>) semaphore(%arg14 : memref<!tpu.dma_semaphore, #tpu.memory_space<semaphore_mem>>)
    %dma_start3A_437 = arith.constant 1 : i32
    %dma_start3A_438 = arith.constant 0 : i32
    %dma_start3A_439 = arith.constant 0 : i32
    %dma_start3A_440 = tpu.memref_slice %arg8[%dma_start3A_437, %dma_start3A_438, %dma_start3A_439] : memref<2x2x80xi32, #tpu.memory_space<vmem>> -> memref<1x1x80xi32, #tpu.memory_space<vmem>>
    %dma_start3A_441 = tpu.memref_squeeze %dma_start3A_440 : memref<1x1x80xi32, #tpu.memory_space<vmem>> -> memref<80xi32, #tpu.memory_space<vmem>>
    %dma_start3A_442 = arith.constant 0 : i32
    %dma_start3A_443 = arith.constant 0 : i32
    %dma_start3A_444 = tpu.memref_slice %arg2[%dma_start3A_442, %dma_start3A_443] : memref<10000x128xf32, #tpu.memory_space<hbm>> -> memref<10000x128xf32, #tpu.memory_space<hbm>>
    tpu.enqueue_indirect_dma source(%dma_start3A_444 : memref<10000x128xf32, #tpu.memory_space<hbm>>) target(%arg10 : memref<80x128xf32, #tpu.memory_space<vmem>>) offsets(%dma_start3A_441 : memref<80xi32, #tpu.memory_space<vmem>>) semaphore(%arg15 : memref<!tpu.dma_semaphore, #tpu.memory_space<semaphore_mem>>)
    %dma_wait3A_445 = arith.constant 0 : i32
    %dma_wait3A_446 = arith.constant 0 : i32
    %dma_wait3A_447 = arith.constant 0 : i32
    %dma_wait3A_448 = tpu.memref_slice %arg8[%dma_wait3A_445, %dma_wait3A_446, %dma_wait3A_447] : memref<2x2x80xi32, #tpu.memory_space<vmem>> -> memref<1x1x80xi32, #tpu.memory_space<vmem>>
    %dma_wait3A_449 = tpu.memref_squeeze %dma_wait3A_448 : memref<1x1x80xi32, #tpu.memory_space<vmem>> -> memref<80xi32, #tpu.memory_space<vmem>>
    %dma_wait3A_450 = arith.constant 0 : i32
    %dma_wait3A_451 = arith.constant 0 : i32
    %dma_wait3A_452 = tpu.memref_slice %arg2[%dma_wait3A_450, %dma_wait3A_451] : memref<10000x128xf32, #tpu.memory_space<hbm>> -> memref<10000x128xf32, #tpu.memory_space<hbm>>
    tpu.wait_indirect_dma semaphore(%arg14 : memref<!tpu.dma_semaphore, #tpu.memory_space<semaphore_mem>>) src(%dma_wait3A_452 : memref<10000x128xf32, #tpu.memory_space<hbm>>) dst(%arg9 : memref<80x128xf32, #tpu.memory_space<vmem>>)
    %dma_start3A_453 = arith.constant 0 : i32
    %dma_start3A_454 = arith.constant 1 : i32
    %dma_start3A_455 = arith.constant 0 : i32
    %dma_start3A_456 = tpu.memref_slice %arg8[%dma_start3A_453, %dma_start3A_454, %dma_start3A_455] : memref<2x2x80xi32, #tpu.memory_space<vmem>> -> memref<1x1x80xi32, #tpu.memory_space<vmem>>
    %dma_start3A_457 = tpu.memref_squeeze %dma_start3A_456 : memref<1x1x80xi32, #tpu.memory_space<vmem>> -> memref<80xi32, #tpu.memory_space<vmem>>
    %dma_start3A_458 = arith.constant 0 : i32
    %dma_start3A_459 = arith.constant 0 : i32
    %dma_start3A_460 = tpu.memref_slice %arg11[%dma_start3A_458, %dma_start3A_459] : memref<10000x128xf32, #tpu.memory_space<vmem_shared>> -> memref<10000x128xf32, #tpu.memory_space<vmem_shared>>
    tpu.enqueue_indirect_dma source(%arg9 : memref<80x128xf32, #tpu.memory_space<vmem>>) target(%dma_start3A_460 : memref<10000x128xf32, #tpu.memory_space<vmem_shared>>) offsets(%dma_start3A_457 : memref<80xi32, #tpu.memory_space<vmem>>) semaphore(%arg16 : memref<!tpu.dma_semaphore, #tpu.memory_space<semaphore_mem>>) {add = true}
    %dma_wait3A_461 = arith.constant 1 : i32
    %dma_wait3A_462 = arith.constant 0 : i32
    %dma_wait3A_463 = arith.constant 0 : i32
    %dma_wait3A_464 = tpu.memref_slice %arg8[%dma_wait3A_461, %dma_wait3A_462, %dma_wait3A_463] : memref<2x2x80xi32, #tpu.memory_space<vmem>> -> memref<1x1x80xi32, #tpu.memory_space<vmem>>
    %dma_wait3A_465 = tpu.memref_squeeze %dma_wait3A_464 : memref<1x1x80xi32, #tpu.memory_space<vmem>> -> memref<80xi32, #tpu.memory_space<vmem>>
    %dma_wait3A_466 = arith.constant 0 : i32
    %dma_wait3A_467 = arith.constant 0 : i32
    %dma_wait3A_468 = tpu.memref_slice %arg2[%dma_wait3A_466, %dma_wait3A_467] : memref<10000x128xf32, #tpu.memory_space<hbm>> -> memref<10000x128xf32, #tpu.memory_space<hbm>>
    tpu.wait_indirect_dma semaphore(%arg15 : memref<!tpu.dma_semaphore, #tpu.memory_space<semaphore_mem>>) src(%dma_wait3A_468 : memref<10000x128xf32, #tpu.memory_space<hbm>>) dst(%arg10 : memref<80x128xf32, #tpu.memory_space<vmem>>)
    %dma_start3A_469 = arith.constant 1 : i32
    %dma_start3A_470 = arith.constant 1 : i32
    %dma_start3A_471 = arith.constant 0 : i32
    %dma_start3A_472 = tpu.memref_slice %arg8[%dma_start3A_469, %dma_start3A_470, %dma_start3A_471] : memref<2x2x80xi32, #tpu.memory_space<vmem>> -> memref<1x1x80xi32, #tpu.memory_space<vmem>>
    %dma_start3A_473 = tpu.memref_squeeze %dma_start3A_472 : memref<1x1x80xi32, #tpu.memory_space<vmem>> -> memref<80xi32, #tpu.memory_space<vmem>>
    %dma_start3A_474 = arith.constant 0 : i32
    %dma_start3A_475 = arith.constant 0 : i32
    %dma_start3A_476 = tpu.memref_slice %arg11[%dma_start3A_474, %dma_start3A_475] : memref<10000x128xf32, #tpu.memory_space<vmem_shared>> -> memref<10000x128xf32, #tpu.memory_space<vmem_shared>>
    tpu.enqueue_indirect_dma source(%arg10 : memref<80x128xf32, #tpu.memory_space<vmem>>) target(%dma_start3A_476 : memref<10000x128xf32, #tpu.memory_space<vmem_shared>>) offsets(%dma_start3A_473 : memref<80xi32, #tpu.memory_space<vmem>>) semaphore(%arg17 : memref<!tpu.dma_semaphore, #tpu.memory_space<semaphore_mem>>) {add = true}
    %dma_wait3A_477 = arith.constant 0 : i32
    %dma_wait3A_478 = arith.constant 0 : i32
    %dma_wait3A_479 = arith.constant 0 : i32
    %dma_wait3A_480 = tpu.memref_slice %arg7[%dma_wait3A_477, %dma_wait3A_478, %dma_wait3A_479] : memref<2x2x80xi32, #tpu.memory_space<vmem>> -> memref<1x1x80xi32, #tpu.memory_space<vmem>>
    %dma_wait3A_481 = tpu.memref_squeeze %dma_wait3A_480 : memref<1x1x80xi32, #tpu.memory_space<vmem>> -> memref<80xi32, #tpu.memory_space<vmem>>
    %dma_wait3A_482 = tpu.memref_slice %arg3[%add3A_346] : memref<320000xi32, #tpu.memory_space<hbm>> -> memref<80xi32, #tpu.memory_space<hbm>>
    %dma_wait3A_483 = arith.constant 0 : i32
    %dma_wait3A_484 = tpu.memref_slice %arg7[%dma_wait3A_477, %dma_wait3A_478, %dma_wait3A_483] : memref<2x2x80xi32, #tpu.memory_space<vmem>> -> memref<1x1x80xi32, #tpu.memory_space<vmem>>
    %dma_wait3A_485 = tpu.memref_squeeze %dma_wait3A_484 : memref<1x1x80xi32, #tpu.memory_space<vmem>> -> memref<80xi32, #tpu.memory_space<vmem>>
    %dma_wait3A_486 = tpu.memref_slice %arg3[%add3A_346] : memref<320000xi32, #tpu.memory_space<hbm>> -> memref<80xi32, #tpu.memory_space<hbm>>
    tpu.wait_dma2 semaphore(%arg12 : memref<!tpu.dma_semaphore, #tpu.memory_space<semaphore_mem>>) src(%dma_wait3A_486 : memref<80xi32, #tpu.memory_space<hbm>>) dst(%dma_wait3A_485 : memref<80xi32, #tpu.memory_space<vmem>>)
    %dma_wait3A_487 = arith.constant 0 : i32
    %dma_wait3A_488 = arith.constant 1 : i32
    %dma_wait3A_489 = arith.constant 0 : i32
    %dma_wait3A_490 = tpu.memref_slice %arg7[%dma_wait3A_487, %dma_wait3A_488, %dma_wait3A_489] : memref<2x2x80xi32, #tpu.memory_space<vmem>> -> memref<1x1x80xi32, #tpu.memory_space<vmem>>
    %dma_wait3A_491 = tpu.memref_squeeze %dma_wait3A_490 : memref<1x1x80xi32, #tpu.memory_space<vmem>> -> memref<80xi32, #tpu.memory_space<vmem>>
    %dma_wait3A_492 = tpu.memref_slice %arg4[%add3A_346] : memref<320000xi32, #tpu.memory_space<hbm>> -> memref<80xi32, #tpu.memory_space<hbm>>
    %dma_wait3A_493 = arith.constant 0 : i32
    %dma_wait3A_494 = tpu.memref_slice %arg7[%dma_wait3A_487, %dma_wait3A_488, %dma_wait3A_493] : memref<2x2x80xi32, #tpu.memory_space<vmem>> -> memref<1x1x80xi32, #tpu.memory_space<vmem>>
    %dma_wait3A_495 = tpu.memref_squeeze %dma_wait3A_494 : memref<1x1x80xi32, #tpu.memory_space<vmem>> -> memref<80xi32, #tpu.memory_space<vmem>>
    %dma_wait3A_496 = tpu.memref_slice %arg4[%add3A_346] : memref<320000xi32, #tpu.memory_space<hbm>> -> memref<80xi32, #tpu.memory_space<hbm>>
    tpu.wait_dma2 semaphore(%arg12 : memref<!tpu.dma_semaphore, #tpu.memory_space<semaphore_mem>>) src(%dma_wait3A_496 : memref<80xi32, #tpu.memory_space<hbm>>) dst(%dma_wait3A_495 : memref<80xi32, #tpu.memory_space<vmem>>)
    %dma_wait3A_497 = arith.constant 0 : i32
    %dma_wait3A_498 = arith.constant 1 : i32
    %dma_wait3A_499 = arith.constant 0 : i32
    %dma_wait3A_500 = tpu.memref_slice %arg7[%dma_wait3A_497, %dma_wait3A_498, %dma_wait3A_499] : memref<2x2x80xi32, #tpu.memory_space<vmem>> -> memref<1x1x80xi32, #tpu.memory_space<vmem>>
    %dma_wait3A_501 = tpu.memref_squeeze %dma_wait3A_500 : memref<1x1x80xi32, #tpu.memory_space<vmem>> -> memref<80xi32, #tpu.memory_space<vmem>>
    %dma_wait3A_502 = arith.constant 0 : i32
    %dma_wait3A_503 = arith.constant 0 : i32
    %dma_wait3A_504 = tpu.memref_slice %arg11[%dma_wait3A_502, %dma_wait3A_503] : memref<10000x128xf32, #tpu.memory_space<vmem_shared>> -> memref<10000x128xf32, #tpu.memory_space<vmem_shared>>
    tpu.wait_indirect_dma semaphore(%arg16 : memref<!tpu.dma_semaphore, #tpu.memory_space<semaphore_mem>>) src(%arg9 : memref<80x128xf32, #tpu.memory_space<vmem>>) dst(%dma_wait3A_504 : memref<10000x128xf32, #tpu.memory_space<vmem_shared>>)
    %dma_start3A_505 = arith.constant 0 : i32
    %dma_start3A_506 = arith.constant 0 : i32
    %dma_start3A_507 = arith.constant 0 : i32
    %dma_start3A_508 = tpu.memref_slice %arg7[%dma_start3A_505, %dma_start3A_506, %dma_start3A_507] : memref<2x2x80xi32, #tpu.memory_space<vmem>> -> memref<1x1x80xi32, #tpu.memory_space<vmem>>
    %dma_start3A_509 = tpu.memref_squeeze %dma_start3A_508 : memref<1x1x80xi32, #tpu.memory_space<vmem>> -> memref<80xi32, #tpu.memory_space<vmem>>
    %dma_start3A_510 = arith.constant 0 : i32
    %dma_start3A_511 = arith.constant 0 : i32
    %dma_start3A_512 = tpu.memref_slice %arg2[%dma_start3A_510, %dma_start3A_511] : memref<10000x128xf32, #tpu.memory_space<hbm>> -> memref<10000x128xf32, #tpu.memory_space<hbm>>
    tpu.enqueue_indirect_dma source(%dma_start3A_512 : memref<10000x128xf32, #tpu.memory_space<hbm>>) target(%arg9 : memref<80x128xf32, #tpu.memory_space<vmem>>) offsets(%dma_start3A_509 : memref<80xi32, #tpu.memory_space<vmem>>) semaphore(%arg14 : memref<!tpu.dma_semaphore, #tpu.memory_space<semaphore_mem>>)
    %dma_wait3A_513 = arith.constant 0 : i32
    %dma_wait3A_514 = arith.constant 0 : i32
    %dma_wait3A_515 = arith.constant 0 : i32
    %dma_wait3A_516 = tpu.memref_slice %arg7[%dma_wait3A_513, %dma_wait3A_514, %dma_wait3A_515] : memref<2x2x80xi32, #tpu.memory_space<vmem>> -> memref<1x1x80xi32, #tpu.memory_space<vmem>>
    %dma_wait3A_517 = tpu.memref_squeeze %dma_wait3A_516 : memref<1x1x80xi32, #tpu.memory_space<vmem>> -> memref<80xi32, #tpu.memory_space<vmem>>
    %dma_wait3A_518 = arith.constant 0 : i32
    %dma_wait3A_519 = arith.constant 0 : i32
    %dma_wait3A_520 = tpu.memref_slice %arg2[%dma_wait3A_518, %dma_wait3A_519] : memref<10000x128xf32, #tpu.memory_space<hbm>> -> memref<10000x128xf32, #tpu.memory_space<hbm>>
    tpu.wait_indirect_dma semaphore(%arg14 : memref<!tpu.dma_semaphore, #tpu.memory_space<semaphore_mem>>) src(%dma_wait3A_520 : memref<10000x128xf32, #tpu.memory_space<hbm>>) dst(%arg9 : memref<80x128xf32, #tpu.memory_space<vmem>>)
    %dma_start3A_521 = arith.constant 0 : i32
    %dma_start3A_522 = arith.constant 1 : i32
    %dma_start3A_523 = arith.constant 0 : i32
    %dma_start3A_524 = tpu.memref_slice %arg7[%dma_start3A_521, %dma_start3A_522, %dma_start3A_523] : memref<2x2x80xi32, #tpu.memory_space<vmem>> -> memref<1x1x80xi32, #tpu.memory_space<vmem>>
    %dma_start3A_525 = tpu.memref_squeeze %dma_start3A_524 : memref<1x1x80xi32, #tpu.memory_space<vmem>> -> memref<80xi32, #tpu.memory_space<vmem>>
    %dma_start3A_526 = arith.constant 0 : i32
    %dma_start3A_527 = arith.constant 0 : i32
    %dma_start3A_528 = tpu.memref_slice %arg11[%dma_start3A_526, %dma_start3A_527] : memref<10000x128xf32, #tpu.memory_space<vmem_shared>> -> memref<10000x128xf32, #tpu.memory_space<vmem_shared>>
    tpu.enqueue_indirect_dma source(%arg9 : memref<80x128xf32, #tpu.memory_space<vmem>>) target(%dma_start3A_528 : memref<10000x128xf32, #tpu.memory_space<vmem_shared>>) offsets(%dma_start3A_525 : memref<80xi32, #tpu.memory_space<vmem>>) semaphore(%arg16 : memref<!tpu.dma_semaphore, #tpu.memory_space<semaphore_mem>>) {add = true}
    %dma_wait3A_529 = arith.constant 0 : i32
    %dma_wait3A_530 = arith.constant 1 : i32
    %dma_wait3A_531 = arith.constant 0 : i32
    %dma_wait3A_532 = tpu.memref_slice %arg7[%dma_wait3A_529, %dma_wait3A_530, %dma_wait3A_531] : memref<2x2x80xi32, #tpu.memory_space<vmem>> -> memref<1x1x80xi32, #tpu.memory_space<vmem>>
    %dma_wait3A_533 = tpu.memref_squeeze %dma_wait3A_532 : memref<1x1x80xi32, #tpu.memory_space<vmem>> -> memref<80xi32, #tpu.memory_space<vmem>>
    %dma_wait3A_534 = arith.constant 0 : i32
    %dma_wait3A_535 = arith.constant 0 : i32
    %dma_wait3A_536 = tpu.memref_slice %arg11[%dma_wait3A_534, %dma_wait3A_535] : memref<10000x128xf32, #tpu.memory_space<vmem_shared>> -> memref<10000x128xf32, #tpu.memory_space<vmem_shared>>
    tpu.wait_indirect_dma semaphore(%arg16 : memref<!tpu.dma_semaphore, #tpu.memory_space<semaphore_mem>>) src(%arg9 : memref<80x128xf32, #tpu.memory_space<vmem>>) dst(%dma_wait3A_536 : memref<10000x128xf32, #tpu.memory_space<vmem_shared>>)
    %dma_wait3A_537 = arith.constant 1 : i32
    %dma_wait3A_538 = arith.constant 1 : i32
    %dma_wait3A_539 = arith.constant 0 : i32
    %dma_wait3A_540 = tpu.memref_slice %arg8[%dma_wait3A_537, %dma_wait3A_538, %dma_wait3A_539] : memref<2x2x80xi32, #tpu.memory_space<vmem>> -> memref<1x1x80xi32, #tpu.memory_space<vmem>>
    %dma_wait3A_541 = tpu.memref_squeeze %dma_wait3A_540 : memref<1x1x80xi32, #tpu.memory_space<vmem>> -> memref<80xi32, #tpu.memory_space<vmem>>
    %dma_wait3A_542 = arith.constant 0 : i32
    %dma_wait3A_543 = arith.constant 0 : i32
    %dma_wait3A_544 = tpu.memref_slice %arg11[%dma_wait3A_542, %dma_wait3A_543] : memref<10000x128xf32, #tpu.memory_space<vmem_shared>> -> memref<10000x128xf32, #tpu.memory_space<vmem_shared>>
    tpu.wait_indirect_dma semaphore(%arg17 : memref<!tpu.dma_semaphore, #tpu.memory_space<semaphore_mem>>) src(%arg10 : memref<80x128xf32, #tpu.memory_space<vmem>>) dst(%dma_wait3A_544 : memref<10000x128xf32, #tpu.memory_space<vmem_shared>>)
    %barrier3A_545 = arith.constant 0 : index
    tpu.barrier barrier_id(%barrier3A_545)
    %mul3A_546 = arith.constant 624 : i32
    %mul3A_547 = arith.muli %arg1, %mul3A_546 : i32
    %add3A_548 = arith.constant 0 : i32
    %add3A_549 = arith.addi %mul3A_547, %add3A_548 : i32
    "tpu.region"() ({
      %run_scoped3A_839 = tpu.sem_alloc : memref<!tpu.dma_semaphore, #tpu.memory_space<semaphore_mem>>
      %dma_start3A_840 = arith.constant 0 : i32
      %dma_start3A_841 = arith.constant 0 : i32
      %dma_start3A_842 = tpu.memref_slice %arg9[%dma_start3A_840, %dma_start3A_841] : memref<80x128xf32, #tpu.memory_space<vmem>> -> memref<80x128xf32, #tpu.memory_space<vmem>>
      %dma_start3A_843 = arith.constant 0 : i32
      %dma_start3A_844 = tpu.memref_slice %arg11[%add3A_549, %dma_start3A_843] : memref<10000x128xf32, #tpu.memory_space<vmem_shared>> -> memref<80x128xf32, #tpu.memory_space<vmem_shared>>
      %dma_start3A_845 = arith.constant 0 : i32
      %dma_start3A_846 = arith.constant 0 : i32
      %dma_start3A_847 = tpu.memref_slice %arg9[%dma_start3A_845, %dma_start3A_846] : memref<80x128xf32, #tpu.memory_space<vmem>> -> memref<80x128xf32, #tpu.memory_space<vmem>>
      %dma_start3A_848 = arith.constant 0 : i32
      %dma_start3A_849 = tpu.memref_slice %arg11[%add3A_549, %dma_start3A_848] : memref<10000x128xf32, #tpu.memory_space<vmem_shared>> -> memref<80x128xf32, #tpu.memory_space<vmem_shared>>
      tpu.enqueue_dma source(%dma_start3A_849 : memref<80x128xf32, #tpu.memory_space<vmem_shared>>) target(%dma_start3A_847 : memref<80x128xf32, #tpu.memory_space<vmem>>) target_semaphore(%run_scoped3A_839 : memref<!tpu.dma_semaphore, #tpu.memory_space<semaphore_mem>>)
      %dma_wait3A_850 = arith.constant 0 : i32
      %dma_wait3A_851 = arith.constant 0 : i32
      %dma_wait3A_852 = tpu.memref_slice %arg9[%dma_wait3A_850, %dma_wait3A_851] : memref<80x128xf32, #tpu.memory_space<vmem>> -> memref<80x128xf32, #tpu.memory_space<vmem>>
      %dma_wait3A_853 = arith.constant 0 : i32
      %dma_wait3A_854 = tpu.memref_slice %arg11[%add3A_549, %dma_wait3A_853] : memref<10000x128xf32, #tpu.memory_space<vmem_shared>> -> memref<80x128xf32, #tpu.memory_space<vmem_shared>>
      %dma_wait3A_855 = arith.constant 0 : i32
      %dma_wait3A_856 = arith.constant 0 : i32
      %dma_wait3A_857 = tpu.memref_slice %arg9[%dma_wait3A_855, %dma_wait3A_856] : memref<80x128xf32, #tpu.memory_space<vmem>> -> memref<80x128xf32, #tpu.memory_space<vmem>>
      %dma_wait3A_858 = arith.constant 0 : i32
      %dma_wait3A_859 = tpu.memref_slice %arg11[%add3A_549, %dma_wait3A_858] : memref<10000x128xf32, #tpu.memory_space<vmem_shared>> -> memref<80x128xf32, #tpu.memory_space<vmem_shared>>
      tpu.wait_dma2 semaphore(%run_scoped3A_839 : memref<!tpu.dma_semaphore, #tpu.memory_space<semaphore_mem>>) src(%dma_wait3A_859 : memref<80x128xf32, #tpu.memory_space<vmem_shared>>) dst(%dma_wait3A_857 : memref<80x128xf32, #tpu.memory_space<vmem>>)
      tpu.yield
    }) : () -> ()
    %mul3A_550 = arith.constant 624 : i32
    %mul3A_551 = arith.muli %arg1, %mul3A_550 : i32
    %add3A_552 = arith.constant 0 : i32
    %add3A_553 = arith.addi %mul3A_551, %add3A_552 : i32
    %dma_start3A_554 = arith.constant 0 : i32
    %dma_start3A_555 = arith.constant 0 : i32
    %dma_start3A_556 = tpu.memref_slice %arg9[%dma_start3A_554, %dma_start3A_555] : memref<80x128xf32, #tpu.memory_space<vmem>> -> memref<80x128xf32, #tpu.memory_space<vmem>>
    %dma_start3A_557 = arith.constant 0 : i32
    %dma_start3A_558 = tpu.memref_slice %arg6[%arg0, %add3A_553, %dma_start3A_557] : memref<2x10000x128xf32, #tpu.memory_space<hbm>> -> memref<1x80x128xf32, #tpu.memory_space<hbm>>
    %dma_start3A_559 = tpu.memref_squeeze %dma_start3A_558 : memref<1x80x128xf32, #tpu.memory_space<hbm>> -> memref<80x128xf32, #tpu.memory_space<hbm>>
    %dma_start3A_560 = arith.constant 0 : i32
    %dma_start3A_561 = tpu.memref_slice %arg6[%arg0, %add3A_553, %dma_start3A_560] : memref<2x10000x128xf32, #tpu.memory_space<hbm>> -> memref<1x80x128xf32, #tpu.memory_space<hbm>>
    %dma_start3A_562 = tpu.memref_squeeze %dma_start3A_561 : memref<1x80x128xf32, #tpu.memory_space<hbm>> -> memref<80x128xf32, #tpu.memory_space<hbm>>
    %dma_start3A_563 = arith.constant 0 : i32
    %dma_start3A_564 = arith.constant 0 : i32
    %dma_start3A_565 = tpu.memref_slice %arg9[%dma_start3A_563, %dma_start3A_564] : memref<80x128xf32, #tpu.memory_space<vmem>> -> memref<80x128xf32, #tpu.memory_space<vmem>>
    tpu.enqueue_dma source(%dma_start3A_565 : memref<80x128xf32, #tpu.memory_space<vmem>>) target(%dma_start3A_562 : memref<80x128xf32, #tpu.memory_space<hbm>>) target_semaphore(%arg14 : memref<!tpu.dma_semaphore, #tpu.memory_space<semaphore_mem>>)
    %mul3A_566 = arith.constant 624 : i32
    %mul3A_567 = arith.muli %arg1, %mul3A_566 : i32
    %add3A_568 = arith.constant 80 : i32
    %add3A_569 = arith.addi %mul3A_567, %add3A_568 : i32
    "tpu.region"() ({
      %run_scoped3A_839 = tpu.sem_alloc : memref<!tpu.dma_semaphore, #tpu.memory_space<semaphore_mem>>
      %dma_start3A_840 = arith.constant 0 : i32
      %dma_start3A_841 = arith.constant 0 : i32
      %dma_start3A_842 = tpu.memref_slice %arg10[%dma_start3A_840, %dma_start3A_841] : memref<80x128xf32, #tpu.memory_space<vmem>> -> memref<80x128xf32, #tpu.memory_space<vmem>>
      %dma_start3A_843 = arith.constant 0 : i32
      %dma_start3A_844 = tpu.memref_slice %arg11[%add3A_569, %dma_start3A_843] : memref<10000x128xf32, #tpu.memory_space<vmem_shared>> -> memref<80x128xf32, #tpu.memory_space<vmem_shared>>
      %dma_start3A_845 = arith.constant 0 : i32
      %dma_start3A_846 = arith.constant 0 : i32
      %dma_start3A_847 = tpu.memref_slice %arg10[%dma_start3A_845, %dma_start3A_846] : memref<80x128xf32, #tpu.memory_space<vmem>> -> memref<80x128xf32, #tpu.memory_space<vmem>>
      %dma_start3A_848 = arith.constant 0 : i32
      %dma_start3A_849 = tpu.memref_slice %arg11[%add3A_569, %dma_start3A_848] : memref<10000x128xf32, #tpu.memory_space<vmem_shared>> -> memref<80x128xf32, #tpu.memory_space<vmem_shared>>
      tpu.enqueue_dma source(%dma_start3A_849 : memref<80x128xf32, #tpu.memory_space<vmem_shared>>) target(%dma_start3A_847 : memref<80x128xf32, #tpu.memory_space<vmem>>) target_semaphore(%run_scoped3A_839 : memref<!tpu.dma_semaphore, #tpu.memory_space<semaphore_mem>>)
      %dma_wait3A_850 = arith.constant 0 : i32
      %dma_wait3A_851 = arith.constant 0 : i32
      %dma_wait3A_852 = tpu.memref_slice %arg10[%dma_wait3A_850, %dma_wait3A_851] : memref<80x128xf32, #tpu.memory_space<vmem>> -> memref<80x128xf32, #tpu.memory_space<vmem>>
      %dma_wait3A_853 = arith.constant 0 : i32
      %dma_wait3A_854 = tpu.memref_slice %arg11[%add3A_569, %dma_wait3A_853] : memref<10000x128xf32, #tpu.memory_space<vmem_shared>> -> memref<80x128xf32, #tpu.memory_space<vmem_shared>>
      %dma_wait3A_855 = arith.constant 0 : i32
      %dma_wait3A_856 = arith.constant 0 : i32
      %dma_wait3A_857 = tpu.memref_slice %arg10[%dma_wait3A_855, %dma_wait3A_856] : memref<80x128xf32, #tpu.memory_space<vmem>> -> memref<80x128xf32, #tpu.memory_space<vmem>>
      %dma_wait3A_858 = arith.constant 0 : i32
      %dma_wait3A_859 = tpu.memref_slice %arg11[%add3A_569, %dma_wait3A_858] : memref<10000x128xf32, #tpu.memory_space<vmem_shared>> -> memref<80x128xf32, #tpu.memory_space<vmem_shared>>
      tpu.wait_dma2 semaphore(%run_scoped3A_839 : memref<!tpu.dma_semaphore, #tpu.memory_space<semaphore_mem>>) src(%dma_wait3A_859 : memref<80x128xf32, #tpu.memory_space<vmem_shared>>) dst(%dma_wait3A_857 : memref<80x128xf32, #tpu.memory_space<vmem>>)
      tpu.yield
    }) : () -> ()
    %mul3A_570 = arith.constant 624 : i32
    %mul3A_571 = arith.muli %arg1, %mul3A_570 : i32
    %add3A_572 = arith.constant 80 : i32
    %add3A_573 = arith.addi %mul3A_571, %add3A_572 : i32
    %dma_start3A_574 = arith.constant 0 : i32
    %dma_start3A_575 = arith.constant 0 : i32
    %dma_start3A_576 = tpu.memref_slice %arg10[%dma_start3A_574, %dma_start3A_575] : memref<80x128xf32, #tpu.memory_space<vmem>> -> memref<80x128xf32, #tpu.memory_space<vmem>>
    %dma_start3A_577 = arith.constant 0 : i32
    %dma_start3A_578 = tpu.memref_slice %arg6[%arg0, %add3A_573, %dma_start3A_577] : memref<2x10000x128xf32, #tpu.memory_space<hbm>> -> memref<1x80x128xf32, #tpu.memory_space<hbm>>
    %dma_start3A_579 = tpu.memref_squeeze %dma_start3A_578 : memref<1x80x128xf32, #tpu.memory_space<hbm>> -> memref<80x128xf32, #tpu.memory_space<hbm>>
    %dma_start3A_580 = arith.constant 0 : i32
    %dma_start3A_581 = tpu.memref_slice %arg6[%arg0, %add3A_573, %dma_start3A_580] : memref<2x10000x128xf32, #tpu.memory_space<hbm>> -> memref<1x80x128xf32, #tpu.memory_space<hbm>>
    %dma_start3A_582 = tpu.memref_squeeze %dma_start3A_581 : memref<1x80x128xf32, #tpu.memory_space<hbm>> -> memref<80x128xf32, #tpu.memory_space<hbm>>
    %dma_start3A_583 = arith.constant 0 : i32
    %dma_start3A_584 = arith.constant 0 : i32
    %dma_start3A_585 = tpu.memref_slice %arg10[%dma_start3A_583, %dma_start3A_584] : memref<80x128xf32, #tpu.memory_space<vmem>> -> memref<80x128xf32, #tpu.memory_space<vmem>>
    tpu.enqueue_dma source(%dma_start3A_585 : memref<80x128xf32, #tpu.memory_space<vmem>>) target(%dma_start3A_582 : memref<80x128xf32, #tpu.memory_space<hbm>>) target_semaphore(%arg15 : memref<!tpu.dma_semaphore, #tpu.memory_space<semaphore_mem>>)
    %mul3A_586 = arith.constant 624 : i32
    %mul3A_587 = arith.muli %arg1, %mul3A_586 : i32
    %add3A_588 = arith.constant 0 : i32
    %add3A_589 = arith.addi %mul3A_587, %add3A_588 : i32
    %dma_wait3A_590 = arith.constant 0 : i32
    %dma_wait3A_591 = arith.constant 0 : i32
    %dma_wait3A_592 = tpu.memref_slice %arg9[%dma_wait3A_590, %dma_wait3A_591] : memref<80x128xf32, #tpu.memory_space<vmem>> -> memref<80x128xf32, #tpu.memory_space<vmem>>
    %dma_wait3A_593 = arith.constant 0 : i32
    %dma_wait3A_594 = tpu.memref_slice %arg6[%arg0, %add3A_589, %dma_wait3A_593] : memref<2x10000x128xf32, #tpu.memory_space<hbm>> -> memref<1x80x128xf32, #tpu.memory_space<hbm>>
    %dma_wait3A_595 = tpu.memref_squeeze %dma_wait3A_594 : memref<1x80x128xf32, #tpu.memory_space<hbm>> -> memref<80x128xf32, #tpu.memory_space<hbm>>
    %dma_wait3A_596 = arith.constant 0 : i32
    %dma_wait3A_597 = tpu.memref_slice %arg6[%arg0, %add3A_589, %dma_wait3A_596] : memref<2x10000x128xf32, #tpu.memory_space<hbm>> -> memref<1x80x128xf32, #tpu.memory_space<hbm>>
    %dma_wait3A_598 = tpu.memref_squeeze %dma_wait3A_597 : memref<1x80x128xf32, #tpu.memory_space<hbm>> -> memref<80x128xf32, #tpu.memory_space<hbm>>
    %dma_wait3A_599 = arith.constant 0 : i32
    %dma_wait3A_600 = arith.constant 0 : i32
    %dma_wait3A_601 = tpu.memref_slice %arg9[%dma_wait3A_599, %dma_wait3A_600] : memref<80x128xf32, #tpu.memory_space<vmem>> -> memref<80x128xf32, #tpu.memory_space<vmem>>
    tpu.wait_dma2 semaphore(%arg14 : memref<!tpu.dma_semaphore, #tpu.memory_space<semaphore_mem>>) src(%dma_wait3A_601 : memref<80x128xf32, #tpu.memory_space<vmem>>) dst(%dma_wait3A_598 : memref<80x128xf32, #tpu.memory_space<hbm>>)
    %mul3A_602 = arith.constant 624 : i32
    %mul3A_603 = arith.muli %arg1, %mul3A_602 : i32
    %add3A_604 = arith.constant 160 : i32
    %add3A_605 = arith.addi %mul3A_603, %add3A_604 : i32
    "tpu.region"() ({
      %run_scoped3A_839 = tpu.sem_alloc : memref<!tpu.dma_semaphore, #tpu.memory_space<semaphore_mem>>
      %dma_start3A_840 = arith.constant 0 : i32
      %dma_start3A_841 = arith.constant 0 : i32
      %dma_start3A_842 = tpu.memref_slice %arg9[%dma_start3A_840, %dma_start3A_841] : memref<80x128xf32, #tpu.memory_space<vmem>> -> memref<80x128xf32, #tpu.memory_space<vmem>>
      %dma_start3A_843 = arith.constant 0 : i32
      %dma_start3A_844 = tpu.memref_slice %arg11[%add3A_605, %dma_start3A_843] : memref<10000x128xf32, #tpu.memory_space<vmem_shared>> -> memref<80x128xf32, #tpu.memory_space<vmem_shared>>
      %dma_start3A_845 = arith.constant 0 : i32
      %dma_start3A_846 = arith.constant 0 : i32
      %dma_start3A_847 = tpu.memref_slice %arg9[%dma_start3A_845, %dma_start3A_846] : memref<80x128xf32, #tpu.memory_space<vmem>> -> memref<80x128xf32, #tpu.memory_space<vmem>>
      %dma_start3A_848 = arith.constant 0 : i32
      %dma_start3A_849 = tpu.memref_slice %arg11[%add3A_605, %dma_start3A_848] : memref<10000x128xf32, #tpu.memory_space<vmem_shared>> -> memref<80x128xf32, #tpu.memory_space<vmem_shared>>
      tpu.enqueue_dma source(%dma_start3A_849 : memref<80x128xf32, #tpu.memory_space<vmem_shared>>) target(%dma_start3A_847 : memref<80x128xf32, #tpu.memory_space<vmem>>) target_semaphore(%run_scoped3A_839 : memref<!tpu.dma_semaphore, #tpu.memory_space<semaphore_mem>>)
      %dma_wait3A_850 = arith.constant 0 : i32
      %dma_wait3A_851 = arith.constant 0 : i32
      %dma_wait3A_852 = tpu.memref_slice %arg9[%dma_wait3A_850, %dma_wait3A_851] : memref<80x128xf32, #tpu.memory_space<vmem>> -> memref<80x128xf32, #tpu.memory_space<vmem>>
      %dma_wait3A_853 = arith.constant 0 : i32
      %dma_wait3A_854 = tpu.memref_slice %arg11[%add3A_605, %dma_wait3A_853] : memref<10000x128xf32, #tpu.memory_space<vmem_shared>> -> memref<80x128xf32, #tpu.memory_space<vmem_shared>>
      %dma_wait3A_855 = arith.constant 0 : i32
      %dma_wait3A_856 = arith.constant 0 : i32
      %dma_wait3A_857 = tpu.memref_slice %arg9[%dma_wait3A_855, %dma_wait3A_856] : memref<80x128xf32, #tpu.memory_space<vmem>> -> memref<80x128xf32, #tpu.memory_space<vmem>>
      %dma_wait3A_858 = arith.constant 0 : i32
      %dma_wait3A_859 = tpu.memref_slice %arg11[%add3A_605, %dma_wait3A_858] : memref<10000x128xf32, #tpu.memory_space<vmem_shared>> -> memref<80x128xf32, #tpu.memory_space<vmem_shared>>
      tpu.wait_dma2 semaphore(%run_scoped3A_839 : memref<!tpu.dma_semaphore, #tpu.memory_space<semaphore_mem>>) src(%dma_wait3A_859 : memref<80x128xf32, #tpu.memory_space<vmem_shared>>) dst(%dma_wait3A_857 : memref<80x128xf32, #tpu.memory_space<vmem>>)
      tpu.yield
    }) : () -> ()
    %mul3A_606 = arith.constant 624 : i32
    %mul3A_607 = arith.muli %arg1, %mul3A_606 : i32
    %add3A_608 = arith.constant 160 : i32
    %add3A_609 = arith.addi %mul3A_607, %add3A_608 : i32
    %dma_start3A_610 = arith.constant 0 : i32
    %dma_start3A_611 = arith.constant 0 : i32
    %dma_start3A_612 = tpu.memref_slice %arg9[%dma_start3A_610, %dma_start3A_611] : memref<80x128xf32, #tpu.memory_space<vmem>> -> memref<80x128xf32, #tpu.memory_space<vmem>>
    %dma_start3A_613 = arith.constant 0 : i32
    %dma_start3A_614 = tpu.memref_slice %arg6[%arg0, %add3A_609, %dma_start3A_613] : memref<2x10000x128xf32, #tpu.memory_space<hbm>> -> memref<1x80x128xf32, #tpu.memory_space<hbm>>
    %dma_start3A_615 = tpu.memref_squeeze %dma_start3A_614 : memref<1x80x128xf32, #tpu.memory_space<hbm>> -> memref<80x128xf32, #tpu.memory_space<hbm>>
    %dma_start3A_616 = arith.constant 0 : i32
    %dma_start3A_617 = tpu.memref_slice %arg6[%arg0, %add3A_609, %dma_start3A_616] : memref<2x10000x128xf32, #tpu.memory_space<hbm>> -> memref<1x80x128xf32, #tpu.memory_space<hbm>>
    %dma_start3A_618 = tpu.memref_squeeze %dma_start3A_617 : memref<1x80x128xf32, #tpu.memory_space<hbm>> -> memref<80x128xf32, #tpu.memory_space<hbm>>
    %dma_start3A_619 = arith.constant 0 : i32
    %dma_start3A_620 = arith.constant 0 : i32
    %dma_start3A_621 = tpu.memref_slice %arg9[%dma_start3A_619, %dma_start3A_620] : memref<80x128xf32, #tpu.memory_space<vmem>> -> memref<80x128xf32, #tpu.memory_space<vmem>>
    tpu.enqueue_dma source(%dma_start3A_621 : memref<80x128xf32, #tpu.memory_space<vmem>>) target(%dma_start3A_618 : memref<80x128xf32, #tpu.memory_space<hbm>>) target_semaphore(%arg14 : memref<!tpu.dma_semaphore, #tpu.memory_space<semaphore_mem>>)
    %mul3A_622 = arith.constant 624 : i32
    %mul3A_623 = arith.muli %arg1, %mul3A_622 : i32
    %add3A_624 = arith.constant 80 : i32
    %add3A_625 = arith.addi %mul3A_623, %add3A_624 : i32
    %dma_wait3A_626 = arith.constant 0 : i32
    %dma_wait3A_627 = arith.constant 0 : i32
    %dma_wait3A_628 = tpu.memref_slice %arg10[%dma_wait3A_626, %dma_wait3A_627] : memref<80x128xf32, #tpu.memory_space<vmem>> -> memref<80x128xf32, #tpu.memory_space<vmem>>
    %dma_wait3A_629 = arith.constant 0 : i32
    %dma_wait3A_630 = tpu.memref_slice %arg6[%arg0, %add3A_625, %dma_wait3A_629] : memref<2x10000x128xf32, #tpu.memory_space<hbm>> -> memref<1x80x128xf32, #tpu.memory_space<hbm>>
    %dma_wait3A_631 = tpu.memref_squeeze %dma_wait3A_630 : memref<1x80x128xf32, #tpu.memory_space<hbm>> -> memref<80x128xf32, #tpu.memory_space<hbm>>
    %dma_wait3A_632 = arith.constant 0 : i32
    %dma_wait3A_633 = tpu.memref_slice %arg6[%arg0, %add3A_625, %dma_wait3A_632] : memref<2x10000x128xf32, #tpu.memory_space<hbm>> -> memref<1x80x128xf32, #tpu.memory_space<hbm>>
    %dma_wait3A_634 = tpu.memref_squeeze %dma_wait3A_633 : memref<1x80x128xf32, #tpu.memory_space<hbm>> -> memref<80x128xf32, #tpu.memory_space<hbm>>
    %dma_wait3A_635 = arith.constant 0 : i32
    %dma_wait3A_636 = arith.constant 0 : i32
    %dma_wait3A_637 = tpu.memref_slice %arg10[%dma_wait3A_635, %dma_wait3A_636] : memref<80x128xf32, #tpu.memory_space<vmem>> -> memref<80x128xf32, #tpu.memory_space<vmem>>
    tpu.wait_dma2 semaphore(%arg15 : memref<!tpu.dma_semaphore, #tpu.memory_space<semaphore_mem>>) src(%dma_wait3A_637 : memref<80x128xf32, #tpu.memory_space<vmem>>) dst(%dma_wait3A_634 : memref<80x128xf32, #tpu.memory_space<hbm>>)
    %mul3A_638 = arith.constant 624 : i32
    %mul3A_639 = arith.muli %arg1, %mul3A_638 : i32
    %add3A_640 = arith.constant 240 : i32
    %add3A_641 = arith.addi %mul3A_639, %add3A_640 : i32
    "tpu.region"() ({
      %run_scoped3A_839 = tpu.sem_alloc : memref<!tpu.dma_semaphore, #tpu.memory_space<semaphore_mem>>
      %dma_start3A_840 = arith.constant 0 : i32
      %dma_start3A_841 = arith.constant 0 : i32
      %dma_start3A_842 = tpu.memref_slice %arg10[%dma_start3A_840, %dma_start3A_841] : memref<80x128xf32, #tpu.memory_space<vmem>> -> memref<80x128xf32, #tpu.memory_space<vmem>>
      %dma_start3A_843 = arith.constant 0 : i32
      %dma_start3A_844 = tpu.memref_slice %arg11[%add3A_641, %dma_start3A_843] : memref<10000x128xf32, #tpu.memory_space<vmem_shared>> -> memref<80x128xf32, #tpu.memory_space<vmem_shared>>
      %dma_start3A_845 = arith.constant 0 : i32
      %dma_start3A_846 = arith.constant 0 : i32
      %dma_start3A_847 = tpu.memref_slice %arg10[%dma_start3A_845, %dma_start3A_846] : memref<80x128xf32, #tpu.memory_space<vmem>> -> memref<80x128xf32, #tpu.memory_space<vmem>>
      %dma_start3A_848 = arith.constant 0 : i32
      %dma_start3A_849 = tpu.memref_slice %arg11[%add3A_641, %dma_start3A_848] : memref<10000x128xf32, #tpu.memory_space<vmem_shared>> -> memref<80x128xf32, #tpu.memory_space<vmem_shared>>
      tpu.enqueue_dma source(%dma_start3A_849 : memref<80x128xf32, #tpu.memory_space<vmem_shared>>) target(%dma_start3A_847 : memref<80x128xf32, #tpu.memory_space<vmem>>) target_semaphore(%run_scoped3A_839 : memref<!tpu.dma_semaphore, #tpu.memory_space<semaphore_mem>>)
      %dma_wait3A_850 = arith.constant 0 : i32
      %dma_wait3A_851 = arith.constant 0 : i32
      %dma_wait3A_852 = tpu.memref_slice %arg10[%dma_wait3A_850, %dma_wait3A_851] : memref<80x128xf32, #tpu.memory_space<vmem>> -> memref<80x128xf32, #tpu.memory_space<vmem>>
      %dma_wait3A_853 = arith.constant 0 : i32
      %dma_wait3A_854 = tpu.memref_slice %arg11[%add3A_641, %dma_wait3A_853] : memref<10000x128xf32, #tpu.memory_space<vmem_shared>> -> memref<80x128xf32, #tpu.memory_space<vmem_shared>>
      %dma_wait3A_855 = arith.constant 0 : i32
      %dma_wait3A_856 = arith.constant 0 : i32
      %dma_wait3A_857 = tpu.memref_slice %arg10[%dma_wait3A_855, %dma_wait3A_856] : memref<80x128xf32, #tpu.memory_space<vmem>> -> memref<80x128xf32, #tpu.memory_space<vmem>>
      %dma_wait3A_858 = arith.constant 0 : i32
      %dma_wait3A_859 = tpu.memref_slice %arg11[%add3A_641, %dma_wait3A_858] : memref<10000x128xf32, #tpu.memory_space<vmem_shared>> -> memref<80x128xf32, #tpu.memory_space<vmem_shared>>
      tpu.wait_dma2 semaphore(%run_scoped3A_839 : memref<!tpu.dma_semaphore, #tpu.memory_space<semaphore_mem>>) src(%dma_wait3A_859 : memref<80x128xf32, #tpu.memory_space<vmem_shared>>) dst(%dma_wait3A_857 : memref<80x128xf32, #tpu.memory_space<vmem>>)
      tpu.yield
    }) : () -> ()
    %mul3A_642 = arith.constant 624 : i32
    %mul3A_643 = arith.muli %arg1, %mul3A_642 : i32
    %add3A_644 = arith.constant 240 : i32
    %add3A_645 = arith.addi %mul3A_643, %add3A_644 : i32
    %dma_start3A_646 = arith.constant 0 : i32
    %dma_start3A_647 = arith.constant 0 : i32
    %dma_start3A_648 = tpu.memref_slice %arg10[%dma_start3A_646, %dma_start3A_647] : memref<80x128xf32, #tpu.memory_space<vmem>> -> memref<80x128xf32, #tpu.memory_space<vmem>>
    %dma_start3A_649 = arith.constant 0 : i32
    %dma_start3A_650 = tpu.memref_slice %arg6[%arg0, %add3A_645, %dma_start3A_649] : memref<2x10000x128xf32, #tpu.memory_space<hbm>> -> memref<1x80x128xf32, #tpu.memory_space<hbm>>
    %dma_start3A_651 = tpu.memref_squeeze %dma_start3A_650 : memref<1x80x128xf32, #tpu.memory_space<hbm>> -> memref<80x128xf32, #tpu.memory_space<hbm>>
    %dma_start3A_652 = arith.constant 0 : i32
    %dma_start3A_653 = tpu.memref_slice %arg6[%arg0, %add3A_645, %dma_start3A_652] : memref<2x10000x128xf32, #tpu.memory_space<hbm>> -> memref<1x80x128xf32, #tpu.memory_space<hbm>>
    %dma_start3A_654 = tpu.memref_squeeze %dma_start3A_653 : memref<1x80x128xf32, #tpu.memory_space<hbm>> -> memref<80x128xf32, #tpu.memory_space<hbm>>
    %dma_start3A_655 = arith.constant 0 : i32
    %dma_start3A_656 = arith.constant 0 : i32
    %dma_start3A_657 = tpu.memref_slice %arg10[%dma_start3A_655, %dma_start3A_656] : memref<80x128xf32, #tpu.memory_space<vmem>> -> memref<80x128xf32, #tpu.memory_space<vmem>>
    tpu.enqueue_dma source(%dma_start3A_657 : memref<80x128xf32, #tpu.memory_space<vmem>>) target(%dma_start3A_654 : memref<80x128xf32, #tpu.memory_space<hbm>>) target_semaphore(%arg15 : memref<!tpu.dma_semaphore, #tpu.memory_space<semaphore_mem>>)
    %mul3A_658 = arith.constant 624 : i32
    %mul3A_659 = arith.muli %arg1, %mul3A_658 : i32
    %add3A_660 = arith.constant 160 : i32
    %add3A_661 = arith.addi %mul3A_659, %add3A_660 : i32
    %dma_wait3A_662 = arith.constant 0 : i32
    %dma_wait3A_663 = arith.constant 0 : i32
    %dma_wait3A_664 = tpu.memref_slice %arg9[%dma_wait3A_662, %dma_wait3A_663] : memref<80x128xf32, #tpu.memory_space<vmem>> -> memref<80x128xf32, #tpu.memory_space<vmem>>
    %dma_wait3A_665 = arith.constant 0 : i32
    %dma_wait3A_666 = tpu.memref_slice %arg6[%arg0, %add3A_661, %dma_wait3A_665] : memref<2x10000x128xf32, #tpu.memory_space<hbm>> -> memref<1x80x128xf32, #tpu.memory_space<hbm>>
    %dma_wait3A_667 = tpu.memref_squeeze %dma_wait3A_666 : memref<1x80x128xf32, #tpu.memory_space<hbm>> -> memref<80x128xf32, #tpu.memory_space<hbm>>
    %dma_wait3A_668 = arith.constant 0 : i32
    %dma_wait3A_669 = tpu.memref_slice %arg6[%arg0, %add3A_661, %dma_wait3A_668] : memref<2x10000x128xf32, #tpu.memory_space<hbm>> -> memref<1x80x128xf32, #tpu.memory_space<hbm>>
    %dma_wait3A_670 = tpu.memref_squeeze %dma_wait3A_669 : memref<1x80x128xf32, #tpu.memory_space<hbm>> -> memref<80x128xf32, #tpu.memory_space<hbm>>
    %dma_wait3A_671 = arith.constant 0 : i32
    %dma_wait3A_672 = arith.constant 0 : i32
    %dma_wait3A_673 = tpu.memref_slice %arg9[%dma_wait3A_671, %dma_wait3A_672] : memref<80x128xf32, #tpu.memory_space<vmem>> -> memref<80x128xf32, #tpu.memory_space<vmem>>
    tpu.wait_dma2 semaphore(%arg14 : memref<!tpu.dma_semaphore, #tpu.memory_space<semaphore_mem>>) src(%dma_wait3A_673 : memref<80x128xf32, #tpu.memory_space<vmem>>) dst(%dma_wait3A_670 : memref<80x128xf32, #tpu.memory_space<hbm>>)
    %mul3A_674 = arith.constant 624 : i32
    %mul3A_675 = arith.muli %arg1, %mul3A_674 : i32
    %add3A_676 = arith.constant 320 : i32
    %add3A_677 = arith.addi %mul3A_675, %add3A_676 : i32
    "tpu.region"() ({
      %run_scoped3A_839 = tpu.sem_alloc : memref<!tpu.dma_semaphore, #tpu.memory_space<semaphore_mem>>
      %dma_start3A_840 = arith.constant 0 : i32
      %dma_start3A_841 = arith.constant 0 : i32
      %dma_start3A_842 = tpu.memref_slice %arg9[%dma_start3A_840, %dma_start3A_841] : memref<80x128xf32, #tpu.memory_space<vmem>> -> memref<80x128xf32, #tpu.memory_space<vmem>>
      %dma_start3A_843 = arith.constant 0 : i32
      %dma_start3A_844 = tpu.memref_slice %arg11[%add3A_677, %dma_start3A_843] : memref<10000x128xf32, #tpu.memory_space<vmem_shared>> -> memref<80x128xf32, #tpu.memory_space<vmem_shared>>
      %dma_start3A_845 = arith.constant 0 : i32
      %dma_start3A_846 = arith.constant 0 : i32
      %dma_start3A_847 = tpu.memref_slice %arg9[%dma_start3A_845, %dma_start3A_846] : memref<80x128xf32, #tpu.memory_space<vmem>> -> memref<80x128xf32, #tpu.memory_space<vmem>>
      %dma_start3A_848 = arith.constant 0 : i32
      %dma_start3A_849 = tpu.memref_slice %arg11[%add3A_677, %dma_start3A_848] : memref<10000x128xf32, #tpu.memory_space<vmem_shared>> -> memref<80x128xf32, #tpu.memory_space<vmem_shared>>
      tpu.enqueue_dma source(%dma_start3A_849 : memref<80x128xf32, #tpu.memory_space<vmem_shared>>) target(%dma_start3A_847 : memref<80x128xf32, #tpu.memory_space<vmem>>) target_semaphore(%run_scoped3A_839 : memref<!tpu.dma_semaphore, #tpu.memory_space<semaphore_mem>>)
      %dma_wait3A_850 = arith.constant 0 : i32
      %dma_wait3A_851 = arith.constant 0 : i32
      %dma_wait3A_852 = tpu.memref_slice %arg9[%dma_wait3A_850, %dma_wait3A_851] : memref<80x128xf32, #tpu.memory_space<vmem>> -> memref<80x128xf32, #tpu.memory_space<vmem>>
      %dma_wait3A_853 = arith.constant 0 : i32
      %dma_wait3A_854 = tpu.memref_slice %arg11[%add3A_677, %dma_wait3A_853] : memref<10000x128xf32, #tpu.memory_space<vmem_shared>> -> memref<80x128xf32, #tpu.memory_space<vmem_shared>>
      %dma_wait3A_855 = arith.constant 0 : i32
      %dma_wait3A_856 = arith.constant 0 : i32
      %dma_wait3A_857 = tpu.memref_slice %arg9[%dma_wait3A_855, %dma_wait3A_856] : memref<80x128xf32, #tpu.memory_space<vmem>> -> memref<80x128xf32, #tpu.memory_space<vmem>>
      %dma_wait3A_858 = arith.constant 0 : i32
      %dma_wait3A_859 = tpu.memref_slice %arg11[%add3A_677, %dma_wait3A_858] : memref<10000x128xf32, #tpu.memory_space<vmem_shared>> -> memref<80x128xf32, #tpu.memory_space<vmem_shared>>
      tpu.wait_dma2 semaphore(%run_scoped3A_839 : memref<!tpu.dma_semaphore, #tpu.memory_space<semaphore_mem>>) src(%dma_wait3A_859 : memref<80x128xf32, #tpu.memory_space<vmem_shared>>) dst(%dma_wait3A_857 : memref<80x128xf32, #tpu.memory_space<vmem>>)
      tpu.yield
    }) : () -> ()
    %mul3A_678 = arith.constant 624 : i32
    %mul3A_679 = arith.muli %arg1, %mul3A_678 : i32
    %add3A_680 = arith.constant 320 : i32
    %add3A_681 = arith.addi %mul3A_679, %add3A_680 : i32
    %dma_start3A_682 = arith.constant 0 : i32
    %dma_start3A_683 = arith.constant 0 : i32
    %dma_start3A_684 = tpu.memref_slice %arg9[%dma_start3A_682, %dma_start3A_683] : memref<80x128xf32, #tpu.memory_space<vmem>> -> memref<80x128xf32, #tpu.memory_space<vmem>>
    %dma_start3A_685 = arith.constant 0 : i32
    %dma_start3A_686 = tpu.memref_slice %arg6[%arg0, %add3A_681, %dma_start3A_685] : memref<2x10000x128xf32, #tpu.memory_space<hbm>> -> memref<1x80x128xf32, #tpu.memory_space<hbm>>
    %dma_start3A_687 = tpu.memref_squeeze %dma_start3A_686 : memref<1x80x128xf32, #tpu.memory_space<hbm>> -> memref<80x128xf32, #tpu.memory_space<hbm>>
    %dma_start3A_688 = arith.constant 0 : i32
    %dma_start3A_689 = tpu.memref_slice %arg6[%arg0, %add3A_681, %dma_start3A_688] : memref<2x10000x128xf32, #tpu.memory_space<hbm>> -> memref<1x80x128xf32, #tpu.memory_space<hbm>>
    %dma_start3A_690 = tpu.memref_squeeze %dma_start3A_689 : memref<1x80x128xf32, #tpu.memory_space<hbm>> -> memref<80x128xf32, #tpu.memory_space<hbm>>
    %dma_start3A_691 = arith.constant 0 : i32
    %dma_start3A_692 = arith.constant 0 : i32
    %dma_start3A_693 = tpu.memref_slice %arg9[%dma_start3A_691, %dma_start3A_692] : memref<80x128xf32, #tpu.memory_space<vmem>> -> memref<80x128xf32, #tpu.memory_space<vmem>>
    tpu.enqueue_dma source(%dma_start3A_693 : memref<80x128xf32, #tpu.memory_space<vmem>>) target(%dma_start3A_690 : memref<80x128xf32, #tpu.memory_space<hbm>>) target_semaphore(%arg14 : memref<!tpu.dma_semaphore, #tpu.memory_space<semaphore_mem>>)
    %mul3A_694 = arith.constant 624 : i32
    %mul3A_695 = arith.muli %arg1, %mul3A_694 : i32
    %add3A_696 = arith.constant 240 : i32
    %add3A_697 = arith.addi %mul3A_695, %add3A_696 : i32
    %dma_wait3A_698 = arith.constant 0 : i32
    %dma_wait3A_699 = arith.constant 0 : i32
    %dma_wait3A_700 = tpu.memref_slice %arg10[%dma_wait3A_698, %dma_wait3A_699] : memref<80x128xf32, #tpu.memory_space<vmem>> -> memref<80x128xf32, #tpu.memory_space<vmem>>
    %dma_wait3A_701 = arith.constant 0 : i32
    %dma_wait3A_702 = tpu.memref_slice %arg6[%arg0, %add3A_697, %dma_wait3A_701] : memref<2x10000x128xf32, #tpu.memory_space<hbm>> -> memref<1x80x128xf32, #tpu.memory_space<hbm>>
    %dma_wait3A_703 = tpu.memref_squeeze %dma_wait3A_702 : memref<1x80x128xf32, #tpu.memory_space<hbm>> -> memref<80x128xf32, #tpu.memory_space<hbm>>
    %dma_wait3A_704 = arith.constant 0 : i32
    %dma_wait3A_705 = tpu.memref_slice %arg6[%arg0, %add3A_697, %dma_wait3A_704] : memref<2x10000x128xf32, #tpu.memory_space<hbm>> -> memref<1x80x128xf32, #tpu.memory_space<hbm>>
    %dma_wait3A_706 = tpu.memref_squeeze %dma_wait3A_705 : memref<1x80x128xf32, #tpu.memory_space<hbm>> -> memref<80x128xf32, #tpu.memory_space<hbm>>
    %dma_wait3A_707 = arith.constant 0 : i32
    %dma_wait3A_708 = arith.constant 0 : i32
    %dma_wait3A_709 = tpu.memref_slice %arg10[%dma_wait3A_707, %dma_wait3A_708] : memref<80x128xf32, #tpu.memory_space<vmem>> -> memref<80x128xf32, #tpu.memory_space<vmem>>
    tpu.wait_dma2 semaphore(%arg15 : memref<!tpu.dma_semaphore, #tpu.memory_space<semaphore_mem>>) src(%dma_wait3A_709 : memref<80x128xf32, #tpu.memory_space<vmem>>) dst(%dma_wait3A_706 : memref<80x128xf32, #tpu.memory_space<hbm>>)
    %mul3A_710 = arith.constant 624 : i32
    %mul3A_711 = arith.muli %arg1, %mul3A_710 : i32
    %add3A_712 = arith.constant 400 : i32
    %add3A_713 = arith.addi %mul3A_711, %add3A_712 : i32
    "tpu.region"() ({
      %run_scoped3A_839 = tpu.sem_alloc : memref<!tpu.dma_semaphore, #tpu.memory_space<semaphore_mem>>
      %dma_start3A_840 = arith.constant 0 : i32
      %dma_start3A_841 = arith.constant 0 : i32
      %dma_start3A_842 = tpu.memref_slice %arg10[%dma_start3A_840, %dma_start3A_841] : memref<80x128xf32, #tpu.memory_space<vmem>> -> memref<80x128xf32, #tpu.memory_space<vmem>>
      %dma_start3A_843 = arith.constant 0 : i32
      %dma_start3A_844 = tpu.memref_slice %arg11[%add3A_713, %dma_start3A_843] : memref<10000x128xf32, #tpu.memory_space<vmem_shared>> -> memref<80x128xf32, #tpu.memory_space<vmem_shared>>
      %dma_start3A_845 = arith.constant 0 : i32
      %dma_start3A_846 = arith.constant 0 : i32
      %dma_start3A_847 = tpu.memref_slice %arg10[%dma_start3A_845, %dma_start3A_846] : memref<80x128xf32, #tpu.memory_space<vmem>> -> memref<80x128xf32, #tpu.memory_space<vmem>>
      %dma_start3A_848 = arith.constant 0 : i32
      %dma_start3A_849 = tpu.memref_slice %arg11[%add3A_713, %dma_start3A_848] : memref<10000x128xf32, #tpu.memory_space<vmem_shared>> -> memref<80x128xf32, #tpu.memory_space<vmem_shared>>
      tpu.enqueue_dma source(%dma_start3A_849 : memref<80x128xf32, #tpu.memory_space<vmem_shared>>) target(%dma_start3A_847 : memref<80x128xf32, #tpu.memory_space<vmem>>) target_semaphore(%run_scoped3A_839 : memref<!tpu.dma_semaphore, #tpu.memory_space<semaphore_mem>>)
      %dma_wait3A_850 = arith.constant 0 : i32
      %dma_wait3A_851 = arith.constant 0 : i32
      %dma_wait3A_852 = tpu.memref_slice %arg10[%dma_wait3A_850, %dma_wait3A_851] : memref<80x128xf32, #tpu.memory_space<vmem>> -> memref<80x128xf32, #tpu.memory_space<vmem>>
      %dma_wait3A_853 = arith.constant 0 : i32
      %dma_wait3A_854 = tpu.memref_slice %arg11[%add3A_713, %dma_wait3A_853] : memref<10000x128xf32, #tpu.memory_space<vmem_shared>> -> memref<80x128xf32, #tpu.memory_space<vmem_shared>>
      %dma_wait3A_855 = arith.constant 0 : i32
      %dma_wait3A_856 = arith.constant 0 : i32
      %dma_wait3A_857 = tpu.memref_slice %arg10[%dma_wait3A_855, %dma_wait3A_856] : memref<80x128xf32, #tpu.memory_space<vmem>> -> memref<80x128xf32, #tpu.memory_space<vmem>>
      %dma_wait3A_858 = arith.constant 0 : i32
      %dma_wait3A_859 = tpu.memref_slice %arg11[%add3A_713, %dma_wait3A_858] : memref<10000x128xf32, #tpu.memory_space<vmem_shared>> -> memref<80x128xf32, #tpu.memory_space<vmem_shared>>
      tpu.wait_dma2 semaphore(%run_scoped3A_839 : memref<!tpu.dma_semaphore, #tpu.memory_space<semaphore_mem>>) src(%dma_wait3A_859 : memref<80x128xf32, #tpu.memory_space<vmem_shared>>) dst(%dma_wait3A_857 : memref<80x128xf32, #tpu.memory_space<vmem>>)
      tpu.yield
    }) : () -> ()
    %mul3A_714 = arith.constant 624 : i32
    %mul3A_715 = arith.muli %arg1, %mul3A_714 : i32
    %add3A_716 = arith.constant 400 : i32
    %add3A_717 = arith.addi %mul3A_715, %add3A_716 : i32
    %dma_start3A_718 = arith.constant 0 : i32
    %dma_start3A_719 = arith.constant 0 : i32
    %dma_start3A_720 = tpu.memref_slice %arg10[%dma_start3A_718, %dma_start3A_719] : memref<80x128xf32, #tpu.memory_space<vmem>> -> memref<80x128xf32, #tpu.memory_space<vmem>>
    %dma_start3A_721 = arith.constant 0 : i32
    %dma_start3A_722 = tpu.memref_slice %arg6[%arg0, %add3A_717, %dma_start3A_721] : memref<2x10000x128xf32, #tpu.memory_space<hbm>> -> memref<1x80x128xf32, #tpu.memory_space<hbm>>
    %dma_start3A_723 = tpu.memref_squeeze %dma_start3A_722 : memref<1x80x128xf32, #tpu.memory_space<hbm>> -> memref<80x128xf32, #tpu.memory_space<hbm>>
    %dma_start3A_724 = arith.constant 0 : i32
    %dma_start3A_725 = tpu.memref_slice %arg6[%arg0, %add3A_717, %dma_start3A_724] : memref<2x10000x128xf32, #tpu.memory_space<hbm>> -> memref<1x80x128xf32, #tpu.memory_space<hbm>>
    %dma_start3A_726 = tpu.memref_squeeze %dma_start3A_725 : memref<1x80x128xf32, #tpu.memory_space<hbm>> -> memref<80x128xf32, #tpu.memory_space<hbm>>
    %dma_start3A_727 = arith.constant 0 : i32
    %dma_start3A_728 = arith.constant 0 : i32
    %dma_start3A_729 = tpu.memref_slice %arg10[%dma_start3A_727, %dma_start3A_728] : memref<80x128xf32, #tpu.memory_space<vmem>> -> memref<80x128xf32, #tpu.memory_space<vmem>>
    tpu.enqueue_dma source(%dma_start3A_729 : memref<80x128xf32, #tpu.memory_space<vmem>>) target(%dma_start3A_726 : memref<80x128xf32, #tpu.memory_space<hbm>>) target_semaphore(%arg15 : memref<!tpu.dma_semaphore, #tpu.memory_space<semaphore_mem>>)
    %mul3A_730 = arith.constant 624 : i32
    %mul3A_731 = arith.muli %arg1, %mul3A_730 : i32
    %add3A_732 = arith.constant 320 : i32
    %add3A_733 = arith.addi %mul3A_731, %add3A_732 : i32
    %dma_wait3A_734 = arith.constant 0 : i32
    %dma_wait3A_735 = arith.constant 0 : i32
    %dma_wait3A_736 = tpu.memref_slice %arg9[%dma_wait3A_734, %dma_wait3A_735] : memref<80x128xf32, #tpu.memory_space<vmem>> -> memref<80x128xf32, #tpu.memory_space<vmem>>
    %dma_wait3A_737 = arith.constant 0 : i32
    %dma_wait3A_738 = tpu.memref_slice %arg6[%arg0, %add3A_733, %dma_wait3A_737] : memref<2x10000x128xf32, #tpu.memory_space<hbm>> -> memref<1x80x128xf32, #tpu.memory_space<hbm>>
    %dma_wait3A_739 = tpu.memref_squeeze %dma_wait3A_738 : memref<1x80x128xf32, #tpu.memory_space<hbm>> -> memref<80x128xf32, #tpu.memory_space<hbm>>
    %dma_wait3A_740 = arith.constant 0 : i32
    %dma_wait3A_741 = tpu.memref_slice %arg6[%arg0, %add3A_733, %dma_wait3A_740] : memref<2x10000x128xf32, #tpu.memory_space<hbm>> -> memref<1x80x128xf32, #tpu.memory_space<hbm>>
    %dma_wait3A_742 = tpu.memref_squeeze %dma_wait3A_741 : memref<1x80x128xf32, #tpu.memory_space<hbm>> -> memref<80x128xf32, #tpu.memory_space<hbm>>
    %dma_wait3A_743 = arith.constant 0 : i32
    %dma_wait3A_744 = arith.constant 0 : i32
    %dma_wait3A_745 = tpu.memref_slice %arg9[%dma_wait3A_743, %dma_wait3A_744] : memref<80x128xf32, #tpu.memory_space<vmem>> -> memref<80x128xf32, #tpu.memory_space<vmem>>
    tpu.wait_dma2 semaphore(%arg14 : memref<!tpu.dma_semaphore, #tpu.memory_space<semaphore_mem>>) src(%dma_wait3A_745 : memref<80x128xf32, #tpu.memory_space<vmem>>) dst(%dma_wait3A_742 : memref<80x128xf32, #tpu.memory_space<hbm>>)
    %mul3A_746 = arith.constant 624 : i32
    %mul3A_747 = arith.muli %arg1, %mul3A_746 : i32
    %add3A_748 = arith.constant 480 : i32
    %add3A_749 = arith.addi %mul3A_747, %add3A_748 : i32
    "tpu.region"() ({
      %run_scoped3A_839 = tpu.sem_alloc : memref<!tpu.dma_semaphore, #tpu.memory_space<semaphore_mem>>
      %dma_start3A_840 = arith.constant 0 : i32
      %dma_start3A_841 = arith.constant 0 : i32
      %dma_start3A_842 = tpu.memref_slice %arg9[%dma_start3A_840, %dma_start3A_841] : memref<80x128xf32, #tpu.memory_space<vmem>> -> memref<80x128xf32, #tpu.memory_space<vmem>>
      %dma_start3A_843 = arith.constant 0 : i32
      %dma_start3A_844 = tpu.memref_slice %arg11[%add3A_749, %dma_start3A_843] : memref<10000x128xf32, #tpu.memory_space<vmem_shared>> -> memref<80x128xf32, #tpu.memory_space<vmem_shared>>
      %dma_start3A_845 = arith.constant 0 : i32
      %dma_start3A_846 = arith.constant 0 : i32
      %dma_start3A_847 = tpu.memref_slice %arg9[%dma_start3A_845, %dma_start3A_846] : memref<80x128xf32, #tpu.memory_space<vmem>> -> memref<80x128xf32, #tpu.memory_space<vmem>>
      %dma_start3A_848 = arith.constant 0 : i32
      %dma_start3A_849 = tpu.memref_slice %arg11[%add3A_749, %dma_start3A_848] : memref<10000x128xf32, #tpu.memory_space<vmem_shared>> -> memref<80x128xf32, #tpu.memory_space<vmem_shared>>
      tpu.enqueue_dma source(%dma_start3A_849 : memref<80x128xf32, #tpu.memory_space<vmem_shared>>) target(%dma_start3A_847 : memref<80x128xf32, #tpu.memory_space<vmem>>) target_semaphore(%run_scoped3A_839 : memref<!tpu.dma_semaphore, #tpu.memory_space<semaphore_mem>>)
      %dma_wait3A_850 = arith.constant 0 : i32
      %dma_wait3A_851 = arith.constant 0 : i32
      %dma_wait3A_852 = tpu.memref_slice %arg9[%dma_wait3A_850, %dma_wait3A_851] : memref<80x128xf32, #tpu.memory_space<vmem>> -> memref<80x128xf32, #tpu.memory_space<vmem>>
      %dma_wait3A_853 = arith.constant 0 : i32
      %dma_wait3A_854 = tpu.memref_slice %arg11[%add3A_749, %dma_wait3A_853] : memref<10000x128xf32, #tpu.memory_space<vmem_shared>> -> memref<80x128xf32, #tpu.memory_space<vmem_shared>>
      %dma_wait3A_855 = arith.constant 0 : i32
      %dma_wait3A_856 = arith.constant 0 : i32
      %dma_wait3A_857 = tpu.memref_slice %arg9[%dma_wait3A_855, %dma_wait3A_856] : memref<80x128xf32, #tpu.memory_space<vmem>> -> memref<80x128xf32, #tpu.memory_space<vmem>>
      %dma_wait3A_858 = arith.constant 0 : i32
      %dma_wait3A_859 = tpu.memref_slice %arg11[%add3A_749, %dma_wait3A_858] : memref<10000x128xf32, #tpu.memory_space<vmem_shared>> -> memref<80x128xf32, #tpu.memory_space<vmem_shared>>
      tpu.wait_dma2 semaphore(%run_scoped3A_839 : memref<!tpu.dma_semaphore, #tpu.memory_space<semaphore_mem>>) src(%dma_wait3A_859 : memref<80x128xf32, #tpu.memory_space<vmem_shared>>) dst(%dma_wait3A_857 : memref<80x128xf32, #tpu.memory_space<vmem>>)
      tpu.yield
    }) : () -> ()
    %mul3A_750 = arith.constant 624 : i32
    %mul3A_751 = arith.muli %arg1, %mul3A_750 : i32
    %add3A_752 = arith.constant 480 : i32
    %add3A_753 = arith.addi %mul3A_751, %add3A_752 : i32
    %dma_start3A_754 = arith.constant 0 : i32
    %dma_start3A_755 = arith.constant 0 : i32
    %dma_start3A_756 = tpu.memref_slice %arg9[%dma_start3A_754, %dma_start3A_755] : memref<80x128xf32, #tpu.memory_space<vmem>> -> memref<80x128xf32, #tpu.memory_space<vmem>>
    %dma_start3A_757 = arith.constant 0 : i32
    %dma_start3A_758 = tpu.memref_slice %arg6[%arg0, %add3A_753, %dma_start3A_757] : memref<2x10000x128xf32, #tpu.memory_space<hbm>> -> memref<1x80x128xf32, #tpu.memory_space<hbm>>
    %dma_start3A_759 = tpu.memref_squeeze %dma_start3A_758 : memref<1x80x128xf32, #tpu.memory_space<hbm>> -> memref<80x128xf32, #tpu.memory_space<hbm>>
    %dma_start3A_760 = arith.constant 0 : i32
    %dma_start3A_761 = tpu.memref_slice %arg6[%arg0, %add3A_753, %dma_start3A_760] : memref<2x10000x128xf32, #tpu.memory_space<hbm>> -> memref<1x80x128xf32, #tpu.memory_space<hbm>>
    %dma_start3A_762 = tpu.memref_squeeze %dma_start3A_761 : memref<1x80x128xf32, #tpu.memory_space<hbm>> -> memref<80x128xf32, #tpu.memory_space<hbm>>
    %dma_start3A_763 = arith.constant 0 : i32
    %dma_start3A_764 = arith.constant 0 : i32
    %dma_start3A_765 = tpu.memref_slice %arg9[%dma_start3A_763, %dma_start3A_764] : memref<80x128xf32, #tpu.memory_space<vmem>> -> memref<80x128xf32, #tpu.memory_space<vmem>>
    tpu.enqueue_dma source(%dma_start3A_765 : memref<80x128xf32, #tpu.memory_space<vmem>>) target(%dma_start3A_762 : memref<80x128xf32, #tpu.memory_space<hbm>>) target_semaphore(%arg14 : memref<!tpu.dma_semaphore, #tpu.memory_space<semaphore_mem>>)
    %mul3A_766 = arith.constant 624 : i32
    %mul3A_767 = arith.muli %arg1, %mul3A_766 : i32
    %add3A_768 = arith.constant 400 : i32
    %add3A_769 = arith.addi %mul3A_767, %add3A_768 : i32
    %dma_wait3A_770 = arith.constant 0 : i32
    %dma_wait3A_771 = arith.constant 0 : i32
    %dma_wait3A_772 = tpu.memref_slice %arg10[%dma_wait3A_770, %dma_wait3A_771] : memref<80x128xf32, #tpu.memory_space<vmem>> -> memref<80x128xf32, #tpu.memory_space<vmem>>
    %dma_wait3A_773 = arith.constant 0 : i32
    %dma_wait3A_774 = tpu.memref_slice %arg6[%arg0, %add3A_769, %dma_wait3A_773] : memref<2x10000x128xf32, #tpu.memory_space<hbm>> -> memref<1x80x128xf32, #tpu.memory_space<hbm>>
    %dma_wait3A_775 = tpu.memref_squeeze %dma_wait3A_774 : memref<1x80x128xf32, #tpu.memory_space<hbm>> -> memref<80x128xf32, #tpu.memory_space<hbm>>
    %dma_wait3A_776 = arith.constant 0 : i32
    %dma_wait3A_777 = tpu.memref_slice %arg6[%arg0, %add3A_769, %dma_wait3A_776] : memref<2x10000x128xf32, #tpu.memory_space<hbm>> -> memref<1x80x128xf32, #tpu.memory_space<hbm>>
    %dma_wait3A_778 = tpu.memref_squeeze %dma_wait3A_777 : memref<1x80x128xf32, #tpu.memory_space<hbm>> -> memref<80x128xf32, #tpu.memory_space<hbm>>
    %dma_wait3A_779 = arith.constant 0 : i32
    %dma_wait3A_780 = arith.constant 0 : i32
    %dma_wait3A_781 = tpu.memref_slice %arg10[%dma_wait3A_779, %dma_wait3A_780] : memref<80x128xf32, #tpu.memory_space<vmem>> -> memref<80x128xf32, #tpu.memory_space<vmem>>
    tpu.wait_dma2 semaphore(%arg15 : memref<!tpu.dma_semaphore, #tpu.memory_space<semaphore_mem>>) src(%dma_wait3A_781 : memref<80x128xf32, #tpu.memory_space<vmem>>) dst(%dma_wait3A_778 : memref<80x128xf32, #tpu.memory_space<hbm>>)
    %mul3A_782 = arith.constant 624 : i32
    %mul3A_783 = arith.muli %arg1, %mul3A_782 : i32
    %add3A_784 = arith.constant 560 : i32
    %add3A_785 = arith.addi %mul3A_783, %add3A_784 : i32
    "tpu.region"() ({
      %run_scoped3A_839 = tpu.sem_alloc : memref<!tpu.dma_semaphore, #tpu.memory_space<semaphore_mem>>
      %dma_start3A_840 = arith.constant 0 : i32
      %dma_start3A_841 = arith.constant 0 : i32
      %dma_start3A_842 = tpu.memref_slice %arg10[%dma_start3A_840, %dma_start3A_841] : memref<80x128xf32, #tpu.memory_space<vmem>> -> memref<64x128xf32, #tpu.memory_space<vmem>>
      %dma_start3A_843 = arith.constant 0 : i32
      %dma_start3A_844 = tpu.memref_slice %arg11[%add3A_785, %dma_start3A_843] : memref<10000x128xf32, #tpu.memory_space<vmem_shared>> -> memref<64x128xf32, #tpu.memory_space<vmem_shared>>
      %dma_start3A_845 = arith.constant 0 : i32
      %dma_start3A_846 = arith.constant 0 : i32
      %dma_start3A_847 = tpu.memref_slice %arg10[%dma_start3A_845, %dma_start3A_846] : memref<80x128xf32, #tpu.memory_space<vmem>> -> memref<64x128xf32, #tpu.memory_space<vmem>>
      %dma_start3A_848 = arith.constant 0 : i32
      %dma_start3A_849 = tpu.memref_slice %arg11[%add3A_785, %dma_start3A_848] : memref<10000x128xf32, #tpu.memory_space<vmem_shared>> -> memref<64x128xf32, #tpu.memory_space<vmem_shared>>
      tpu.enqueue_dma source(%dma_start3A_849 : memref<64x128xf32, #tpu.memory_space<vmem_shared>>) target(%dma_start3A_847 : memref<64x128xf32, #tpu.memory_space<vmem>>) target_semaphore(%run_scoped3A_839 : memref<!tpu.dma_semaphore, #tpu.memory_space<semaphore_mem>>)
      %dma_wait3A_850 = arith.constant 0 : i32
      %dma_wait3A_851 = arith.constant 0 : i32
      %dma_wait3A_852 = tpu.memref_slice %arg10[%dma_wait3A_850, %dma_wait3A_851] : memref<80x128xf32, #tpu.memory_space<vmem>> -> memref<64x128xf32, #tpu.memory_space<vmem>>
      %dma_wait3A_853 = arith.constant 0 : i32
      %dma_wait3A_854 = tpu.memref_slice %arg11[%add3A_785, %dma_wait3A_853] : memref<10000x128xf32, #tpu.memory_space<vmem_shared>> -> memref<64x128xf32, #tpu.memory_space<vmem_shared>>
      %dma_wait3A_855 = arith.constant 0 : i32
      %dma_wait3A_856 = arith.constant 0 : i32
      %dma_wait3A_857 = tpu.memref_slice %arg10[%dma_wait3A_855, %dma_wait3A_856] : memref<80x128xf32, #tpu.memory_space<vmem>> -> memref<64x128xf32, #tpu.memory_space<vmem>>
      %dma_wait3A_858 = arith.constant 0 : i32
      %dma_wait3A_859 = tpu.memref_slice %arg11[%add3A_785, %dma_wait3A_858] : memref<10000x128xf32, #tpu.memory_space<vmem_shared>> -> memref<64x128xf32, #tpu.memory_space<vmem_shared>>
      tpu.wait_dma2 semaphore(%run_scoped3A_839 : memref<!tpu.dma_semaphore, #tpu.memory_space<semaphore_mem>>) src(%dma_wait3A_859 : memref<64x128xf32, #tpu.memory_space<vmem_shared>>) dst(%dma_wait3A_857 : memref<64x128xf32, #tpu.memory_space<vmem>>)
      tpu.yield
    }) : () -> ()
    %mul3A_786 = arith.constant 624 : i32
    %mul3A_787 = arith.muli %arg1, %mul3A_786 : i32
    %add3A_788 = arith.constant 560 : i32
    %add3A_789 = arith.addi %mul3A_787, %add3A_788 : i32
    %dma_start3A_790 = arith.constant 0 : i32
    %dma_start3A_791 = arith.constant 0 : i32
    %dma_start3A_792 = tpu.memref_slice %arg10[%dma_start3A_790, %dma_start3A_791] : memref<80x128xf32, #tpu.memory_space<vmem>> -> memref<64x128xf32, #tpu.memory_space<vmem>>
    %dma_start3A_793 = arith.constant 0 : i32
    %dma_start3A_794 = tpu.memref_slice %arg6[%arg0, %add3A_789, %dma_start3A_793] : memref<2x10000x128xf32, #tpu.memory_space<hbm>> -> memref<1x64x128xf32, #tpu.memory_space<hbm>>
    %dma_start3A_795 = tpu.memref_squeeze %dma_start3A_794 : memref<1x64x128xf32, #tpu.memory_space<hbm>> -> memref<64x128xf32, #tpu.memory_space<hbm>>
    %dma_start3A_796 = arith.constant 0 : i32
    %dma_start3A_797 = tpu.memref_slice %arg6[%arg0, %add3A_789, %dma_start3A_796] : memref<2x10000x128xf32, #tpu.memory_space<hbm>> -> memref<1x64x128xf32, #tpu.memory_space<hbm>>
    %dma_start3A_798 = tpu.memref_squeeze %dma_start3A_797 : memref<1x64x128xf32, #tpu.memory_space<hbm>> -> memref<64x128xf32, #tpu.memory_space<hbm>>
    %dma_start3A_799 = arith.constant 0 : i32
    %dma_start3A_800 = arith.constant 0 : i32
    %dma_start3A_801 = tpu.memref_slice %arg10[%dma_start3A_799, %dma_start3A_800] : memref<80x128xf32, #tpu.memory_space<vmem>> -> memref<64x128xf32, #tpu.memory_space<vmem>>
    tpu.enqueue_dma source(%dma_start3A_801 : memref<64x128xf32, #tpu.memory_space<vmem>>) target(%dma_start3A_798 : memref<64x128xf32, #tpu.memory_space<hbm>>) target_semaphore(%arg15 : memref<!tpu.dma_semaphore, #tpu.memory_space<semaphore_mem>>)
    %mul3A_802 = arith.constant 624 : i32
    %mul3A_803 = arith.muli %arg1, %mul3A_802 : i32
    %add3A_804 = arith.constant 480 : i32
    %add3A_805 = arith.addi %mul3A_803, %add3A_804 : i32
    %dma_wait3A_806 = arith.constant 0 : i32
    %dma_wait3A_807 = arith.constant 0 : i32
    %dma_wait3A_808 = tpu.memref_slice %arg9[%dma_wait3A_806, %dma_wait3A_807] : memref<80x128xf32, #tpu.memory_space<vmem>> -> memref<80x128xf32, #tpu.memory_space<vmem>>
    %dma_wait3A_809 = arith.constant 0 : i32
    %dma_wait3A_810 = tpu.memref_slice %arg6[%arg0, %add3A_805, %dma_wait3A_809] : memref<2x10000x128xf32, #tpu.memory_space<hbm>> -> memref<1x80x128xf32, #tpu.memory_space<hbm>>
    %dma_wait3A_811 = tpu.memref_squeeze %dma_wait3A_810 : memref<1x80x128xf32, #tpu.memory_space<hbm>> -> memref<80x128xf32, #tpu.memory_space<hbm>>
    %dma_wait3A_812 = arith.constant 0 : i32
    %dma_wait3A_813 = tpu.memref_slice %arg6[%arg0, %add3A_805, %dma_wait3A_812] : memref<2x10000x128xf32, #tpu.memory_space<hbm>> -> memref<1x80x128xf32, #tpu.memory_space<hbm>>
    %dma_wait3A_814 = tpu.memref_squeeze %dma_wait3A_813 : memref<1x80x128xf32, #tpu.memory_space<hbm>> -> memref<80x128xf32, #tpu.memory_space<hbm>>
    %dma_wait3A_815 = arith.constant 0 : i32
    %dma_wait3A_816 = arith.constant 0 : i32
    %dma_wait3A_817 = tpu.memref_slice %arg9[%dma_wait3A_815, %dma_wait3A_816] : memref<80x128xf32, #tpu.memory_space<vmem>> -> memref<80x128xf32, #tpu.memory_space<vmem>>
    tpu.wait_dma2 semaphore(%arg14 : memref<!tpu.dma_semaphore, #tpu.memory_space<semaphore_mem>>) src(%dma_wait3A_817 : memref<80x128xf32, #tpu.memory_space<vmem>>) dst(%dma_wait3A_814 : memref<80x128xf32, #tpu.memory_space<hbm>>)
    %mul3A_818 = arith.constant 624 : i32
    %mul3A_819 = arith.muli %arg1, %mul3A_818 : i32
    %add3A_820 = arith.constant 560 : i32
    %add3A_821 = arith.addi %mul3A_819, %add3A_820 : i32
    %dma_wait3A_822 = arith.constant 0 : i32
    %dma_wait3A_823 = arith.constant 0 : i32
    %dma_wait3A_824 = tpu.memref_slice %arg10[%dma_wait3A_822, %dma_wait3A_823] : memref<80x128xf32, #tpu.memory_space<vmem>> -> memref<64x128xf32, #tpu.memory_space<vmem>>
    %dma_wait3A_825 = arith.constant 0 : i32
    %dma_wait3A_826 = tpu.memref_slice %arg6[%arg0, %add3A_821, %dma_wait3A_825] : memref<2x10000x128xf32, #tpu.memory_space<hbm>> -> memref<1x64x128xf32, #tpu.memory_space<hbm>>
    %dma_wait3A_827 = tpu.memref_squeeze %dma_wait3A_826 : memref<1x64x128xf32, #tpu.memory_space<hbm>> -> memref<64x128xf32, #tpu.memory_space<hbm>>
    %dma_wait3A_828 = arith.constant 0 : i32
    %dma_wait3A_829 = tpu.memref_slice %arg6[%arg0, %add3A_821, %dma_wait3A_828] : memref<2x10000x128xf32, #tpu.memory_space<hbm>> -> memref<1x64x128xf32, #tpu.memory_space<hbm>>
    %dma_wait3A_830 = tpu.memref_squeeze %dma_wait3A_829 : memref<1x64x128xf32, #tpu.memory_space<hbm>> -> memref<64x128xf32, #tpu.memory_space<hbm>>
    %dma_wait3A_831 = arith.constant 0 : i32
    %dma_wait3A_832 = arith.constant 0 : i32
    %dma_wait3A_833 = tpu.memref_slice %arg10[%dma_wait3A_831, %dma_wait3A_832] : memref<80x128xf32, #tpu.memory_space<vmem>> -> memref<64x128xf32, #tpu.memory_space<vmem>>
    tpu.wait_dma2 semaphore(%arg15 : memref<!tpu.dma_semaphore, #tpu.memory_space<semaphore_mem>>) src(%dma_wait3A_833 : memref<64x128xf32, #tpu.memory_space<vmem>>) dst(%dma_wait3A_830 : memref<64x128xf32, #tpu.memory_space<hbm>>)
    %eq3A_834 = arith.constant 0 : i32
    %eq3A_835 = arith.cmpi eq, %arg1, %eq3A_834 : i32
    %convert_element_type3A_836 = arith.extui %eq3A_835 : i1 to i32
    %cond3A_837 = arith.constant 0 : i32
    %cond3A_838 = arith.cmpi ne, %convert_element_type3A_836, %cond3A_837 : i32
    scf.if %cond3A_838 {
      "tpu.region"() ({
        %run_scoped3A_839 = tpu.sem_alloc : memref<!tpu.dma_semaphore, #tpu.memory_space<semaphore_mem>>
        %dma_start3A_840 = arith.constant 0 : i32
        %dma_start3A_841 = arith.constant 0 : i32
        %dma_start3A_842 = tpu.memref_slice %arg9[%dma_start3A_840, %dma_start3A_841] : memref<80x128xf32, #tpu.memory_space<vmem>> -> memref<16x128xf32, #tpu.memory_space<vmem>>
        %dma_start3A_843 = arith.constant 9984 : i32
        %dma_start3A_844 = arith.constant 0 : i32
        %dma_start3A_845 = tpu.memref_slice %arg11[%dma_start3A_843, %dma_start3A_844] : memref<10000x128xf32, #tpu.memory_space<vmem_shared>> -> memref<16x128xf32, #tpu.memory_space<vmem_shared>>
        %dma_start3A_846 = arith.constant 0 : i32
        %dma_start3A_847 = arith.constant 0 : i32
        %dma_start3A_848 = tpu.memref_slice %arg9[%dma_start3A_846, %dma_start3A_847] : memref<80x128xf32, #tpu.memory_space<vmem>> -> memref<16x128xf32, #tpu.memory_space<vmem>>
        %dma_start3A_849 = arith.constant 9984 : i32
        %dma_start3A_850 = arith.constant 0 : i32
        %dma_start3A_851 = tpu.memref_slice %arg11[%dma_start3A_849, %dma_start3A_850] : memref<10000x128xf32, #tpu.memory_space<vmem_shared>> -> memref<16x128xf32, #tpu.memory_space<vmem_shared>>
        tpu.enqueue_dma source(%dma_start3A_851 : memref<16x128xf32, #tpu.memory_space<vmem_shared>>) target(%dma_start3A_848 : memref<16x128xf32, #tpu.memory_space<vmem>>) target_semaphore(%run_scoped3A_839 : memref<!tpu.dma_semaphore, #tpu.memory_space<semaphore_mem>>)
        %dma_wait3A_852 = arith.constant 0 : i32
        %dma_wait3A_853 = arith.constant 0 : i32
        %dma_wait3A_854 = tpu.memref_slice %arg9[%dma_wait3A_852, %dma_wait3A_853] : memref<80x128xf32, #tpu.memory_space<vmem>> -> memref<16x128xf32, #tpu.memory_space<vmem>>
        %dma_wait3A_855 = arith.constant 9984 : i32
        %dma_wait3A_856 = arith.constant 0 : i32
        %dma_wait3A_857 = tpu.memref_slice %arg11[%dma_wait3A_855, %dma_wait3A_856] : memref<10000x128xf32, #tpu.memory_space<vmem_shared>> -> memref<16x128xf32, #tpu.memory_space<vmem_shared>>
        %dma_wait3A_858 = arith.constant 0 : i32
        %dma_wait3A_859 = arith.constant 0 : i32
        %dma_wait3A_860 = tpu.memref_slice %arg9[%dma_wait3A_858, %dma_wait3A_859] : memref<80x128xf32, #tpu.memory_space<vmem>> -> memref<16x128xf32, #tpu.memory_space<vmem>>
        %dma_wait3A_861 = arith.constant 9984 : i32
        %dma_wait3A_862 = arith.constant 0 : i32
        %dma_wait3A_863 = tpu.memref_slice %arg11[%dma_wait3A_861, %dma_wait3A_862] : memref<10000x128xf32, #tpu.memory_space<vmem_shared>> -> memref<16x128xf32, #tpu.memory_space<vmem_shared>>
        tpu.wait_dma2 semaphore(%run_scoped3A_839 : memref<!tpu.dma_semaphore, #tpu.memory_space<semaphore_mem>>) src(%dma_wait3A_863 : memref<16x128xf32, #tpu.memory_space<vmem_shared>>) dst(%dma_wait3A_860 : memref<16x128xf32, #tpu.memory_space<vmem>>)
        tpu.yield
      }) : () -> ()
      "tpu.region"() ({
        %run_scoped3A_839 = tpu.sem_alloc : memref<!tpu.dma_semaphore, #tpu.memory_space<semaphore_mem>>
        %dma_start3A_840 = arith.constant 0 : i32
        %dma_start3A_841 = arith.constant 0 : i32
        %dma_start3A_842 = tpu.memref_slice %arg9[%dma_start3A_840, %dma_start3A_841] : memref<80x128xf32, #tpu.memory_space<vmem>> -> memref<16x128xf32, #tpu.memory_space<vmem>>
        %dma_start3A_843 = arith.constant 9984 : i32
        %dma_start3A_844 = arith.constant 0 : i32
        %dma_start3A_845 = tpu.memref_slice %arg6[%arg0, %dma_start3A_843, %dma_start3A_844] : memref<2x10000x128xf32, #tpu.memory_space<hbm>> -> memref<1x16x128xf32, #tpu.memory_space<hbm>>
        %dma_start3A_846 = tpu.memref_squeeze %dma_start3A_845 : memref<1x16x128xf32, #tpu.memory_space<hbm>> -> memref<16x128xf32, #tpu.memory_space<hbm>>
        %dma_start3A_847 = arith.constant 9984 : i32
        %dma_start3A_848 = arith.constant 0 : i32
        %dma_start3A_849 = tpu.memref_slice %arg6[%arg0, %dma_start3A_847, %dma_start3A_848] : memref<2x10000x128xf32, #tpu.memory_space<hbm>> -> memref<1x16x128xf32, #tpu.memory_space<hbm>>
        %dma_start3A_850 = tpu.memref_squeeze %dma_start3A_849 : memref<1x16x128xf32, #tpu.memory_space<hbm>> -> memref<16x128xf32, #tpu.memory_space<hbm>>
        %dma_start3A_851 = arith.constant 0 : i32
        %dma_start3A_852 = arith.constant 0 : i32
        %dma_start3A_853 = tpu.memref_slice %arg9[%dma_start3A_851, %dma_start3A_852] : memref<80x128xf32, #tpu.memory_space<vmem>> -> memref<16x128xf32, #tpu.memory_space<vmem>>
        tpu.enqueue_dma source(%dma_start3A_853 : memref<16x128xf32, #tpu.memory_space<vmem>>) target(%dma_start3A_850 : memref<16x128xf32, #tpu.memory_space<hbm>>) target_semaphore(%run_scoped3A_839 : memref<!tpu.dma_semaphore, #tpu.memory_space<semaphore_mem>>)
        %dma_wait3A_854 = arith.constant 0 : i32
        %dma_wait3A_855 = arith.constant 0 : i32
        %dma_wait3A_856 = tpu.memref_slice %arg9[%dma_wait3A_854, %dma_wait3A_855] : memref<80x128xf32, #tpu.memory_space<vmem>> -> memref<16x128xf32, #tpu.memory_space<vmem>>
        %dma_wait3A_857 = arith.constant 9984 : i32
        %dma_wait3A_858 = arith.constant 0 : i32
        %dma_wait3A_859 = tpu.memref_slice %arg6[%arg0, %dma_wait3A_857, %dma_wait3A_858] : memref<2x10000x128xf32, #tpu.memory_space<hbm>> -> memref<1x16x128xf32, #tpu.memory_space<hbm>>
        %dma_wait3A_860 = tpu.memref_squeeze %dma_wait3A_859 : memref<1x16x128xf32, #tpu.memory_space<hbm>> -> memref<16x128xf32, #tpu.memory_space<hbm>>
        %dma_wait3A_861 = arith.constant 9984 : i32
        %dma_wait3A_862 = arith.constant 0 : i32
        %dma_wait3A_863 = tpu.memref_slice %arg6[%arg0, %dma_wait3A_861, %dma_wait3A_862] : memref<2x10000x128xf32, #tpu.memory_space<hbm>> -> memref<1x16x128xf32, #tpu.memory_space<hbm>>
        %dma_wait3A_864 = tpu.memref_squeeze %dma_wait3A_863 : memref<1x16x128xf32, #tpu.memory_space<hbm>> -> memref<16x128xf32, #tpu.memory_space<hbm>>
        %dma_wait3A_865 = arith.constant 0 : i32
        %dma_wait3A_866 = arith.constant 0 : i32
        %dma_wait3A_867 = tpu.memref_slice %arg9[%dma_wait3A_865, %dma_wait3A_866] : memref<80x128xf32, #tpu.memory_space<vmem>> -> memref<16x128xf32, #tpu.memory_space<vmem>>
        tpu.wait_dma2 semaphore(%run_scoped3A_839 : memref<!tpu.dma_semaphore, #tpu.memory_space<semaphore_mem>>) src(%dma_wait3A_867 : memref<16x128xf32, #tpu.memory_space<vmem>>) dst(%dma_wait3A_864 : memref<16x128xf32, #tpu.memory_space<hbm>>)
        tpu.yield
      }) : () -> ()
    } else {
    }
    return
  }
}

#map = affine_map<(d0, d1) -> (0, 0)>
#map1 = affine_map<(d0, d1) -> (0)>
#map2 = affine_map<(d0, d1) -> (0, 0, 0)>
module attributes {stable_mosaic.version = 14 : i64} {
  func.func @k(%arg0: i32, %arg1: i32, %arg2: memref<10000x128xf32, #tpu.memory_space<hbm>>, %arg3: memref<320000xi32, #tpu.memory_space<hbm>>, %arg4: memref<320000xi32, #tpu.memory_space<hbm>>, %arg5: memref<80x128xf32, #tpu.memory_space<hbm>>, %arg6: memref<2x10000x128xf32, #tpu.memory_space<hbm>>, %arg7: memref<320000xf32, #tpu.memory_space<hbm>>, %arg8: memref<2x2x80xi32, #tpu.memory_space<vmem>>, %arg9: memref<2x2x80xi32, #tpu.memory_space<vmem>>, %arg10: memref<80x128xf32, #tpu.memory_space<vmem>>, %arg11: memref<80x128xf32, #tpu.memory_space<vmem>>, %arg12: memref<10000x128xf32, #tpu.memory_space<vmem_shared>>, %arg13: memref<!tpu.dma_semaphore, #tpu.memory_space<semaphore_mem>>, %arg14: memref<!tpu.dma_semaphore, #tpu.memory_space<semaphore_mem>>, %arg15: memref<!tpu.dma_semaphore, #tpu.memory_space<semaphore_mem>>, %arg16: memref<!tpu.dma_semaphore, #tpu.memory_space<semaphore_mem>>, %arg17: memref<!tpu.dma_semaphore, #tpu.memory_space<semaphore_mem>>, %arg18: memref<!tpu.dma_semaphore, #tpu.memory_space<semaphore_mem>>, %arg19: memref<10000xf32, #tpu.memory_space<vmem>>) attributes {dimension_semantics = [#tpu.dimension_semantics<core_parallel>, #tpu.dimension_semantics<subcore_parallel>], iteration_bounds = array<i64: 2, 16>, scalar_prefetch = 0 : i64, scratch_operands = 12 : i64, tpu.core_type = #tpu.core_type<sc_vector_subcore>, window_params = [{transform_indices = #map}, {transform_indices = #map1}, {transform_indices = #map1}, {transform_indices = #map}, {transform_indices = #map2}, {transform_indices = #map1}]} {
    %mul3A = arith.constant 2 : i32
    %mul3A_0 = arith.muli %arg1, %mul3A : i32
    %add3A = arith.addi %mul3A_0, %arg0 : i32
    %mul3A_1 = arith.constant 10000 : i32
    %mul3A_2 = arith.muli %add3A, %mul3A_1 : i32
    %broadcast_in_dim3A = arith.constant 1.000000e+00 : f32
    %broadcast_in_dim3A_3 = vector.broadcast %broadcast_in_dim3A : f32 to vector<16xf32>
    "tpu.region"() ({
      %run_scoped3A_998 = tpu.sem_alloc : memref<!tpu.dma_semaphore, #tpu.memory_space<semaphore_mem>>
      tpu.enqueue_dma source(%arg5 : memref<80x128xf32, #tpu.memory_space<hbm>>) target(%arg10 : memref<80x128xf32, #tpu.memory_space<vmem>>) target_semaphore(%run_scoped3A_998 : memref<!tpu.dma_semaphore, #tpu.memory_space<semaphore_mem>>)
      tpu.wait_dma2 semaphore(%run_scoped3A_998 : memref<!tpu.dma_semaphore, #tpu.memory_space<semaphore_mem>>) src(%arg5 : memref<80x128xf32, #tpu.memory_space<hbm>>) dst(%arg10 : memref<80x128xf32, #tpu.memory_space<vmem>>)
      tpu.yield
    }) : () -> ()
    %mul3A_4 = arith.constant 624 : i32
    %mul3A_5 = arith.muli %arg1, %mul3A_4 : i32
    %add3A_6 = arith.constant 0 : i32
    %add3A_7 = arith.addi %mul3A_5, %add3A_6 : i32
    %dma_start3A = arith.constant 0 : i32
    %dma_start3A_8 = arith.constant 0 : i32
    %dma_start3A_9 = tpu.memref_slice %arg10[%dma_start3A, %dma_start3A_8] : memref<80x128xf32, #tpu.memory_space<vmem>> -> memref<80x128xf32, #tpu.memory_space<vmem>>
    %dma_start3A_10 = arith.constant 0 : i32
    %dma_start3A_11 = tpu.memref_slice %arg12[%add3A_7, %dma_start3A_10] : memref<10000x128xf32, #tpu.memory_space<vmem_shared>> -> memref<80x128xf32, #tpu.memory_space<vmem_shared>>
    %dma_start3A_12 = arith.constant 0 : i32
    %dma_start3A_13 = tpu.memref_slice %arg12[%add3A_7, %dma_start3A_12] : memref<10000x128xf32, #tpu.memory_space<vmem_shared>> -> memref<80x128xf32, #tpu.memory_space<vmem_shared>>
    %dma_start3A_14 = arith.constant 0 : i32
    %dma_start3A_15 = arith.constant 0 : i32
    %dma_start3A_16 = tpu.memref_slice %arg10[%dma_start3A_14, %dma_start3A_15] : memref<80x128xf32, #tpu.memory_space<vmem>> -> memref<80x128xf32, #tpu.memory_space<vmem>>
    tpu.enqueue_dma source(%dma_start3A_16 : memref<80x128xf32, #tpu.memory_space<vmem>>) target(%dma_start3A_13 : memref<80x128xf32, #tpu.memory_space<vmem_shared>>) target_semaphore(%arg15 : memref<!tpu.dma_semaphore, #tpu.memory_space<semaphore_mem>>)
    %mul3A_17 = arith.constant 624 : i32
    %mul3A_18 = arith.muli %arg1, %mul3A_17 : i32
    %add3A_19 = arith.constant 80 : i32
    %add3A_20 = arith.addi %mul3A_18, %add3A_19 : i32
    %dma_start3A_21 = arith.constant 0 : i32
    %dma_start3A_22 = arith.constant 0 : i32
    %dma_start3A_23 = tpu.memref_slice %arg10[%dma_start3A_21, %dma_start3A_22] : memref<80x128xf32, #tpu.memory_space<vmem>> -> memref<80x128xf32, #tpu.memory_space<vmem>>
    %dma_start3A_24 = arith.constant 0 : i32
    %dma_start3A_25 = tpu.memref_slice %arg12[%add3A_20, %dma_start3A_24] : memref<10000x128xf32, #tpu.memory_space<vmem_shared>> -> memref<80x128xf32, #tpu.memory_space<vmem_shared>>
    %dma_start3A_26 = arith.constant 0 : i32
    %dma_start3A_27 = tpu.memref_slice %arg12[%add3A_20, %dma_start3A_26] : memref<10000x128xf32, #tpu.memory_space<vmem_shared>> -> memref<80x128xf32, #tpu.memory_space<vmem_shared>>
    %dma_start3A_28 = arith.constant 0 : i32
    %dma_start3A_29 = arith.constant 0 : i32
    %dma_start3A_30 = tpu.memref_slice %arg10[%dma_start3A_28, %dma_start3A_29] : memref<80x128xf32, #tpu.memory_space<vmem>> -> memref<80x128xf32, #tpu.memory_space<vmem>>
    tpu.enqueue_dma source(%dma_start3A_30 : memref<80x128xf32, #tpu.memory_space<vmem>>) target(%dma_start3A_27 : memref<80x128xf32, #tpu.memory_space<vmem_shared>>) target_semaphore(%arg15 : memref<!tpu.dma_semaphore, #tpu.memory_space<semaphore_mem>>)
    %mul3A_31 = arith.constant 624 : i32
    %mul3A_32 = arith.muli %arg1, %mul3A_31 : i32
    %add3A_33 = arith.constant 160 : i32
    %add3A_34 = arith.addi %mul3A_32, %add3A_33 : i32
    %dma_start3A_35 = arith.constant 0 : i32
    %dma_start3A_36 = arith.constant 0 : i32
    %dma_start3A_37 = tpu.memref_slice %arg10[%dma_start3A_35, %dma_start3A_36] : memref<80x128xf32, #tpu.memory_space<vmem>> -> memref<80x128xf32, #tpu.memory_space<vmem>>
    %dma_start3A_38 = arith.constant 0 : i32
    %dma_start3A_39 = tpu.memref_slice %arg12[%add3A_34, %dma_start3A_38] : memref<10000x128xf32, #tpu.memory_space<vmem_shared>> -> memref<80x128xf32, #tpu.memory_space<vmem_shared>>
    %dma_start3A_40 = arith.constant 0 : i32
    %dma_start3A_41 = tpu.memref_slice %arg12[%add3A_34, %dma_start3A_40] : memref<10000x128xf32, #tpu.memory_space<vmem_shared>> -> memref<80x128xf32, #tpu.memory_space<vmem_shared>>
    %dma_start3A_42 = arith.constant 0 : i32
    %dma_start3A_43 = arith.constant 0 : i32
    %dma_start3A_44 = tpu.memref_slice %arg10[%dma_start3A_42, %dma_start3A_43] : memref<80x128xf32, #tpu.memory_space<vmem>> -> memref<80x128xf32, #tpu.memory_space<vmem>>
    tpu.enqueue_dma source(%dma_start3A_44 : memref<80x128xf32, #tpu.memory_space<vmem>>) target(%dma_start3A_41 : memref<80x128xf32, #tpu.memory_space<vmem_shared>>) target_semaphore(%arg15 : memref<!tpu.dma_semaphore, #tpu.memory_space<semaphore_mem>>)
    %mul3A_45 = arith.constant 624 : i32
    %mul3A_46 = arith.muli %arg1, %mul3A_45 : i32
    %add3A_47 = arith.constant 240 : i32
    %add3A_48 = arith.addi %mul3A_46, %add3A_47 : i32
    %dma_start3A_49 = arith.constant 0 : i32
    %dma_start3A_50 = arith.constant 0 : i32
    %dma_start3A_51 = tpu.memref_slice %arg10[%dma_start3A_49, %dma_start3A_50] : memref<80x128xf32, #tpu.memory_space<vmem>> -> memref<80x128xf32, #tpu.memory_space<vmem>>
    %dma_start3A_52 = arith.constant 0 : i32
    %dma_start3A_53 = tpu.memref_slice %arg12[%add3A_48, %dma_start3A_52] : memref<10000x128xf32, #tpu.memory_space<vmem_shared>> -> memref<80x128xf32, #tpu.memory_space<vmem_shared>>
    %dma_start3A_54 = arith.constant 0 : i32
    %dma_start3A_55 = tpu.memref_slice %arg12[%add3A_48, %dma_start3A_54] : memref<10000x128xf32, #tpu.memory_space<vmem_shared>> -> memref<80x128xf32, #tpu.memory_space<vmem_shared>>
    %dma_start3A_56 = arith.constant 0 : i32
    %dma_start3A_57 = arith.constant 0 : i32
    %dma_start3A_58 = tpu.memref_slice %arg10[%dma_start3A_56, %dma_start3A_57] : memref<80x128xf32, #tpu.memory_space<vmem>> -> memref<80x128xf32, #tpu.memory_space<vmem>>
    tpu.enqueue_dma source(%dma_start3A_58 : memref<80x128xf32, #tpu.memory_space<vmem>>) target(%dma_start3A_55 : memref<80x128xf32, #tpu.memory_space<vmem_shared>>) target_semaphore(%arg15 : memref<!tpu.dma_semaphore, #tpu.memory_space<semaphore_mem>>)
    %mul3A_59 = arith.constant 624 : i32
    %mul3A_60 = arith.muli %arg1, %mul3A_59 : i32
    %add3A_61 = arith.constant 320 : i32
    %add3A_62 = arith.addi %mul3A_60, %add3A_61 : i32
    %dma_start3A_63 = arith.constant 0 : i32
    %dma_start3A_64 = arith.constant 0 : i32
    %dma_start3A_65 = tpu.memref_slice %arg10[%dma_start3A_63, %dma_start3A_64] : memref<80x128xf32, #tpu.memory_space<vmem>> -> memref<80x128xf32, #tpu.memory_space<vmem>>
    %dma_start3A_66 = arith.constant 0 : i32
    %dma_start3A_67 = tpu.memref_slice %arg12[%add3A_62, %dma_start3A_66] : memref<10000x128xf32, #tpu.memory_space<vmem_shared>> -> memref<80x128xf32, #tpu.memory_space<vmem_shared>>
    %dma_start3A_68 = arith.constant 0 : i32
    %dma_start3A_69 = tpu.memref_slice %arg12[%add3A_62, %dma_start3A_68] : memref<10000x128xf32, #tpu.memory_space<vmem_shared>> -> memref<80x128xf32, #tpu.memory_space<vmem_shared>>
    %dma_start3A_70 = arith.constant 0 : i32
    %dma_start3A_71 = arith.constant 0 : i32
    %dma_start3A_72 = tpu.memref_slice %arg10[%dma_start3A_70, %dma_start3A_71] : memref<80x128xf32, #tpu.memory_space<vmem>> -> memref<80x128xf32, #tpu.memory_space<vmem>>
    tpu.enqueue_dma source(%dma_start3A_72 : memref<80x128xf32, #tpu.memory_space<vmem>>) target(%dma_start3A_69 : memref<80x128xf32, #tpu.memory_space<vmem_shared>>) target_semaphore(%arg15 : memref<!tpu.dma_semaphore, #tpu.memory_space<semaphore_mem>>)
    %mul3A_73 = arith.constant 624 : i32
    %mul3A_74 = arith.muli %arg1, %mul3A_73 : i32
    %add3A_75 = arith.constant 400 : i32
    %add3A_76 = arith.addi %mul3A_74, %add3A_75 : i32
    %dma_start3A_77 = arith.constant 0 : i32
    %dma_start3A_78 = arith.constant 0 : i32
    %dma_start3A_79 = tpu.memref_slice %arg10[%dma_start3A_77, %dma_start3A_78] : memref<80x128xf32, #tpu.memory_space<vmem>> -> memref<80x128xf32, #tpu.memory_space<vmem>>
    %dma_start3A_80 = arith.constant 0 : i32
    %dma_start3A_81 = tpu.memref_slice %arg12[%add3A_76, %dma_start3A_80] : memref<10000x128xf32, #tpu.memory_space<vmem_shared>> -> memref<80x128xf32, #tpu.memory_space<vmem_shared>>
    %dma_start3A_82 = arith.constant 0 : i32
    %dma_start3A_83 = tpu.memref_slice %arg12[%add3A_76, %dma_start3A_82] : memref<10000x128xf32, #tpu.memory_space<vmem_shared>> -> memref<80x128xf32, #tpu.memory_space<vmem_shared>>
    %dma_start3A_84 = arith.constant 0 : i32
    %dma_start3A_85 = arith.constant 0 : i32
    %dma_start3A_86 = tpu.memref_slice %arg10[%dma_start3A_84, %dma_start3A_85] : memref<80x128xf32, #tpu.memory_space<vmem>> -> memref<80x128xf32, #tpu.memory_space<vmem>>
    tpu.enqueue_dma source(%dma_start3A_86 : memref<80x128xf32, #tpu.memory_space<vmem>>) target(%dma_start3A_83 : memref<80x128xf32, #tpu.memory_space<vmem_shared>>) target_semaphore(%arg15 : memref<!tpu.dma_semaphore, #tpu.memory_space<semaphore_mem>>)
    %mul3A_87 = arith.constant 624 : i32
    %mul3A_88 = arith.muli %arg1, %mul3A_87 : i32
    %add3A_89 = arith.constant 480 : i32
    %add3A_90 = arith.addi %mul3A_88, %add3A_89 : i32
    %dma_start3A_91 = arith.constant 0 : i32
    %dma_start3A_92 = arith.constant 0 : i32
    %dma_start3A_93 = tpu.memref_slice %arg10[%dma_start3A_91, %dma_start3A_92] : memref<80x128xf32, #tpu.memory_space<vmem>> -> memref<80x128xf32, #tpu.memory_space<vmem>>
    %dma_start3A_94 = arith.constant 0 : i32
    %dma_start3A_95 = tpu.memref_slice %arg12[%add3A_90, %dma_start3A_94] : memref<10000x128xf32, #tpu.memory_space<vmem_shared>> -> memref<80x128xf32, #tpu.memory_space<vmem_shared>>
    %dma_start3A_96 = arith.constant 0 : i32
    %dma_start3A_97 = tpu.memref_slice %arg12[%add3A_90, %dma_start3A_96] : memref<10000x128xf32, #tpu.memory_space<vmem_shared>> -> memref<80x128xf32, #tpu.memory_space<vmem_shared>>
    %dma_start3A_98 = arith.constant 0 : i32
    %dma_start3A_99 = arith.constant 0 : i32
    %dma_start3A_100 = tpu.memref_slice %arg10[%dma_start3A_98, %dma_start3A_99] : memref<80x128xf32, #tpu.memory_space<vmem>> -> memref<80x128xf32, #tpu.memory_space<vmem>>
    tpu.enqueue_dma source(%dma_start3A_100 : memref<80x128xf32, #tpu.memory_space<vmem>>) target(%dma_start3A_97 : memref<80x128xf32, #tpu.memory_space<vmem_shared>>) target_semaphore(%arg15 : memref<!tpu.dma_semaphore, #tpu.memory_space<semaphore_mem>>)
    %mul3A_101 = arith.constant 624 : i32
    %mul3A_102 = arith.muli %arg1, %mul3A_101 : i32
    %add3A_103 = arith.constant 560 : i32
    %add3A_104 = arith.addi %mul3A_102, %add3A_103 : i32
    %dma_start3A_105 = arith.constant 0 : i32
    %dma_start3A_106 = arith.constant 0 : i32
    %dma_start3A_107 = tpu.memref_slice %arg10[%dma_start3A_105, %dma_start3A_106] : memref<80x128xf32, #tpu.memory_space<vmem>> -> memref<64x128xf32, #tpu.memory_space<vmem>>
    %dma_start3A_108 = arith.constant 0 : i32
    %dma_start3A_109 = tpu.memref_slice %arg12[%add3A_104, %dma_start3A_108] : memref<10000x128xf32, #tpu.memory_space<vmem_shared>> -> memref<64x128xf32, #tpu.memory_space<vmem_shared>>
    %dma_start3A_110 = arith.constant 0 : i32
    %dma_start3A_111 = tpu.memref_slice %arg12[%add3A_104, %dma_start3A_110] : memref<10000x128xf32, #tpu.memory_space<vmem_shared>> -> memref<64x128xf32, #tpu.memory_space<vmem_shared>>
    %dma_start3A_112 = arith.constant 0 : i32
    %dma_start3A_113 = arith.constant 0 : i32
    %dma_start3A_114 = tpu.memref_slice %arg10[%dma_start3A_112, %dma_start3A_113] : memref<80x128xf32, #tpu.memory_space<vmem>> -> memref<64x128xf32, #tpu.memory_space<vmem>>
    tpu.enqueue_dma source(%dma_start3A_114 : memref<64x128xf32, #tpu.memory_space<vmem>>) target(%dma_start3A_111 : memref<64x128xf32, #tpu.memory_space<vmem_shared>>) target_semaphore(%arg15 : memref<!tpu.dma_semaphore, #tpu.memory_space<semaphore_mem>>)
    %eq3A = arith.constant 0 : i32
    %eq3A_115 = arith.cmpi eq, %arg1, %eq3A : i32
    %convert_element_type3A = arith.extui %eq3A_115 : i1 to i32
    %cond3A = arith.constant 0 : i32
    %cond3A_116 = arith.cmpi ne, %convert_element_type3A, %cond3A : i32
    scf.if %cond3A_116 {
      %dma_start3A_998 = arith.constant 0 : i32
      %dma_start3A_999 = arith.constant 0 : i32
      %dma_start3A_1000 = tpu.memref_slice %arg10[%dma_start3A_998, %dma_start3A_999] : memref<80x128xf32, #tpu.memory_space<vmem>> -> memref<16x128xf32, #tpu.memory_space<vmem>>
      %dma_start3A_1001 = arith.constant 9984 : i32
      %dma_start3A_1002 = arith.constant 0 : i32
      %dma_start3A_1003 = tpu.memref_slice %arg12[%dma_start3A_1001, %dma_start3A_1002] : memref<10000x128xf32, #tpu.memory_space<vmem_shared>> -> memref<16x128xf32, #tpu.memory_space<vmem_shared>>
      %dma_start3A_1004 = arith.constant 9984 : i32
      %dma_start3A_1005 = arith.constant 0 : i32
      %dma_start3A_1006 = tpu.memref_slice %arg12[%dma_start3A_1004, %dma_start3A_1005] : memref<10000x128xf32, #tpu.memory_space<vmem_shared>> -> memref<16x128xf32, #tpu.memory_space<vmem_shared>>
      %dma_start3A_1007 = arith.constant 0 : i32
      %dma_start3A_1008 = arith.constant 0 : i32
      %dma_start3A_1009 = tpu.memref_slice %arg10[%dma_start3A_1007, %dma_start3A_1008] : memref<80x128xf32, #tpu.memory_space<vmem>> -> memref<16x128xf32, #tpu.memory_space<vmem>>
      tpu.enqueue_dma source(%dma_start3A_1009 : memref<16x128xf32, #tpu.memory_space<vmem>>) target(%dma_start3A_1006 : memref<16x128xf32, #tpu.memory_space<vmem_shared>>) target_semaphore(%arg15 : memref<!tpu.dma_semaphore, #tpu.memory_space<semaphore_mem>>)
    } else {
    }
    %broadcast_in_dim3A_117 = arith.constant 0.000000e+00 : f32
    %broadcast_in_dim3A_118 = vector.broadcast %broadcast_in_dim3A_117 : f32 to vector<16xf32>
    %scan3A = arith.constant 0 : i32
    %scan3A_119 = arith.constant 0 : i32
    %scan3A_120 = arith.constant 625 : i32
    %scan3A_121 = arith.addi %scan3A_119, %scan3A_120 : i32
    %scan3A_122 = arith.constant 1 : i32
    scf.for %scan3A_998 = %scan3A_119 to %scan3A_121 step %scan3A_122  : i32 {
      %mul3A_999 = arith.constant 16 : i32
      %mul3A_1000 = arith.muli %scan3A_998, %mul3A_999 : i32
      %swap3A = arith.index_cast %mul3A_1000 : i32 to index
      %swap3A_1001 = tpu.vector_load %arg19[%swap3A] {strides = array<i32>} : memref<10000xf32, #tpu.memory_space<vmem>>, vector<16xf32>,
      tpu.vector_store %arg19[%swap3A], %broadcast_in_dim3A_118 {strides = array<i32>} : memref<10000xf32, #tpu.memory_space<vmem>>, vector<16xf32>,
    }
    %scan3A_123 = arith.constant 625 : i32
    %mul3A_124 = arith.constant 624 : i32
    %mul3A_125 = arith.muli %arg1, %mul3A_124 : i32
    %add3A_126 = arith.constant 0 : i32
    %add3A_127 = arith.addi %mul3A_125, %add3A_126 : i32
    %dma_wait3A = arith.constant 0 : i32
    %dma_wait3A_128 = arith.constant 0 : i32
    %dma_wait3A_129 = tpu.memref_slice %arg10[%dma_wait3A, %dma_wait3A_128] : memref<80x128xf32, #tpu.memory_space<vmem>> -> memref<80x128xf32, #tpu.memory_space<vmem>>
    %dma_wait3A_130 = arith.constant 0 : i32
    %dma_wait3A_131 = tpu.memref_slice %arg12[%add3A_127, %dma_wait3A_130] : memref<10000x128xf32, #tpu.memory_space<vmem_shared>> -> memref<80x128xf32, #tpu.memory_space<vmem_shared>>
    %dma_wait3A_132 = arith.constant 0 : i32
    %dma_wait3A_133 = tpu.memref_slice %arg12[%add3A_127, %dma_wait3A_132] : memref<10000x128xf32, #tpu.memory_space<vmem_shared>> -> memref<80x128xf32, #tpu.memory_space<vmem_shared>>
    %dma_wait3A_134 = arith.constant 0 : i32
    %dma_wait3A_135 = arith.constant 0 : i32
    %dma_wait3A_136 = tpu.memref_slice %arg10[%dma_wait3A_134, %dma_wait3A_135] : memref<80x128xf32, #tpu.memory_space<vmem>> -> memref<80x128xf32, #tpu.memory_space<vmem>>
    tpu.wait_dma2 semaphore(%arg15 : memref<!tpu.dma_semaphore, #tpu.memory_space<semaphore_mem>>) src(%dma_wait3A_136 : memref<80x128xf32, #tpu.memory_space<vmem>>) dst(%dma_wait3A_133 : memref<80x128xf32, #tpu.memory_space<vmem_shared>>)
    %mul3A_137 = arith.constant 624 : i32
    %mul3A_138 = arith.muli %arg1, %mul3A_137 : i32
    %add3A_139 = arith.constant 80 : i32
    %add3A_140 = arith.addi %mul3A_138, %add3A_139 : i32
    %dma_wait3A_141 = arith.constant 0 : i32
    %dma_wait3A_142 = arith.constant 0 : i32
    %dma_wait3A_143 = tpu.memref_slice %arg10[%dma_wait3A_141, %dma_wait3A_142] : memref<80x128xf32, #tpu.memory_space<vmem>> -> memref<80x128xf32, #tpu.memory_space<vmem>>
    %dma_wait3A_144 = arith.constant 0 : i32
    %dma_wait3A_145 = tpu.memref_slice %arg12[%add3A_140, %dma_wait3A_144] : memref<10000x128xf32, #tpu.memory_space<vmem_shared>> -> memref<80x128xf32, #tpu.memory_space<vmem_shared>>
    %dma_wait3A_146 = arith.constant 0 : i32
    %dma_wait3A_147 = tpu.memref_slice %arg12[%add3A_140, %dma_wait3A_146] : memref<10000x128xf32, #tpu.memory_space<vmem_shared>> -> memref<80x128xf32, #tpu.memory_space<vmem_shared>>
    %dma_wait3A_148 = arith.constant 0 : i32
    %dma_wait3A_149 = arith.constant 0 : i32
    %dma_wait3A_150 = tpu.memref_slice %arg10[%dma_wait3A_148, %dma_wait3A_149] : memref<80x128xf32, #tpu.memory_space<vmem>> -> memref<80x128xf32, #tpu.memory_space<vmem>>
    tpu.wait_dma2 semaphore(%arg15 : memref<!tpu.dma_semaphore, #tpu.memory_space<semaphore_mem>>) src(%dma_wait3A_150 : memref<80x128xf32, #tpu.memory_space<vmem>>) dst(%dma_wait3A_147 : memref<80x128xf32, #tpu.memory_space<vmem_shared>>)
    %mul3A_151 = arith.constant 624 : i32
    %mul3A_152 = arith.muli %arg1, %mul3A_151 : i32
    %add3A_153 = arith.constant 160 : i32
    %add3A_154 = arith.addi %mul3A_152, %add3A_153 : i32
    %dma_wait3A_155 = arith.constant 0 : i32
    %dma_wait3A_156 = arith.constant 0 : i32
    %dma_wait3A_157 = tpu.memref_slice %arg10[%dma_wait3A_155, %dma_wait3A_156] : memref<80x128xf32, #tpu.memory_space<vmem>> -> memref<80x128xf32, #tpu.memory_space<vmem>>
    %dma_wait3A_158 = arith.constant 0 : i32
    %dma_wait3A_159 = tpu.memref_slice %arg12[%add3A_154, %dma_wait3A_158] : memref<10000x128xf32, #tpu.memory_space<vmem_shared>> -> memref<80x128xf32, #tpu.memory_space<vmem_shared>>
    %dma_wait3A_160 = arith.constant 0 : i32
    %dma_wait3A_161 = tpu.memref_slice %arg12[%add3A_154, %dma_wait3A_160] : memref<10000x128xf32, #tpu.memory_space<vmem_shared>> -> memref<80x128xf32, #tpu.memory_space<vmem_shared>>
    %dma_wait3A_162 = arith.constant 0 : i32
    %dma_wait3A_163 = arith.constant 0 : i32
    %dma_wait3A_164 = tpu.memref_slice %arg10[%dma_wait3A_162, %dma_wait3A_163] : memref<80x128xf32, #tpu.memory_space<vmem>> -> memref<80x128xf32, #tpu.memory_space<vmem>>
    tpu.wait_dma2 semaphore(%arg15 : memref<!tpu.dma_semaphore, #tpu.memory_space<semaphore_mem>>) src(%dma_wait3A_164 : memref<80x128xf32, #tpu.memory_space<vmem>>) dst(%dma_wait3A_161 : memref<80x128xf32, #tpu.memory_space<vmem_shared>>)
    %mul3A_165 = arith.constant 624 : i32
    %mul3A_166 = arith.muli %arg1, %mul3A_165 : i32
    %add3A_167 = arith.constant 240 : i32
    %add3A_168 = arith.addi %mul3A_166, %add3A_167 : i32
    %dma_wait3A_169 = arith.constant 0 : i32
    %dma_wait3A_170 = arith.constant 0 : i32
    %dma_wait3A_171 = tpu.memref_slice %arg10[%dma_wait3A_169, %dma_wait3A_170] : memref<80x128xf32, #tpu.memory_space<vmem>> -> memref<80x128xf32, #tpu.memory_space<vmem>>
    %dma_wait3A_172 = arith.constant 0 : i32
    %dma_wait3A_173 = tpu.memref_slice %arg12[%add3A_168, %dma_wait3A_172] : memref<10000x128xf32, #tpu.memory_space<vmem_shared>> -> memref<80x128xf32, #tpu.memory_space<vmem_shared>>
    %dma_wait3A_174 = arith.constant 0 : i32
    %dma_wait3A_175 = tpu.memref_slice %arg12[%add3A_168, %dma_wait3A_174] : memref<10000x128xf32, #tpu.memory_space<vmem_shared>> -> memref<80x128xf32, #tpu.memory_space<vmem_shared>>
    %dma_wait3A_176 = arith.constant 0 : i32
    %dma_wait3A_177 = arith.constant 0 : i32
    %dma_wait3A_178 = tpu.memref_slice %arg10[%dma_wait3A_176, %dma_wait3A_177] : memref<80x128xf32, #tpu.memory_space<vmem>> -> memref<80x128xf32, #tpu.memory_space<vmem>>
    tpu.wait_dma2 semaphore(%arg15 : memref<!tpu.dma_semaphore, #tpu.memory_space<semaphore_mem>>) src(%dma_wait3A_178 : memref<80x128xf32, #tpu.memory_space<vmem>>) dst(%dma_wait3A_175 : memref<80x128xf32, #tpu.memory_space<vmem_shared>>)
    %mul3A_179 = arith.constant 624 : i32
    %mul3A_180 = arith.muli %arg1, %mul3A_179 : i32
    %add3A_181 = arith.constant 320 : i32
    %add3A_182 = arith.addi %mul3A_180, %add3A_181 : i32
    %dma_wait3A_183 = arith.constant 0 : i32
    %dma_wait3A_184 = arith.constant 0 : i32
    %dma_wait3A_185 = tpu.memref_slice %arg10[%dma_wait3A_183, %dma_wait3A_184] : memref<80x128xf32, #tpu.memory_space<vmem>> -> memref<80x128xf32, #tpu.memory_space<vmem>>
    %dma_wait3A_186 = arith.constant 0 : i32
    %dma_wait3A_187 = tpu.memref_slice %arg12[%add3A_182, %dma_wait3A_186] : memref<10000x128xf32, #tpu.memory_space<vmem_shared>> -> memref<80x128xf32, #tpu.memory_space<vmem_shared>>
    %dma_wait3A_188 = arith.constant 0 : i32
    %dma_wait3A_189 = tpu.memref_slice %arg12[%add3A_182, %dma_wait3A_188] : memref<10000x128xf32, #tpu.memory_space<vmem_shared>> -> memref<80x128xf32, #tpu.memory_space<vmem_shared>>
    %dma_wait3A_190 = arith.constant 0 : i32
    %dma_wait3A_191 = arith.constant 0 : i32
    %dma_wait3A_192 = tpu.memref_slice %arg10[%dma_wait3A_190, %dma_wait3A_191] : memref<80x128xf32, #tpu.memory_space<vmem>> -> memref<80x128xf32, #tpu.memory_space<vmem>>
    tpu.wait_dma2 semaphore(%arg15 : memref<!tpu.dma_semaphore, #tpu.memory_space<semaphore_mem>>) src(%dma_wait3A_192 : memref<80x128xf32, #tpu.memory_space<vmem>>) dst(%dma_wait3A_189 : memref<80x128xf32, #tpu.memory_space<vmem_shared>>)
    %mul3A_193 = arith.constant 624 : i32
    %mul3A_194 = arith.muli %arg1, %mul3A_193 : i32
    %add3A_195 = arith.constant 400 : i32
    %add3A_196 = arith.addi %mul3A_194, %add3A_195 : i32
    %dma_wait3A_197 = arith.constant 0 : i32
    %dma_wait3A_198 = arith.constant 0 : i32
    %dma_wait3A_199 = tpu.memref_slice %arg10[%dma_wait3A_197, %dma_wait3A_198] : memref<80x128xf32, #tpu.memory_space<vmem>> -> memref<80x128xf32, #tpu.memory_space<vmem>>
    %dma_wait3A_200 = arith.constant 0 : i32
    %dma_wait3A_201 = tpu.memref_slice %arg12[%add3A_196, %dma_wait3A_200] : memref<10000x128xf32, #tpu.memory_space<vmem_shared>> -> memref<80x128xf32, #tpu.memory_space<vmem_shared>>
    %dma_wait3A_202 = arith.constant 0 : i32
    %dma_wait3A_203 = tpu.memref_slice %arg12[%add3A_196, %dma_wait3A_202] : memref<10000x128xf32, #tpu.memory_space<vmem_shared>> -> memref<80x128xf32, #tpu.memory_space<vmem_shared>>
    %dma_wait3A_204 = arith.constant 0 : i32
    %dma_wait3A_205 = arith.constant 0 : i32
    %dma_wait3A_206 = tpu.memref_slice %arg10[%dma_wait3A_204, %dma_wait3A_205] : memref<80x128xf32, #tpu.memory_space<vmem>> -> memref<80x128xf32, #tpu.memory_space<vmem>>
    tpu.wait_dma2 semaphore(%arg15 : memref<!tpu.dma_semaphore, #tpu.memory_space<semaphore_mem>>) src(%dma_wait3A_206 : memref<80x128xf32, #tpu.memory_space<vmem>>) dst(%dma_wait3A_203 : memref<80x128xf32, #tpu.memory_space<vmem_shared>>)
    %mul3A_207 = arith.constant 624 : i32
    %mul3A_208 = arith.muli %arg1, %mul3A_207 : i32
    %add3A_209 = arith.constant 480 : i32
    %add3A_210 = arith.addi %mul3A_208, %add3A_209 : i32
    %dma_wait3A_211 = arith.constant 0 : i32
    %dma_wait3A_212 = arith.constant 0 : i32
    %dma_wait3A_213 = tpu.memref_slice %arg10[%dma_wait3A_211, %dma_wait3A_212] : memref<80x128xf32, #tpu.memory_space<vmem>> -> memref<80x128xf32, #tpu.memory_space<vmem>>
    %dma_wait3A_214 = arith.constant 0 : i32
    %dma_wait3A_215 = tpu.memref_slice %arg12[%add3A_210, %dma_wait3A_214] : memref<10000x128xf32, #tpu.memory_space<vmem_shared>> -> memref<80x128xf32, #tpu.memory_space<vmem_shared>>
    %dma_wait3A_216 = arith.constant 0 : i32
    %dma_wait3A_217 = tpu.memref_slice %arg12[%add3A_210, %dma_wait3A_216] : memref<10000x128xf32, #tpu.memory_space<vmem_shared>> -> memref<80x128xf32, #tpu.memory_space<vmem_shared>>
    %dma_wait3A_218 = arith.constant 0 : i32
    %dma_wait3A_219 = arith.constant 0 : i32
    %dma_wait3A_220 = tpu.memref_slice %arg10[%dma_wait3A_218, %dma_wait3A_219] : memref<80x128xf32, #tpu.memory_space<vmem>> -> memref<80x128xf32, #tpu.memory_space<vmem>>
    tpu.wait_dma2 semaphore(%arg15 : memref<!tpu.dma_semaphore, #tpu.memory_space<semaphore_mem>>) src(%dma_wait3A_220 : memref<80x128xf32, #tpu.memory_space<vmem>>) dst(%dma_wait3A_217 : memref<80x128xf32, #tpu.memory_space<vmem_shared>>)
    %mul3A_221 = arith.constant 624 : i32
    %mul3A_222 = arith.muli %arg1, %mul3A_221 : i32
    %add3A_223 = arith.constant 560 : i32
    %add3A_224 = arith.addi %mul3A_222, %add3A_223 : i32
    %dma_wait3A_225 = arith.constant 0 : i32
    %dma_wait3A_226 = arith.constant 0 : i32
    %dma_wait3A_227 = tpu.memref_slice %arg10[%dma_wait3A_225, %dma_wait3A_226] : memref<80x128xf32, #tpu.memory_space<vmem>> -> memref<64x128xf32, #tpu.memory_space<vmem>>
    %dma_wait3A_228 = arith.constant 0 : i32
    %dma_wait3A_229 = tpu.memref_slice %arg12[%add3A_224, %dma_wait3A_228] : memref<10000x128xf32, #tpu.memory_space<vmem_shared>> -> memref<64x128xf32, #tpu.memory_space<vmem_shared>>
    %dma_wait3A_230 = arith.constant 0 : i32
    %dma_wait3A_231 = tpu.memref_slice %arg12[%add3A_224, %dma_wait3A_230] : memref<10000x128xf32, #tpu.memory_space<vmem_shared>> -> memref<64x128xf32, #tpu.memory_space<vmem_shared>>
    %dma_wait3A_232 = arith.constant 0 : i32
    %dma_wait3A_233 = arith.constant 0 : i32
    %dma_wait3A_234 = tpu.memref_slice %arg10[%dma_wait3A_232, %dma_wait3A_233] : memref<80x128xf32, #tpu.memory_space<vmem>> -> memref<64x128xf32, #tpu.memory_space<vmem>>
    tpu.wait_dma2 semaphore(%arg15 : memref<!tpu.dma_semaphore, #tpu.memory_space<semaphore_mem>>) src(%dma_wait3A_234 : memref<64x128xf32, #tpu.memory_space<vmem>>) dst(%dma_wait3A_231 : memref<64x128xf32, #tpu.memory_space<vmem_shared>>)
    %eq3A_235 = arith.constant 0 : i32
    %eq3A_236 = arith.cmpi eq, %arg1, %eq3A_235 : i32
    %convert_element_type3A_237 = arith.extui %eq3A_236 : i1 to i32
    %cond3A_238 = arith.constant 0 : i32
    %cond3A_239 = arith.cmpi ne, %convert_element_type3A_237, %cond3A_238 : i32
    scf.if %cond3A_239 {
      %dma_wait3A_998 = arith.constant 0 : i32
      %dma_wait3A_999 = arith.constant 0 : i32
      %dma_wait3A_1000 = tpu.memref_slice %arg10[%dma_wait3A_998, %dma_wait3A_999] : memref<80x128xf32, #tpu.memory_space<vmem>> -> memref<16x128xf32, #tpu.memory_space<vmem>>
      %dma_wait3A_1001 = arith.constant 9984 : i32
      %dma_wait3A_1002 = arith.constant 0 : i32
      %dma_wait3A_1003 = tpu.memref_slice %arg12[%dma_wait3A_1001, %dma_wait3A_1002] : memref<10000x128xf32, #tpu.memory_space<vmem_shared>> -> memref<16x128xf32, #tpu.memory_space<vmem_shared>>
      %dma_wait3A_1004 = arith.constant 9984 : i32
      %dma_wait3A_1005 = arith.constant 0 : i32
      %dma_wait3A_1006 = tpu.memref_slice %arg12[%dma_wait3A_1004, %dma_wait3A_1005] : memref<10000x128xf32, #tpu.memory_space<vmem_shared>> -> memref<16x128xf32, #tpu.memory_space<vmem_shared>>
      %dma_wait3A_1007 = arith.constant 0 : i32
      %dma_wait3A_1008 = arith.constant 0 : i32
      %dma_wait3A_1009 = tpu.memref_slice %arg10[%dma_wait3A_1007, %dma_wait3A_1008] : memref<80x128xf32, #tpu.memory_space<vmem>> -> memref<16x128xf32, #tpu.memory_space<vmem>>
      tpu.wait_dma2 semaphore(%arg15 : memref<!tpu.dma_semaphore, #tpu.memory_space<semaphore_mem>>) src(%dma_wait3A_1009 : memref<16x128xf32, #tpu.memory_space<vmem>>) dst(%dma_wait3A_1006 : memref<16x128xf32, #tpu.memory_space<vmem_shared>>)
    } else {
    }
    %barrier3A = arith.constant 0 : index
    tpu.barrier barrier_id(%barrier3A)
    %add3A_240 = arith.constant 0 : i32
    %add3A_241 = arith.addi %mul3A_2, %add3A_240 : i32
    %add3A_242 = arith.constant 80 : i32
    %add3A_243 = arith.addi %add3A_241, %add3A_242 : i32
    %add3A_244 = arith.constant 80 : i32
    %add3A_245 = arith.addi %add3A_241, %add3A_244 : i32
    %run_scoped3A = arith.constant 0 : i32
    %run_scoped3A_246 = arith.constant 0 : i32
    "tpu.region"() ({
      %run_scoped3A_998 = tpu.sem_alloc : memref<!tpu.dma_semaphore, #tpu.memory_space<semaphore_mem>>
      %dma_start3A_999 = arith.constant 0 : i32
      %dma_start3A_1000 = tpu.memref_slice %arg8[%run_scoped3A, %run_scoped3A_246, %dma_start3A_999] : memref<2x2x80xi32, #tpu.memory_space<vmem>> -> memref<1x1x80xi32, #tpu.memory_space<vmem>>
      %dma_start3A_1001 = tpu.memref_squeeze %dma_start3A_1000 : memref<1x1x80xi32, #tpu.memory_space<vmem>> -> memref<80xi32, #tpu.memory_space<vmem>>
      %dma_start3A_1002 = tpu.memref_slice %arg3[%add3A_241] : memref<320000xi32, #tpu.memory_space<hbm>> -> memref<80xi32, #tpu.memory_space<hbm>>
      %dma_start3A_1003 = arith.constant 0 : i32
      %dma_start3A_1004 = tpu.memref_slice %arg8[%run_scoped3A, %run_scoped3A_246, %dma_start3A_1003] : memref<2x2x80xi32, #tpu.memory_space<vmem>> -> memref<1x1x80xi32, #tpu.memory_space<vmem>>
      %dma_start3A_1005 = tpu.memref_squeeze %dma_start3A_1004 : memref<1x1x80xi32, #tpu.memory_space<vmem>> -> memref<80xi32, #tpu.memory_space<vmem>>
      %dma_start3A_1006 = tpu.memref_slice %arg3[%add3A_241] : memref<320000xi32, #tpu.memory_space<hbm>> -> memref<80xi32, #tpu.memory_space<hbm>>
      tpu.enqueue_dma source(%dma_start3A_1006 : memref<80xi32, #tpu.memory_space<hbm>>) target(%dma_start3A_1005 : memref<80xi32, #tpu.memory_space<vmem>>) target_semaphore(%run_scoped3A_998 : memref<!tpu.dma_semaphore, #tpu.memory_space<semaphore_mem>>)
      %dma_wait3A_1007 = arith.constant 0 : i32
      %dma_wait3A_1008 = tpu.memref_slice %arg8[%run_scoped3A, %run_scoped3A_246, %dma_wait3A_1007] : memref<2x2x80xi32, #tpu.memory_space<vmem>> -> memref<1x1x80xi32, #tpu.memory_space<vmem>>
      %dma_wait3A_1009 = tpu.memref_squeeze %dma_wait3A_1008 : memref<1x1x80xi32, #tpu.memory_space<vmem>> -> memref<80xi32, #tpu.memory_space<vmem>>
      %dma_wait3A_1010 = tpu.memref_slice %arg3[%add3A_241] : memref<320000xi32, #tpu.memory_space<hbm>> -> memref<80xi32, #tpu.memory_space<hbm>>
      %dma_wait3A_1011 = arith.constant 0 : i32
      %dma_wait3A_1012 = tpu.memref_slice %arg8[%run_scoped3A, %run_scoped3A_246, %dma_wait3A_1011] : memref<2x2x80xi32, #tpu.memory_space<vmem>> -> memref<1x1x80xi32, #tpu.memory_space<vmem>>
      %dma_wait3A_1013 = tpu.memref_squeeze %dma_wait3A_1012 : memref<1x1x80xi32, #tpu.memory_space<vmem>> -> memref<80xi32, #tpu.memory_space<vmem>>
      %dma_wait3A_1014 = tpu.memref_slice %arg3[%add3A_241] : memref<320000xi32, #tpu.memory_space<hbm>> -> memref<80xi32, #tpu.memory_space<hbm>>
      tpu.wait_dma2 semaphore(%run_scoped3A_998 : memref<!tpu.dma_semaphore, #tpu.memory_space<semaphore_mem>>) src(%dma_wait3A_1014 : memref<80xi32, #tpu.memory_space<hbm>>) dst(%dma_wait3A_1013 : memref<80xi32, #tpu.memory_space<vmem>>)
      tpu.yield
    }) : () -> ()
    %run_scoped3A_247 = arith.constant 0 : i32
    %run_scoped3A_248 = arith.constant 1 : i32
    "tpu.region"() ({
      %run_scoped3A_998 = tpu.sem_alloc : memref<!tpu.dma_semaphore, #tpu.memory_space<semaphore_mem>>
      %dma_start3A_999 = arith.constant 0 : i32
      %dma_start3A_1000 = tpu.memref_slice %arg8[%run_scoped3A_247, %run_scoped3A_248, %dma_start3A_999] : memref<2x2x80xi32, #tpu.memory_space<vmem>> -> memref<1x1x80xi32, #tpu.memory_space<vmem>>
      %dma_start3A_1001 = tpu.memref_squeeze %dma_start3A_1000 : memref<1x1x80xi32, #tpu.memory_space<vmem>> -> memref<80xi32, #tpu.memory_space<vmem>>
      %dma_start3A_1002 = tpu.memref_slice %arg4[%add3A_241] : memref<320000xi32, #tpu.memory_space<hbm>> -> memref<80xi32, #tpu.memory_space<hbm>>
      %dma_start3A_1003 = arith.constant 0 : i32
      %dma_start3A_1004 = tpu.memref_slice %arg8[%run_scoped3A_247, %run_scoped3A_248, %dma_start3A_1003] : memref<2x2x80xi32, #tpu.memory_space<vmem>> -> memref<1x1x80xi32, #tpu.memory_space<vmem>>
      %dma_start3A_1005 = tpu.memref_squeeze %dma_start3A_1004 : memref<1x1x80xi32, #tpu.memory_space<vmem>> -> memref<80xi32, #tpu.memory_space<vmem>>
      %dma_start3A_1006 = tpu.memref_slice %arg4[%add3A_241] : memref<320000xi32, #tpu.memory_space<hbm>> -> memref<80xi32, #tpu.memory_space<hbm>>
      tpu.enqueue_dma source(%dma_start3A_1006 : memref<80xi32, #tpu.memory_space<hbm>>) target(%dma_start3A_1005 : memref<80xi32, #tpu.memory_space<vmem>>) target_semaphore(%run_scoped3A_998 : memref<!tpu.dma_semaphore, #tpu.memory_space<semaphore_mem>>)
      %dma_wait3A_1007 = arith.constant 0 : i32
      %dma_wait3A_1008 = tpu.memref_slice %arg8[%run_scoped3A_247, %run_scoped3A_248, %dma_wait3A_1007] : memref<2x2x80xi32, #tpu.memory_space<vmem>> -> memref<1x1x80xi32, #tpu.memory_space<vmem>>
      %dma_wait3A_1009 = tpu.memref_squeeze %dma_wait3A_1008 : memref<1x1x80xi32, #tpu.memory_space<vmem>> -> memref<80xi32, #tpu.memory_space<vmem>>
      %dma_wait3A_1010 = tpu.memref_slice %arg4[%add3A_241] : memref<320000xi32, #tpu.memory_space<hbm>> -> memref<80xi32, #tpu.memory_space<hbm>>
      %dma_wait3A_1011 = arith.constant 0 : i32
      %dma_wait3A_1012 = tpu.memref_slice %arg8[%run_scoped3A_247, %run_scoped3A_248, %dma_wait3A_1011] : memref<2x2x80xi32, #tpu.memory_space<vmem>> -> memref<1x1x80xi32, #tpu.memory_space<vmem>>
      %dma_wait3A_1013 = tpu.memref_squeeze %dma_wait3A_1012 : memref<1x1x80xi32, #tpu.memory_space<vmem>> -> memref<80xi32, #tpu.memory_space<vmem>>
      %dma_wait3A_1014 = tpu.memref_slice %arg4[%add3A_241] : memref<320000xi32, #tpu.memory_space<hbm>> -> memref<80xi32, #tpu.memory_space<hbm>>
      tpu.wait_dma2 semaphore(%run_scoped3A_998 : memref<!tpu.dma_semaphore, #tpu.memory_space<semaphore_mem>>) src(%dma_wait3A_1014 : memref<80xi32, #tpu.memory_space<hbm>>) dst(%dma_wait3A_1013 : memref<80xi32, #tpu.memory_space<vmem>>)
      tpu.yield
    }) : () -> ()
    %run_scoped3A_249 = arith.constant 1 : i32
    %run_scoped3A_250 = arith.constant 0 : i32
    "tpu.region"() ({
      %run_scoped3A_998 = tpu.sem_alloc : memref<!tpu.dma_semaphore, #tpu.memory_space<semaphore_mem>>
      %dma_start3A_999 = arith.constant 0 : i32
      %dma_start3A_1000 = tpu.memref_slice %arg8[%run_scoped3A_249, %run_scoped3A_250, %dma_start3A_999] : memref<2x2x80xi32, #tpu.memory_space<vmem>> -> memref<1x1x80xi32, #tpu.memory_space<vmem>>
      %dma_start3A_1001 = tpu.memref_squeeze %dma_start3A_1000 : memref<1x1x80xi32, #tpu.memory_space<vmem>> -> memref<80xi32, #tpu.memory_space<vmem>>
      %dma_start3A_1002 = tpu.memref_slice %arg3[%add3A_243] : memref<320000xi32, #tpu.memory_space<hbm>> -> memref<80xi32, #tpu.memory_space<hbm>>
      %dma_start3A_1003 = arith.constant 0 : i32
      %dma_start3A_1004 = tpu.memref_slice %arg8[%run_scoped3A_249, %run_scoped3A_250, %dma_start3A_1003] : memref<2x2x80xi32, #tpu.memory_space<vmem>> -> memref<1x1x80xi32, #tpu.memory_space<vmem>>
      %dma_start3A_1005 = tpu.memref_squeeze %dma_start3A_1004 : memref<1x1x80xi32, #tpu.memory_space<vmem>> -> memref<80xi32, #tpu.memory_space<vmem>>
      %dma_start3A_1006 = tpu.memref_slice %arg3[%add3A_243] : memref<320000xi32, #tpu.memory_space<hbm>> -> memref<80xi32, #tpu.memory_space<hbm>>
      tpu.enqueue_dma source(%dma_start3A_1006 : memref<80xi32, #tpu.memory_space<hbm>>) target(%dma_start3A_1005 : memref<80xi32, #tpu.memory_space<vmem>>) target_semaphore(%run_scoped3A_998 : memref<!tpu.dma_semaphore, #tpu.memory_space<semaphore_mem>>)
      %dma_wait3A_1007 = arith.constant 0 : i32
      %dma_wait3A_1008 = tpu.memref_slice %arg8[%run_scoped3A_249, %run_scoped3A_250, %dma_wait3A_1007] : memref<2x2x80xi32, #tpu.memory_space<vmem>> -> memref<1x1x80xi32, #tpu.memory_space<vmem>>
      %dma_wait3A_1009 = tpu.memref_squeeze %dma_wait3A_1008 : memref<1x1x80xi32, #tpu.memory_space<vmem>> -> memref<80xi32, #tpu.memory_space<vmem>>
      %dma_wait3A_1010 = tpu.memref_slice %arg3[%add3A_243] : memref<320000xi32, #tpu.memory_space<hbm>> -> memref<80xi32, #tpu.memory_space<hbm>>
      %dma_wait3A_1011 = arith.constant 0 : i32
      %dma_wait3A_1012 = tpu.memref_slice %arg8[%run_scoped3A_249, %run_scoped3A_250, %dma_wait3A_1011] : memref<2x2x80xi32, #tpu.memory_space<vmem>> -> memref<1x1x80xi32, #tpu.memory_space<vmem>>
      %dma_wait3A_1013 = tpu.memref_squeeze %dma_wait3A_1012 : memref<1x1x80xi32, #tpu.memory_space<vmem>> -> memref<80xi32, #tpu.memory_space<vmem>>
      %dma_wait3A_1014 = tpu.memref_slice %arg3[%add3A_243] : memref<320000xi32, #tpu.memory_space<hbm>> -> memref<80xi32, #tpu.memory_space<hbm>>
      tpu.wait_dma2 semaphore(%run_scoped3A_998 : memref<!tpu.dma_semaphore, #tpu.memory_space<semaphore_mem>>) src(%dma_wait3A_1014 : memref<80xi32, #tpu.memory_space<hbm>>) dst(%dma_wait3A_1013 : memref<80xi32, #tpu.memory_space<vmem>>)
      tpu.yield
    }) : () -> ()
    %run_scoped3A_251 = arith.constant 1 : i32
    %run_scoped3A_252 = arith.constant 1 : i32
    "tpu.region"() ({
      %run_scoped3A_998 = tpu.sem_alloc : memref<!tpu.dma_semaphore, #tpu.memory_space<semaphore_mem>>
      %dma_start3A_999 = arith.constant 0 : i32
      %dma_start3A_1000 = tpu.memref_slice %arg8[%run_scoped3A_251, %run_scoped3A_252, %dma_start3A_999] : memref<2x2x80xi32, #tpu.memory_space<vmem>> -> memref<1x1x80xi32, #tpu.memory_space<vmem>>
      %dma_start3A_1001 = tpu.memref_squeeze %dma_start3A_1000 : memref<1x1x80xi32, #tpu.memory_space<vmem>> -> memref<80xi32, #tpu.memory_space<vmem>>
      %dma_start3A_1002 = tpu.memref_slice %arg4[%add3A_245] : memref<320000xi32, #tpu.memory_space<hbm>> -> memref<80xi32, #tpu.memory_space<hbm>>
      %dma_start3A_1003 = arith.constant 0 : i32
      %dma_start3A_1004 = tpu.memref_slice %arg8[%run_scoped3A_251, %run_scoped3A_252, %dma_start3A_1003] : memref<2x2x80xi32, #tpu.memory_space<vmem>> -> memref<1x1x80xi32, #tpu.memory_space<vmem>>
      %dma_start3A_1005 = tpu.memref_squeeze %dma_start3A_1004 : memref<1x1x80xi32, #tpu.memory_space<vmem>> -> memref<80xi32, #tpu.memory_space<vmem>>
      %dma_start3A_1006 = tpu.memref_slice %arg4[%add3A_245] : memref<320000xi32, #tpu.memory_space<hbm>> -> memref<80xi32, #tpu.memory_space<hbm>>
      tpu.enqueue_dma source(%dma_start3A_1006 : memref<80xi32, #tpu.memory_space<hbm>>) target(%dma_start3A_1005 : memref<80xi32, #tpu.memory_space<vmem>>) target_semaphore(%run_scoped3A_998 : memref<!tpu.dma_semaphore, #tpu.memory_space<semaphore_mem>>)
      %dma_wait3A_1007 = arith.constant 0 : i32
      %dma_wait3A_1008 = tpu.memref_slice %arg8[%run_scoped3A_251, %run_scoped3A_252, %dma_wait3A_1007] : memref<2x2x80xi32, #tpu.memory_space<vmem>> -> memref<1x1x80xi32, #tpu.memory_space<vmem>>
      %dma_wait3A_1009 = tpu.memref_squeeze %dma_wait3A_1008 : memref<1x1x80xi32, #tpu.memory_space<vmem>> -> memref<80xi32, #tpu.memory_space<vmem>>
      %dma_wait3A_1010 = tpu.memref_slice %arg4[%add3A_245] : memref<320000xi32, #tpu.memory_space<hbm>> -> memref<80xi32, #tpu.memory_space<hbm>>
      %dma_wait3A_1011 = arith.constant 0 : i32
      %dma_wait3A_1012 = tpu.memref_slice %arg8[%run_scoped3A_251, %run_scoped3A_252, %dma_wait3A_1011] : memref<2x2x80xi32, #tpu.memory_space<vmem>> -> memref<1x1x80xi32, #tpu.memory_space<vmem>>
      %dma_wait3A_1013 = tpu.memref_squeeze %dma_wait3A_1012 : memref<1x1x80xi32, #tpu.memory_space<vmem>> -> memref<80xi32, #tpu.memory_space<vmem>>
      %dma_wait3A_1014 = tpu.memref_slice %arg4[%add3A_245] : memref<320000xi32, #tpu.memory_space<hbm>> -> memref<80xi32, #tpu.memory_space<hbm>>
      tpu.wait_dma2 semaphore(%run_scoped3A_998 : memref<!tpu.dma_semaphore, #tpu.memory_space<semaphore_mem>>) src(%dma_wait3A_1014 : memref<80xi32, #tpu.memory_space<hbm>>) dst(%dma_wait3A_1013 : memref<80xi32, #tpu.memory_space<vmem>>)
      tpu.yield
    }) : () -> ()
    %add3A_253 = arith.constant 160 : i32
    %add3A_254 = arith.addi %mul3A_2, %add3A_253 : i32
    %add3A_255 = arith.constant 80 : i32
    %add3A_256 = arith.addi %add3A_254, %add3A_255 : i32
    %add3A_257 = arith.constant 80 : i32
    %add3A_258 = arith.addi %add3A_254, %add3A_257 : i32
    %dma_start3A_259 = arith.constant 0 : i32
    %dma_start3A_260 = arith.constant 0 : i32
    %dma_start3A_261 = arith.constant 0 : i32
    %dma_start3A_262 = tpu.memref_slice %arg9[%dma_start3A_259, %dma_start3A_260, %dma_start3A_261] : memref<2x2x80xi32, #tpu.memory_space<vmem>> -> memref<1x1x80xi32, #tpu.memory_space<vmem>>
    %dma_start3A_263 = tpu.memref_squeeze %dma_start3A_262 : memref<1x1x80xi32, #tpu.memory_space<vmem>> -> memref<80xi32, #tpu.memory_space<vmem>>
    %dma_start3A_264 = tpu.memref_slice %arg3[%add3A_254] : memref<320000xi32, #tpu.memory_space<hbm>> -> memref<80xi32, #tpu.memory_space<hbm>>
    %dma_start3A_265 = arith.constant 0 : i32
    %dma_start3A_266 = tpu.memref_slice %arg9[%dma_start3A_259, %dma_start3A_260, %dma_start3A_265] : memref<2x2x80xi32, #tpu.memory_space<vmem>> -> memref<1x1x80xi32, #tpu.memory_space<vmem>>
    %dma_start3A_267 = tpu.memref_squeeze %dma_start3A_266 : memref<1x1x80xi32, #tpu.memory_space<vmem>> -> memref<80xi32, #tpu.memory_space<vmem>>
    %dma_start3A_268 = tpu.memref_slice %arg3[%add3A_254] : memref<320000xi32, #tpu.memory_space<hbm>> -> memref<80xi32, #tpu.memory_space<hbm>>
    tpu.enqueue_dma source(%dma_start3A_268 : memref<80xi32, #tpu.memory_space<hbm>>) target(%dma_start3A_267 : memref<80xi32, #tpu.memory_space<vmem>>) target_semaphore(%arg14 : memref<!tpu.dma_semaphore, #tpu.memory_space<semaphore_mem>>)
    %dma_start3A_269 = arith.constant 0 : i32
    %dma_start3A_270 = arith.constant 1 : i32
    %dma_start3A_271 = arith.constant 0 : i32
    %dma_start3A_272 = tpu.memref_slice %arg9[%dma_start3A_269, %dma_start3A_270, %dma_start3A_271] : memref<2x2x80xi32, #tpu.memory_space<vmem>> -> memref<1x1x80xi32, #tpu.memory_space<vmem>>
    %dma_start3A_273 = tpu.memref_squeeze %dma_start3A_272 : memref<1x1x80xi32, #tpu.memory_space<vmem>> -> memref<80xi32, #tpu.memory_space<vmem>>
    %dma_start3A_274 = tpu.memref_slice %arg4[%add3A_254] : memref<320000xi32, #tpu.memory_space<hbm>> -> memref<80xi32, #tpu.memory_space<hbm>>
    %dma_start3A_275 = arith.constant 0 : i32
    %dma_start3A_276 = tpu.memref_slice %arg9[%dma_start3A_269, %dma_start3A_270, %dma_start3A_275] : memref<2x2x80xi32, #tpu.memory_space<vmem>> -> memref<1x1x80xi32, #tpu.memory_space<vmem>>
    %dma_start3A_277 = tpu.memref_squeeze %dma_start3A_276 : memref<1x1x80xi32, #tpu.memory_space<vmem>> -> memref<80xi32, #tpu.memory_space<vmem>>
    %dma_start3A_278 = tpu.memref_slice %arg4[%add3A_254] : memref<320000xi32, #tpu.memory_space<hbm>> -> memref<80xi32, #tpu.memory_space<hbm>>
    tpu.enqueue_dma source(%dma_start3A_278 : memref<80xi32, #tpu.memory_space<hbm>>) target(%dma_start3A_277 : memref<80xi32, #tpu.memory_space<vmem>>) target_semaphore(%arg14 : memref<!tpu.dma_semaphore, #tpu.memory_space<semaphore_mem>>)
    %dma_start3A_279 = arith.constant 1 : i32
    %dma_start3A_280 = arith.constant 0 : i32
    %dma_start3A_281 = arith.constant 0 : i32
    %dma_start3A_282 = tpu.memref_slice %arg9[%dma_start3A_279, %dma_start3A_280, %dma_start3A_281] : memref<2x2x80xi32, #tpu.memory_space<vmem>> -> memref<1x1x80xi32, #tpu.memory_space<vmem>>
    %dma_start3A_283 = tpu.memref_squeeze %dma_start3A_282 : memref<1x1x80xi32, #tpu.memory_space<vmem>> -> memref<80xi32, #tpu.memory_space<vmem>>
    %dma_start3A_284 = tpu.memref_slice %arg3[%add3A_256] : memref<320000xi32, #tpu.memory_space<hbm>> -> memref<80xi32, #tpu.memory_space<hbm>>
    %dma_start3A_285 = arith.constant 0 : i32
    %dma_start3A_286 = tpu.memref_slice %arg9[%dma_start3A_279, %dma_start3A_280, %dma_start3A_285] : memref<2x2x80xi32, #tpu.memory_space<vmem>> -> memref<1x1x80xi32, #tpu.memory_space<vmem>>
    %dma_start3A_287 = tpu.memref_squeeze %dma_start3A_286 : memref<1x1x80xi32, #tpu.memory_space<vmem>> -> memref<80xi32, #tpu.memory_space<vmem>>
    %dma_start3A_288 = tpu.memref_slice %arg3[%add3A_256] : memref<320000xi32, #tpu.memory_space<hbm>> -> memref<80xi32, #tpu.memory_space<hbm>>
    tpu.enqueue_dma source(%dma_start3A_288 : memref<80xi32, #tpu.memory_space<hbm>>) target(%dma_start3A_287 : memref<80xi32, #tpu.memory_space<vmem>>) target_semaphore(%arg14 : memref<!tpu.dma_semaphore, #tpu.memory_space<semaphore_mem>>)
    %dma_start3A_289 = arith.constant 1 : i32
    %dma_start3A_290 = arith.constant 1 : i32
    %dma_start3A_291 = arith.constant 0 : i32
    %dma_start3A_292 = tpu.memref_slice %arg9[%dma_start3A_289, %dma_start3A_290, %dma_start3A_291] : memref<2x2x80xi32, #tpu.memory_space<vmem>> -> memref<1x1x80xi32, #tpu.memory_space<vmem>>
    %dma_start3A_293 = tpu.memref_squeeze %dma_start3A_292 : memref<1x1x80xi32, #tpu.memory_space<vmem>> -> memref<80xi32, #tpu.memory_space<vmem>>
    %dma_start3A_294 = tpu.memref_slice %arg4[%add3A_258] : memref<320000xi32, #tpu.memory_space<hbm>> -> memref<80xi32, #tpu.memory_space<hbm>>
    %dma_start3A_295 = arith.constant 0 : i32
    %dma_start3A_296 = tpu.memref_slice %arg9[%dma_start3A_289, %dma_start3A_290, %dma_start3A_295] : memref<2x2x80xi32, #tpu.memory_space<vmem>> -> memref<1x1x80xi32, #tpu.memory_space<vmem>>
    %dma_start3A_297 = tpu.memref_squeeze %dma_start3A_296 : memref<1x1x80xi32, #tpu.memory_space<vmem>> -> memref<80xi32, #tpu.memory_space<vmem>>
    %dma_start3A_298 = tpu.memref_slice %arg4[%add3A_258] : memref<320000xi32, #tpu.memory_space<hbm>> -> memref<80xi32, #tpu.memory_space<hbm>>
    tpu.enqueue_dma source(%dma_start3A_298 : memref<80xi32, #tpu.memory_space<hbm>>) target(%dma_start3A_297 : memref<80xi32, #tpu.memory_space<vmem>>) target_semaphore(%arg14 : memref<!tpu.dma_semaphore, #tpu.memory_space<semaphore_mem>>)
    %dma_start3A_299 = arith.constant 0 : i32
    %dma_start3A_300 = arith.constant 0 : i32
    %dma_start3A_301 = arith.constant 0 : i32
    %dma_start3A_302 = tpu.memref_slice %arg8[%dma_start3A_299, %dma_start3A_300, %dma_start3A_301] : memref<2x2x80xi32, #tpu.memory_space<vmem>> -> memref<1x1x80xi32, #tpu.memory_space<vmem>>
    %dma_start3A_303 = tpu.memref_squeeze %dma_start3A_302 : memref<1x1x80xi32, #tpu.memory_space<vmem>> -> memref<80xi32, #tpu.memory_space<vmem>>
    %dma_start3A_304 = arith.constant 0 : i32
    %dma_start3A_305 = arith.constant 0 : i32
    %dma_start3A_306 = tpu.memref_slice %arg2[%dma_start3A_304, %dma_start3A_305] : memref<10000x128xf32, #tpu.memory_space<hbm>> -> memref<10000x128xf32, #tpu.memory_space<hbm>>
    tpu.enqueue_indirect_dma source(%dma_start3A_306 : memref<10000x128xf32, #tpu.memory_space<hbm>>) target(%arg10 : memref<80x128xf32, #tpu.memory_space<vmem>>) offsets(%dma_start3A_303 : memref<80xi32, #tpu.memory_space<vmem>>) semaphore(%arg15 : memref<!tpu.dma_semaphore, #tpu.memory_space<semaphore_mem>>)
    %dma_start3A_307 = arith.constant 1 : i32
    %dma_start3A_308 = arith.constant 0 : i32
    %dma_start3A_309 = arith.constant 0 : i32
    %dma_start3A_310 = tpu.memref_slice %arg8[%dma_start3A_307, %dma_start3A_308, %dma_start3A_309] : memref<2x2x80xi32, #tpu.memory_space<vmem>> -> memref<1x1x80xi32, #tpu.memory_space<vmem>>
    %dma_start3A_311 = tpu.memref_squeeze %dma_start3A_310 : memref<1x1x80xi32, #tpu.memory_space<vmem>> -> memref<80xi32, #tpu.memory_space<vmem>>
    %dma_start3A_312 = arith.constant 0 : i32
    %dma_start3A_313 = arith.constant 0 : i32
    %dma_start3A_314 = tpu.memref_slice %arg2[%dma_start3A_312, %dma_start3A_313] : memref<10000x128xf32, #tpu.memory_space<hbm>> -> memref<10000x128xf32, #tpu.memory_space<hbm>>
    tpu.enqueue_indirect_dma source(%dma_start3A_314 : memref<10000x128xf32, #tpu.memory_space<hbm>>) target(%arg11 : memref<80x128xf32, #tpu.memory_space<vmem>>) offsets(%dma_start3A_311 : memref<80xi32, #tpu.memory_space<vmem>>) semaphore(%arg16 : memref<!tpu.dma_semaphore, #tpu.memory_space<semaphore_mem>>)
    %get3A = arith.constant 0 : i32
    %get3A_315 = arith.constant 1 : i32
    %get3A_316 = arith.index_cast %get3A : i32 to index
    %get3A_317 = arith.index_cast %get3A_315 : i32 to index
    %get3A_318 = arith.constant 0 : index
    %get3A_319 = tpu.vector_load %arg8[%get3A_316, %get3A_317, %get3A_318] {strides = array<i32>} : memref<2x2x80xi32, #tpu.memory_space<vmem>>, vector<16xi32>,
    tpu.vector_store_idx %arg19[%get3A_319], %broadcast_in_dim3A_3 {add = true} : memref<10000xf32, #tpu.memory_space<vmem>>[vector<16xi32>], vector<16xf32>,
    %get3A_320 = arith.constant 0 : i32
    %get3A_321 = arith.constant 1 : i32
    %get3A_322 = arith.index_cast %get3A_320 : i32 to index
    %get3A_323 = arith.index_cast %get3A_321 : i32 to index
    %get3A_324 = arith.constant 16 : index
    %get3A_325 = tpu.vector_load %arg8[%get3A_322, %get3A_323, %get3A_324] {strides = array<i32>} : memref<2x2x80xi32, #tpu.memory_space<vmem>>, vector<16xi32>,
    tpu.vector_store_idx %arg19[%get3A_325], %broadcast_in_dim3A_3 {add = true} : memref<10000xf32, #tpu.memory_space<vmem>>[vector<16xi32>], vector<16xf32>,
    %get3A_326 = arith.constant 0 : i32
    %get3A_327 = arith.constant 1 : i32
    %get3A_328 = arith.index_cast %get3A_326 : i32 to index
    %get3A_329 = arith.index_cast %get3A_327 : i32 to index
    %get3A_330 = arith.constant 32 : index
    %get3A_331 = tpu.vector_load %arg8[%get3A_328, %get3A_329, %get3A_330] {strides = array<i32>} : memref<2x2x80xi32, #tpu.memory_space<vmem>>, vector<16xi32>,
    tpu.vector_store_idx %arg19[%get3A_331], %broadcast_in_dim3A_3 {add = true} : memref<10000xf32, #tpu.memory_space<vmem>>[vector<16xi32>], vector<16xf32>,
    %get3A_332 = arith.constant 0 : i32
    %get3A_333 = arith.constant 1 : i32
    %get3A_334 = arith.index_cast %get3A_332 : i32 to index
    %get3A_335 = arith.index_cast %get3A_333 : i32 to index
    %get3A_336 = arith.constant 48 : index
    %get3A_337 = tpu.vector_load %arg8[%get3A_334, %get3A_335, %get3A_336] {strides = array<i32>} : memref<2x2x80xi32, #tpu.memory_space<vmem>>, vector<16xi32>,
    tpu.vector_store_idx %arg19[%get3A_337], %broadcast_in_dim3A_3 {add = true} : memref<10000xf32, #tpu.memory_space<vmem>>[vector<16xi32>], vector<16xf32>,
    %get3A_338 = arith.constant 0 : i32
    %get3A_339 = arith.constant 1 : i32
    %get3A_340 = arith.index_cast %get3A_338 : i32 to index
    %get3A_341 = arith.index_cast %get3A_339 : i32 to index
    %get3A_342 = arith.constant 64 : index
    %get3A_343 = tpu.vector_load %arg8[%get3A_340, %get3A_341, %get3A_342] {strides = array<i32>} : memref<2x2x80xi32, #tpu.memory_space<vmem>>, vector<16xi32>,
    tpu.vector_store_idx %arg19[%get3A_343], %broadcast_in_dim3A_3 {add = true} : memref<10000xf32, #tpu.memory_space<vmem>>[vector<16xi32>], vector<16xf32>,
    %get3A_344 = arith.constant 1 : i32
    %get3A_345 = arith.constant 1 : i32
    %get3A_346 = arith.index_cast %get3A_344 : i32 to index
    %get3A_347 = arith.index_cast %get3A_345 : i32 to index
    %get3A_348 = arith.constant 0 : index
    %get3A_349 = tpu.vector_load %arg8[%get3A_346, %get3A_347, %get3A_348] {strides = array<i32>} : memref<2x2x80xi32, #tpu.memory_space<vmem>>, vector<16xi32>,
    tpu.vector_store_idx %arg19[%get3A_349], %broadcast_in_dim3A_3 {add = true} : memref<10000xf32, #tpu.memory_space<vmem>>[vector<16xi32>], vector<16xf32>,
    %get3A_350 = arith.constant 1 : i32
    %get3A_351 = arith.constant 1 : i32
    %get3A_352 = arith.index_cast %get3A_350 : i32 to index
    %get3A_353 = arith.index_cast %get3A_351 : i32 to index
    %get3A_354 = arith.constant 16 : index
    %get3A_355 = tpu.vector_load %arg8[%get3A_352, %get3A_353, %get3A_354] {strides = array<i32>} : memref<2x2x80xi32, #tpu.memory_space<vmem>>, vector<16xi32>,
    tpu.vector_store_idx %arg19[%get3A_355], %broadcast_in_dim3A_3 {add = true} : memref<10000xf32, #tpu.memory_space<vmem>>[vector<16xi32>], vector<16xf32>,
    %get3A_356 = arith.constant 1 : i32
    %get3A_357 = arith.constant 1 : i32
    %get3A_358 = arith.index_cast %get3A_356 : i32 to index
    %get3A_359 = arith.index_cast %get3A_357 : i32 to index
    %get3A_360 = arith.constant 32 : index
    %get3A_361 = tpu.vector_load %arg8[%get3A_358, %get3A_359, %get3A_360] {strides = array<i32>} : memref<2x2x80xi32, #tpu.memory_space<vmem>>, vector<16xi32>,
    tpu.vector_store_idx %arg19[%get3A_361], %broadcast_in_dim3A_3 {add = true} : memref<10000xf32, #tpu.memory_space<vmem>>[vector<16xi32>], vector<16xf32>,
    %get3A_362 = arith.constant 1 : i32
    %get3A_363 = arith.constant 1 : i32
    %get3A_364 = arith.index_cast %get3A_362 : i32 to index
    %get3A_365 = arith.index_cast %get3A_363 : i32 to index
    %get3A_366 = arith.constant 48 : index
    %get3A_367 = tpu.vector_load %arg8[%get3A_364, %get3A_365, %get3A_366] {strides = array<i32>} : memref<2x2x80xi32, #tpu.memory_space<vmem>>, vector<16xi32>,
    tpu.vector_store_idx %arg19[%get3A_367], %broadcast_in_dim3A_3 {add = true} : memref<10000xf32, #tpu.memory_space<vmem>>[vector<16xi32>], vector<16xf32>,
    %get3A_368 = arith.constant 1 : i32
    %get3A_369 = arith.constant 1 : i32
    %get3A_370 = arith.index_cast %get3A_368 : i32 to index
    %get3A_371 = arith.index_cast %get3A_369 : i32 to index
    %get3A_372 = arith.constant 64 : index
    %get3A_373 = tpu.vector_load %arg8[%get3A_370, %get3A_371, %get3A_372] {strides = array<i32>} : memref<2x2x80xi32, #tpu.memory_space<vmem>>, vector<16xi32>,
    tpu.vector_store_idx %arg19[%get3A_373], %broadcast_in_dim3A_3 {add = true} : memref<10000xf32, #tpu.memory_space<vmem>>[vector<16xi32>], vector<16xf32>,
    %dma_wait3A_374 = arith.constant 0 : i32
    %dma_wait3A_375 = arith.constant 0 : i32
    %dma_wait3A_376 = arith.constant 0 : i32
    %dma_wait3A_377 = tpu.memref_slice %arg8[%dma_wait3A_374, %dma_wait3A_375, %dma_wait3A_376] : memref<2x2x80xi32, #tpu.memory_space<vmem>> -> memref<1x1x80xi32, #tpu.memory_space<vmem>>
    %dma_wait3A_378 = tpu.memref_squeeze %dma_wait3A_377 : memref<1x1x80xi32, #tpu.memory_space<vmem>> -> memref<80xi32, #tpu.memory_space<vmem>>
    %dma_wait3A_379 = arith.constant 0 : i32
    %dma_wait3A_380 = arith.constant 0 : i32
    %dma_wait3A_381 = tpu.memref_slice %arg2[%dma_wait3A_379, %dma_wait3A_380] : memref<10000x128xf32, #tpu.memory_space<hbm>> -> memref<10000x128xf32, #tpu.memory_space<hbm>>
    tpu.wait_indirect_dma semaphore(%arg15 : memref<!tpu.dma_semaphore, #tpu.memory_space<semaphore_mem>>) src(%dma_wait3A_381 : memref<10000x128xf32, #tpu.memory_space<hbm>>) dst(%arg10 : memref<80x128xf32, #tpu.memory_space<vmem>>)
    %dma_start3A_382 = arith.constant 0 : i32
    %dma_start3A_383 = arith.constant 1 : i32
    %dma_start3A_384 = arith.constant 0 : i32
    %dma_start3A_385 = tpu.memref_slice %arg8[%dma_start3A_382, %dma_start3A_383, %dma_start3A_384] : memref<2x2x80xi32, #tpu.memory_space<vmem>> -> memref<1x1x80xi32, #tpu.memory_space<vmem>>
    %dma_start3A_386 = tpu.memref_squeeze %dma_start3A_385 : memref<1x1x80xi32, #tpu.memory_space<vmem>> -> memref<80xi32, #tpu.memory_space<vmem>>
    %dma_start3A_387 = arith.constant 0 : i32
    %dma_start3A_388 = arith.constant 0 : i32
    %dma_start3A_389 = tpu.memref_slice %arg12[%dma_start3A_387, %dma_start3A_388] : memref<10000x128xf32, #tpu.memory_space<vmem_shared>> -> memref<10000x128xf32, #tpu.memory_space<vmem_shared>>
    tpu.enqueue_indirect_dma source(%arg10 : memref<80x128xf32, #tpu.memory_space<vmem>>) target(%dma_start3A_389 : memref<10000x128xf32, #tpu.memory_space<vmem_shared>>) offsets(%dma_start3A_386 : memref<80xi32, #tpu.memory_space<vmem>>) semaphore(%arg17 : memref<!tpu.dma_semaphore, #tpu.memory_space<semaphore_mem>>) {add = true}
    %dma_wait3A_390 = arith.constant 1 : i32
    %dma_wait3A_391 = arith.constant 0 : i32
    %dma_wait3A_392 = arith.constant 0 : i32
    %dma_wait3A_393 = tpu.memref_slice %arg8[%dma_wait3A_390, %dma_wait3A_391, %dma_wait3A_392] : memref<2x2x80xi32, #tpu.memory_space<vmem>> -> memref<1x1x80xi32, #tpu.memory_space<vmem>>
    %dma_wait3A_394 = tpu.memref_squeeze %dma_wait3A_393 : memref<1x1x80xi32, #tpu.memory_space<vmem>> -> memref<80xi32, #tpu.memory_space<vmem>>
    %dma_wait3A_395 = arith.constant 0 : i32
    %dma_wait3A_396 = arith.constant 0 : i32
    %dma_wait3A_397 = tpu.memref_slice %arg2[%dma_wait3A_395, %dma_wait3A_396] : memref<10000x128xf32, #tpu.memory_space<hbm>> -> memref<10000x128xf32, #tpu.memory_space<hbm>>
    tpu.wait_indirect_dma semaphore(%arg16 : memref<!tpu.dma_semaphore, #tpu.memory_space<semaphore_mem>>) src(%dma_wait3A_397 : memref<10000x128xf32, #tpu.memory_space<hbm>>) dst(%arg11 : memref<80x128xf32, #tpu.memory_space<vmem>>)
    %dma_start3A_398 = arith.constant 1 : i32
    %dma_start3A_399 = arith.constant 1 : i32
    %dma_start3A_400 = arith.constant 0 : i32
    %dma_start3A_401 = tpu.memref_slice %arg8[%dma_start3A_398, %dma_start3A_399, %dma_start3A_400] : memref<2x2x80xi32, #tpu.memory_space<vmem>> -> memref<1x1x80xi32, #tpu.memory_space<vmem>>
    %dma_start3A_402 = tpu.memref_squeeze %dma_start3A_401 : memref<1x1x80xi32, #tpu.memory_space<vmem>> -> memref<80xi32, #tpu.memory_space<vmem>>
    %dma_start3A_403 = arith.constant 0 : i32
    %dma_start3A_404 = arith.constant 0 : i32
    %dma_start3A_405 = tpu.memref_slice %arg12[%dma_start3A_403, %dma_start3A_404] : memref<10000x128xf32, #tpu.memory_space<vmem_shared>> -> memref<10000x128xf32, #tpu.memory_space<vmem_shared>>
    tpu.enqueue_indirect_dma source(%arg11 : memref<80x128xf32, #tpu.memory_space<vmem>>) target(%dma_start3A_405 : memref<10000x128xf32, #tpu.memory_space<vmem_shared>>) offsets(%dma_start3A_402 : memref<80xi32, #tpu.memory_space<vmem>>) semaphore(%arg18 : memref<!tpu.dma_semaphore, #tpu.memory_space<semaphore_mem>>) {add = true}
    %scan3A_406 = arith.constant 0 : i32
    %scan3A_407 = arith.constant 0 : i32
    %scan3A_408 = arith.constant 30 : i32
    %scan3A_409 = arith.addi %scan3A_407, %scan3A_408 : i32
    %scan3A_410 = arith.constant 1 : i32
    scf.for %scan3A_998 = %scan3A_407 to %scan3A_409 step %scan3A_410  : i32 {
      %mul3A_999 = arith.constant 2 : i32
      %mul3A_1000 = arith.muli %mul3A_999, %scan3A_998 : i32
      %add3A_1001 = arith.constant 1 : i32
      %add3A_1002 = arith.addi %mul3A_1000, %add3A_1001 : i32
      %mul3A_1003 = arith.constant 2 : i32
      %mul3A_1004 = arith.muli %mul3A_1003, %add3A_1002 : i32
      %mul3A_1005 = arith.constant 80 : i32
      %mul3A_1006 = arith.muli %mul3A_1004, %mul3A_1005 : i32
      %add3A_1007 = arith.addi %mul3A_2, %mul3A_1006 : i32
      %add3A_1008 = arith.constant 80 : i32
      %add3A_1009 = arith.addi %add3A_1007, %add3A_1008 : i32
      %add3A_1010 = arith.constant 80 : i32
      %add3A_1011 = arith.addi %add3A_1007, %add3A_1010 : i32
      %dma_wait3A_1012 = arith.constant 0 : i32
      %dma_wait3A_1013 = arith.constant 0 : i32
      %dma_wait3A_1014 = arith.constant 0 : i32
      %dma_wait3A_1015 = tpu.memref_slice %arg9[%dma_wait3A_1012, %dma_wait3A_1013, %dma_wait3A_1014] : memref<2x2x80xi32, #tpu.memory_space<vmem>> -> memref<1x1x80xi32, #tpu.memory_space<vmem>>
      %dma_wait3A_1016 = tpu.memref_squeeze %dma_wait3A_1015 : memref<1x1x80xi32, #tpu.memory_space<vmem>> -> memref<80xi32, #tpu.memory_space<vmem>>
      %dma_wait3A_1017 = tpu.memref_slice %arg3[%add3A_1007] : memref<320000xi32, #tpu.memory_space<hbm>> -> memref<80xi32, #tpu.memory_space<hbm>>
      %dma_wait3A_1018 = arith.constant 0 : i32
      %dma_wait3A_1019 = tpu.memref_slice %arg9[%dma_wait3A_1012, %dma_wait3A_1013, %dma_wait3A_1018] : memref<2x2x80xi32, #tpu.memory_space<vmem>> -> memref<1x1x80xi32, #tpu.memory_space<vmem>>
      %dma_wait3A_1020 = tpu.memref_squeeze %dma_wait3A_1019 : memref<1x1x80xi32, #tpu.memory_space<vmem>> -> memref<80xi32, #tpu.memory_space<vmem>>
      %dma_wait3A_1021 = tpu.memref_slice %arg3[%add3A_1007] : memref<320000xi32, #tpu.memory_space<hbm>> -> memref<80xi32, #tpu.memory_space<hbm>>
      tpu.wait_dma2 semaphore(%arg14 : memref<!tpu.dma_semaphore, #tpu.memory_space<semaphore_mem>>) src(%dma_wait3A_1021 : memref<80xi32, #tpu.memory_space<hbm>>) dst(%dma_wait3A_1020 : memref<80xi32, #tpu.memory_space<vmem>>)
      %dma_wait3A_1022 = arith.constant 0 : i32
      %dma_wait3A_1023 = arith.constant 1 : i32
      %dma_wait3A_1024 = arith.constant 0 : i32
      %dma_wait3A_1025 = tpu.memref_slice %arg9[%dma_wait3A_1022, %dma_wait3A_1023, %dma_wait3A_1024] : memref<2x2x80xi32, #tpu.memory_space<vmem>> -> memref<1x1x80xi32, #tpu.memory_space<vmem>>
      %dma_wait3A_1026 = tpu.memref_squeeze %dma_wait3A_1025 : memref<1x1x80xi32, #tpu.memory_space<vmem>> -> memref<80xi32, #tpu.memory_space<vmem>>
      %dma_wait3A_1027 = tpu.memref_slice %arg4[%add3A_1007] : memref<320000xi32, #tpu.memory_space<hbm>> -> memref<80xi32, #tpu.memory_space<hbm>>
      %dma_wait3A_1028 = arith.constant 0 : i32
      %dma_wait3A_1029 = tpu.memref_slice %arg9[%dma_wait3A_1022, %dma_wait3A_1023, %dma_wait3A_1028] : memref<2x2x80xi32, #tpu.memory_space<vmem>> -> memref<1x1x80xi32, #tpu.memory_space<vmem>>
      %dma_wait3A_1030 = tpu.memref_squeeze %dma_wait3A_1029 : memref<1x1x80xi32, #tpu.memory_space<vmem>> -> memref<80xi32, #tpu.memory_space<vmem>>
      %dma_wait3A_1031 = tpu.memref_slice %arg4[%add3A_1007] : memref<320000xi32, #tpu.memory_space<hbm>> -> memref<80xi32, #tpu.memory_space<hbm>>
      tpu.wait_dma2 semaphore(%arg14 : memref<!tpu.dma_semaphore, #tpu.memory_space<semaphore_mem>>) src(%dma_wait3A_1031 : memref<80xi32, #tpu.memory_space<hbm>>) dst(%dma_wait3A_1030 : memref<80xi32, #tpu.memory_space<vmem>>)
      %dma_wait3A_1032 = arith.constant 1 : i32
      %dma_wait3A_1033 = arith.constant 0 : i32
      %dma_wait3A_1034 = arith.constant 0 : i32
      %dma_wait3A_1035 = tpu.memref_slice %arg9[%dma_wait3A_1032, %dma_wait3A_1033, %dma_wait3A_1034] : memref<2x2x80xi32, #tpu.memory_space<vmem>> -> memref<1x1x80xi32, #tpu.memory_space<vmem>>
      %dma_wait3A_1036 = tpu.memref_squeeze %dma_wait3A_1035 : memref<1x1x80xi32, #tpu.memory_space<vmem>> -> memref<80xi32, #tpu.memory_space<vmem>>
      %dma_wait3A_1037 = tpu.memref_slice %arg3[%add3A_1009] : memref<320000xi32, #tpu.memory_space<hbm>> -> memref<80xi32, #tpu.memory_space<hbm>>
      %dma_wait3A_1038 = arith.constant 0 : i32
      %dma_wait3A_1039 = tpu.memref_slice %arg9[%dma_wait3A_1032, %dma_wait3A_1033, %dma_wait3A_1038] : memref<2x2x80xi32, #tpu.memory_space<vmem>> -> memref<1x1x80xi32, #tpu.memory_space<vmem>>
      %dma_wait3A_1040 = tpu.memref_squeeze %dma_wait3A_1039 : memref<1x1x80xi32, #tpu.memory_space<vmem>> -> memref<80xi32, #tpu.memory_space<vmem>>
      %dma_wait3A_1041 = tpu.memref_slice %arg3[%add3A_1009] : memref<320000xi32, #tpu.memory_space<hbm>> -> memref<80xi32, #tpu.memory_space<hbm>>
      tpu.wait_dma2 semaphore(%arg14 : memref<!tpu.dma_semaphore, #tpu.memory_space<semaphore_mem>>) src(%dma_wait3A_1041 : memref<80xi32, #tpu.memory_space<hbm>>) dst(%dma_wait3A_1040 : memref<80xi32, #tpu.memory_space<vmem>>)
      %dma_wait3A_1042 = arith.constant 1 : i32
      %dma_wait3A_1043 = arith.constant 1 : i32
      %dma_wait3A_1044 = arith.constant 0 : i32
      %dma_wait3A_1045 = tpu.memref_slice %arg9[%dma_wait3A_1042, %dma_wait3A_1043, %dma_wait3A_1044] : memref<2x2x80xi32, #tpu.memory_space<vmem>> -> memref<1x1x80xi32, #tpu.memory_space<vmem>>
      %dma_wait3A_1046 = tpu.memref_squeeze %dma_wait3A_1045 : memref<1x1x80xi32, #tpu.memory_space<vmem>> -> memref<80xi32, #tpu.memory_space<vmem>>
      %dma_wait3A_1047 = tpu.memref_slice %arg4[%add3A_1011] : memref<320000xi32, #tpu.memory_space<hbm>> -> memref<80xi32, #tpu.memory_space<hbm>>
      %dma_wait3A_1048 = arith.constant 0 : i32
      %dma_wait3A_1049 = tpu.memref_slice %arg9[%dma_wait3A_1042, %dma_wait3A_1043, %dma_wait3A_1048] : memref<2x2x80xi32, #tpu.memory_space<vmem>> -> memref<1x1x80xi32, #tpu.memory_space<vmem>>
      %dma_wait3A_1050 = tpu.memref_squeeze %dma_wait3A_1049 : memref<1x1x80xi32, #tpu.memory_space<vmem>> -> memref<80xi32, #tpu.memory_space<vmem>>
      %dma_wait3A_1051 = tpu.memref_slice %arg4[%add3A_1011] : memref<320000xi32, #tpu.memory_space<hbm>> -> memref<80xi32, #tpu.memory_space<hbm>>
      tpu.wait_dma2 semaphore(%arg14 : memref<!tpu.dma_semaphore, #tpu.memory_space<semaphore_mem>>) src(%dma_wait3A_1051 : memref<80xi32, #tpu.memory_space<hbm>>) dst(%dma_wait3A_1050 : memref<80xi32, #tpu.memory_space<vmem>>)
      %dma_wait3A_1052 = arith.constant 0 : i32
      %dma_wait3A_1053 = arith.constant 1 : i32
      %dma_wait3A_1054 = arith.constant 0 : i32
      %dma_wait3A_1055 = tpu.memref_slice %arg9[%dma_wait3A_1052, %dma_wait3A_1053, %dma_wait3A_1054] : memref<2x2x80xi32, #tpu.memory_space<vmem>> -> memref<1x1x80xi32, #tpu.memory_space<vmem>>
      %dma_wait3A_1056 = tpu.memref_squeeze %dma_wait3A_1055 : memref<1x1x80xi32, #tpu.memory_space<vmem>> -> memref<80xi32, #tpu.memory_space<vmem>>
      %dma_wait3A_1057 = arith.constant 0 : i32
      %dma_wait3A_1058 = arith.constant 0 : i32
      %dma_wait3A_1059 = tpu.memref_slice %arg12[%dma_wait3A_1057, %dma_wait3A_1058] : memref<10000x128xf32, #tpu.memory_space<vmem_shared>> -> memref<10000x128xf32, #tpu.memory_space<vmem_shared>>
      tpu.wait_indirect_dma semaphore(%arg17 : memref<!tpu.dma_semaphore, #tpu.memory_space<semaphore_mem>>) src(%arg10 : memref<80x128xf32, #tpu.memory_space<vmem>>) dst(%dma_wait3A_1059 : memref<10000x128xf32, #tpu.memory_space<vmem_shared>>)
      %dma_wait3A_1060 = arith.constant 1 : i32
      %dma_wait3A_1061 = arith.constant 1 : i32
      %dma_wait3A_1062 = arith.constant 0 : i32
      %dma_wait3A_1063 = tpu.memref_slice %arg9[%dma_wait3A_1060, %dma_wait3A_1061, %dma_wait3A_1062] : memref<2x2x80xi32, #tpu.memory_space<vmem>> -> memref<1x1x80xi32, #tpu.memory_space<vmem>>
      %dma_wait3A_1064 = tpu.memref_squeeze %dma_wait3A_1063 : memref<1x1x80xi32, #tpu.memory_space<vmem>> -> memref<80xi32, #tpu.memory_space<vmem>>
      %dma_wait3A_1065 = arith.constant 0 : i32
      %dma_wait3A_1066 = arith.constant 0 : i32
      %dma_wait3A_1067 = tpu.memref_slice %arg12[%dma_wait3A_1065, %dma_wait3A_1066] : memref<10000x128xf32, #tpu.memory_space<vmem_shared>> -> memref<10000x128xf32, #tpu.memory_space<vmem_shared>>
      tpu.wait_indirect_dma semaphore(%arg18 : memref<!tpu.dma_semaphore, #tpu.memory_space<semaphore_mem>>) src(%arg11 : memref<80x128xf32, #tpu.memory_space<vmem>>) dst(%dma_wait3A_1067 : memref<10000x128xf32, #tpu.memory_space<vmem_shared>>)
      %add3A_1068 = arith.constant 1 : i32
      %add3A_1069 = arith.addi %add3A_1002, %add3A_1068 : i32
      %mul3A_1070 = arith.constant 2 : i32
      %mul3A_1071 = arith.muli %mul3A_1070, %add3A_1069 : i32
      %mul3A_1072 = arith.constant 80 : i32
      %mul3A_1073 = arith.muli %mul3A_1071, %mul3A_1072 : i32
      %add3A_1074 = arith.addi %mul3A_2, %mul3A_1073 : i32
      %add3A_1075 = arith.constant 80 : i32
      %add3A_1076 = arith.addi %add3A_1074, %add3A_1075 : i32
      %add3A_1077 = arith.constant 80 : i32
      %add3A_1078 = arith.addi %add3A_1074, %add3A_1077 : i32
      %dma_start3A_1079 = arith.constant 0 : i32
      %dma_start3A_1080 = arith.constant 0 : i32
      %dma_start3A_1081 = arith.constant 0 : i32
      %dma_start3A_1082 = tpu.memref_slice %arg8[%dma_start3A_1079, %dma_start3A_1080, %dma_start3A_1081] : memref<2x2x80xi32, #tpu.memory_space<vmem>> -> memref<1x1x80xi32, #tpu.memory_space<vmem>>
      %dma_start3A_1083 = tpu.memref_squeeze %dma_start3A_1082 : memref<1x1x80xi32, #tpu.memory_space<vmem>> -> memref<80xi32, #tpu.memory_space<vmem>>
      %dma_start3A_1084 = tpu.memref_slice %arg3[%add3A_1074] : memref<320000xi32, #tpu.memory_space<hbm>> -> memref<80xi32, #tpu.memory_space<hbm>>
      %dma_start3A_1085 = arith.constant 0 : i32
      %dma_start3A_1086 = tpu.memref_slice %arg8[%dma_start3A_1079, %dma_start3A_1080, %dma_start3A_1085] : memref<2x2x80xi32, #tpu.memory_space<vmem>> -> memref<1x1x80xi32, #tpu.memory_space<vmem>>
      %dma_start3A_1087 = tpu.memref_squeeze %dma_start3A_1086 : memref<1x1x80xi32, #tpu.memory_space<vmem>> -> memref<80xi32, #tpu.memory_space<vmem>>
      %dma_start3A_1088 = tpu.memref_slice %arg3[%add3A_1074] : memref<320000xi32, #tpu.memory_space<hbm>> -> memref<80xi32, #tpu.memory_space<hbm>>
      tpu.enqueue_dma source(%dma_start3A_1088 : memref<80xi32, #tpu.memory_space<hbm>>) target(%dma_start3A_1087 : memref<80xi32, #tpu.memory_space<vmem>>) target_semaphore(%arg13 : memref<!tpu.dma_semaphore, #tpu.memory_space<semaphore_mem>>)
      %dma_start3A_1089 = arith.constant 0 : i32
      %dma_start3A_1090 = arith.constant 1 : i32
      %dma_start3A_1091 = arith.constant 0 : i32
      %dma_start3A_1092 = tpu.memref_slice %arg8[%dma_start3A_1089, %dma_start3A_1090, %dma_start3A_1091] : memref<2x2x80xi32, #tpu.memory_space<vmem>> -> memref<1x1x80xi32, #tpu.memory_space<vmem>>
      %dma_start3A_1093 = tpu.memref_squeeze %dma_start3A_1092 : memref<1x1x80xi32, #tpu.memory_space<vmem>> -> memref<80xi32, #tpu.memory_space<vmem>>
      %dma_start3A_1094 = tpu.memref_slice %arg4[%add3A_1074] : memref<320000xi32, #tpu.memory_space<hbm>> -> memref<80xi32, #tpu.memory_space<hbm>>
      %dma_start3A_1095 = arith.constant 0 : i32
      %dma_start3A_1096 = tpu.memref_slice %arg8[%dma_start3A_1089, %dma_start3A_1090, %dma_start3A_1095] : memref<2x2x80xi32, #tpu.memory_space<vmem>> -> memref<1x1x80xi32, #tpu.memory_space<vmem>>
      %dma_start3A_1097 = tpu.memref_squeeze %dma_start3A_1096 : memref<1x1x80xi32, #tpu.memory_space<vmem>> -> memref<80xi32, #tpu.memory_space<vmem>>
      %dma_start3A_1098 = tpu.memref_slice %arg4[%add3A_1074] : memref<320000xi32, #tpu.memory_space<hbm>> -> memref<80xi32, #tpu.memory_space<hbm>>
      tpu.enqueue_dma source(%dma_start3A_1098 : memref<80xi32, #tpu.memory_space<hbm>>) target(%dma_start3A_1097 : memref<80xi32, #tpu.memory_space<vmem>>) target_semaphore(%arg13 : memref<!tpu.dma_semaphore, #tpu.memory_space<semaphore_mem>>)
      %dma_start3A_1099 = arith.constant 1 : i32
      %dma_start3A_1100 = arith.constant 0 : i32
      %dma_start3A_1101 = arith.constant 0 : i32
      %dma_start3A_1102 = tpu.memref_slice %arg8[%dma_start3A_1099, %dma_start3A_1100, %dma_start3A_1101] : memref<2x2x80xi32, #tpu.memory_space<vmem>> -> memref<1x1x80xi32, #tpu.memory_space<vmem>>
      %dma_start3A_1103 = tpu.memref_squeeze %dma_start3A_1102 : memref<1x1x80xi32, #tpu.memory_space<vmem>> -> memref<80xi32, #tpu.memory_space<vmem>>
      %dma_start3A_1104 = tpu.memref_slice %arg3[%add3A_1076] : memref<320000xi32, #tpu.memory_space<hbm>> -> memref<80xi32, #tpu.memory_space<hbm>>
      %dma_start3A_1105 = arith.constant 0 : i32
      %dma_start3A_1106 = tpu.memref_slice %arg8[%dma_start3A_1099, %dma_start3A_1100, %dma_start3A_1105] : memref<2x2x80xi32, #tpu.memory_space<vmem>> -> memref<1x1x80xi32, #tpu.memory_space<vmem>>
      %dma_start3A_1107 = tpu.memref_squeeze %dma_start3A_1106 : memref<1x1x80xi32, #tpu.memory_space<vmem>> -> memref<80xi32, #tpu.memory_space<vmem>>
      %dma_start3A_1108 = tpu.memref_slice %arg3[%add3A_1076] : memref<320000xi32, #tpu.memory_space<hbm>> -> memref<80xi32, #tpu.memory_space<hbm>>
      tpu.enqueue_dma source(%dma_start3A_1108 : memref<80xi32, #tpu.memory_space<hbm>>) target(%dma_start3A_1107 : memref<80xi32, #tpu.memory_space<vmem>>) target_semaphore(%arg13 : memref<!tpu.dma_semaphore, #tpu.memory_space<semaphore_mem>>)
      %dma_start3A_1109 = arith.constant 1 : i32
      %dma_start3A_1110 = arith.constant 1 : i32
      %dma_start3A_1111 = arith.constant 0 : i32
      %dma_start3A_1112 = tpu.memref_slice %arg8[%dma_start3A_1109, %dma_start3A_1110, %dma_start3A_1111] : memref<2x2x80xi32, #tpu.memory_space<vmem>> -> memref<1x1x80xi32, #tpu.memory_space<vmem>>
      %dma_start3A_1113 = tpu.memref_squeeze %dma_start3A_1112 : memref<1x1x80xi32, #tpu.memory_space<vmem>> -> memref<80xi32, #tpu.memory_space<vmem>>
      %dma_start3A_1114 = tpu.memref_slice %arg4[%add3A_1078] : memref<320000xi32, #tpu.memory_space<hbm>> -> memref<80xi32, #tpu.memory_space<hbm>>
      %dma_start3A_1115 = arith.constant 0 : i32
      %dma_start3A_1116 = tpu.memref_slice %arg8[%dma_start3A_1109, %dma_start3A_1110, %dma_start3A_1115] : memref<2x2x80xi32, #tpu.memory_space<vmem>> -> memref<1x1x80xi32, #tpu.memory_space<vmem>>
      %dma_start3A_1117 = tpu.memref_squeeze %dma_start3A_1116 : memref<1x1x80xi32, #tpu.memory_space<vmem>> -> memref<80xi32, #tpu.memory_space<vmem>>
      %dma_start3A_1118 = tpu.memref_slice %arg4[%add3A_1078] : memref<320000xi32, #tpu.memory_space<hbm>> -> memref<80xi32, #tpu.memory_space<hbm>>
      tpu.enqueue_dma source(%dma_start3A_1118 : memref<80xi32, #tpu.memory_space<hbm>>) target(%dma_start3A_1117 : memref<80xi32, #tpu.memory_space<vmem>>) target_semaphore(%arg13 : memref<!tpu.dma_semaphore, #tpu.memory_space<semaphore_mem>>)
      %dma_start3A_1119 = arith.constant 0 : i32
      %dma_start3A_1120 = arith.constant 0 : i32
      %dma_start3A_1121 = arith.constant 0 : i32
      %dma_start3A_1122 = tpu.memref_slice %arg9[%dma_start3A_1119, %dma_start3A_1120, %dma_start3A_1121] : memref<2x2x80xi32, #tpu.memory_space<vmem>> -> memref<1x1x80xi32, #tpu.memory_space<vmem>>
      %dma_start3A_1123 = tpu.memref_squeeze %dma_start3A_1122 : memref<1x1x80xi32, #tpu.memory_space<vmem>> -> memref<80xi32, #tpu.memory_space<vmem>>
      %dma_start3A_1124 = arith.constant 0 : i32
      %dma_start3A_1125 = arith.constant 0 : i32
      %dma_start3A_1126 = tpu.memref_slice %arg2[%dma_start3A_1124, %dma_start3A_1125] : memref<10000x128xf32, #tpu.memory_space<hbm>> -> memref<10000x128xf32, #tpu.memory_space<hbm>>
      tpu.enqueue_indirect_dma source(%dma_start3A_1126 : memref<10000x128xf32, #tpu.memory_space<hbm>>) target(%arg10 : memref<80x128xf32, #tpu.memory_space<vmem>>) offsets(%dma_start3A_1123 : memref<80xi32, #tpu.memory_space<vmem>>) semaphore(%arg15 : memref<!tpu.dma_semaphore, #tpu.memory_space<semaphore_mem>>)
      %dma_start3A_1127 = arith.constant 1 : i32
      %dma_start3A_1128 = arith.constant 0 : i32
      %dma_start3A_1129 = arith.constant 0 : i32
      %dma_start3A_1130 = tpu.memref_slice %arg9[%dma_start3A_1127, %dma_start3A_1128, %dma_start3A_1129] : memref<2x2x80xi32, #tpu.memory_space<vmem>> -> memref<1x1x80xi32, #tpu.memory_space<vmem>>
      %dma_start3A_1131 = tpu.memref_squeeze %dma_start3A_1130 : memref<1x1x80xi32, #tpu.memory_space<vmem>> -> memref<80xi32, #tpu.memory_space<vmem>>
      %dma_start3A_1132 = arith.constant 0 : i32
      %dma_start3A_1133 = arith.constant 0 : i32
      %dma_start3A_1134 = tpu.memref_slice %arg2[%dma_start3A_1132, %dma_start3A_1133] : memref<10000x128xf32, #tpu.memory_space<hbm>> -> memref<10000x128xf32, #tpu.memory_space<hbm>>
      tpu.enqueue_indirect_dma source(%dma_start3A_1134 : memref<10000x128xf32, #tpu.memory_space<hbm>>) target(%arg11 : memref<80x128xf32, #tpu.memory_space<vmem>>) offsets(%dma_start3A_1131 : memref<80xi32, #tpu.memory_space<vmem>>) semaphore(%arg16 : memref<!tpu.dma_semaphore, #tpu.memory_space<semaphore_mem>>)
      %get3A_1135 = arith.constant 0 : i32
      %get3A_1136 = arith.constant 1 : i32
      %get3A_1137 = arith.index_cast %get3A_1135 : i32 to index
      %get3A_1138 = arith.index_cast %get3A_1136 : i32 to index
      %get3A_1139 = arith.constant 0 : index
      %get3A_1140 = tpu.vector_load %arg9[%get3A_1137, %get3A_1138, %get3A_1139] {strides = array<i32>} : memref<2x2x80xi32, #tpu.memory_space<vmem>>, vector<16xi32>,
      tpu.vector_store_idx %arg19[%get3A_1140], %broadcast_in_dim3A_3 {add = true} : memref<10000xf32, #tpu.memory_space<vmem>>[vector<16xi32>], vector<16xf32>,
      %get3A_1141 = arith.constant 0 : i32
      %get3A_1142 = arith.constant 1 : i32
      %get3A_1143 = arith.index_cast %get3A_1141 : i32 to index
      %get3A_1144 = arith.index_cast %get3A_1142 : i32 to index
      %get3A_1145 = arith.constant 16 : index
      %get3A_1146 = tpu.vector_load %arg9[%get3A_1143, %get3A_1144, %get3A_1145] {strides = array<i32>} : memref<2x2x80xi32, #tpu.memory_space<vmem>>, vector<16xi32>,
      tpu.vector_store_idx %arg19[%get3A_1146], %broadcast_in_dim3A_3 {add = true} : memref<10000xf32, #tpu.memory_space<vmem>>[vector<16xi32>], vector<16xf32>,
      %get3A_1147 = arith.constant 0 : i32
      %get3A_1148 = arith.constant 1 : i32
      %get3A_1149 = arith.index_cast %get3A_1147 : i32 to index
      %get3A_1150 = arith.index_cast %get3A_1148 : i32 to index
      %get3A_1151 = arith.constant 32 : index
      %get3A_1152 = tpu.vector_load %arg9[%get3A_1149, %get3A_1150, %get3A_1151] {strides = array<i32>} : memref<2x2x80xi32, #tpu.memory_space<vmem>>, vector<16xi32>,
      tpu.vector_store_idx %arg19[%get3A_1152], %broadcast_in_dim3A_3 {add = true} : memref<10000xf32, #tpu.memory_space<vmem>>[vector<16xi32>], vector<16xf32>,
      %get3A_1153 = arith.constant 0 : i32
      %get3A_1154 = arith.constant 1 : i32
      %get3A_1155 = arith.index_cast %get3A_1153 : i32 to index
      %get3A_1156 = arith.index_cast %get3A_1154 : i32 to index
      %get3A_1157 = arith.constant 48 : index
      %get3A_1158 = tpu.vector_load %arg9[%get3A_1155, %get3A_1156, %get3A_1157] {strides = array<i32>} : memref<2x2x80xi32, #tpu.memory_space<vmem>>, vector<16xi32>,
      tpu.vector_store_idx %arg19[%get3A_1158], %broadcast_in_dim3A_3 {add = true} : memref<10000xf32, #tpu.memory_space<vmem>>[vector<16xi32>], vector<16xf32>,
      %get3A_1159 = arith.constant 0 : i32
      %get3A_1160 = arith.constant 1 : i32
      %get3A_1161 = arith.index_cast %get3A_1159 : i32 to index
      %get3A_1162 = arith.index_cast %get3A_1160 : i32 to index
      %get3A_1163 = arith.constant 64 : index
      %get3A_1164 = tpu.vector_load %arg9[%get3A_1161, %get3A_1162, %get3A_1163] {strides = array<i32>} : memref<2x2x80xi32, #tpu.memory_space<vmem>>, vector<16xi32>,
      tpu.vector_store_idx %arg19[%get3A_1164], %broadcast_in_dim3A_3 {add = true} : memref<10000xf32, #tpu.memory_space<vmem>>[vector<16xi32>], vector<16xf32>,
      %get3A_1165 = arith.constant 1 : i32
      %get3A_1166 = arith.constant 1 : i32
      %get3A_1167 = arith.index_cast %get3A_1165 : i32 to index
      %get3A_1168 = arith.index_cast %get3A_1166 : i32 to index
      %get3A_1169 = arith.constant 0 : index
      %get3A_1170 = tpu.vector_load %arg9[%get3A_1167, %get3A_1168, %get3A_1169] {strides = array<i32>} : memref<2x2x80xi32, #tpu.memory_space<vmem>>, vector<16xi32>,
      tpu.vector_store_idx %arg19[%get3A_1170], %broadcast_in_dim3A_3 {add = true} : memref<10000xf32, #tpu.memory_space<vmem>>[vector<16xi32>], vector<16xf32>,
      %get3A_1171 = arith.constant 1 : i32
      %get3A_1172 = arith.constant 1 : i32
      %get3A_1173 = arith.index_cast %get3A_1171 : i32 to index
      %get3A_1174 = arith.index_cast %get3A_1172 : i32 to index
      %get3A_1175 = arith.constant 16 : index
      %get3A_1176 = tpu.vector_load %arg9[%get3A_1173, %get3A_1174, %get3A_1175] {strides = array<i32>} : memref<2x2x80xi32, #tpu.memory_space<vmem>>, vector<16xi32>,
      tpu.vector_store_idx %arg19[%get3A_1176], %broadcast_in_dim3A_3 {add = true} : memref<10000xf32, #tpu.memory_space<vmem>>[vector<16xi32>], vector<16xf32>,
      %get3A_1177 = arith.constant 1 : i32
      %get3A_1178 = arith.constant 1 : i32
      %get3A_1179 = arith.index_cast %get3A_1177 : i32 to index
      %get3A_1180 = arith.index_cast %get3A_1178 : i32 to index
      %get3A_1181 = arith.constant 32 : index
      %get3A_1182 = tpu.vector_load %arg9[%get3A_1179, %get3A_1180, %get3A_1181] {strides = array<i32>} : memref<2x2x80xi32, #tpu.memory_space<vmem>>, vector<16xi32>,
      tpu.vector_store_idx %arg19[%get3A_1182], %broadcast_in_dim3A_3 {add = true} : memref<10000xf32, #tpu.memory_space<vmem>>[vector<16xi32>], vector<16xf32>,
      %get3A_1183 = arith.constant 1 : i32
      %get3A_1184 = arith.constant 1 : i32
      %get3A_1185 = arith.index_cast %get3A_1183 : i32 to index
      %get3A_1186 = arith.index_cast %get3A_1184 : i32 to index
      %get3A_1187 = arith.constant 48 : index
      %get3A_1188 = tpu.vector_load %arg9[%get3A_1185, %get3A_1186, %get3A_1187] {strides = array<i32>} : memref<2x2x80xi32, #tpu.memory_space<vmem>>, vector<16xi32>,
      tpu.vector_store_idx %arg19[%get3A_1188], %broadcast_in_dim3A_3 {add = true} : memref<10000xf32, #tpu.memory_space<vmem>>[vector<16xi32>], vector<16xf32>,
      %get3A_1189 = arith.constant 1 : i32
      %get3A_1190 = arith.constant 1 : i32
      %get3A_1191 = arith.index_cast %get3A_1189 : i32 to index
      %get3A_1192 = arith.index_cast %get3A_1190 : i32 to index
      %get3A_1193 = arith.constant 64 : index
      %get3A_1194 = tpu.vector_load %arg9[%get3A_1191, %get3A_1192, %get3A_1193] {strides = array<i32>} : memref<2x2x80xi32, #tpu.memory_space<vmem>>, vector<16xi32>,
      tpu.vector_store_idx %arg19[%get3A_1194], %broadcast_in_dim3A_3 {add = true} : memref<10000xf32, #tpu.memory_space<vmem>>[vector<16xi32>], vector<16xf32>,
      %dma_wait3A_1195 = arith.constant 0 : i32
      %dma_wait3A_1196 = arith.constant 0 : i32
      %dma_wait3A_1197 = arith.constant 0 : i32
      %dma_wait3A_1198 = tpu.memref_slice %arg9[%dma_wait3A_1195, %dma_wait3A_1196, %dma_wait3A_1197] : memref<2x2x80xi32, #tpu.memory_space<vmem>> -> memref<1x1x80xi32, #tpu.memory_space<vmem>>
      %dma_wait3A_1199 = tpu.memref_squeeze %dma_wait3A_1198 : memref<1x1x80xi32, #tpu.memory_space<vmem>> -> memref<80xi32, #tpu.memory_space<vmem>>
      %dma_wait3A_1200 = arith.constant 0 : i32
      %dma_wait3A_1201 = arith.constant 0 : i32
      %dma_wait3A_1202 = tpu.memref_slice %arg2[%dma_wait3A_1200, %dma_wait3A_1201] : memref<10000x128xf32, #tpu.memory_space<hbm>> -> memref<10000x128xf32, #tpu.memory_space<hbm>>
      tpu.wait_indirect_dma semaphore(%arg15 : memref<!tpu.dma_semaphore, #tpu.memory_space<semaphore_mem>>) src(%dma_wait3A_1202 : memref<10000x128xf32, #tpu.memory_space<hbm>>) dst(%arg10 : memref<80x128xf32, #tpu.memory_space<vmem>>)
      %dma_start3A_1203 = arith.constant 0 : i32
      %dma_start3A_1204 = arith.constant 1 : i32
      %dma_start3A_1205 = arith.constant 0 : i32
      %dma_start3A_1206 = tpu.memref_slice %arg9[%dma_start3A_1203, %dma_start3A_1204, %dma_start3A_1205] : memref<2x2x80xi32, #tpu.memory_space<vmem>> -> memref<1x1x80xi32, #tpu.memory_space<vmem>>
      %dma_start3A_1207 = tpu.memref_squeeze %dma_start3A_1206 : memref<1x1x80xi32, #tpu.memory_space<vmem>> -> memref<80xi32, #tpu.memory_space<vmem>>
      %dma_start3A_1208 = arith.constant 0 : i32
      %dma_start3A_1209 = arith.constant 0 : i32
      %dma_start3A_1210 = tpu.memref_slice %arg12[%dma_start3A_1208, %dma_start3A_1209] : memref<10000x128xf32, #tpu.memory_space<vmem_shared>> -> memref<10000x128xf32, #tpu.memory_space<vmem_shared>>
      tpu.enqueue_indirect_dma source(%arg10 : memref<80x128xf32, #tpu.memory_space<vmem>>) target(%dma_start3A_1210 : memref<10000x128xf32, #tpu.memory_space<vmem_shared>>) offsets(%dma_start3A_1207 : memref<80xi32, #tpu.memory_space<vmem>>) semaphore(%arg17 : memref<!tpu.dma_semaphore, #tpu.memory_space<semaphore_mem>>) {add = true}
      %dma_wait3A_1211 = arith.constant 1 : i32
      %dma_wait3A_1212 = arith.constant 0 : i32
      %dma_wait3A_1213 = arith.constant 0 : i32
      %dma_wait3A_1214 = tpu.memref_slice %arg9[%dma_wait3A_1211, %dma_wait3A_1212, %dma_wait3A_1213] : memref<2x2x80xi32, #tpu.memory_space<vmem>> -> memref<1x1x80xi32, #tpu.memory_space<vmem>>
      %dma_wait3A_1215 = tpu.memref_squeeze %dma_wait3A_1214 : memref<1x1x80xi32, #tpu.memory_space<vmem>> -> memref<80xi32, #tpu.memory_space<vmem>>
      %dma_wait3A_1216 = arith.constant 0 : i32
      %dma_wait3A_1217 = arith.constant 0 : i32
      %dma_wait3A_1218 = tpu.memref_slice %arg2[%dma_wait3A_1216, %dma_wait3A_1217] : memref<10000x128xf32, #tpu.memory_space<hbm>> -> memref<10000x128xf32, #tpu.memory_space<hbm>>
      tpu.wait_indirect_dma semaphore(%arg16 : memref<!tpu.dma_semaphore, #tpu.memory_space<semaphore_mem>>) src(%dma_wait3A_1218 : memref<10000x128xf32, #tpu.memory_space<hbm>>) dst(%arg11 : memref<80x128xf32, #tpu.memory_space<vmem>>)
      %dma_start3A_1219 = arith.constant 1 : i32
      %dma_start3A_1220 = arith.constant 1 : i32
      %dma_start3A_1221 = arith.constant 0 : i32
      %dma_start3A_1222 = tpu.memref_slice %arg9[%dma_start3A_1219, %dma_start3A_1220, %dma_start3A_1221] : memref<2x2x80xi32, #tpu.memory_space<vmem>> -> memref<1x1x80xi32, #tpu.memory_space<vmem>>
      %dma_start3A_1223 = tpu.memref_squeeze %dma_start3A_1222 : memref<1x1x80xi32, #tpu.memory_space<vmem>> -> memref<80xi32, #tpu.memory_space<vmem>>
      %dma_start3A_1224 = arith.constant 0 : i32
      %dma_start3A_1225 = arith.constant 0 : i32
      %dma_start3A_1226 = tpu.memref_slice %arg12[%dma_start3A_1224, %dma_start3A_1225] : memref<10000x128xf32, #tpu.memory_space<vmem_shared>> -> memref<10000x128xf32, #tpu.memory_space<vmem_shared>>
      tpu.enqueue_indirect_dma source(%arg11 : memref<80x128xf32, #tpu.memory_space<vmem>>) target(%dma_start3A_1226 : memref<10000x128xf32, #tpu.memory_space<vmem_shared>>) offsets(%dma_start3A_1223 : memref<80xi32, #tpu.memory_space<vmem>>) semaphore(%arg18 : memref<!tpu.dma_semaphore, #tpu.memory_space<semaphore_mem>>) {add = true}
      %add3A_1227 = arith.constant 1 : i32
      %add3A_1228 = arith.addi %add3A_1002, %add3A_1227 : i32
      %mul3A_1229 = arith.constant 2 : i32
      %mul3A_1230 = arith.muli %mul3A_1229, %add3A_1228 : i32
      %mul3A_1231 = arith.constant 80 : i32
      %mul3A_1232 = arith.muli %mul3A_1230, %mul3A_1231 : i32
      %add3A_1233 = arith.addi %mul3A_2, %mul3A_1232 : i32
      %add3A_1234 = arith.constant 80 : i32
      %add3A_1235 = arith.addi %add3A_1233, %add3A_1234 : i32
      %add3A_1236 = arith.constant 80 : i32
      %add3A_1237 = arith.addi %add3A_1233, %add3A_1236 : i32
      %dma_wait3A_1238 = arith.constant 0 : i32
      %dma_wait3A_1239 = arith.constant 0 : i32
      %dma_wait3A_1240 = arith.constant 0 : i32
      %dma_wait3A_1241 = tpu.memref_slice %arg8[%dma_wait3A_1238, %dma_wait3A_1239, %dma_wait3A_1240] : memref<2x2x80xi32, #tpu.memory_space<vmem>> -> memref<1x1x80xi32, #tpu.memory_space<vmem>>
      %dma_wait3A_1242 = tpu.memref_squeeze %dma_wait3A_1241 : memref<1x1x80xi32, #tpu.memory_space<vmem>> -> memref<80xi32, #tpu.memory_space<vmem>>
      %dma_wait3A_1243 = tpu.memref_slice %arg3[%add3A_1233] : memref<320000xi32, #tpu.memory_space<hbm>> -> memref<80xi32, #tpu.memory_space<hbm>>
      %dma_wait3A_1244 = arith.constant 0 : i32
      %dma_wait3A_1245 = tpu.memref_slice %arg8[%dma_wait3A_1238, %dma_wait3A_1239, %dma_wait3A_1244] : memref<2x2x80xi32, #tpu.memory_space<vmem>> -> memref<1x1x80xi32, #tpu.memory_space<vmem>>
      %dma_wait3A_1246 = tpu.memref_squeeze %dma_wait3A_1245 : memref<1x1x80xi32, #tpu.memory_space<vmem>> -> memref<80xi32, #tpu.memory_space<vmem>>
      %dma_wait3A_1247 = tpu.memref_slice %arg3[%add3A_1233] : memref<320000xi32, #tpu.memory_space<hbm>> -> memref<80xi32, #tpu.memory_space<hbm>>
      tpu.wait_dma2 semaphore(%arg13 : memref<!tpu.dma_semaphore, #tpu.memory_space<semaphore_mem>>) src(%dma_wait3A_1247 : memref<80xi32, #tpu.memory_space<hbm>>) dst(%dma_wait3A_1246 : memref<80xi32, #tpu.memory_space<vmem>>)
      %dma_wait3A_1248 = arith.constant 0 : i32
      %dma_wait3A_1249 = arith.constant 1 : i32
      %dma_wait3A_1250 = arith.constant 0 : i32
      %dma_wait3A_1251 = tpu.memref_slice %arg8[%dma_wait3A_1248, %dma_wait3A_1249, %dma_wait3A_1250] : memref<2x2x80xi32, #tpu.memory_space<vmem>> -> memref<1x1x80xi32, #tpu.memory_space<vmem>>
      %dma_wait3A_1252 = tpu.memref_squeeze %dma_wait3A_1251 : memref<1x1x80xi32, #tpu.memory_space<vmem>> -> memref<80xi32, #tpu.memory_space<vmem>>
      %dma_wait3A_1253 = tpu.memref_slice %arg4[%add3A_1233] : memref<320000xi32, #tpu.memory_space<hbm>> -> memref<80xi32, #tpu.memory_space<hbm>>
      %dma_wait3A_1254 = arith.constant 0 : i32
      %dma_wait3A_1255 = tpu.memref_slice %arg8[%dma_wait3A_1248, %dma_wait3A_1249, %dma_wait3A_1254] : memref<2x2x80xi32, #tpu.memory_space<vmem>> -> memref<1x1x80xi32, #tpu.memory_space<vmem>>
      %dma_wait3A_1256 = tpu.memref_squeeze %dma_wait3A_1255 : memref<1x1x80xi32, #tpu.memory_space<vmem>> -> memref<80xi32, #tpu.memory_space<vmem>>
      %dma_wait3A_1257 = tpu.memref_slice %arg4[%add3A_1233] : memref<320000xi32, #tpu.memory_space<hbm>> -> memref<80xi32, #tpu.memory_space<hbm>>
      tpu.wait_dma2 semaphore(%arg13 : memref<!tpu.dma_semaphore, #tpu.memory_space<semaphore_mem>>) src(%dma_wait3A_1257 : memref<80xi32, #tpu.memory_space<hbm>>) dst(%dma_wait3A_1256 : memref<80xi32, #tpu.memory_space<vmem>>)
      %dma_wait3A_1258 = arith.constant 1 : i32
      %dma_wait3A_1259 = arith.constant 0 : i32
      %dma_wait3A_1260 = arith.constant 0 : i32
      %dma_wait3A_1261 = tpu.memref_slice %arg8[%dma_wait3A_1258, %dma_wait3A_1259, %dma_wait3A_1260] : memref<2x2x80xi32, #tpu.memory_space<vmem>> -> memref<1x1x80xi32, #tpu.memory_space<vmem>>
      %dma_wait3A_1262 = tpu.memref_squeeze %dma_wait3A_1261 : memref<1x1x80xi32, #tpu.memory_space<vmem>> -> memref<80xi32, #tpu.memory_space<vmem>>
      %dma_wait3A_1263 = tpu.memref_slice %arg3[%add3A_1235] : memref<320000xi32, #tpu.memory_space<hbm>> -> memref<80xi32, #tpu.memory_space<hbm>>
      %dma_wait3A_1264 = arith.constant 0 : i32
      %dma_wait3A_1265 = tpu.memref_slice %arg8[%dma_wait3A_1258, %dma_wait3A_1259, %dma_wait3A_1264] : memref<2x2x80xi32, #tpu.memory_space<vmem>> -> memref<1x1x80xi32, #tpu.memory_space<vmem>>
      %dma_wait3A_1266 = tpu.memref_squeeze %dma_wait3A_1265 : memref<1x1x80xi32, #tpu.memory_space<vmem>> -> memref<80xi32, #tpu.memory_space<vmem>>
      %dma_wait3A_1267 = tpu.memref_slice %arg3[%add3A_1235] : memref<320000xi32, #tpu.memory_space<hbm>> -> memref<80xi32, #tpu.memory_space<hbm>>
      tpu.wait_dma2 semaphore(%arg13 : memref<!tpu.dma_semaphore, #tpu.memory_space<semaphore_mem>>) src(%dma_wait3A_1267 : memref<80xi32, #tpu.memory_space<hbm>>) dst(%dma_wait3A_1266 : memref<80xi32, #tpu.memory_space<vmem>>)
      %dma_wait3A_1268 = arith.constant 1 : i32
      %dma_wait3A_1269 = arith.constant 1 : i32
      %dma_wait3A_1270 = arith.constant 0 : i32
      %dma_wait3A_1271 = tpu.memref_slice %arg8[%dma_wait3A_1268, %dma_wait3A_1269, %dma_wait3A_1270] : memref<2x2x80xi32, #tpu.memory_space<vmem>> -> memref<1x1x80xi32, #tpu.memory_space<vmem>>
      %dma_wait3A_1272 = tpu.memref_squeeze %dma_wait3A_1271 : memref<1x1x80xi32, #tpu.memory_space<vmem>> -> memref<80xi32, #tpu.memory_space<vmem>>
      %dma_wait3A_1273 = tpu.memref_slice %arg4[%add3A_1237] : memref<320000xi32, #tpu.memory_space<hbm>> -> memref<80xi32, #tpu.memory_space<hbm>>
      %dma_wait3A_1274 = arith.constant 0 : i32
      %dma_wait3A_1275 = tpu.memref_slice %arg8[%dma_wait3A_1268, %dma_wait3A_1269, %dma_wait3A_1274] : memref<2x2x80xi32, #tpu.memory_space<vmem>> -> memref<1x1x80xi32, #tpu.memory_space<vmem>>
      %dma_wait3A_1276 = tpu.memref_squeeze %dma_wait3A_1275 : memref<1x1x80xi32, #tpu.memory_space<vmem>> -> memref<80xi32, #tpu.memory_space<vmem>>
      %dma_wait3A_1277 = tpu.memref_slice %arg4[%add3A_1237] : memref<320000xi32, #tpu.memory_space<hbm>> -> memref<80xi32, #tpu.memory_space<hbm>>
      tpu.wait_dma2 semaphore(%arg13 : memref<!tpu.dma_semaphore, #tpu.memory_space<semaphore_mem>>) src(%dma_wait3A_1277 : memref<80xi32, #tpu.memory_space<hbm>>) dst(%dma_wait3A_1276 : memref<80xi32, #tpu.memory_space<vmem>>)
      %dma_wait3A_1278 = arith.constant 0 : i32
      %dma_wait3A_1279 = arith.constant 1 : i32
      %dma_wait3A_1280 = arith.constant 0 : i32
      %dma_wait3A_1281 = tpu.memref_slice %arg8[%dma_wait3A_1278, %dma_wait3A_1279, %dma_wait3A_1280] : memref<2x2x80xi32, #tpu.memory_space<vmem>> -> memref<1x1x80xi32, #tpu.memory_space<vmem>>
      %dma_wait3A_1282 = tpu.memref_squeeze %dma_wait3A_1281 : memref<1x1x80xi32, #tpu.memory_space<vmem>> -> memref<80xi32, #tpu.memory_space<vmem>>
      %dma_wait3A_1283 = arith.constant 0 : i32
      %dma_wait3A_1284 = arith.constant 0 : i32
      %dma_wait3A_1285 = tpu.memref_slice %arg12[%dma_wait3A_1283, %dma_wait3A_1284] : memref<10000x128xf32, #tpu.memory_space<vmem_shared>> -> memref<10000x128xf32, #tpu.memory_space<vmem_shared>>
      tpu.wait_indirect_dma semaphore(%arg17 : memref<!tpu.dma_semaphore, #tpu.memory_space<semaphore_mem>>) src(%arg10 : memref<80x128xf32, #tpu.memory_space<vmem>>) dst(%dma_wait3A_1285 : memref<10000x128xf32, #tpu.memory_space<vmem_shared>>)
      %dma_wait3A_1286 = arith.constant 1 : i32
      %dma_wait3A_1287 = arith.constant 1 : i32
      %dma_wait3A_1288 = arith.constant 0 : i32
      %dma_wait3A_1289 = tpu.memref_slice %arg8[%dma_wait3A_1286, %dma_wait3A_1287, %dma_wait3A_1288] : memref<2x2x80xi32, #tpu.memory_space<vmem>> -> memref<1x1x80xi32, #tpu.memory_space<vmem>>
      %dma_wait3A_1290 = tpu.memref_squeeze %dma_wait3A_1289 : memref<1x1x80xi32, #tpu.memory_space<vmem>> -> memref<80xi32, #tpu.memory_space<vmem>>
      %dma_wait3A_1291 = arith.constant 0 : i32
      %dma_wait3A_1292 = arith.constant 0 : i32
      %dma_wait3A_1293 = tpu.memref_slice %arg12[%dma_wait3A_1291, %dma_wait3A_1292] : memref<10000x128xf32, #tpu.memory_space<vmem_shared>> -> memref<10000x128xf32, #tpu.memory_space<vmem_shared>>
      tpu.wait_indirect_dma semaphore(%arg18 : memref<!tpu.dma_semaphore, #tpu.memory_space<semaphore_mem>>) src(%arg11 : memref<80x128xf32, #tpu.memory_space<vmem>>) dst(%dma_wait3A_1293 : memref<10000x128xf32, #tpu.memory_space<vmem_shared>>)
      %add3A_1294 = arith.constant 2 : i32
      %add3A_1295 = arith.addi %add3A_1002, %add3A_1294 : i32
      %mul3A_1296 = arith.constant 2 : i32
      %mul3A_1297 = arith.muli %mul3A_1296, %add3A_1295 : i32
      %mul3A_1298 = arith.constant 80 : i32
      %mul3A_1299 = arith.muli %mul3A_1297, %mul3A_1298 : i32
      %add3A_1300 = arith.addi %mul3A_2, %mul3A_1299 : i32
      %add3A_1301 = arith.constant 80 : i32
      %add3A_1302 = arith.addi %add3A_1300, %add3A_1301 : i32
      %add3A_1303 = arith.constant 80 : i32
      %add3A_1304 = arith.addi %add3A_1300, %add3A_1303 : i32
      %dma_start3A_1305 = arith.constant 0 : i32
      %dma_start3A_1306 = arith.constant 0 : i32
      %dma_start3A_1307 = arith.constant 0 : i32
      %dma_start3A_1308 = tpu.memref_slice %arg9[%dma_start3A_1305, %dma_start3A_1306, %dma_start3A_1307] : memref<2x2x80xi32, #tpu.memory_space<vmem>> -> memref<1x1x80xi32, #tpu.memory_space<vmem>>
      %dma_start3A_1309 = tpu.memref_squeeze %dma_start3A_1308 : memref<1x1x80xi32, #tpu.memory_space<vmem>> -> memref<80xi32, #tpu.memory_space<vmem>>
      %dma_start3A_1310 = tpu.memref_slice %arg3[%add3A_1300] : memref<320000xi32, #tpu.memory_space<hbm>> -> memref<80xi32, #tpu.memory_space<hbm>>
      %dma_start3A_1311 = arith.constant 0 : i32
      %dma_start3A_1312 = tpu.memref_slice %arg9[%dma_start3A_1305, %dma_start3A_1306, %dma_start3A_1311] : memref<2x2x80xi32, #tpu.memory_space<vmem>> -> memref<1x1x80xi32, #tpu.memory_space<vmem>>
      %dma_start3A_1313 = tpu.memref_squeeze %dma_start3A_1312 : memref<1x1x80xi32, #tpu.memory_space<vmem>> -> memref<80xi32, #tpu.memory_space<vmem>>
      %dma_start3A_1314 = tpu.memref_slice %arg3[%add3A_1300] : memref<320000xi32, #tpu.memory_space<hbm>> -> memref<80xi32, #tpu.memory_space<hbm>>
      tpu.enqueue_dma source(%dma_start3A_1314 : memref<80xi32, #tpu.memory_space<hbm>>) target(%dma_start3A_1313 : memref<80xi32, #tpu.memory_space<vmem>>) target_semaphore(%arg14 : memref<!tpu.dma_semaphore, #tpu.memory_space<semaphore_mem>>)
      %dma_start3A_1315 = arith.constant 0 : i32
      %dma_start3A_1316 = arith.constant 1 : i32
      %dma_start3A_1317 = arith.constant 0 : i32
      %dma_start3A_1318 = tpu.memref_slice %arg9[%dma_start3A_1315, %dma_start3A_1316, %dma_start3A_1317] : memref<2x2x80xi32, #tpu.memory_space<vmem>> -> memref<1x1x80xi32, #tpu.memory_space<vmem>>
      %dma_start3A_1319 = tpu.memref_squeeze %dma_start3A_1318 : memref<1x1x80xi32, #tpu.memory_space<vmem>> -> memref<80xi32, #tpu.memory_space<vmem>>
      %dma_start3A_1320 = tpu.memref_slice %arg4[%add3A_1300] : memref<320000xi32, #tpu.memory_space<hbm>> -> memref<80xi32, #tpu.memory_space<hbm>>
      %dma_start3A_1321 = arith.constant 0 : i32
      %dma_start3A_1322 = tpu.memref_slice %arg9[%dma_start3A_1315, %dma_start3A_1316, %dma_start3A_1321] : memref<2x2x80xi32, #tpu.memory_space<vmem>> -> memref<1x1x80xi32, #tpu.memory_space<vmem>>
      %dma_start3A_1323 = tpu.memref_squeeze %dma_start3A_1322 : memref<1x1x80xi32, #tpu.memory_space<vmem>> -> memref<80xi32, #tpu.memory_space<vmem>>
      %dma_start3A_1324 = tpu.memref_slice %arg4[%add3A_1300] : memref<320000xi32, #tpu.memory_space<hbm>> -> memref<80xi32, #tpu.memory_space<hbm>>
      tpu.enqueue_dma source(%dma_start3A_1324 : memref<80xi32, #tpu.memory_space<hbm>>) target(%dma_start3A_1323 : memref<80xi32, #tpu.memory_space<vmem>>) target_semaphore(%arg14 : memref<!tpu.dma_semaphore, #tpu.memory_space<semaphore_mem>>)
      %dma_start3A_1325 = arith.constant 1 : i32
      %dma_start3A_1326 = arith.constant 0 : i32
      %dma_start3A_1327 = arith.constant 0 : i32
      %dma_start3A_1328 = tpu.memref_slice %arg9[%dma_start3A_1325, %dma_start3A_1326, %dma_start3A_1327] : memref<2x2x80xi32, #tpu.memory_space<vmem>> -> memref<1x1x80xi32, #tpu.memory_space<vmem>>
      %dma_start3A_1329 = tpu.memref_squeeze %dma_start3A_1328 : memref<1x1x80xi32, #tpu.memory_space<vmem>> -> memref<80xi32, #tpu.memory_space<vmem>>
      %dma_start3A_1330 = tpu.memref_slice %arg3[%add3A_1302] : memref<320000xi32, #tpu.memory_space<hbm>> -> memref<80xi32, #tpu.memory_space<hbm>>
      %dma_start3A_1331 = arith.constant 0 : i32
      %dma_start3A_1332 = tpu.memref_slice %arg9[%dma_start3A_1325, %dma_start3A_1326, %dma_start3A_1331] : memref<2x2x80xi32, #tpu.memory_space<vmem>> -> memref<1x1x80xi32, #tpu.memory_space<vmem>>
      %dma_start3A_1333 = tpu.memref_squeeze %dma_start3A_1332 : memref<1x1x80xi32, #tpu.memory_space<vmem>> -> memref<80xi32, #tpu.memory_space<vmem>>
      %dma_start3A_1334 = tpu.memref_slice %arg3[%add3A_1302] : memref<320000xi32, #tpu.memory_space<hbm>> -> memref<80xi32, #tpu.memory_space<hbm>>
      tpu.enqueue_dma source(%dma_start3A_1334 : memref<80xi32, #tpu.memory_space<hbm>>) target(%dma_start3A_1333 : memref<80xi32, #tpu.memory_space<vmem>>) target_semaphore(%arg14 : memref<!tpu.dma_semaphore, #tpu.memory_space<semaphore_mem>>)
      %dma_start3A_1335 = arith.constant 1 : i32
      %dma_start3A_1336 = arith.constant 1 : i32
      %dma_start3A_1337 = arith.constant 0 : i32
      %dma_start3A_1338 = tpu.memref_slice %arg9[%dma_start3A_1335, %dma_start3A_1336, %dma_start3A_1337] : memref<2x2x80xi32, #tpu.memory_space<vmem>> -> memref<1x1x80xi32, #tpu.memory_space<vmem>>
      %dma_start3A_1339 = tpu.memref_squeeze %dma_start3A_1338 : memref<1x1x80xi32, #tpu.memory_space<vmem>> -> memref<80xi32, #tpu.memory_space<vmem>>
      %dma_start3A_1340 = tpu.memref_slice %arg4[%add3A_1304] : memref<320000xi32, #tpu.memory_space<hbm>> -> memref<80xi32, #tpu.memory_space<hbm>>
      %dma_start3A_1341 = arith.constant 0 : i32
      %dma_start3A_1342 = tpu.memref_slice %arg9[%dma_start3A_1335, %dma_start3A_1336, %dma_start3A_1341] : memref<2x2x80xi32, #tpu.memory_space<vmem>> -> memref<1x1x80xi32, #tpu.memory_space<vmem>>
      %dma_start3A_1343 = tpu.memref_squeeze %dma_start3A_1342 : memref<1x1x80xi32, #tpu.memory_space<vmem>> -> memref<80xi32, #tpu.memory_space<vmem>>
      %dma_start3A_1344 = tpu.memref_slice %arg4[%add3A_1304] : memref<320000xi32, #tpu.memory_space<hbm>> -> memref<80xi32, #tpu.memory_space<hbm>>
      tpu.enqueue_dma source(%dma_start3A_1344 : memref<80xi32, #tpu.memory_space<hbm>>) target(%dma_start3A_1343 : memref<80xi32, #tpu.memory_space<vmem>>) target_semaphore(%arg14 : memref<!tpu.dma_semaphore, #tpu.memory_space<semaphore_mem>>)
      %dma_start3A_1345 = arith.constant 0 : i32
      %dma_start3A_1346 = arith.constant 0 : i32
      %dma_start3A_1347 = arith.constant 0 : i32
      %dma_start3A_1348 = tpu.memref_slice %arg8[%dma_start3A_1345, %dma_start3A_1346, %dma_start3A_1347] : memref<2x2x80xi32, #tpu.memory_space<vmem>> -> memref<1x1x80xi32, #tpu.memory_space<vmem>>
      %dma_start3A_1349 = tpu.memref_squeeze %dma_start3A_1348 : memref<1x1x80xi32, #tpu.memory_space<vmem>> -> memref<80xi32, #tpu.memory_space<vmem>>
      %dma_start3A_1350 = arith.constant 0 : i32
      %dma_start3A_1351 = arith.constant 0 : i32
      %dma_start3A_1352 = tpu.memref_slice %arg2[%dma_start3A_1350, %dma_start3A_1351] : memref<10000x128xf32, #tpu.memory_space<hbm>> -> memref<10000x128xf32, #tpu.memory_space<hbm>>
      tpu.enqueue_indirect_dma source(%dma_start3A_1352 : memref<10000x128xf32, #tpu.memory_space<hbm>>) target(%arg10 : memref<80x128xf32, #tpu.memory_space<vmem>>) offsets(%dma_start3A_1349 : memref<80xi32, #tpu.memory_space<vmem>>) semaphore(%arg15 : memref<!tpu.dma_semaphore, #tpu.memory_space<semaphore_mem>>)
      %dma_start3A_1353 = arith.constant 1 : i32
      %dma_start3A_1354 = arith.constant 0 : i32
      %dma_start3A_1355 = arith.constant 0 : i32
      %dma_start3A_1356 = tpu.memref_slice %arg8[%dma_start3A_1353, %dma_start3A_1354, %dma_start3A_1355] : memref<2x2x80xi32, #tpu.memory_space<vmem>> -> memref<1x1x80xi32, #tpu.memory_space<vmem>>
      %dma_start3A_1357 = tpu.memref_squeeze %dma_start3A_1356 : memref<1x1x80xi32, #tpu.memory_space<vmem>> -> memref<80xi32, #tpu.memory_space<vmem>>
      %dma_start3A_1358 = arith.constant 0 : i32
      %dma_start3A_1359 = arith.constant 0 : i32
      %dma_start3A_1360 = tpu.memref_slice %arg2[%dma_start3A_1358, %dma_start3A_1359] : memref<10000x128xf32, #tpu.memory_space<hbm>> -> memref<10000x128xf32, #tpu.memory_space<hbm>>
      tpu.enqueue_indirect_dma source(%dma_start3A_1360 : memref<10000x128xf32, #tpu.memory_space<hbm>>) target(%arg11 : memref<80x128xf32, #tpu.memory_space<vmem>>) offsets(%dma_start3A_1357 : memref<80xi32, #tpu.memory_space<vmem>>) semaphore(%arg16 : memref<!tpu.dma_semaphore, #tpu.memory_space<semaphore_mem>>)
      %get3A_1361 = arith.constant 0 : i32
      %get3A_1362 = arith.constant 1 : i32
      %get3A_1363 = arith.index_cast %get3A_1361 : i32 to index
      %get3A_1364 = arith.index_cast %get3A_1362 : i32 to index
      %get3A_1365 = arith.constant 0 : index
      %get3A_1366 = tpu.vector_load %arg8[%get3A_1363, %get3A_1364, %get3A_1365] {strides = array<i32>} : memref<2x2x80xi32, #tpu.memory_space<vmem>>, vector<16xi32>,
      tpu.vector_store_idx %arg19[%get3A_1366], %broadcast_in_dim3A_3 {add = true} : memref<10000xf32, #tpu.memory_space<vmem>>[vector<16xi32>], vector<16xf32>,
      %get3A_1367 = arith.constant 0 : i32
      %get3A_1368 = arith.constant 1 : i32
      %get3A_1369 = arith.index_cast %get3A_1367 : i32 to index
      %get3A_1370 = arith.index_cast %get3A_1368 : i32 to index
      %get3A_1371 = arith.constant 16 : index
      %get3A_1372 = tpu.vector_load %arg8[%get3A_1369, %get3A_1370, %get3A_1371] {strides = array<i32>} : memref<2x2x80xi32, #tpu.memory_space<vmem>>, vector<16xi32>,
      tpu.vector_store_idx %arg19[%get3A_1372], %broadcast_in_dim3A_3 {add = true} : memref<10000xf32, #tpu.memory_space<vmem>>[vector<16xi32>], vector<16xf32>,
      %get3A_1373 = arith.constant 0 : i32
      %get3A_1374 = arith.constant 1 : i32
      %get3A_1375 = arith.index_cast %get3A_1373 : i32 to index
      %get3A_1376 = arith.index_cast %get3A_1374 : i32 to index
      %get3A_1377 = arith.constant 32 : index
      %get3A_1378 = tpu.vector_load %arg8[%get3A_1375, %get3A_1376, %get3A_1377] {strides = array<i32>} : memref<2x2x80xi32, #tpu.memory_space<vmem>>, vector<16xi32>,
      tpu.vector_store_idx %arg19[%get3A_1378], %broadcast_in_dim3A_3 {add = true} : memref<10000xf32, #tpu.memory_space<vmem>>[vector<16xi32>], vector<16xf32>,
      %get3A_1379 = arith.constant 0 : i32
      %get3A_1380 = arith.constant 1 : i32
      %get3A_1381 = arith.index_cast %get3A_1379 : i32 to index
      %get3A_1382 = arith.index_cast %get3A_1380 : i32 to index
      %get3A_1383 = arith.constant 48 : index
      %get3A_1384 = tpu.vector_load %arg8[%get3A_1381, %get3A_1382, %get3A_1383] {strides = array<i32>} : memref<2x2x80xi32, #tpu.memory_space<vmem>>, vector<16xi32>,
      tpu.vector_store_idx %arg19[%get3A_1384], %broadcast_in_dim3A_3 {add = true} : memref<10000xf32, #tpu.memory_space<vmem>>[vector<16xi32>], vector<16xf32>,
      %get3A_1385 = arith.constant 0 : i32
      %get3A_1386 = arith.constant 1 : i32
      %get3A_1387 = arith.index_cast %get3A_1385 : i32 to index
      %get3A_1388 = arith.index_cast %get3A_1386 : i32 to index
      %get3A_1389 = arith.constant 64 : index
      %get3A_1390 = tpu.vector_load %arg8[%get3A_1387, %get3A_1388, %get3A_1389] {strides = array<i32>} : memref<2x2x80xi32, #tpu.memory_space<vmem>>, vector<16xi32>,
      tpu.vector_store_idx %arg19[%get3A_1390], %broadcast_in_dim3A_3 {add = true} : memref<10000xf32, #tpu.memory_space<vmem>>[vector<16xi32>], vector<16xf32>,
      %get3A_1391 = arith.constant 1 : i32
      %get3A_1392 = arith.constant 1 : i32
      %get3A_1393 = arith.index_cast %get3A_1391 : i32 to index
      %get3A_1394 = arith.index_cast %get3A_1392 : i32 to index
      %get3A_1395 = arith.constant 0 : index
      %get3A_1396 = tpu.vector_load %arg8[%get3A_1393, %get3A_1394, %get3A_1395] {strides = array<i32>} : memref<2x2x80xi32, #tpu.memory_space<vmem>>, vector<16xi32>,
      tpu.vector_store_idx %arg19[%get3A_1396], %broadcast_in_dim3A_3 {add = true} : memref<10000xf32, #tpu.memory_space<vmem>>[vector<16xi32>], vector<16xf32>,
      %get3A_1397 = arith.constant 1 : i32
      %get3A_1398 = arith.constant 1 : i32
      %get3A_1399 = arith.index_cast %get3A_1397 : i32 to index
      %get3A_1400 = arith.index_cast %get3A_1398 : i32 to index
      %get3A_1401 = arith.constant 16 : index
      %get3A_1402 = tpu.vector_load %arg8[%get3A_1399, %get3A_1400, %get3A_1401] {strides = array<i32>} : memref<2x2x80xi32, #tpu.memory_space<vmem>>, vector<16xi32>,
      tpu.vector_store_idx %arg19[%get3A_1402], %broadcast_in_dim3A_3 {add = true} : memref<10000xf32, #tpu.memory_space<vmem>>[vector<16xi32>], vector<16xf32>,
      %get3A_1403 = arith.constant 1 : i32
      %get3A_1404 = arith.constant 1 : i32
      %get3A_1405 = arith.index_cast %get3A_1403 : i32 to index
      %get3A_1406 = arith.index_cast %get3A_1404 : i32 to index
      %get3A_1407 = arith.constant 32 : index
      %get3A_1408 = tpu.vector_load %arg8[%get3A_1405, %get3A_1406, %get3A_1407] {strides = array<i32>} : memref<2x2x80xi32, #tpu.memory_space<vmem>>, vector<16xi32>,
      tpu.vector_store_idx %arg19[%get3A_1408], %broadcast_in_dim3A_3 {add = true} : memref<10000xf32, #tpu.memory_space<vmem>>[vector<16xi32>], vector<16xf32>,
      %get3A_1409 = arith.constant 1 : i32
      %get3A_1410 = arith.constant 1 : i32
      %get3A_1411 = arith.index_cast %get3A_1409 : i32 to index
      %get3A_1412 = arith.index_cast %get3A_1410 : i32 to index
      %get3A_1413 = arith.constant 48 : index
      %get3A_1414 = tpu.vector_load %arg8[%get3A_1411, %get3A_1412, %get3A_1413] {strides = array<i32>} : memref<2x2x80xi32, #tpu.memory_space<vmem>>, vector<16xi32>,
      tpu.vector_store_idx %arg19[%get3A_1414], %broadcast_in_dim3A_3 {add = true} : memref<10000xf32, #tpu.memory_space<vmem>>[vector<16xi32>], vector<16xf32>,
      %get3A_1415 = arith.constant 1 : i32
      %get3A_1416 = arith.constant 1 : i32
      %get3A_1417 = arith.index_cast %get3A_1415 : i32 to index
      %get3A_1418 = arith.index_cast %get3A_1416 : i32 to index
      %get3A_1419 = arith.constant 64 : index
      %get3A_1420 = tpu.vector_load %arg8[%get3A_1417, %get3A_1418, %get3A_1419] {strides = array<i32>} : memref<2x2x80xi32, #tpu.memory_space<vmem>>, vector<16xi32>,
      tpu.vector_store_idx %arg19[%get3A_1420], %broadcast_in_dim3A_3 {add = true} : memref<10000xf32, #tpu.memory_space<vmem>>[vector<16xi32>], vector<16xf32>,
      %dma_wait3A_1421 = arith.constant 0 : i32
      %dma_wait3A_1422 = arith.constant 0 : i32
      %dma_wait3A_1423 = arith.constant 0 : i32
      %dma_wait3A_1424 = tpu.memref_slice %arg8[%dma_wait3A_1421, %dma_wait3A_1422, %dma_wait3A_1423] : memref<2x2x80xi32, #tpu.memory_space<vmem>> -> memref<1x1x80xi32, #tpu.memory_space<vmem>>
      %dma_wait3A_1425 = tpu.memref_squeeze %dma_wait3A_1424 : memref<1x1x80xi32, #tpu.memory_space<vmem>> -> memref<80xi32, #tpu.memory_space<vmem>>
      %dma_wait3A_1426 = arith.constant 0 : i32
      %dma_wait3A_1427 = arith.constant 0 : i32
      %dma_wait3A_1428 = tpu.memref_slice %arg2[%dma_wait3A_1426, %dma_wait3A_1427] : memref<10000x128xf32, #tpu.memory_space<hbm>> -> memref<10000x128xf32, #tpu.memory_space<hbm>>
      tpu.wait_indirect_dma semaphore(%arg15 : memref<!tpu.dma_semaphore, #tpu.memory_space<semaphore_mem>>) src(%dma_wait3A_1428 : memref<10000x128xf32, #tpu.memory_space<hbm>>) dst(%arg10 : memref<80x128xf32, #tpu.memory_space<vmem>>)
      %dma_start3A_1429 = arith.constant 0 : i32
      %dma_start3A_1430 = arith.constant 1 : i32
      %dma_start3A_1431 = arith.constant 0 : i32
      %dma_start3A_1432 = tpu.memref_slice %arg8[%dma_start3A_1429, %dma_start3A_1430, %dma_start3A_1431] : memref<2x2x80xi32, #tpu.memory_space<vmem>> -> memref<1x1x80xi32, #tpu.memory_space<vmem>>
      %dma_start3A_1433 = tpu.memref_squeeze %dma_start3A_1432 : memref<1x1x80xi32, #tpu.memory_space<vmem>> -> memref<80xi32, #tpu.memory_space<vmem>>
      %dma_start3A_1434 = arith.constant 0 : i32
      %dma_start3A_1435 = arith.constant 0 : i32
      %dma_start3A_1436 = tpu.memref_slice %arg12[%dma_start3A_1434, %dma_start3A_1435] : memref<10000x128xf32, #tpu.memory_space<vmem_shared>> -> memref<10000x128xf32, #tpu.memory_space<vmem_shared>>
      tpu.enqueue_indirect_dma source(%arg10 : memref<80x128xf32, #tpu.memory_space<vmem>>) target(%dma_start3A_1436 : memref<10000x128xf32, #tpu.memory_space<vmem_shared>>) offsets(%dma_start3A_1433 : memref<80xi32, #tpu.memory_space<vmem>>) semaphore(%arg17 : memref<!tpu.dma_semaphore, #tpu.memory_space<semaphore_mem>>) {add = true}
      %dma_wait3A_1437 = arith.constant 1 : i32
      %dma_wait3A_1438 = arith.constant 0 : i32
      %dma_wait3A_1439 = arith.constant 0 : i32
      %dma_wait3A_1440 = tpu.memref_slice %arg8[%dma_wait3A_1437, %dma_wait3A_1438, %dma_wait3A_1439] : memref<2x2x80xi32, #tpu.memory_space<vmem>> -> memref<1x1x80xi32, #tpu.memory_space<vmem>>
      %dma_wait3A_1441 = tpu.memref_squeeze %dma_wait3A_1440 : memref<1x1x80xi32, #tpu.memory_space<vmem>> -> memref<80xi32, #tpu.memory_space<vmem>>
      %dma_wait3A_1442 = arith.constant 0 : i32
      %dma_wait3A_1443 = arith.constant 0 : i32
      %dma_wait3A_1444 = tpu.memref_slice %arg2[%dma_wait3A_1442, %dma_wait3A_1443] : memref<10000x128xf32, #tpu.memory_space<hbm>> -> memref<10000x128xf32, #tpu.memory_space<hbm>>
      tpu.wait_indirect_dma semaphore(%arg16 : memref<!tpu.dma_semaphore, #tpu.memory_space<semaphore_mem>>) src(%dma_wait3A_1444 : memref<10000x128xf32, #tpu.memory_space<hbm>>) dst(%arg11 : memref<80x128xf32, #tpu.memory_space<vmem>>)
      %dma_start3A_1445 = arith.constant 1 : i32
      %dma_start3A_1446 = arith.constant 1 : i32
      %dma_start3A_1447 = arith.constant 0 : i32
      %dma_start3A_1448 = tpu.memref_slice %arg8[%dma_start3A_1445, %dma_start3A_1446, %dma_start3A_1447] : memref<2x2x80xi32, #tpu.memory_space<vmem>> -> memref<1x1x80xi32, #tpu.memory_space<vmem>>
      %dma_start3A_1449 = tpu.memref_squeeze %dma_start3A_1448 : memref<1x1x80xi32, #tpu.memory_space<vmem>> -> memref<80xi32, #tpu.memory_space<vmem>>
      %dma_start3A_1450 = arith.constant 0 : i32
      %dma_start3A_1451 = arith.constant 0 : i32
      %dma_start3A_1452 = tpu.memref_slice %arg12[%dma_start3A_1450, %dma_start3A_1451] : memref<10000x128xf32, #tpu.memory_space<vmem_shared>> -> memref<10000x128xf32, #tpu.memory_space<vmem_shared>>
      tpu.enqueue_indirect_dma source(%arg11 : memref<80x128xf32, #tpu.memory_space<vmem>>) target(%dma_start3A_1452 : memref<10000x128xf32, #tpu.memory_space<vmem_shared>>) offsets(%dma_start3A_1449 : memref<80xi32, #tpu.memory_space<vmem>>) semaphore(%arg18 : memref<!tpu.dma_semaphore, #tpu.memory_space<semaphore_mem>>) {add = true}
    }
    %scan3A_411 = arith.constant 30 : i32
    %add3A_412 = arith.constant 9920 : i32
    %add3A_413 = arith.addi %mul3A_2, %add3A_412 : i32
    %add3A_414 = arith.constant 9760 : i32
    %add3A_415 = arith.addi %mul3A_2, %add3A_414 : i32
    %add3A_416 = arith.constant 80 : i32
    %add3A_417 = arith.addi %add3A_415, %add3A_416 : i32
    %add3A_418 = arith.constant 80 : i32
    %add3A_419 = arith.addi %add3A_415, %add3A_418 : i32
    %dma_wait3A_420 = arith.constant 0 : i32
    %dma_wait3A_421 = arith.constant 0 : i32
    %dma_wait3A_422 = arith.constant 0 : i32
    %dma_wait3A_423 = tpu.memref_slice %arg9[%dma_wait3A_420, %dma_wait3A_421, %dma_wait3A_422] : memref<2x2x80xi32, #tpu.memory_space<vmem>> -> memref<1x1x80xi32, #tpu.memory_space<vmem>>
    %dma_wait3A_424 = tpu.memref_squeeze %dma_wait3A_423 : memref<1x1x80xi32, #tpu.memory_space<vmem>> -> memref<80xi32, #tpu.memory_space<vmem>>
    %dma_wait3A_425 = tpu.memref_slice %arg3[%add3A_415] : memref<320000xi32, #tpu.memory_space<hbm>> -> memref<80xi32, #tpu.memory_space<hbm>>
    %dma_wait3A_426 = arith.constant 0 : i32
    %dma_wait3A_427 = tpu.memref_slice %arg9[%dma_wait3A_420, %dma_wait3A_421, %dma_wait3A_426] : memref<2x2x80xi32, #tpu.memory_space<vmem>> -> memref<1x1x80xi32, #tpu.memory_space<vmem>>
    %dma_wait3A_428 = tpu.memref_squeeze %dma_wait3A_427 : memref<1x1x80xi32, #tpu.memory_space<vmem>> -> memref<80xi32, #tpu.memory_space<vmem>>
    %dma_wait3A_429 = tpu.memref_slice %arg3[%add3A_415] : memref<320000xi32, #tpu.memory_space<hbm>> -> memref<80xi32, #tpu.memory_space<hbm>>
    tpu.wait_dma2 semaphore(%arg14 : memref<!tpu.dma_semaphore, #tpu.memory_space<semaphore_mem>>) src(%dma_wait3A_429 : memref<80xi32, #tpu.memory_space<hbm>>) dst(%dma_wait3A_428 : memref<80xi32, #tpu.memory_space<vmem>>)
    %dma_wait3A_430 = arith.constant 0 : i32
    %dma_wait3A_431 = arith.constant 1 : i32
    %dma_wait3A_432 = arith.constant 0 : i32
    %dma_wait3A_433 = tpu.memref_slice %arg9[%dma_wait3A_430, %dma_wait3A_431, %dma_wait3A_432] : memref<2x2x80xi32, #tpu.memory_space<vmem>> -> memref<1x1x80xi32, #tpu.memory_space<vmem>>
    %dma_wait3A_434 = tpu.memref_squeeze %dma_wait3A_433 : memref<1x1x80xi32, #tpu.memory_space<vmem>> -> memref<80xi32, #tpu.memory_space<vmem>>
    %dma_wait3A_435 = tpu.memref_slice %arg4[%add3A_415] : memref<320000xi32, #tpu.memory_space<hbm>> -> memref<80xi32, #tpu.memory_space<hbm>>
    %dma_wait3A_436 = arith.constant 0 : i32
    %dma_wait3A_437 = tpu.memref_slice %arg9[%dma_wait3A_430, %dma_wait3A_431, %dma_wait3A_436] : memref<2x2x80xi32, #tpu.memory_space<vmem>> -> memref<1x1x80xi32, #tpu.memory_space<vmem>>
    %dma_wait3A_438 = tpu.memref_squeeze %dma_wait3A_437 : memref<1x1x80xi32, #tpu.memory_space<vmem>> -> memref<80xi32, #tpu.memory_space<vmem>>
    %dma_wait3A_439 = tpu.memref_slice %arg4[%add3A_415] : memref<320000xi32, #tpu.memory_space<hbm>> -> memref<80xi32, #tpu.memory_space<hbm>>
    tpu.wait_dma2 semaphore(%arg14 : memref<!tpu.dma_semaphore, #tpu.memory_space<semaphore_mem>>) src(%dma_wait3A_439 : memref<80xi32, #tpu.memory_space<hbm>>) dst(%dma_wait3A_438 : memref<80xi32, #tpu.memory_space<vmem>>)
    %dma_wait3A_440 = arith.constant 1 : i32
    %dma_wait3A_441 = arith.constant 0 : i32
    %dma_wait3A_442 = arith.constant 0 : i32
    %dma_wait3A_443 = tpu.memref_slice %arg9[%dma_wait3A_440, %dma_wait3A_441, %dma_wait3A_442] : memref<2x2x80xi32, #tpu.memory_space<vmem>> -> memref<1x1x80xi32, #tpu.memory_space<vmem>>
    %dma_wait3A_444 = tpu.memref_squeeze %dma_wait3A_443 : memref<1x1x80xi32, #tpu.memory_space<vmem>> -> memref<80xi32, #tpu.memory_space<vmem>>
    %dma_wait3A_445 = tpu.memref_slice %arg3[%add3A_417] : memref<320000xi32, #tpu.memory_space<hbm>> -> memref<80xi32, #tpu.memory_space<hbm>>
    %dma_wait3A_446 = arith.constant 0 : i32
    %dma_wait3A_447 = tpu.memref_slice %arg9[%dma_wait3A_440, %dma_wait3A_441, %dma_wait3A_446] : memref<2x2x80xi32, #tpu.memory_space<vmem>> -> memref<1x1x80xi32, #tpu.memory_space<vmem>>
    %dma_wait3A_448 = tpu.memref_squeeze %dma_wait3A_447 : memref<1x1x80xi32, #tpu.memory_space<vmem>> -> memref<80xi32, #tpu.memory_space<vmem>>
    %dma_wait3A_449 = tpu.memref_slice %arg3[%add3A_417] : memref<320000xi32, #tpu.memory_space<hbm>> -> memref<80xi32, #tpu.memory_space<hbm>>
    tpu.wait_dma2 semaphore(%arg14 : memref<!tpu.dma_semaphore, #tpu.memory_space<semaphore_mem>>) src(%dma_wait3A_449 : memref<80xi32, #tpu.memory_space<hbm>>) dst(%dma_wait3A_448 : memref<80xi32, #tpu.memory_space<vmem>>)
    %dma_wait3A_450 = arith.constant 1 : i32
    %dma_wait3A_451 = arith.constant 1 : i32
    %dma_wait3A_452 = arith.constant 0 : i32
    %dma_wait3A_453 = tpu.memref_slice %arg9[%dma_wait3A_450, %dma_wait3A_451, %dma_wait3A_452] : memref<2x2x80xi32, #tpu.memory_space<vmem>> -> memref<1x1x80xi32, #tpu.memory_space<vmem>>
    %dma_wait3A_454 = tpu.memref_squeeze %dma_wait3A_453 : memref<1x1x80xi32, #tpu.memory_space<vmem>> -> memref<80xi32, #tpu.memory_space<vmem>>
    %dma_wait3A_455 = tpu.memref_slice %arg4[%add3A_419] : memref<320000xi32, #tpu.memory_space<hbm>> -> memref<80xi32, #tpu.memory_space<hbm>>
    %dma_wait3A_456 = arith.constant 0 : i32
    %dma_wait3A_457 = tpu.memref_slice %arg9[%dma_wait3A_450, %dma_wait3A_451, %dma_wait3A_456] : memref<2x2x80xi32, #tpu.memory_space<vmem>> -> memref<1x1x80xi32, #tpu.memory_space<vmem>>
    %dma_wait3A_458 = tpu.memref_squeeze %dma_wait3A_457 : memref<1x1x80xi32, #tpu.memory_space<vmem>> -> memref<80xi32, #tpu.memory_space<vmem>>
    %dma_wait3A_459 = tpu.memref_slice %arg4[%add3A_419] : memref<320000xi32, #tpu.memory_space<hbm>> -> memref<80xi32, #tpu.memory_space<hbm>>
    tpu.wait_dma2 semaphore(%arg14 : memref<!tpu.dma_semaphore, #tpu.memory_space<semaphore_mem>>) src(%dma_wait3A_459 : memref<80xi32, #tpu.memory_space<hbm>>) dst(%dma_wait3A_458 : memref<80xi32, #tpu.memory_space<vmem>>)
    %dma_wait3A_460 = arith.constant 0 : i32
    %dma_wait3A_461 = arith.constant 1 : i32
    %dma_wait3A_462 = arith.constant 0 : i32
    %dma_wait3A_463 = tpu.memref_slice %arg9[%dma_wait3A_460, %dma_wait3A_461, %dma_wait3A_462] : memref<2x2x80xi32, #tpu.memory_space<vmem>> -> memref<1x1x80xi32, #tpu.memory_space<vmem>>
    %dma_wait3A_464 = tpu.memref_squeeze %dma_wait3A_463 : memref<1x1x80xi32, #tpu.memory_space<vmem>> -> memref<80xi32, #tpu.memory_space<vmem>>
    %dma_wait3A_465 = arith.constant 0 : i32
    %dma_wait3A_466 = arith.constant 0 : i32
    %dma_wait3A_467 = tpu.memref_slice %arg12[%dma_wait3A_465, %dma_wait3A_466] : memref<10000x128xf32, #tpu.memory_space<vmem_shared>> -> memref<10000x128xf32, #tpu.memory_space<vmem_shared>>
    tpu.wait_indirect_dma semaphore(%arg17 : memref<!tpu.dma_semaphore, #tpu.memory_space<semaphore_mem>>) src(%arg10 : memref<80x128xf32, #tpu.memory_space<vmem>>) dst(%dma_wait3A_467 : memref<10000x128xf32, #tpu.memory_space<vmem_shared>>)
    %dma_wait3A_468 = arith.constant 1 : i32
    %dma_wait3A_469 = arith.constant 1 : i32
    %dma_wait3A_470 = arith.constant 0 : i32
    %dma_wait3A_471 = tpu.memref_slice %arg9[%dma_wait3A_468, %dma_wait3A_469, %dma_wait3A_470] : memref<2x2x80xi32, #tpu.memory_space<vmem>> -> memref<1x1x80xi32, #tpu.memory_space<vmem>>
    %dma_wait3A_472 = tpu.memref_squeeze %dma_wait3A_471 : memref<1x1x80xi32, #tpu.memory_space<vmem>> -> memref<80xi32, #tpu.memory_space<vmem>>
    %dma_wait3A_473 = arith.constant 0 : i32
    %dma_wait3A_474 = arith.constant 0 : i32
    %dma_wait3A_475 = tpu.memref_slice %arg12[%dma_wait3A_473, %dma_wait3A_474] : memref<10000x128xf32, #tpu.memory_space<vmem_shared>> -> memref<10000x128xf32, #tpu.memory_space<vmem_shared>>
    tpu.wait_indirect_dma semaphore(%arg18 : memref<!tpu.dma_semaphore, #tpu.memory_space<semaphore_mem>>) src(%arg11 : memref<80x128xf32, #tpu.memory_space<vmem>>) dst(%dma_wait3A_475 : memref<10000x128xf32, #tpu.memory_space<vmem_shared>>)
    %dma_start3A_476 = arith.constant 0 : i32
    %dma_start3A_477 = arith.constant 0 : i32
    %dma_start3A_478 = arith.constant 0 : i32
    %dma_start3A_479 = tpu.memref_slice %arg8[%dma_start3A_476, %dma_start3A_477, %dma_start3A_478] : memref<2x2x80xi32, #tpu.memory_space<vmem>> -> memref<1x1x80xi32, #tpu.memory_space<vmem>>
    %dma_start3A_480 = tpu.memref_squeeze %dma_start3A_479 : memref<1x1x80xi32, #tpu.memory_space<vmem>> -> memref<80xi32, #tpu.memory_space<vmem>>
    %dma_start3A_481 = tpu.memref_slice %arg3[%add3A_413] : memref<320000xi32, #tpu.memory_space<hbm>> -> memref<80xi32, #tpu.memory_space<hbm>>
    %dma_start3A_482 = arith.constant 0 : i32
    %dma_start3A_483 = tpu.memref_slice %arg8[%dma_start3A_476, %dma_start3A_477, %dma_start3A_482] : memref<2x2x80xi32, #tpu.memory_space<vmem>> -> memref<1x1x80xi32, #tpu.memory_space<vmem>>
    %dma_start3A_484 = tpu.memref_squeeze %dma_start3A_483 : memref<1x1x80xi32, #tpu.memory_space<vmem>> -> memref<80xi32, #tpu.memory_space<vmem>>
    %dma_start3A_485 = tpu.memref_slice %arg3[%add3A_413] : memref<320000xi32, #tpu.memory_space<hbm>> -> memref<80xi32, #tpu.memory_space<hbm>>
    tpu.enqueue_dma source(%dma_start3A_485 : memref<80xi32, #tpu.memory_space<hbm>>) target(%dma_start3A_484 : memref<80xi32, #tpu.memory_space<vmem>>) target_semaphore(%arg13 : memref<!tpu.dma_semaphore, #tpu.memory_space<semaphore_mem>>)
    %dma_start3A_486 = arith.constant 0 : i32
    %dma_start3A_487 = arith.constant 1 : i32
    %dma_start3A_488 = arith.constant 0 : i32
    %dma_start3A_489 = tpu.memref_slice %arg8[%dma_start3A_486, %dma_start3A_487, %dma_start3A_488] : memref<2x2x80xi32, #tpu.memory_space<vmem>> -> memref<1x1x80xi32, #tpu.memory_space<vmem>>
    %dma_start3A_490 = tpu.memref_squeeze %dma_start3A_489 : memref<1x1x80xi32, #tpu.memory_space<vmem>> -> memref<80xi32, #tpu.memory_space<vmem>>
    %dma_start3A_491 = tpu.memref_slice %arg4[%add3A_413] : memref<320000xi32, #tpu.memory_space<hbm>> -> memref<80xi32, #tpu.memory_space<hbm>>
    %dma_start3A_492 = arith.constant 0 : i32
    %dma_start3A_493 = tpu.memref_slice %arg8[%dma_start3A_486, %dma_start3A_487, %dma_start3A_492] : memref<2x2x80xi32, #tpu.memory_space<vmem>> -> memref<1x1x80xi32, #tpu.memory_space<vmem>>
    %dma_start3A_494 = tpu.memref_squeeze %dma_start3A_493 : memref<1x1x80xi32, #tpu.memory_space<vmem>> -> memref<80xi32, #tpu.memory_space<vmem>>
    %dma_start3A_495 = tpu.memref_slice %arg4[%add3A_413] : memref<320000xi32, #tpu.memory_space<hbm>> -> memref<80xi32, #tpu.memory_space<hbm>>
    tpu.enqueue_dma source(%dma_start3A_495 : memref<80xi32, #tpu.memory_space<hbm>>) target(%dma_start3A_494 : memref<80xi32, #tpu.memory_space<vmem>>) target_semaphore(%arg13 : memref<!tpu.dma_semaphore, #tpu.memory_space<semaphore_mem>>)
    %dma_start3A_496 = arith.constant 0 : i32
    %dma_start3A_497 = arith.constant 0 : i32
    %dma_start3A_498 = arith.constant 0 : i32
    %dma_start3A_499 = tpu.memref_slice %arg9[%dma_start3A_496, %dma_start3A_497, %dma_start3A_498] : memref<2x2x80xi32, #tpu.memory_space<vmem>> -> memref<1x1x80xi32, #tpu.memory_space<vmem>>
    %dma_start3A_500 = tpu.memref_squeeze %dma_start3A_499 : memref<1x1x80xi32, #tpu.memory_space<vmem>> -> memref<80xi32, #tpu.memory_space<vmem>>
    %dma_start3A_501 = arith.constant 0 : i32
    %dma_start3A_502 = arith.constant 0 : i32
    %dma_start3A_503 = tpu.memref_slice %arg2[%dma_start3A_501, %dma_start3A_502] : memref<10000x128xf32, #tpu.memory_space<hbm>> -> memref<10000x128xf32, #tpu.memory_space<hbm>>
    tpu.enqueue_indirect_dma source(%dma_start3A_503 : memref<10000x128xf32, #tpu.memory_space<hbm>>) target(%arg10 : memref<80x128xf32, #tpu.memory_space<vmem>>) offsets(%dma_start3A_500 : memref<80xi32, #tpu.memory_space<vmem>>) semaphore(%arg15 : memref<!tpu.dma_semaphore, #tpu.memory_space<semaphore_mem>>)
    %dma_start3A_504 = arith.constant 1 : i32
    %dma_start3A_505 = arith.constant 0 : i32
    %dma_start3A_506 = arith.constant 0 : i32
    %dma_start3A_507 = tpu.memref_slice %arg9[%dma_start3A_504, %dma_start3A_505, %dma_start3A_506] : memref<2x2x80xi32, #tpu.memory_space<vmem>> -> memref<1x1x80xi32, #tpu.memory_space<vmem>>
    %dma_start3A_508 = tpu.memref_squeeze %dma_start3A_507 : memref<1x1x80xi32, #tpu.memory_space<vmem>> -> memref<80xi32, #tpu.memory_space<vmem>>
    %dma_start3A_509 = arith.constant 0 : i32
    %dma_start3A_510 = arith.constant 0 : i32
    %dma_start3A_511 = tpu.memref_slice %arg2[%dma_start3A_509, %dma_start3A_510] : memref<10000x128xf32, #tpu.memory_space<hbm>> -> memref<10000x128xf32, #tpu.memory_space<hbm>>
    tpu.enqueue_indirect_dma source(%dma_start3A_511 : memref<10000x128xf32, #tpu.memory_space<hbm>>) target(%arg11 : memref<80x128xf32, #tpu.memory_space<vmem>>) offsets(%dma_start3A_508 : memref<80xi32, #tpu.memory_space<vmem>>) semaphore(%arg16 : memref<!tpu.dma_semaphore, #tpu.memory_space<semaphore_mem>>)
    %get3A_512 = arith.constant 0 : i32
    %get3A_513 = arith.constant 1 : i32
    %get3A_514 = arith.index_cast %get3A_512 : i32 to index
    %get3A_515 = arith.index_cast %get3A_513 : i32 to index
    %get3A_516 = arith.constant 0 : index
    %get3A_517 = tpu.vector_load %arg9[%get3A_514, %get3A_515, %get3A_516] {strides = array<i32>} : memref<2x2x80xi32, #tpu.memory_space<vmem>>, vector<16xi32>,
    tpu.vector_store_idx %arg19[%get3A_517], %broadcast_in_dim3A_3 {add = true} : memref<10000xf32, #tpu.memory_space<vmem>>[vector<16xi32>], vector<16xf32>,
    %get3A_518 = arith.constant 0 : i32
    %get3A_519 = arith.constant 1 : i32
    %get3A_520 = arith.index_cast %get3A_518 : i32 to index
    %get3A_521 = arith.index_cast %get3A_519 : i32 to index
    %get3A_522 = arith.constant 16 : index
    %get3A_523 = tpu.vector_load %arg9[%get3A_520, %get3A_521, %get3A_522] {strides = array<i32>} : memref<2x2x80xi32, #tpu.memory_space<vmem>>, vector<16xi32>,
    tpu.vector_store_idx %arg19[%get3A_523], %broadcast_in_dim3A_3 {add = true} : memref<10000xf32, #tpu.memory_space<vmem>>[vector<16xi32>], vector<16xf32>,
    %get3A_524 = arith.constant 0 : i32
    %get3A_525 = arith.constant 1 : i32
    %get3A_526 = arith.index_cast %get3A_524 : i32 to index
    %get3A_527 = arith.index_cast %get3A_525 : i32 to index
    %get3A_528 = arith.constant 32 : index
    %get3A_529 = tpu.vector_load %arg9[%get3A_526, %get3A_527, %get3A_528] {strides = array<i32>} : memref<2x2x80xi32, #tpu.memory_space<vmem>>, vector<16xi32>,
    tpu.vector_store_idx %arg19[%get3A_529], %broadcast_in_dim3A_3 {add = true} : memref<10000xf32, #tpu.memory_space<vmem>>[vector<16xi32>], vector<16xf32>,
    %get3A_530 = arith.constant 0 : i32
    %get3A_531 = arith.constant 1 : i32
    %get3A_532 = arith.index_cast %get3A_530 : i32 to index
    %get3A_533 = arith.index_cast %get3A_531 : i32 to index
    %get3A_534 = arith.constant 48 : index
    %get3A_535 = tpu.vector_load %arg9[%get3A_532, %get3A_533, %get3A_534] {strides = array<i32>} : memref<2x2x80xi32, #tpu.memory_space<vmem>>, vector<16xi32>,
    tpu.vector_store_idx %arg19[%get3A_535], %broadcast_in_dim3A_3 {add = true} : memref<10000xf32, #tpu.memory_space<vmem>>[vector<16xi32>], vector<16xf32>,
    %get3A_536 = arith.constant 0 : i32
    %get3A_537 = arith.constant 1 : i32
    %get3A_538 = arith.index_cast %get3A_536 : i32 to index
    %get3A_539 = arith.index_cast %get3A_537 : i32 to index
    %get3A_540 = arith.constant 64 : index
    %get3A_541 = tpu.vector_load %arg9[%get3A_538, %get3A_539, %get3A_540] {strides = array<i32>} : memref<2x2x80xi32, #tpu.memory_space<vmem>>, vector<16xi32>,
    tpu.vector_store_idx %arg19[%get3A_541], %broadcast_in_dim3A_3 {add = true} : memref<10000xf32, #tpu.memory_space<vmem>>[vector<16xi32>], vector<16xf32>,
    %get3A_542 = arith.constant 1 : i32
    %get3A_543 = arith.constant 1 : i32
    %get3A_544 = arith.index_cast %get3A_542 : i32 to index
    %get3A_545 = arith.index_cast %get3A_543 : i32 to index
    %get3A_546 = arith.constant 0 : index
    %get3A_547 = tpu.vector_load %arg9[%get3A_544, %get3A_545, %get3A_546] {strides = array<i32>} : memref<2x2x80xi32, #tpu.memory_space<vmem>>, vector<16xi32>,
    tpu.vector_store_idx %arg19[%get3A_547], %broadcast_in_dim3A_3 {add = true} : memref<10000xf32, #tpu.memory_space<vmem>>[vector<16xi32>], vector<16xf32>,
    %get3A_548 = arith.constant 1 : i32
    %get3A_549 = arith.constant 1 : i32
    %get3A_550 = arith.index_cast %get3A_548 : i32 to index
    %get3A_551 = arith.index_cast %get3A_549 : i32 to index
    %get3A_552 = arith.constant 16 : index
    %get3A_553 = tpu.vector_load %arg9[%get3A_550, %get3A_551, %get3A_552] {strides = array<i32>} : memref<2x2x80xi32, #tpu.memory_space<vmem>>, vector<16xi32>,
    tpu.vector_store_idx %arg19[%get3A_553], %broadcast_in_dim3A_3 {add = true} : memref<10000xf32, #tpu.memory_space<vmem>>[vector<16xi32>], vector<16xf32>,
    %get3A_554 = arith.constant 1 : i32
    %get3A_555 = arith.constant 1 : i32
    %get3A_556 = arith.index_cast %get3A_554 : i32 to index
    %get3A_557 = arith.index_cast %get3A_555 : i32 to index
    %get3A_558 = arith.constant 32 : index
    %get3A_559 = tpu.vector_load %arg9[%get3A_556, %get3A_557, %get3A_558] {strides = array<i32>} : memref<2x2x80xi32, #tpu.memory_space<vmem>>, vector<16xi32>,
    tpu.vector_store_idx %arg19[%get3A_559], %broadcast_in_dim3A_3 {add = true} : memref<10000xf32, #tpu.memory_space<vmem>>[vector<16xi32>], vector<16xf32>,
    %get3A_560 = arith.constant 1 : i32
    %get3A_561 = arith.constant 1 : i32
    %get3A_562 = arith.index_cast %get3A_560 : i32 to index
    %get3A_563 = arith.index_cast %get3A_561 : i32 to index
    %get3A_564 = arith.constant 48 : index
    %get3A_565 = tpu.vector_load %arg9[%get3A_562, %get3A_563, %get3A_564] {strides = array<i32>} : memref<2x2x80xi32, #tpu.memory_space<vmem>>, vector<16xi32>,
    tpu.vector_store_idx %arg19[%get3A_565], %broadcast_in_dim3A_3 {add = true} : memref<10000xf32, #tpu.memory_space<vmem>>[vector<16xi32>], vector<16xf32>,
    %get3A_566 = arith.constant 1 : i32
    %get3A_567 = arith.constant 1 : i32
    %get3A_568 = arith.index_cast %get3A_566 : i32 to index
    %get3A_569 = arith.index_cast %get3A_567 : i32 to index
    %get3A_570 = arith.constant 64 : index
    %get3A_571 = tpu.vector_load %arg9[%get3A_568, %get3A_569, %get3A_570] {strides = array<i32>} : memref<2x2x80xi32, #tpu.memory_space<vmem>>, vector<16xi32>,
    tpu.vector_store_idx %arg19[%get3A_571], %broadcast_in_dim3A_3 {add = true} : memref<10000xf32, #tpu.memory_space<vmem>>[vector<16xi32>], vector<16xf32>,
    %dma_wait3A_572 = arith.constant 0 : i32
    %dma_wait3A_573 = arith.constant 0 : i32
    %dma_wait3A_574 = arith.constant 0 : i32
    %dma_wait3A_575 = tpu.memref_slice %arg9[%dma_wait3A_572, %dma_wait3A_573, %dma_wait3A_574] : memref<2x2x80xi32, #tpu.memory_space<vmem>> -> memref<1x1x80xi32, #tpu.memory_space<vmem>>
    %dma_wait3A_576 = tpu.memref_squeeze %dma_wait3A_575 : memref<1x1x80xi32, #tpu.memory_space<vmem>> -> memref<80xi32, #tpu.memory_space<vmem>>
    %dma_wait3A_577 = arith.constant 0 : i32
    %dma_wait3A_578 = arith.constant 0 : i32
    %dma_wait3A_579 = tpu.memref_slice %arg2[%dma_wait3A_577, %dma_wait3A_578] : memref<10000x128xf32, #tpu.memory_space<hbm>> -> memref<10000x128xf32, #tpu.memory_space<hbm>>
    tpu.wait_indirect_dma semaphore(%arg15 : memref<!tpu.dma_semaphore, #tpu.memory_space<semaphore_mem>>) src(%dma_wait3A_579 : memref<10000x128xf32, #tpu.memory_space<hbm>>) dst(%arg10 : memref<80x128xf32, #tpu.memory_space<vmem>>)
    %dma_start3A_580 = arith.constant 0 : i32
    %dma_start3A_581 = arith.constant 1 : i32
    %dma_start3A_582 = arith.constant 0 : i32
    %dma_start3A_583 = tpu.memref_slice %arg9[%dma_start3A_580, %dma_start3A_581, %dma_start3A_582] : memref<2x2x80xi32, #tpu.memory_space<vmem>> -> memref<1x1x80xi32, #tpu.memory_space<vmem>>
    %dma_start3A_584 = tpu.memref_squeeze %dma_start3A_583 : memref<1x1x80xi32, #tpu.memory_space<vmem>> -> memref<80xi32, #tpu.memory_space<vmem>>
    %dma_start3A_585 = arith.constant 0 : i32
    %dma_start3A_586 = arith.constant 0 : i32
    %dma_start3A_587 = tpu.memref_slice %arg12[%dma_start3A_585, %dma_start3A_586] : memref<10000x128xf32, #tpu.memory_space<vmem_shared>> -> memref<10000x128xf32, #tpu.memory_space<vmem_shared>>
    tpu.enqueue_indirect_dma source(%arg10 : memref<80x128xf32, #tpu.memory_space<vmem>>) target(%dma_start3A_587 : memref<10000x128xf32, #tpu.memory_space<vmem_shared>>) offsets(%dma_start3A_584 : memref<80xi32, #tpu.memory_space<vmem>>) semaphore(%arg17 : memref<!tpu.dma_semaphore, #tpu.memory_space<semaphore_mem>>) {add = true}
    %dma_wait3A_588 = arith.constant 1 : i32
    %dma_wait3A_589 = arith.constant 0 : i32
    %dma_wait3A_590 = arith.constant 0 : i32
    %dma_wait3A_591 = tpu.memref_slice %arg9[%dma_wait3A_588, %dma_wait3A_589, %dma_wait3A_590] : memref<2x2x80xi32, #tpu.memory_space<vmem>> -> memref<1x1x80xi32, #tpu.memory_space<vmem>>
    %dma_wait3A_592 = tpu.memref_squeeze %dma_wait3A_591 : memref<1x1x80xi32, #tpu.memory_space<vmem>> -> memref<80xi32, #tpu.memory_space<vmem>>
    %dma_wait3A_593 = arith.constant 0 : i32
    %dma_wait3A_594 = arith.constant 0 : i32
    %dma_wait3A_595 = tpu.memref_slice %arg2[%dma_wait3A_593, %dma_wait3A_594] : memref<10000x128xf32, #tpu.memory_space<hbm>> -> memref<10000x128xf32, #tpu.memory_space<hbm>>
    tpu.wait_indirect_dma semaphore(%arg16 : memref<!tpu.dma_semaphore, #tpu.memory_space<semaphore_mem>>) src(%dma_wait3A_595 : memref<10000x128xf32, #tpu.memory_space<hbm>>) dst(%arg11 : memref<80x128xf32, #tpu.memory_space<vmem>>)
    %dma_start3A_596 = arith.constant 1 : i32
    %dma_start3A_597 = arith.constant 1 : i32
    %dma_start3A_598 = arith.constant 0 : i32
    %dma_start3A_599 = tpu.memref_slice %arg9[%dma_start3A_596, %dma_start3A_597, %dma_start3A_598] : memref<2x2x80xi32, #tpu.memory_space<vmem>> -> memref<1x1x80xi32, #tpu.memory_space<vmem>>
    %dma_start3A_600 = tpu.memref_squeeze %dma_start3A_599 : memref<1x1x80xi32, #tpu.memory_space<vmem>> -> memref<80xi32, #tpu.memory_space<vmem>>
    %dma_start3A_601 = arith.constant 0 : i32
    %dma_start3A_602 = arith.constant 0 : i32
    %dma_start3A_603 = tpu.memref_slice %arg12[%dma_start3A_601, %dma_start3A_602] : memref<10000x128xf32, #tpu.memory_space<vmem_shared>> -> memref<10000x128xf32, #tpu.memory_space<vmem_shared>>
    tpu.enqueue_indirect_dma source(%arg11 : memref<80x128xf32, #tpu.memory_space<vmem>>) target(%dma_start3A_603 : memref<10000x128xf32, #tpu.memory_space<vmem_shared>>) offsets(%dma_start3A_600 : memref<80xi32, #tpu.memory_space<vmem>>) semaphore(%arg18 : memref<!tpu.dma_semaphore, #tpu.memory_space<semaphore_mem>>) {add = true}
    %dma_wait3A_604 = arith.constant 0 : i32
    %dma_wait3A_605 = arith.constant 0 : i32
    %dma_wait3A_606 = arith.constant 0 : i32
    %dma_wait3A_607 = tpu.memref_slice %arg8[%dma_wait3A_604, %dma_wait3A_605, %dma_wait3A_606] : memref<2x2x80xi32, #tpu.memory_space<vmem>> -> memref<1x1x80xi32, #tpu.memory_space<vmem>>
    %dma_wait3A_608 = tpu.memref_squeeze %dma_wait3A_607 : memref<1x1x80xi32, #tpu.memory_space<vmem>> -> memref<80xi32, #tpu.memory_space<vmem>>
    %dma_wait3A_609 = tpu.memref_slice %arg3[%add3A_413] : memref<320000xi32, #tpu.memory_space<hbm>> -> memref<80xi32, #tpu.memory_space<hbm>>
    %dma_wait3A_610 = arith.constant 0 : i32
    %dma_wait3A_611 = tpu.memref_slice %arg8[%dma_wait3A_604, %dma_wait3A_605, %dma_wait3A_610] : memref<2x2x80xi32, #tpu.memory_space<vmem>> -> memref<1x1x80xi32, #tpu.memory_space<vmem>>
    %dma_wait3A_612 = tpu.memref_squeeze %dma_wait3A_611 : memref<1x1x80xi32, #tpu.memory_space<vmem>> -> memref<80xi32, #tpu.memory_space<vmem>>
    %dma_wait3A_613 = tpu.memref_slice %arg3[%add3A_413] : memref<320000xi32, #tpu.memory_space<hbm>> -> memref<80xi32, #tpu.memory_space<hbm>>
    tpu.wait_dma2 semaphore(%arg13 : memref<!tpu.dma_semaphore, #tpu.memory_space<semaphore_mem>>) src(%dma_wait3A_613 : memref<80xi32, #tpu.memory_space<hbm>>) dst(%dma_wait3A_612 : memref<80xi32, #tpu.memory_space<vmem>>)
    %dma_wait3A_614 = arith.constant 0 : i32
    %dma_wait3A_615 = arith.constant 1 : i32
    %dma_wait3A_616 = arith.constant 0 : i32
    %dma_wait3A_617 = tpu.memref_slice %arg8[%dma_wait3A_614, %dma_wait3A_615, %dma_wait3A_616] : memref<2x2x80xi32, #tpu.memory_space<vmem>> -> memref<1x1x80xi32, #tpu.memory_space<vmem>>
    %dma_wait3A_618 = tpu.memref_squeeze %dma_wait3A_617 : memref<1x1x80xi32, #tpu.memory_space<vmem>> -> memref<80xi32, #tpu.memory_space<vmem>>
    %dma_wait3A_619 = tpu.memref_slice %arg4[%add3A_413] : memref<320000xi32, #tpu.memory_space<hbm>> -> memref<80xi32, #tpu.memory_space<hbm>>
    %dma_wait3A_620 = arith.constant 0 : i32
    %dma_wait3A_621 = tpu.memref_slice %arg8[%dma_wait3A_614, %dma_wait3A_615, %dma_wait3A_620] : memref<2x2x80xi32, #tpu.memory_space<vmem>> -> memref<1x1x80xi32, #tpu.memory_space<vmem>>
    %dma_wait3A_622 = tpu.memref_squeeze %dma_wait3A_621 : memref<1x1x80xi32, #tpu.memory_space<vmem>> -> memref<80xi32, #tpu.memory_space<vmem>>
    %dma_wait3A_623 = tpu.memref_slice %arg4[%add3A_413] : memref<320000xi32, #tpu.memory_space<hbm>> -> memref<80xi32, #tpu.memory_space<hbm>>
    tpu.wait_dma2 semaphore(%arg13 : memref<!tpu.dma_semaphore, #tpu.memory_space<semaphore_mem>>) src(%dma_wait3A_623 : memref<80xi32, #tpu.memory_space<hbm>>) dst(%dma_wait3A_622 : memref<80xi32, #tpu.memory_space<vmem>>)
    %dma_wait3A_624 = arith.constant 0 : i32
    %dma_wait3A_625 = arith.constant 1 : i32
    %dma_wait3A_626 = arith.constant 0 : i32
    %dma_wait3A_627 = tpu.memref_slice %arg8[%dma_wait3A_624, %dma_wait3A_625, %dma_wait3A_626] : memref<2x2x80xi32, #tpu.memory_space<vmem>> -> memref<1x1x80xi32, #tpu.memory_space<vmem>>
    %dma_wait3A_628 = tpu.memref_squeeze %dma_wait3A_627 : memref<1x1x80xi32, #tpu.memory_space<vmem>> -> memref<80xi32, #tpu.memory_space<vmem>>
    %dma_wait3A_629 = arith.constant 0 : i32
    %dma_wait3A_630 = arith.constant 0 : i32
    %dma_wait3A_631 = tpu.memref_slice %arg12[%dma_wait3A_629, %dma_wait3A_630] : memref<10000x128xf32, #tpu.memory_space<vmem_shared>> -> memref<10000x128xf32, #tpu.memory_space<vmem_shared>>
    tpu.wait_indirect_dma semaphore(%arg17 : memref<!tpu.dma_semaphore, #tpu.memory_space<semaphore_mem>>) src(%arg10 : memref<80x128xf32, #tpu.memory_space<vmem>>) dst(%dma_wait3A_631 : memref<10000x128xf32, #tpu.memory_space<vmem_shared>>)
    %dma_start3A_632 = arith.constant 0 : i32
    %dma_start3A_633 = arith.constant 0 : i32
    %dma_start3A_634 = arith.constant 0 : i32
    %dma_start3A_635 = tpu.memref_slice %arg8[%dma_start3A_632, %dma_start3A_633, %dma_start3A_634] : memref<2x2x80xi32, #tpu.memory_space<vmem>> -> memref<1x1x80xi32, #tpu.memory_space<vmem>>
    %dma_start3A_636 = tpu.memref_squeeze %dma_start3A_635 : memref<1x1x80xi32, #tpu.memory_space<vmem>> -> memref<80xi32, #tpu.memory_space<vmem>>
    %dma_start3A_637 = arith.constant 0 : i32
    %dma_start3A_638 = arith.constant 0 : i32
    %dma_start3A_639 = tpu.memref_slice %arg2[%dma_start3A_637, %dma_start3A_638] : memref<10000x128xf32, #tpu.memory_space<hbm>> -> memref<10000x128xf32, #tpu.memory_space<hbm>>
    tpu.enqueue_indirect_dma source(%dma_start3A_639 : memref<10000x128xf32, #tpu.memory_space<hbm>>) target(%arg10 : memref<80x128xf32, #tpu.memory_space<vmem>>) offsets(%dma_start3A_636 : memref<80xi32, #tpu.memory_space<vmem>>) semaphore(%arg15 : memref<!tpu.dma_semaphore, #tpu.memory_space<semaphore_mem>>)
    %get3A_640 = arith.constant 0 : i32
    %get3A_641 = arith.constant 1 : i32
    %get3A_642 = arith.index_cast %get3A_640 : i32 to index
    %get3A_643 = arith.index_cast %get3A_641 : i32 to index
    %get3A_644 = arith.constant 0 : index
    %get3A_645 = tpu.vector_load %arg8[%get3A_642, %get3A_643, %get3A_644] {strides = array<i32>} : memref<2x2x80xi32, #tpu.memory_space<vmem>>, vector<16xi32>,
    tpu.vector_store_idx %arg19[%get3A_645], %broadcast_in_dim3A_3 {add = true} : memref<10000xf32, #tpu.memory_space<vmem>>[vector<16xi32>], vector<16xf32>,
    %get3A_646 = arith.constant 0 : i32
    %get3A_647 = arith.constant 1 : i32
    %get3A_648 = arith.index_cast %get3A_646 : i32 to index
    %get3A_649 = arith.index_cast %get3A_647 : i32 to index
    %get3A_650 = arith.constant 16 : index
    %get3A_651 = tpu.vector_load %arg8[%get3A_648, %get3A_649, %get3A_650] {strides = array<i32>} : memref<2x2x80xi32, #tpu.memory_space<vmem>>, vector<16xi32>,
    tpu.vector_store_idx %arg19[%get3A_651], %broadcast_in_dim3A_3 {add = true} : memref<10000xf32, #tpu.memory_space<vmem>>[vector<16xi32>], vector<16xf32>,
    %get3A_652 = arith.constant 0 : i32
    %get3A_653 = arith.constant 1 : i32
    %get3A_654 = arith.index_cast %get3A_652 : i32 to index
    %get3A_655 = arith.index_cast %get3A_653 : i32 to index
    %get3A_656 = arith.constant 32 : index
    %get3A_657 = tpu.vector_load %arg8[%get3A_654, %get3A_655, %get3A_656] {strides = array<i32>} : memref<2x2x80xi32, #tpu.memory_space<vmem>>, vector<16xi32>,
    tpu.vector_store_idx %arg19[%get3A_657], %broadcast_in_dim3A_3 {add = true} : memref<10000xf32, #tpu.memory_space<vmem>>[vector<16xi32>], vector<16xf32>,
    %get3A_658 = arith.constant 0 : i32
    %get3A_659 = arith.constant 1 : i32
    %get3A_660 = arith.index_cast %get3A_658 : i32 to index
    %get3A_661 = arith.index_cast %get3A_659 : i32 to index
    %get3A_662 = arith.constant 48 : index
    %get3A_663 = tpu.vector_load %arg8[%get3A_660, %get3A_661, %get3A_662] {strides = array<i32>} : memref<2x2x80xi32, #tpu.memory_space<vmem>>, vector<16xi32>,
    tpu.vector_store_idx %arg19[%get3A_663], %broadcast_in_dim3A_3 {add = true} : memref<10000xf32, #tpu.memory_space<vmem>>[vector<16xi32>], vector<16xf32>,
    %get3A_664 = arith.constant 0 : i32
    %get3A_665 = arith.constant 1 : i32
    %get3A_666 = arith.index_cast %get3A_664 : i32 to index
    %get3A_667 = arith.index_cast %get3A_665 : i32 to index
    %get3A_668 = arith.constant 64 : index
    %get3A_669 = tpu.vector_load %arg8[%get3A_666, %get3A_667, %get3A_668] {strides = array<i32>} : memref<2x2x80xi32, #tpu.memory_space<vmem>>, vector<16xi32>,
    tpu.vector_store_idx %arg19[%get3A_669], %broadcast_in_dim3A_3 {add = true} : memref<10000xf32, #tpu.memory_space<vmem>>[vector<16xi32>], vector<16xf32>,
    %dma_wait3A_670 = arith.constant 0 : i32
    %dma_wait3A_671 = arith.constant 0 : i32
    %dma_wait3A_672 = arith.constant 0 : i32
    %dma_wait3A_673 = tpu.memref_slice %arg8[%dma_wait3A_670, %dma_wait3A_671, %dma_wait3A_672] : memref<2x2x80xi32, #tpu.memory_space<vmem>> -> memref<1x1x80xi32, #tpu.memory_space<vmem>>
    %dma_wait3A_674 = tpu.memref_squeeze %dma_wait3A_673 : memref<1x1x80xi32, #tpu.memory_space<vmem>> -> memref<80xi32, #tpu.memory_space<vmem>>
    %dma_wait3A_675 = arith.constant 0 : i32
    %dma_wait3A_676 = arith.constant 0 : i32
    %dma_wait3A_677 = tpu.memref_slice %arg2[%dma_wait3A_675, %dma_wait3A_676] : memref<10000x128xf32, #tpu.memory_space<hbm>> -> memref<10000x128xf32, #tpu.memory_space<hbm>>
    tpu.wait_indirect_dma semaphore(%arg15 : memref<!tpu.dma_semaphore, #tpu.memory_space<semaphore_mem>>) src(%dma_wait3A_677 : memref<10000x128xf32, #tpu.memory_space<hbm>>) dst(%arg10 : memref<80x128xf32, #tpu.memory_space<vmem>>)
    %dma_start3A_678 = arith.constant 0 : i32
    %dma_start3A_679 = arith.constant 1 : i32
    %dma_start3A_680 = arith.constant 0 : i32
    %dma_start3A_681 = tpu.memref_slice %arg8[%dma_start3A_678, %dma_start3A_679, %dma_start3A_680] : memref<2x2x80xi32, #tpu.memory_space<vmem>> -> memref<1x1x80xi32, #tpu.memory_space<vmem>>
    %dma_start3A_682 = tpu.memref_squeeze %dma_start3A_681 : memref<1x1x80xi32, #tpu.memory_space<vmem>> -> memref<80xi32, #tpu.memory_space<vmem>>
    %dma_start3A_683 = arith.constant 0 : i32
    %dma_start3A_684 = arith.constant 0 : i32
    %dma_start3A_685 = tpu.memref_slice %arg12[%dma_start3A_683, %dma_start3A_684] : memref<10000x128xf32, #tpu.memory_space<vmem_shared>> -> memref<10000x128xf32, #tpu.memory_space<vmem_shared>>
    tpu.enqueue_indirect_dma source(%arg10 : memref<80x128xf32, #tpu.memory_space<vmem>>) target(%dma_start3A_685 : memref<10000x128xf32, #tpu.memory_space<vmem_shared>>) offsets(%dma_start3A_682 : memref<80xi32, #tpu.memory_space<vmem>>) semaphore(%arg17 : memref<!tpu.dma_semaphore, #tpu.memory_space<semaphore_mem>>) {add = true}
    %dma_wait3A_686 = arith.constant 0 : i32
    %dma_wait3A_687 = arith.constant 1 : i32
    %dma_wait3A_688 = arith.constant 0 : i32
    %dma_wait3A_689 = tpu.memref_slice %arg8[%dma_wait3A_686, %dma_wait3A_687, %dma_wait3A_688] : memref<2x2x80xi32, #tpu.memory_space<vmem>> -> memref<1x1x80xi32, #tpu.memory_space<vmem>>
    %dma_wait3A_690 = tpu.memref_squeeze %dma_wait3A_689 : memref<1x1x80xi32, #tpu.memory_space<vmem>> -> memref<80xi32, #tpu.memory_space<vmem>>
    %dma_wait3A_691 = arith.constant 0 : i32
    %dma_wait3A_692 = arith.constant 0 : i32
    %dma_wait3A_693 = tpu.memref_slice %arg12[%dma_wait3A_691, %dma_wait3A_692] : memref<10000x128xf32, #tpu.memory_space<vmem_shared>> -> memref<10000x128xf32, #tpu.memory_space<vmem_shared>>
    tpu.wait_indirect_dma semaphore(%arg17 : memref<!tpu.dma_semaphore, #tpu.memory_space<semaphore_mem>>) src(%arg10 : memref<80x128xf32, #tpu.memory_space<vmem>>) dst(%dma_wait3A_693 : memref<10000x128xf32, #tpu.memory_space<vmem_shared>>)
    %dma_wait3A_694 = arith.constant 1 : i32
    %dma_wait3A_695 = arith.constant 1 : i32
    %dma_wait3A_696 = arith.constant 0 : i32
    %dma_wait3A_697 = tpu.memref_slice %arg9[%dma_wait3A_694, %dma_wait3A_695, %dma_wait3A_696] : memref<2x2x80xi32, #tpu.memory_space<vmem>> -> memref<1x1x80xi32, #tpu.memory_space<vmem>>
    %dma_wait3A_698 = tpu.memref_squeeze %dma_wait3A_697 : memref<1x1x80xi32, #tpu.memory_space<vmem>> -> memref<80xi32, #tpu.memory_space<vmem>>
    %dma_wait3A_699 = arith.constant 0 : i32
    %dma_wait3A_700 = arith.constant 0 : i32
    %dma_wait3A_701 = tpu.memref_slice %arg12[%dma_wait3A_699, %dma_wait3A_700] : memref<10000x128xf32, #tpu.memory_space<vmem_shared>> -> memref<10000x128xf32, #tpu.memory_space<vmem_shared>>
    tpu.wait_indirect_dma semaphore(%arg18 : memref<!tpu.dma_semaphore, #tpu.memory_space<semaphore_mem>>) src(%arg11 : memref<80x128xf32, #tpu.memory_space<vmem>>) dst(%dma_wait3A_701 : memref<10000x128xf32, #tpu.memory_space<vmem_shared>>)
    %barrier3A_702 = arith.constant 0 : index
    tpu.barrier barrier_id(%barrier3A_702)
    %mul3A_703 = arith.constant 624 : i32
    %mul3A_704 = arith.muli %arg1, %mul3A_703 : i32
    %add3A_705 = arith.constant 0 : i32
    %add3A_706 = arith.addi %mul3A_704, %add3A_705 : i32
    "tpu.region"() ({
      %run_scoped3A_998 = tpu.sem_alloc : memref<!tpu.dma_semaphore, #tpu.memory_space<semaphore_mem>>
      %dma_start3A_999 = arith.constant 0 : i32
      %dma_start3A_1000 = arith.constant 0 : i32
      %dma_start3A_1001 = tpu.memref_slice %arg10[%dma_start3A_999, %dma_start3A_1000] : memref<80x128xf32, #tpu.memory_space<vmem>> -> memref<80x128xf32, #tpu.memory_space<vmem>>
      %dma_start3A_1002 = arith.constant 0 : i32
      %dma_start3A_1003 = tpu.memref_slice %arg12[%add3A_706, %dma_start3A_1002] : memref<10000x128xf32, #tpu.memory_space<vmem_shared>> -> memref<80x128xf32, #tpu.memory_space<vmem_shared>>
      %dma_start3A_1004 = arith.constant 0 : i32
      %dma_start3A_1005 = arith.constant 0 : i32
      %dma_start3A_1006 = tpu.memref_slice %arg10[%dma_start3A_1004, %dma_start3A_1005] : memref<80x128xf32, #tpu.memory_space<vmem>> -> memref<80x128xf32, #tpu.memory_space<vmem>>
      %dma_start3A_1007 = arith.constant 0 : i32
      %dma_start3A_1008 = tpu.memref_slice %arg12[%add3A_706, %dma_start3A_1007] : memref<10000x128xf32, #tpu.memory_space<vmem_shared>> -> memref<80x128xf32, #tpu.memory_space<vmem_shared>>
      tpu.enqueue_dma source(%dma_start3A_1008 : memref<80x128xf32, #tpu.memory_space<vmem_shared>>) target(%dma_start3A_1006 : memref<80x128xf32, #tpu.memory_space<vmem>>) target_semaphore(%run_scoped3A_998 : memref<!tpu.dma_semaphore, #tpu.memory_space<semaphore_mem>>)
      %dma_wait3A_1009 = arith.constant 0 : i32
      %dma_wait3A_1010 = arith.constant 0 : i32
      %dma_wait3A_1011 = tpu.memref_slice %arg10[%dma_wait3A_1009, %dma_wait3A_1010] : memref<80x128xf32, #tpu.memory_space<vmem>> -> memref<80x128xf32, #tpu.memory_space<vmem>>
      %dma_wait3A_1012 = arith.constant 0 : i32
      %dma_wait3A_1013 = tpu.memref_slice %arg12[%add3A_706, %dma_wait3A_1012] : memref<10000x128xf32, #tpu.memory_space<vmem_shared>> -> memref<80x128xf32, #tpu.memory_space<vmem_shared>>
      %dma_wait3A_1014 = arith.constant 0 : i32
      %dma_wait3A_1015 = arith.constant 0 : i32
      %dma_wait3A_1016 = tpu.memref_slice %arg10[%dma_wait3A_1014, %dma_wait3A_1015] : memref<80x128xf32, #tpu.memory_space<vmem>> -> memref<80x128xf32, #tpu.memory_space<vmem>>
      %dma_wait3A_1017 = arith.constant 0 : i32
      %dma_wait3A_1018 = tpu.memref_slice %arg12[%add3A_706, %dma_wait3A_1017] : memref<10000x128xf32, #tpu.memory_space<vmem_shared>> -> memref<80x128xf32, #tpu.memory_space<vmem_shared>>
      tpu.wait_dma2 semaphore(%run_scoped3A_998 : memref<!tpu.dma_semaphore, #tpu.memory_space<semaphore_mem>>) src(%dma_wait3A_1018 : memref<80x128xf32, #tpu.memory_space<vmem_shared>>) dst(%dma_wait3A_1016 : memref<80x128xf32, #tpu.memory_space<vmem>>)
      tpu.yield
    }) : () -> ()
    %mul3A_707 = arith.constant 624 : i32
    %mul3A_708 = arith.muli %arg1, %mul3A_707 : i32
    %add3A_709 = arith.constant 0 : i32
    %add3A_710 = arith.addi %mul3A_708, %add3A_709 : i32
    %dma_start3A_711 = arith.constant 0 : i32
    %dma_start3A_712 = arith.constant 0 : i32
    %dma_start3A_713 = tpu.memref_slice %arg10[%dma_start3A_711, %dma_start3A_712] : memref<80x128xf32, #tpu.memory_space<vmem>> -> memref<80x128xf32, #tpu.memory_space<vmem>>
    %dma_start3A_714 = arith.constant 0 : i32
    %dma_start3A_715 = tpu.memref_slice %arg6[%arg0, %add3A_710, %dma_start3A_714] : memref<2x10000x128xf32, #tpu.memory_space<hbm>> -> memref<1x80x128xf32, #tpu.memory_space<hbm>>
    %dma_start3A_716 = tpu.memref_squeeze %dma_start3A_715 : memref<1x80x128xf32, #tpu.memory_space<hbm>> -> memref<80x128xf32, #tpu.memory_space<hbm>>
    %dma_start3A_717 = arith.constant 0 : i32
    %dma_start3A_718 = tpu.memref_slice %arg6[%arg0, %add3A_710, %dma_start3A_717] : memref<2x10000x128xf32, #tpu.memory_space<hbm>> -> memref<1x80x128xf32, #tpu.memory_space<hbm>>
    %dma_start3A_719 = tpu.memref_squeeze %dma_start3A_718 : memref<1x80x128xf32, #tpu.memory_space<hbm>> -> memref<80x128xf32, #tpu.memory_space<hbm>>
    %dma_start3A_720 = arith.constant 0 : i32
    %dma_start3A_721 = arith.constant 0 : i32
    %dma_start3A_722 = tpu.memref_slice %arg10[%dma_start3A_720, %dma_start3A_721] : memref<80x128xf32, #tpu.memory_space<vmem>> -> memref<80x128xf32, #tpu.memory_space<vmem>>
    tpu.enqueue_dma source(%dma_start3A_722 : memref<80x128xf32, #tpu.memory_space<vmem>>) target(%dma_start3A_719 : memref<80x128xf32, #tpu.memory_space<hbm>>) target_semaphore(%arg15 : memref<!tpu.dma_semaphore, #tpu.memory_space<semaphore_mem>>)
    %mul3A_723 = arith.constant 624 : i32
    %mul3A_724 = arith.muli %arg1, %mul3A_723 : i32
    %add3A_725 = arith.constant 80 : i32
    %add3A_726 = arith.addi %mul3A_724, %add3A_725 : i32
    "tpu.region"() ({
      %run_scoped3A_998 = tpu.sem_alloc : memref<!tpu.dma_semaphore, #tpu.memory_space<semaphore_mem>>
      %dma_start3A_999 = arith.constant 0 : i32
      %dma_start3A_1000 = arith.constant 0 : i32
      %dma_start3A_1001 = tpu.memref_slice %arg11[%dma_start3A_999, %dma_start3A_1000] : memref<80x128xf32, #tpu.memory_space<vmem>> -> memref<80x128xf32, #tpu.memory_space<vmem>>
      %dma_start3A_1002 = arith.constant 0 : i32
      %dma_start3A_1003 = tpu.memref_slice %arg12[%add3A_726, %dma_start3A_1002] : memref<10000x128xf32, #tpu.memory_space<vmem_shared>> -> memref<80x128xf32, #tpu.memory_space<vmem_shared>>
      %dma_start3A_1004 = arith.constant 0 : i32
      %dma_start3A_1005 = arith.constant 0 : i32
      %dma_start3A_1006 = tpu.memref_slice %arg11[%dma_start3A_1004, %dma_start3A_1005] : memref<80x128xf32, #tpu.memory_space<vmem>> -> memref<80x128xf32, #tpu.memory_space<vmem>>
      %dma_start3A_1007 = arith.constant 0 : i32
      %dma_start3A_1008 = tpu.memref_slice %arg12[%add3A_726, %dma_start3A_1007] : memref<10000x128xf32, #tpu.memory_space<vmem_shared>> -> memref<80x128xf32, #tpu.memory_space<vmem_shared>>
      tpu.enqueue_dma source(%dma_start3A_1008 : memref<80x128xf32, #tpu.memory_space<vmem_shared>>) target(%dma_start3A_1006 : memref<80x128xf32, #tpu.memory_space<vmem>>) target_semaphore(%run_scoped3A_998 : memref<!tpu.dma_semaphore, #tpu.memory_space<semaphore_mem>>)
      %dma_wait3A_1009 = arith.constant 0 : i32
      %dma_wait3A_1010 = arith.constant 0 : i32
      %dma_wait3A_1011 = tpu.memref_slice %arg11[%dma_wait3A_1009, %dma_wait3A_1010] : memref<80x128xf32, #tpu.memory_space<vmem>> -> memref<80x128xf32, #tpu.memory_space<vmem>>
      %dma_wait3A_1012 = arith.constant 0 : i32
      %dma_wait3A_1013 = tpu.memref_slice %arg12[%add3A_726, %dma_wait3A_1012] : memref<10000x128xf32, #tpu.memory_space<vmem_shared>> -> memref<80x128xf32, #tpu.memory_space<vmem_shared>>
      %dma_wait3A_1014 = arith.constant 0 : i32
      %dma_wait3A_1015 = arith.constant 0 : i32
      %dma_wait3A_1016 = tpu.memref_slice %arg11[%dma_wait3A_1014, %dma_wait3A_1015] : memref<80x128xf32, #tpu.memory_space<vmem>> -> memref<80x128xf32, #tpu.memory_space<vmem>>
      %dma_wait3A_1017 = arith.constant 0 : i32
      %dma_wait3A_1018 = tpu.memref_slice %arg12[%add3A_726, %dma_wait3A_1017] : memref<10000x128xf32, #tpu.memory_space<vmem_shared>> -> memref<80x128xf32, #tpu.memory_space<vmem_shared>>
      tpu.wait_dma2 semaphore(%run_scoped3A_998 : memref<!tpu.dma_semaphore, #tpu.memory_space<semaphore_mem>>) src(%dma_wait3A_1018 : memref<80x128xf32, #tpu.memory_space<vmem_shared>>) dst(%dma_wait3A_1016 : memref<80x128xf32, #tpu.memory_space<vmem>>)
      tpu.yield
    }) : () -> ()
    %mul3A_727 = arith.constant 624 : i32
    %mul3A_728 = arith.muli %arg1, %mul3A_727 : i32
    %add3A_729 = arith.constant 80 : i32
    %add3A_730 = arith.addi %mul3A_728, %add3A_729 : i32
    %dma_start3A_731 = arith.constant 0 : i32
    %dma_start3A_732 = arith.constant 0 : i32
    %dma_start3A_733 = tpu.memref_slice %arg11[%dma_start3A_731, %dma_start3A_732] : memref<80x128xf32, #tpu.memory_space<vmem>> -> memref<80x128xf32, #tpu.memory_space<vmem>>
    %dma_start3A_734 = arith.constant 0 : i32
    %dma_start3A_735 = tpu.memref_slice %arg6[%arg0, %add3A_730, %dma_start3A_734] : memref<2x10000x128xf32, #tpu.memory_space<hbm>> -> memref<1x80x128xf32, #tpu.memory_space<hbm>>
    %dma_start3A_736 = tpu.memref_squeeze %dma_start3A_735 : memref<1x80x128xf32, #tpu.memory_space<hbm>> -> memref<80x128xf32, #tpu.memory_space<hbm>>
    %dma_start3A_737 = arith.constant 0 : i32
    %dma_start3A_738 = tpu.memref_slice %arg6[%arg0, %add3A_730, %dma_start3A_737] : memref<2x10000x128xf32, #tpu.memory_space<hbm>> -> memref<1x80x128xf32, #tpu.memory_space<hbm>>
    %dma_start3A_739 = tpu.memref_squeeze %dma_start3A_738 : memref<1x80x128xf32, #tpu.memory_space<hbm>> -> memref<80x128xf32, #tpu.memory_space<hbm>>
    %dma_start3A_740 = arith.constant 0 : i32
    %dma_start3A_741 = arith.constant 0 : i32
    %dma_start3A_742 = tpu.memref_slice %arg11[%dma_start3A_740, %dma_start3A_741] : memref<80x128xf32, #tpu.memory_space<vmem>> -> memref<80x128xf32, #tpu.memory_space<vmem>>
    tpu.enqueue_dma source(%dma_start3A_742 : memref<80x128xf32, #tpu.memory_space<vmem>>) target(%dma_start3A_739 : memref<80x128xf32, #tpu.memory_space<hbm>>) target_semaphore(%arg16 : memref<!tpu.dma_semaphore, #tpu.memory_space<semaphore_mem>>)
    %mul3A_743 = arith.constant 624 : i32
    %mul3A_744 = arith.muli %arg1, %mul3A_743 : i32
    %add3A_745 = arith.constant 0 : i32
    %add3A_746 = arith.addi %mul3A_744, %add3A_745 : i32
    %dma_wait3A_747 = arith.constant 0 : i32
    %dma_wait3A_748 = arith.constant 0 : i32
    %dma_wait3A_749 = tpu.memref_slice %arg10[%dma_wait3A_747, %dma_wait3A_748] : memref<80x128xf32, #tpu.memory_space<vmem>> -> memref<80x128xf32, #tpu.memory_space<vmem>>
    %dma_wait3A_750 = arith.constant 0 : i32
    %dma_wait3A_751 = tpu.memref_slice %arg6[%arg0, %add3A_746, %dma_wait3A_750] : memref<2x10000x128xf32, #tpu.memory_space<hbm>> -> memref<1x80x128xf32, #tpu.memory_space<hbm>>
    %dma_wait3A_752 = tpu.memref_squeeze %dma_wait3A_751 : memref<1x80x128xf32, #tpu.memory_space<hbm>> -> memref<80x128xf32, #tpu.memory_space<hbm>>
    %dma_wait3A_753 = arith.constant 0 : i32
    %dma_wait3A_754 = tpu.memref_slice %arg6[%arg0, %add3A_746, %dma_wait3A_753] : memref<2x10000x128xf32, #tpu.memory_space<hbm>> -> memref<1x80x128xf32, #tpu.memory_space<hbm>>
    %dma_wait3A_755 = tpu.memref_squeeze %dma_wait3A_754 : memref<1x80x128xf32, #tpu.memory_space<hbm>> -> memref<80x128xf32, #tpu.memory_space<hbm>>
    %dma_wait3A_756 = arith.constant 0 : i32
    %dma_wait3A_757 = arith.constant 0 : i32
    %dma_wait3A_758 = tpu.memref_slice %arg10[%dma_wait3A_756, %dma_wait3A_757] : memref<80x128xf32, #tpu.memory_space<vmem>> -> memref<80x128xf32, #tpu.memory_space<vmem>>
    tpu.wait_dma2 semaphore(%arg15 : memref<!tpu.dma_semaphore, #tpu.memory_space<semaphore_mem>>) src(%dma_wait3A_758 : memref<80x128xf32, #tpu.memory_space<vmem>>) dst(%dma_wait3A_755 : memref<80x128xf32, #tpu.memory_space<hbm>>)
    %mul3A_759 = arith.constant 624 : i32
    %mul3A_760 = arith.muli %arg1, %mul3A_759 : i32
    %add3A_761 = arith.constant 160 : i32
    %add3A_762 = arith.addi %mul3A_760, %add3A_761 : i32
    "tpu.region"() ({
      %run_scoped3A_998 = tpu.sem_alloc : memref<!tpu.dma_semaphore, #tpu.memory_space<semaphore_mem>>
      %dma_start3A_999 = arith.constant 0 : i32
      %dma_start3A_1000 = arith.constant 0 : i32
      %dma_start3A_1001 = tpu.memref_slice %arg10[%dma_start3A_999, %dma_start3A_1000] : memref<80x128xf32, #tpu.memory_space<vmem>> -> memref<80x128xf32, #tpu.memory_space<vmem>>
      %dma_start3A_1002 = arith.constant 0 : i32
      %dma_start3A_1003 = tpu.memref_slice %arg12[%add3A_762, %dma_start3A_1002] : memref<10000x128xf32, #tpu.memory_space<vmem_shared>> -> memref<80x128xf32, #tpu.memory_space<vmem_shared>>
      %dma_start3A_1004 = arith.constant 0 : i32
      %dma_start3A_1005 = arith.constant 0 : i32
      %dma_start3A_1006 = tpu.memref_slice %arg10[%dma_start3A_1004, %dma_start3A_1005] : memref<80x128xf32, #tpu.memory_space<vmem>> -> memref<80x128xf32, #tpu.memory_space<vmem>>
      %dma_start3A_1007 = arith.constant 0 : i32
      %dma_start3A_1008 = tpu.memref_slice %arg12[%add3A_762, %dma_start3A_1007] : memref<10000x128xf32, #tpu.memory_space<vmem_shared>> -> memref<80x128xf32, #tpu.memory_space<vmem_shared>>
      tpu.enqueue_dma source(%dma_start3A_1008 : memref<80x128xf32, #tpu.memory_space<vmem_shared>>) target(%dma_start3A_1006 : memref<80x128xf32, #tpu.memory_space<vmem>>) target_semaphore(%run_scoped3A_998 : memref<!tpu.dma_semaphore, #tpu.memory_space<semaphore_mem>>)
      %dma_wait3A_1009 = arith.constant 0 : i32
      %dma_wait3A_1010 = arith.constant 0 : i32
      %dma_wait3A_1011 = tpu.memref_slice %arg10[%dma_wait3A_1009, %dma_wait3A_1010] : memref<80x128xf32, #tpu.memory_space<vmem>> -> memref<80x128xf32, #tpu.memory_space<vmem>>
      %dma_wait3A_1012 = arith.constant 0 : i32
      %dma_wait3A_1013 = tpu.memref_slice %arg12[%add3A_762, %dma_wait3A_1012] : memref<10000x128xf32, #tpu.memory_space<vmem_shared>> -> memref<80x128xf32, #tpu.memory_space<vmem_shared>>
      %dma_wait3A_1014 = arith.constant 0 : i32
      %dma_wait3A_1015 = arith.constant 0 : i32
      %dma_wait3A_1016 = tpu.memref_slice %arg10[%dma_wait3A_1014, %dma_wait3A_1015] : memref<80x128xf32, #tpu.memory_space<vmem>> -> memref<80x128xf32, #tpu.memory_space<vmem>>
      %dma_wait3A_1017 = arith.constant 0 : i32
      %dma_wait3A_1018 = tpu.memref_slice %arg12[%add3A_762, %dma_wait3A_1017] : memref<10000x128xf32, #tpu.memory_space<vmem_shared>> -> memref<80x128xf32, #tpu.memory_space<vmem_shared>>
      tpu.wait_dma2 semaphore(%run_scoped3A_998 : memref<!tpu.dma_semaphore, #tpu.memory_space<semaphore_mem>>) src(%dma_wait3A_1018 : memref<80x128xf32, #tpu.memory_space<vmem_shared>>) dst(%dma_wait3A_1016 : memref<80x128xf32, #tpu.memory_space<vmem>>)
      tpu.yield
    }) : () -> ()
    %mul3A_763 = arith.constant 624 : i32
    %mul3A_764 = arith.muli %arg1, %mul3A_763 : i32
    %add3A_765 = arith.constant 160 : i32
    %add3A_766 = arith.addi %mul3A_764, %add3A_765 : i32
    %dma_start3A_767 = arith.constant 0 : i32
    %dma_start3A_768 = arith.constant 0 : i32
    %dma_start3A_769 = tpu.memref_slice %arg10[%dma_start3A_767, %dma_start3A_768] : memref<80x128xf32, #tpu.memory_space<vmem>> -> memref<80x128xf32, #tpu.memory_space<vmem>>
    %dma_start3A_770 = arith.constant 0 : i32
    %dma_start3A_771 = tpu.memref_slice %arg6[%arg0, %add3A_766, %dma_start3A_770] : memref<2x10000x128xf32, #tpu.memory_space<hbm>> -> memref<1x80x128xf32, #tpu.memory_space<hbm>>
    %dma_start3A_772 = tpu.memref_squeeze %dma_start3A_771 : memref<1x80x128xf32, #tpu.memory_space<hbm>> -> memref<80x128xf32, #tpu.memory_space<hbm>>
    %dma_start3A_773 = arith.constant 0 : i32
    %dma_start3A_774 = tpu.memref_slice %arg6[%arg0, %add3A_766, %dma_start3A_773] : memref<2x10000x128xf32, #tpu.memory_space<hbm>> -> memref<1x80x128xf32, #tpu.memory_space<hbm>>
    %dma_start3A_775 = tpu.memref_squeeze %dma_start3A_774 : memref<1x80x128xf32, #tpu.memory_space<hbm>> -> memref<80x128xf32, #tpu.memory_space<hbm>>
    %dma_start3A_776 = arith.constant 0 : i32
    %dma_start3A_777 = arith.constant 0 : i32
    %dma_start3A_778 = tpu.memref_slice %arg10[%dma_start3A_776, %dma_start3A_777] : memref<80x128xf32, #tpu.memory_space<vmem>> -> memref<80x128xf32, #tpu.memory_space<vmem>>
    tpu.enqueue_dma source(%dma_start3A_778 : memref<80x128xf32, #tpu.memory_space<vmem>>) target(%dma_start3A_775 : memref<80x128xf32, #tpu.memory_space<hbm>>) target_semaphore(%arg15 : memref<!tpu.dma_semaphore, #tpu.memory_space<semaphore_mem>>)
    %mul3A_779 = arith.constant 624 : i32
    %mul3A_780 = arith.muli %arg1, %mul3A_779 : i32
    %add3A_781 = arith.constant 80 : i32
    %add3A_782 = arith.addi %mul3A_780, %add3A_781 : i32
    %dma_wait3A_783 = arith.constant 0 : i32
    %dma_wait3A_784 = arith.constant 0 : i32
    %dma_wait3A_785 = tpu.memref_slice %arg11[%dma_wait3A_783, %dma_wait3A_784] : memref<80x128xf32, #tpu.memory_space<vmem>> -> memref<80x128xf32, #tpu.memory_space<vmem>>
    %dma_wait3A_786 = arith.constant 0 : i32
    %dma_wait3A_787 = tpu.memref_slice %arg6[%arg0, %add3A_782, %dma_wait3A_786] : memref<2x10000x128xf32, #tpu.memory_space<hbm>> -> memref<1x80x128xf32, #tpu.memory_space<hbm>>
    %dma_wait3A_788 = tpu.memref_squeeze %dma_wait3A_787 : memref<1x80x128xf32, #tpu.memory_space<hbm>> -> memref<80x128xf32, #tpu.memory_space<hbm>>
    %dma_wait3A_789 = arith.constant 0 : i32
    %dma_wait3A_790 = tpu.memref_slice %arg6[%arg0, %add3A_782, %dma_wait3A_789] : memref<2x10000x128xf32, #tpu.memory_space<hbm>> -> memref<1x80x128xf32, #tpu.memory_space<hbm>>
    %dma_wait3A_791 = tpu.memref_squeeze %dma_wait3A_790 : memref<1x80x128xf32, #tpu.memory_space<hbm>> -> memref<80x128xf32, #tpu.memory_space<hbm>>
    %dma_wait3A_792 = arith.constant 0 : i32
    %dma_wait3A_793 = arith.constant 0 : i32
    %dma_wait3A_794 = tpu.memref_slice %arg11[%dma_wait3A_792, %dma_wait3A_793] : memref<80x128xf32, #tpu.memory_space<vmem>> -> memref<80x128xf32, #tpu.memory_space<vmem>>
    tpu.wait_dma2 semaphore(%arg16 : memref<!tpu.dma_semaphore, #tpu.memory_space<semaphore_mem>>) src(%dma_wait3A_794 : memref<80x128xf32, #tpu.memory_space<vmem>>) dst(%dma_wait3A_791 : memref<80x128xf32, #tpu.memory_space<hbm>>)
    %mul3A_795 = arith.constant 624 : i32
    %mul3A_796 = arith.muli %arg1, %mul3A_795 : i32
    %add3A_797 = arith.constant 240 : i32
    %add3A_798 = arith.addi %mul3A_796, %add3A_797 : i32
    "tpu.region"() ({
      %run_scoped3A_998 = tpu.sem_alloc : memref<!tpu.dma_semaphore, #tpu.memory_space<semaphore_mem>>
      %dma_start3A_999 = arith.constant 0 : i32
      %dma_start3A_1000 = arith.constant 0 : i32
      %dma_start3A_1001 = tpu.memref_slice %arg11[%dma_start3A_999, %dma_start3A_1000] : memref<80x128xf32, #tpu.memory_space<vmem>> -> memref<80x128xf32, #tpu.memory_space<vmem>>
      %dma_start3A_1002 = arith.constant 0 : i32
      %dma_start3A_1003 = tpu.memref_slice %arg12[%add3A_798, %dma_start3A_1002] : memref<10000x128xf32, #tpu.memory_space<vmem_shared>> -> memref<80x128xf32, #tpu.memory_space<vmem_shared>>
      %dma_start3A_1004 = arith.constant 0 : i32
      %dma_start3A_1005 = arith.constant 0 : i32
      %dma_start3A_1006 = tpu.memref_slice %arg11[%dma_start3A_1004, %dma_start3A_1005] : memref<80x128xf32, #tpu.memory_space<vmem>> -> memref<80x128xf32, #tpu.memory_space<vmem>>
      %dma_start3A_1007 = arith.constant 0 : i32
      %dma_start3A_1008 = tpu.memref_slice %arg12[%add3A_798, %dma_start3A_1007] : memref<10000x128xf32, #tpu.memory_space<vmem_shared>> -> memref<80x128xf32, #tpu.memory_space<vmem_shared>>
      tpu.enqueue_dma source(%dma_start3A_1008 : memref<80x128xf32, #tpu.memory_space<vmem_shared>>) target(%dma_start3A_1006 : memref<80x128xf32, #tpu.memory_space<vmem>>) target_semaphore(%run_scoped3A_998 : memref<!tpu.dma_semaphore, #tpu.memory_space<semaphore_mem>>)
      %dma_wait3A_1009 = arith.constant 0 : i32
      %dma_wait3A_1010 = arith.constant 0 : i32
      %dma_wait3A_1011 = tpu.memref_slice %arg11[%dma_wait3A_1009, %dma_wait3A_1010] : memref<80x128xf32, #tpu.memory_space<vmem>> -> memref<80x128xf32, #tpu.memory_space<vmem>>
      %dma_wait3A_1012 = arith.constant 0 : i32
      %dma_wait3A_1013 = tpu.memref_slice %arg12[%add3A_798, %dma_wait3A_1012] : memref<10000x128xf32, #tpu.memory_space<vmem_shared>> -> memref<80x128xf32, #tpu.memory_space<vmem_shared>>
      %dma_wait3A_1014 = arith.constant 0 : i32
      %dma_wait3A_1015 = arith.constant 0 : i32
      %dma_wait3A_1016 = tpu.memref_slice %arg11[%dma_wait3A_1014, %dma_wait3A_1015] : memref<80x128xf32, #tpu.memory_space<vmem>> -> memref<80x128xf32, #tpu.memory_space<vmem>>
      %dma_wait3A_1017 = arith.constant 0 : i32
      %dma_wait3A_1018 = tpu.memref_slice %arg12[%add3A_798, %dma_wait3A_1017] : memref<10000x128xf32, #tpu.memory_space<vmem_shared>> -> memref<80x128xf32, #tpu.memory_space<vmem_shared>>
      tpu.wait_dma2 semaphore(%run_scoped3A_998 : memref<!tpu.dma_semaphore, #tpu.memory_space<semaphore_mem>>) src(%dma_wait3A_1018 : memref<80x128xf32, #tpu.memory_space<vmem_shared>>) dst(%dma_wait3A_1016 : memref<80x128xf32, #tpu.memory_space<vmem>>)
      tpu.yield
    }) : () -> ()
    %mul3A_799 = arith.constant 624 : i32
    %mul3A_800 = arith.muli %arg1, %mul3A_799 : i32
    %add3A_801 = arith.constant 240 : i32
    %add3A_802 = arith.addi %mul3A_800, %add3A_801 : i32
    %dma_start3A_803 = arith.constant 0 : i32
    %dma_start3A_804 = arith.constant 0 : i32
    %dma_start3A_805 = tpu.memref_slice %arg11[%dma_start3A_803, %dma_start3A_804] : memref<80x128xf32, #tpu.memory_space<vmem>> -> memref<80x128xf32, #tpu.memory_space<vmem>>
    %dma_start3A_806 = arith.constant 0 : i32
    %dma_start3A_807 = tpu.memref_slice %arg6[%arg0, %add3A_802, %dma_start3A_806] : memref<2x10000x128xf32, #tpu.memory_space<hbm>> -> memref<1x80x128xf32, #tpu.memory_space<hbm>>
    %dma_start3A_808 = tpu.memref_squeeze %dma_start3A_807 : memref<1x80x128xf32, #tpu.memory_space<hbm>> -> memref<80x128xf32, #tpu.memory_space<hbm>>
    %dma_start3A_809 = arith.constant 0 : i32
    %dma_start3A_810 = tpu.memref_slice %arg6[%arg0, %add3A_802, %dma_start3A_809] : memref<2x10000x128xf32, #tpu.memory_space<hbm>> -> memref<1x80x128xf32, #tpu.memory_space<hbm>>
    %dma_start3A_811 = tpu.memref_squeeze %dma_start3A_810 : memref<1x80x128xf32, #tpu.memory_space<hbm>> -> memref<80x128xf32, #tpu.memory_space<hbm>>
    %dma_start3A_812 = arith.constant 0 : i32
    %dma_start3A_813 = arith.constant 0 : i32
    %dma_start3A_814 = tpu.memref_slice %arg11[%dma_start3A_812, %dma_start3A_813] : memref<80x128xf32, #tpu.memory_space<vmem>> -> memref<80x128xf32, #tpu.memory_space<vmem>>
    tpu.enqueue_dma source(%dma_start3A_814 : memref<80x128xf32, #tpu.memory_space<vmem>>) target(%dma_start3A_811 : memref<80x128xf32, #tpu.memory_space<hbm>>) target_semaphore(%arg16 : memref<!tpu.dma_semaphore, #tpu.memory_space<semaphore_mem>>)
    %mul3A_815 = arith.constant 624 : i32
    %mul3A_816 = arith.muli %arg1, %mul3A_815 : i32
    %add3A_817 = arith.constant 160 : i32
    %add3A_818 = arith.addi %mul3A_816, %add3A_817 : i32
    %dma_wait3A_819 = arith.constant 0 : i32
    %dma_wait3A_820 = arith.constant 0 : i32
    %dma_wait3A_821 = tpu.memref_slice %arg10[%dma_wait3A_819, %dma_wait3A_820] : memref<80x128xf32, #tpu.memory_space<vmem>> -> memref<80x128xf32, #tpu.memory_space<vmem>>
    %dma_wait3A_822 = arith.constant 0 : i32
    %dma_wait3A_823 = tpu.memref_slice %arg6[%arg0, %add3A_818, %dma_wait3A_822] : memref<2x10000x128xf32, #tpu.memory_space<hbm>> -> memref<1x80x128xf32, #tpu.memory_space<hbm>>
    %dma_wait3A_824 = tpu.memref_squeeze %dma_wait3A_823 : memref<1x80x128xf32, #tpu.memory_space<hbm>> -> memref<80x128xf32, #tpu.memory_space<hbm>>
    %dma_wait3A_825 = arith.constant 0 : i32
    %dma_wait3A_826 = tpu.memref_slice %arg6[%arg0, %add3A_818, %dma_wait3A_825] : memref<2x10000x128xf32, #tpu.memory_space<hbm>> -> memref<1x80x128xf32, #tpu.memory_space<hbm>>
    %dma_wait3A_827 = tpu.memref_squeeze %dma_wait3A_826 : memref<1x80x128xf32, #tpu.memory_space<hbm>> -> memref<80x128xf32, #tpu.memory_space<hbm>>
    %dma_wait3A_828 = arith.constant 0 : i32
    %dma_wait3A_829 = arith.constant 0 : i32
    %dma_wait3A_830 = tpu.memref_slice %arg10[%dma_wait3A_828, %dma_wait3A_829] : memref<80x128xf32, #tpu.memory_space<vmem>> -> memref<80x128xf32, #tpu.memory_space<vmem>>
    tpu.wait_dma2 semaphore(%arg15 : memref<!tpu.dma_semaphore, #tpu.memory_space<semaphore_mem>>) src(%dma_wait3A_830 : memref<80x128xf32, #tpu.memory_space<vmem>>) dst(%dma_wait3A_827 : memref<80x128xf32, #tpu.memory_space<hbm>>)
    %mul3A_831 = arith.constant 624 : i32
    %mul3A_832 = arith.muli %arg1, %mul3A_831 : i32
    %add3A_833 = arith.constant 320 : i32
    %add3A_834 = arith.addi %mul3A_832, %add3A_833 : i32
    "tpu.region"() ({
      %run_scoped3A_998 = tpu.sem_alloc : memref<!tpu.dma_semaphore, #tpu.memory_space<semaphore_mem>>
      %dma_start3A_999 = arith.constant 0 : i32
      %dma_start3A_1000 = arith.constant 0 : i32
      %dma_start3A_1001 = tpu.memref_slice %arg10[%dma_start3A_999, %dma_start3A_1000] : memref<80x128xf32, #tpu.memory_space<vmem>> -> memref<80x128xf32, #tpu.memory_space<vmem>>
      %dma_start3A_1002 = arith.constant 0 : i32
      %dma_start3A_1003 = tpu.memref_slice %arg12[%add3A_834, %dma_start3A_1002] : memref<10000x128xf32, #tpu.memory_space<vmem_shared>> -> memref<80x128xf32, #tpu.memory_space<vmem_shared>>
      %dma_start3A_1004 = arith.constant 0 : i32
      %dma_start3A_1005 = arith.constant 0 : i32
      %dma_start3A_1006 = tpu.memref_slice %arg10[%dma_start3A_1004, %dma_start3A_1005] : memref<80x128xf32, #tpu.memory_space<vmem>> -> memref<80x128xf32, #tpu.memory_space<vmem>>
      %dma_start3A_1007 = arith.constant 0 : i32
      %dma_start3A_1008 = tpu.memref_slice %arg12[%add3A_834, %dma_start3A_1007] : memref<10000x128xf32, #tpu.memory_space<vmem_shared>> -> memref<80x128xf32, #tpu.memory_space<vmem_shared>>
      tpu.enqueue_dma source(%dma_start3A_1008 : memref<80x128xf32, #tpu.memory_space<vmem_shared>>) target(%dma_start3A_1006 : memref<80x128xf32, #tpu.memory_space<vmem>>) target_semaphore(%run_scoped3A_998 : memref<!tpu.dma_semaphore, #tpu.memory_space<semaphore_mem>>)
      %dma_wait3A_1009 = arith.constant 0 : i32
      %dma_wait3A_1010 = arith.constant 0 : i32
      %dma_wait3A_1011 = tpu.memref_slice %arg10[%dma_wait3A_1009, %dma_wait3A_1010] : memref<80x128xf32, #tpu.memory_space<vmem>> -> memref<80x128xf32, #tpu.memory_space<vmem>>
      %dma_wait3A_1012 = arith.constant 0 : i32
      %dma_wait3A_1013 = tpu.memref_slice %arg12[%add3A_834, %dma_wait3A_1012] : memref<10000x128xf32, #tpu.memory_space<vmem_shared>> -> memref<80x128xf32, #tpu.memory_space<vmem_shared>>
      %dma_wait3A_1014 = arith.constant 0 : i32
      %dma_wait3A_1015 = arith.constant 0 : i32
      %dma_wait3A_1016 = tpu.memref_slice %arg10[%dma_wait3A_1014, %dma_wait3A_1015] : memref<80x128xf32, #tpu.memory_space<vmem>> -> memref<80x128xf32, #tpu.memory_space<vmem>>
      %dma_wait3A_1017 = arith.constant 0 : i32
      %dma_wait3A_1018 = tpu.memref_slice %arg12[%add3A_834, %dma_wait3A_1017] : memref<10000x128xf32, #tpu.memory_space<vmem_shared>> -> memref<80x128xf32, #tpu.memory_space<vmem_shared>>
      tpu.wait_dma2 semaphore(%run_scoped3A_998 : memref<!tpu.dma_semaphore, #tpu.memory_space<semaphore_mem>>) src(%dma_wait3A_1018 : memref<80x128xf32, #tpu.memory_space<vmem_shared>>) dst(%dma_wait3A_1016 : memref<80x128xf32, #tpu.memory_space<vmem>>)
      tpu.yield
    }) : () -> ()
    %mul3A_835 = arith.constant 624 : i32
    %mul3A_836 = arith.muli %arg1, %mul3A_835 : i32
    %add3A_837 = arith.constant 320 : i32
    %add3A_838 = arith.addi %mul3A_836, %add3A_837 : i32
    %dma_start3A_839 = arith.constant 0 : i32
    %dma_start3A_840 = arith.constant 0 : i32
    %dma_start3A_841 = tpu.memref_slice %arg10[%dma_start3A_839, %dma_start3A_840] : memref<80x128xf32, #tpu.memory_space<vmem>> -> memref<80x128xf32, #tpu.memory_space<vmem>>
    %dma_start3A_842 = arith.constant 0 : i32
    %dma_start3A_843 = tpu.memref_slice %arg6[%arg0, %add3A_838, %dma_start3A_842] : memref<2x10000x128xf32, #tpu.memory_space<hbm>> -> memref<1x80x128xf32, #tpu.memory_space<hbm>>
    %dma_start3A_844 = tpu.memref_squeeze %dma_start3A_843 : memref<1x80x128xf32, #tpu.memory_space<hbm>> -> memref<80x128xf32, #tpu.memory_space<hbm>>
    %dma_start3A_845 = arith.constant 0 : i32
    %dma_start3A_846 = tpu.memref_slice %arg6[%arg0, %add3A_838, %dma_start3A_845] : memref<2x10000x128xf32, #tpu.memory_space<hbm>> -> memref<1x80x128xf32, #tpu.memory_space<hbm>>
    %dma_start3A_847 = tpu.memref_squeeze %dma_start3A_846 : memref<1x80x128xf32, #tpu.memory_space<hbm>> -> memref<80x128xf32, #tpu.memory_space<hbm>>
    %dma_start3A_848 = arith.constant 0 : i32
    %dma_start3A_849 = arith.constant 0 : i32
    %dma_start3A_850 = tpu.memref_slice %arg10[%dma_start3A_848, %dma_start3A_849] : memref<80x128xf32, #tpu.memory_space<vmem>> -> memref<80x128xf32, #tpu.memory_space<vmem>>
    tpu.enqueue_dma source(%dma_start3A_850 : memref<80x128xf32, #tpu.memory_space<vmem>>) target(%dma_start3A_847 : memref<80x128xf32, #tpu.memory_space<hbm>>) target_semaphore(%arg15 : memref<!tpu.dma_semaphore, #tpu.memory_space<semaphore_mem>>)
    %mul3A_851 = arith.constant 624 : i32
    %mul3A_852 = arith.muli %arg1, %mul3A_851 : i32
    %add3A_853 = arith.constant 240 : i32
    %add3A_854 = arith.addi %mul3A_852, %add3A_853 : i32
    %dma_wait3A_855 = arith.constant 0 : i32
    %dma_wait3A_856 = arith.constant 0 : i32
    %dma_wait3A_857 = tpu.memref_slice %arg11[%dma_wait3A_855, %dma_wait3A_856] : memref<80x128xf32, #tpu.memory_space<vmem>> -> memref<80x128xf32, #tpu.memory_space<vmem>>
    %dma_wait3A_858 = arith.constant 0 : i32
    %dma_wait3A_859 = tpu.memref_slice %arg6[%arg0, %add3A_854, %dma_wait3A_858] : memref<2x10000x128xf32, #tpu.memory_space<hbm>> -> memref<1x80x128xf32, #tpu.memory_space<hbm>>
    %dma_wait3A_860 = tpu.memref_squeeze %dma_wait3A_859 : memref<1x80x128xf32, #tpu.memory_space<hbm>> -> memref<80x128xf32, #tpu.memory_space<hbm>>
    %dma_wait3A_861 = arith.constant 0 : i32
    %dma_wait3A_862 = tpu.memref_slice %arg6[%arg0, %add3A_854, %dma_wait3A_861] : memref<2x10000x128xf32, #tpu.memory_space<hbm>> -> memref<1x80x128xf32, #tpu.memory_space<hbm>>
    %dma_wait3A_863 = tpu.memref_squeeze %dma_wait3A_862 : memref<1x80x128xf32, #tpu.memory_space<hbm>> -> memref<80x128xf32, #tpu.memory_space<hbm>>
    %dma_wait3A_864 = arith.constant 0 : i32
    %dma_wait3A_865 = arith.constant 0 : i32
    %dma_wait3A_866 = tpu.memref_slice %arg11[%dma_wait3A_864, %dma_wait3A_865] : memref<80x128xf32, #tpu.memory_space<vmem>> -> memref<80x128xf32, #tpu.memory_space<vmem>>
    tpu.wait_dma2 semaphore(%arg16 : memref<!tpu.dma_semaphore, #tpu.memory_space<semaphore_mem>>) src(%dma_wait3A_866 : memref<80x128xf32, #tpu.memory_space<vmem>>) dst(%dma_wait3A_863 : memref<80x128xf32, #tpu.memory_space<hbm>>)
    %mul3A_867 = arith.constant 624 : i32
    %mul3A_868 = arith.muli %arg1, %mul3A_867 : i32
    %add3A_869 = arith.constant 400 : i32
    %add3A_870 = arith.addi %mul3A_868, %add3A_869 : i32
    "tpu.region"() ({
      %run_scoped3A_998 = tpu.sem_alloc : memref<!tpu.dma_semaphore, #tpu.memory_space<semaphore_mem>>
      %dma_start3A_999 = arith.constant 0 : i32
      %dma_start3A_1000 = arith.constant 0 : i32
      %dma_start3A_1001 = tpu.memref_slice %arg11[%dma_start3A_999, %dma_start3A_1000] : memref<80x128xf32, #tpu.memory_space<vmem>> -> memref<80x128xf32, #tpu.memory_space<vmem>>
      %dma_start3A_1002 = arith.constant 0 : i32
      %dma_start3A_1003 = tpu.memref_slice %arg12[%add3A_870, %dma_start3A_1002] : memref<10000x128xf32, #tpu.memory_space<vmem_shared>> -> memref<80x128xf32, #tpu.memory_space<vmem_shared>>
      %dma_start3A_1004 = arith.constant 0 : i32
      %dma_start3A_1005 = arith.constant 0 : i32
      %dma_start3A_1006 = tpu.memref_slice %arg11[%dma_start3A_1004, %dma_start3A_1005] : memref<80x128xf32, #tpu.memory_space<vmem>> -> memref<80x128xf32, #tpu.memory_space<vmem>>
      %dma_start3A_1007 = arith.constant 0 : i32
      %dma_start3A_1008 = tpu.memref_slice %arg12[%add3A_870, %dma_start3A_1007] : memref<10000x128xf32, #tpu.memory_space<vmem_shared>> -> memref<80x128xf32, #tpu.memory_space<vmem_shared>>
      tpu.enqueue_dma source(%dma_start3A_1008 : memref<80x128xf32, #tpu.memory_space<vmem_shared>>) target(%dma_start3A_1006 : memref<80x128xf32, #tpu.memory_space<vmem>>) target_semaphore(%run_scoped3A_998 : memref<!tpu.dma_semaphore, #tpu.memory_space<semaphore_mem>>)
      %dma_wait3A_1009 = arith.constant 0 : i32
      %dma_wait3A_1010 = arith.constant 0 : i32
      %dma_wait3A_1011 = tpu.memref_slice %arg11[%dma_wait3A_1009, %dma_wait3A_1010] : memref<80x128xf32, #tpu.memory_space<vmem>> -> memref<80x128xf32, #tpu.memory_space<vmem>>
      %dma_wait3A_1012 = arith.constant 0 : i32
      %dma_wait3A_1013 = tpu.memref_slice %arg12[%add3A_870, %dma_wait3A_1012] : memref<10000x128xf32, #tpu.memory_space<vmem_shared>> -> memref<80x128xf32, #tpu.memory_space<vmem_shared>>
      %dma_wait3A_1014 = arith.constant 0 : i32
      %dma_wait3A_1015 = arith.constant 0 : i32
      %dma_wait3A_1016 = tpu.memref_slice %arg11[%dma_wait3A_1014, %dma_wait3A_1015] : memref<80x128xf32, #tpu.memory_space<vmem>> -> memref<80x128xf32, #tpu.memory_space<vmem>>
      %dma_wait3A_1017 = arith.constant 0 : i32
      %dma_wait3A_1018 = tpu.memref_slice %arg12[%add3A_870, %dma_wait3A_1017] : memref<10000x128xf32, #tpu.memory_space<vmem_shared>> -> memref<80x128xf32, #tpu.memory_space<vmem_shared>>
      tpu.wait_dma2 semaphore(%run_scoped3A_998 : memref<!tpu.dma_semaphore, #tpu.memory_space<semaphore_mem>>) src(%dma_wait3A_1018 : memref<80x128xf32, #tpu.memory_space<vmem_shared>>) dst(%dma_wait3A_1016 : memref<80x128xf32, #tpu.memory_space<vmem>>)
      tpu.yield
    }) : () -> ()
    %mul3A_871 = arith.constant 624 : i32
    %mul3A_872 = arith.muli %arg1, %mul3A_871 : i32
    %add3A_873 = arith.constant 400 : i32
    %add3A_874 = arith.addi %mul3A_872, %add3A_873 : i32
    %dma_start3A_875 = arith.constant 0 : i32
    %dma_start3A_876 = arith.constant 0 : i32
    %dma_start3A_877 = tpu.memref_slice %arg11[%dma_start3A_875, %dma_start3A_876] : memref<80x128xf32, #tpu.memory_space<vmem>> -> memref<80x128xf32, #tpu.memory_space<vmem>>
    %dma_start3A_878 = arith.constant 0 : i32
    %dma_start3A_879 = tpu.memref_slice %arg6[%arg0, %add3A_874, %dma_start3A_878] : memref<2x10000x128xf32, #tpu.memory_space<hbm>> -> memref<1x80x128xf32, #tpu.memory_space<hbm>>
    %dma_start3A_880 = tpu.memref_squeeze %dma_start3A_879 : memref<1x80x128xf32, #tpu.memory_space<hbm>> -> memref<80x128xf32, #tpu.memory_space<hbm>>
    %dma_start3A_881 = arith.constant 0 : i32
    %dma_start3A_882 = tpu.memref_slice %arg6[%arg0, %add3A_874, %dma_start3A_881] : memref<2x10000x128xf32, #tpu.memory_space<hbm>> -> memref<1x80x128xf32, #tpu.memory_space<hbm>>
    %dma_start3A_883 = tpu.memref_squeeze %dma_start3A_882 : memref<1x80x128xf32, #tpu.memory_space<hbm>> -> memref<80x128xf32, #tpu.memory_space<hbm>>
    %dma_start3A_884 = arith.constant 0 : i32
    %dma_start3A_885 = arith.constant 0 : i32
    %dma_start3A_886 = tpu.memref_slice %arg11[%dma_start3A_884, %dma_start3A_885] : memref<80x128xf32, #tpu.memory_space<vmem>> -> memref<80x128xf32, #tpu.memory_space<vmem>>
    tpu.enqueue_dma source(%dma_start3A_886 : memref<80x128xf32, #tpu.memory_space<vmem>>) target(%dma_start3A_883 : memref<80x128xf32, #tpu.memory_space<hbm>>) target_semaphore(%arg16 : memref<!tpu.dma_semaphore, #tpu.memory_space<semaphore_mem>>)
    %mul3A_887 = arith.constant 624 : i32
    %mul3A_888 = arith.muli %arg1, %mul3A_887 : i32
    %add3A_889 = arith.constant 320 : i32
    %add3A_890 = arith.addi %mul3A_888, %add3A_889 : i32
    %dma_wait3A_891 = arith.constant 0 : i32
    %dma_wait3A_892 = arith.constant 0 : i32
    %dma_wait3A_893 = tpu.memref_slice %arg10[%dma_wait3A_891, %dma_wait3A_892] : memref<80x128xf32, #tpu.memory_space<vmem>> -> memref<80x128xf32, #tpu.memory_space<vmem>>
    %dma_wait3A_894 = arith.constant 0 : i32
    %dma_wait3A_895 = tpu.memref_slice %arg6[%arg0, %add3A_890, %dma_wait3A_894] : memref<2x10000x128xf32, #tpu.memory_space<hbm>> -> memref<1x80x128xf32, #tpu.memory_space<hbm>>
    %dma_wait3A_896 = tpu.memref_squeeze %dma_wait3A_895 : memref<1x80x128xf32, #tpu.memory_space<hbm>> -> memref<80x128xf32, #tpu.memory_space<hbm>>
    %dma_wait3A_897 = arith.constant 0 : i32
    %dma_wait3A_898 = tpu.memref_slice %arg6[%arg0, %add3A_890, %dma_wait3A_897] : memref<2x10000x128xf32, #tpu.memory_space<hbm>> -> memref<1x80x128xf32, #tpu.memory_space<hbm>>
    %dma_wait3A_899 = tpu.memref_squeeze %dma_wait3A_898 : memref<1x80x128xf32, #tpu.memory_space<hbm>> -> memref<80x128xf32, #tpu.memory_space<hbm>>
    %dma_wait3A_900 = arith.constant 0 : i32
    %dma_wait3A_901 = arith.constant 0 : i32
    %dma_wait3A_902 = tpu.memref_slice %arg10[%dma_wait3A_900, %dma_wait3A_901] : memref<80x128xf32, #tpu.memory_space<vmem>> -> memref<80x128xf32, #tpu.memory_space<vmem>>
    tpu.wait_dma2 semaphore(%arg15 : memref<!tpu.dma_semaphore, #tpu.memory_space<semaphore_mem>>) src(%dma_wait3A_902 : memref<80x128xf32, #tpu.memory_space<vmem>>) dst(%dma_wait3A_899 : memref<80x128xf32, #tpu.memory_space<hbm>>)
    %mul3A_903 = arith.constant 624 : i32
    %mul3A_904 = arith.muli %arg1, %mul3A_903 : i32
    %add3A_905 = arith.constant 480 : i32
    %add3A_906 = arith.addi %mul3A_904, %add3A_905 : i32
    "tpu.region"() ({
      %run_scoped3A_998 = tpu.sem_alloc : memref<!tpu.dma_semaphore, #tpu.memory_space<semaphore_mem>>
      %dma_start3A_999 = arith.constant 0 : i32
      %dma_start3A_1000 = arith.constant 0 : i32
      %dma_start3A_1001 = tpu.memref_slice %arg10[%dma_start3A_999, %dma_start3A_1000] : memref<80x128xf32, #tpu.memory_space<vmem>> -> memref<80x128xf32, #tpu.memory_space<vmem>>
      %dma_start3A_1002 = arith.constant 0 : i32
      %dma_start3A_1003 = tpu.memref_slice %arg12[%add3A_906, %dma_start3A_1002] : memref<10000x128xf32, #tpu.memory_space<vmem_shared>> -> memref<80x128xf32, #tpu.memory_space<vmem_shared>>
      %dma_start3A_1004 = arith.constant 0 : i32
      %dma_start3A_1005 = arith.constant 0 : i32
      %dma_start3A_1006 = tpu.memref_slice %arg10[%dma_start3A_1004, %dma_start3A_1005] : memref<80x128xf32, #tpu.memory_space<vmem>> -> memref<80x128xf32, #tpu.memory_space<vmem>>
      %dma_start3A_1007 = arith.constant 0 : i32
      %dma_start3A_1008 = tpu.memref_slice %arg12[%add3A_906, %dma_start3A_1007] : memref<10000x128xf32, #tpu.memory_space<vmem_shared>> -> memref<80x128xf32, #tpu.memory_space<vmem_shared>>
      tpu.enqueue_dma source(%dma_start3A_1008 : memref<80x128xf32, #tpu.memory_space<vmem_shared>>) target(%dma_start3A_1006 : memref<80x128xf32, #tpu.memory_space<vmem>>) target_semaphore(%run_scoped3A_998 : memref<!tpu.dma_semaphore, #tpu.memory_space<semaphore_mem>>)
      %dma_wait3A_1009 = arith.constant 0 : i32
      %dma_wait3A_1010 = arith.constant 0 : i32
      %dma_wait3A_1011 = tpu.memref_slice %arg10[%dma_wait3A_1009, %dma_wait3A_1010] : memref<80x128xf32, #tpu.memory_space<vmem>> -> memref<80x128xf32, #tpu.memory_space<vmem>>
      %dma_wait3A_1012 = arith.constant 0 : i32
      %dma_wait3A_1013 = tpu.memref_slice %arg12[%add3A_906, %dma_wait3A_1012] : memref<10000x128xf32, #tpu.memory_space<vmem_shared>> -> memref<80x128xf32, #tpu.memory_space<vmem_shared>>
      %dma_wait3A_1014 = arith.constant 0 : i32
      %dma_wait3A_1015 = arith.constant 0 : i32
      %dma_wait3A_1016 = tpu.memref_slice %arg10[%dma_wait3A_1014, %dma_wait3A_1015] : memref<80x128xf32, #tpu.memory_space<vmem>> -> memref<80x128xf32, #tpu.memory_space<vmem>>
      %dma_wait3A_1017 = arith.constant 0 : i32
      %dma_wait3A_1018 = tpu.memref_slice %arg12[%add3A_906, %dma_wait3A_1017] : memref<10000x128xf32, #tpu.memory_space<vmem_shared>> -> memref<80x128xf32, #tpu.memory_space<vmem_shared>>
      tpu.wait_dma2 semaphore(%run_scoped3A_998 : memref<!tpu.dma_semaphore, #tpu.memory_space<semaphore_mem>>) src(%dma_wait3A_1018 : memref<80x128xf32, #tpu.memory_space<vmem_shared>>) dst(%dma_wait3A_1016 : memref<80x128xf32, #tpu.memory_space<vmem>>)
      tpu.yield
    }) : () -> ()
    %mul3A_907 = arith.constant 624 : i32
    %mul3A_908 = arith.muli %arg1, %mul3A_907 : i32
    %add3A_909 = arith.constant 480 : i32
    %add3A_910 = arith.addi %mul3A_908, %add3A_909 : i32
    %dma_start3A_911 = arith.constant 0 : i32
    %dma_start3A_912 = arith.constant 0 : i32
    %dma_start3A_913 = tpu.memref_slice %arg10[%dma_start3A_911, %dma_start3A_912] : memref<80x128xf32, #tpu.memory_space<vmem>> -> memref<80x128xf32, #tpu.memory_space<vmem>>
    %dma_start3A_914 = arith.constant 0 : i32
    %dma_start3A_915 = tpu.memref_slice %arg6[%arg0, %add3A_910, %dma_start3A_914] : memref<2x10000x128xf32, #tpu.memory_space<hbm>> -> memref<1x80x128xf32, #tpu.memory_space<hbm>>
    %dma_start3A_916 = tpu.memref_squeeze %dma_start3A_915 : memref<1x80x128xf32, #tpu.memory_space<hbm>> -> memref<80x128xf32, #tpu.memory_space<hbm>>
    %dma_start3A_917 = arith.constant 0 : i32
    %dma_start3A_918 = tpu.memref_slice %arg6[%arg0, %add3A_910, %dma_start3A_917] : memref<2x10000x128xf32, #tpu.memory_space<hbm>> -> memref<1x80x128xf32, #tpu.memory_space<hbm>>
    %dma_start3A_919 = tpu.memref_squeeze %dma_start3A_918 : memref<1x80x128xf32, #tpu.memory_space<hbm>> -> memref<80x128xf32, #tpu.memory_space<hbm>>
    %dma_start3A_920 = arith.constant 0 : i32
    %dma_start3A_921 = arith.constant 0 : i32
    %dma_start3A_922 = tpu.memref_slice %arg10[%dma_start3A_920, %dma_start3A_921] : memref<80x128xf32, #tpu.memory_space<vmem>> -> memref<80x128xf32, #tpu.memory_space<vmem>>
    tpu.enqueue_dma source(%dma_start3A_922 : memref<80x128xf32, #tpu.memory_space<vmem>>) target(%dma_start3A_919 : memref<80x128xf32, #tpu.memory_space<hbm>>) target_semaphore(%arg15 : memref<!tpu.dma_semaphore, #tpu.memory_space<semaphore_mem>>)
    %mul3A_923 = arith.constant 624 : i32
    %mul3A_924 = arith.muli %arg1, %mul3A_923 : i32
    %add3A_925 = arith.constant 400 : i32
    %add3A_926 = arith.addi %mul3A_924, %add3A_925 : i32
    %dma_wait3A_927 = arith.constant 0 : i32
    %dma_wait3A_928 = arith.constant 0 : i32
    %dma_wait3A_929 = tpu.memref_slice %arg11[%dma_wait3A_927, %dma_wait3A_928] : memref<80x128xf32, #tpu.memory_space<vmem>> -> memref<80x128xf32, #tpu.memory_space<vmem>>
    %dma_wait3A_930 = arith.constant 0 : i32
    %dma_wait3A_931 = tpu.memref_slice %arg6[%arg0, %add3A_926, %dma_wait3A_930] : memref<2x10000x128xf32, #tpu.memory_space<hbm>> -> memref<1x80x128xf32, #tpu.memory_space<hbm>>
    %dma_wait3A_932 = tpu.memref_squeeze %dma_wait3A_931 : memref<1x80x128xf32, #tpu.memory_space<hbm>> -> memref<80x128xf32, #tpu.memory_space<hbm>>
    %dma_wait3A_933 = arith.constant 0 : i32
    %dma_wait3A_934 = tpu.memref_slice %arg6[%arg0, %add3A_926, %dma_wait3A_933] : memref<2x10000x128xf32, #tpu.memory_space<hbm>> -> memref<1x80x128xf32, #tpu.memory_space<hbm>>
    %dma_wait3A_935 = tpu.memref_squeeze %dma_wait3A_934 : memref<1x80x128xf32, #tpu.memory_space<hbm>> -> memref<80x128xf32, #tpu.memory_space<hbm>>
    %dma_wait3A_936 = arith.constant 0 : i32
    %dma_wait3A_937 = arith.constant 0 : i32
    %dma_wait3A_938 = tpu.memref_slice %arg11[%dma_wait3A_936, %dma_wait3A_937] : memref<80x128xf32, #tpu.memory_space<vmem>> -> memref<80x128xf32, #tpu.memory_space<vmem>>
    tpu.wait_dma2 semaphore(%arg16 : memref<!tpu.dma_semaphore, #tpu.memory_space<semaphore_mem>>) src(%dma_wait3A_938 : memref<80x128xf32, #tpu.memory_space<vmem>>) dst(%dma_wait3A_935 : memref<80x128xf32, #tpu.memory_space<hbm>>)
    %mul3A_939 = arith.constant 624 : i32
    %mul3A_940 = arith.muli %arg1, %mul3A_939 : i32
    %add3A_941 = arith.constant 560 : i32
    %add3A_942 = arith.addi %mul3A_940, %add3A_941 : i32
    "tpu.region"() ({
      %run_scoped3A_998 = tpu.sem_alloc : memref<!tpu.dma_semaphore, #tpu.memory_space<semaphore_mem>>
      %dma_start3A_999 = arith.constant 0 : i32
      %dma_start3A_1000 = arith.constant 0 : i32
      %dma_start3A_1001 = tpu.memref_slice %arg11[%dma_start3A_999, %dma_start3A_1000] : memref<80x128xf32, #tpu.memory_space<vmem>> -> memref<64x128xf32, #tpu.memory_space<vmem>>
      %dma_start3A_1002 = arith.constant 0 : i32
      %dma_start3A_1003 = tpu.memref_slice %arg12[%add3A_942, %dma_start3A_1002] : memref<10000x128xf32, #tpu.memory_space<vmem_shared>> -> memref<64x128xf32, #tpu.memory_space<vmem_shared>>
      %dma_start3A_1004 = arith.constant 0 : i32
      %dma_start3A_1005 = arith.constant 0 : i32
      %dma_start3A_1006 = tpu.memref_slice %arg11[%dma_start3A_1004, %dma_start3A_1005] : memref<80x128xf32, #tpu.memory_space<vmem>> -> memref<64x128xf32, #tpu.memory_space<vmem>>
      %dma_start3A_1007 = arith.constant 0 : i32
      %dma_start3A_1008 = tpu.memref_slice %arg12[%add3A_942, %dma_start3A_1007] : memref<10000x128xf32, #tpu.memory_space<vmem_shared>> -> memref<64x128xf32, #tpu.memory_space<vmem_shared>>
      tpu.enqueue_dma source(%dma_start3A_1008 : memref<64x128xf32, #tpu.memory_space<vmem_shared>>) target(%dma_start3A_1006 : memref<64x128xf32, #tpu.memory_space<vmem>>) target_semaphore(%run_scoped3A_998 : memref<!tpu.dma_semaphore, #tpu.memory_space<semaphore_mem>>)
      %dma_wait3A_1009 = arith.constant 0 : i32
      %dma_wait3A_1010 = arith.constant 0 : i32
      %dma_wait3A_1011 = tpu.memref_slice %arg11[%dma_wait3A_1009, %dma_wait3A_1010] : memref<80x128xf32, #tpu.memory_space<vmem>> -> memref<64x128xf32, #tpu.memory_space<vmem>>
      %dma_wait3A_1012 = arith.constant 0 : i32
      %dma_wait3A_1013 = tpu.memref_slice %arg12[%add3A_942, %dma_wait3A_1012] : memref<10000x128xf32, #tpu.memory_space<vmem_shared>> -> memref<64x128xf32, #tpu.memory_space<vmem_shared>>
      %dma_wait3A_1014 = arith.constant 0 : i32
      %dma_wait3A_1015 = arith.constant 0 : i32
      %dma_wait3A_1016 = tpu.memref_slice %arg11[%dma_wait3A_1014, %dma_wait3A_1015] : memref<80x128xf32, #tpu.memory_space<vmem>> -> memref<64x128xf32, #tpu.memory_space<vmem>>
      %dma_wait3A_1017 = arith.constant 0 : i32
      %dma_wait3A_1018 = tpu.memref_slice %arg12[%add3A_942, %dma_wait3A_1017] : memref<10000x128xf32, #tpu.memory_space<vmem_shared>> -> memref<64x128xf32, #tpu.memory_space<vmem_shared>>
      tpu.wait_dma2 semaphore(%run_scoped3A_998 : memref<!tpu.dma_semaphore, #tpu.memory_space<semaphore_mem>>) src(%dma_wait3A_1018 : memref<64x128xf32, #tpu.memory_space<vmem_shared>>) dst(%dma_wait3A_1016 : memref<64x128xf32, #tpu.memory_space<vmem>>)
      tpu.yield
    }) : () -> ()
    %mul3A_943 = arith.constant 624 : i32
    %mul3A_944 = arith.muli %arg1, %mul3A_943 : i32
    %add3A_945 = arith.constant 560 : i32
    %add3A_946 = arith.addi %mul3A_944, %add3A_945 : i32
    %dma_start3A_947 = arith.constant 0 : i32
    %dma_start3A_948 = arith.constant 0 : i32
    %dma_start3A_949 = tpu.memref_slice %arg11[%dma_start3A_947, %dma_start3A_948] : memref<80x128xf32, #tpu.memory_space<vmem>> -> memref<64x128xf32, #tpu.memory_space<vmem>>
    %dma_start3A_950 = arith.constant 0 : i32
    %dma_start3A_951 = tpu.memref_slice %arg6[%arg0, %add3A_946, %dma_start3A_950] : memref<2x10000x128xf32, #tpu.memory_space<hbm>> -> memref<1x64x128xf32, #tpu.memory_space<hbm>>
    %dma_start3A_952 = tpu.memref_squeeze %dma_start3A_951 : memref<1x64x128xf32, #tpu.memory_space<hbm>> -> memref<64x128xf32, #tpu.memory_space<hbm>>
    %dma_start3A_953 = arith.constant 0 : i32
    %dma_start3A_954 = tpu.memref_slice %arg6[%arg0, %add3A_946, %dma_start3A_953] : memref<2x10000x128xf32, #tpu.memory_space<hbm>> -> memref<1x64x128xf32, #tpu.memory_space<hbm>>
    %dma_start3A_955 = tpu.memref_squeeze %dma_start3A_954 : memref<1x64x128xf32, #tpu.memory_space<hbm>> -> memref<64x128xf32, #tpu.memory_space<hbm>>
    %dma_start3A_956 = arith.constant 0 : i32
    %dma_start3A_957 = arith.constant 0 : i32
    %dma_start3A_958 = tpu.memref_slice %arg11[%dma_start3A_956, %dma_start3A_957] : memref<80x128xf32, #tpu.memory_space<vmem>> -> memref<64x128xf32, #tpu.memory_space<vmem>>
    tpu.enqueue_dma source(%dma_start3A_958 : memref<64x128xf32, #tpu.memory_space<vmem>>) target(%dma_start3A_955 : memref<64x128xf32, #tpu.memory_space<hbm>>) target_semaphore(%arg16 : memref<!tpu.dma_semaphore, #tpu.memory_space<semaphore_mem>>)
    %mul3A_959 = arith.constant 624 : i32
    %mul3A_960 = arith.muli %arg1, %mul3A_959 : i32
    %add3A_961 = arith.constant 480 : i32
    %add3A_962 = arith.addi %mul3A_960, %add3A_961 : i32
    %dma_wait3A_963 = arith.constant 0 : i32
    %dma_wait3A_964 = arith.constant 0 : i32
    %dma_wait3A_965 = tpu.memref_slice %arg10[%dma_wait3A_963, %dma_wait3A_964] : memref<80x128xf32, #tpu.memory_space<vmem>> -> memref<80x128xf32, #tpu.memory_space<vmem>>
    %dma_wait3A_966 = arith.constant 0 : i32
    %dma_wait3A_967 = tpu.memref_slice %arg6[%arg0, %add3A_962, %dma_wait3A_966] : memref<2x10000x128xf32, #tpu.memory_space<hbm>> -> memref<1x80x128xf32, #tpu.memory_space<hbm>>
    %dma_wait3A_968 = tpu.memref_squeeze %dma_wait3A_967 : memref<1x80x128xf32, #tpu.memory_space<hbm>> -> memref<80x128xf32, #tpu.memory_space<hbm>>
    %dma_wait3A_969 = arith.constant 0 : i32
    %dma_wait3A_970 = tpu.memref_slice %arg6[%arg0, %add3A_962, %dma_wait3A_969] : memref<2x10000x128xf32, #tpu.memory_space<hbm>> -> memref<1x80x128xf32, #tpu.memory_space<hbm>>
    %dma_wait3A_971 = tpu.memref_squeeze %dma_wait3A_970 : memref<1x80x128xf32, #tpu.memory_space<hbm>> -> memref<80x128xf32, #tpu.memory_space<hbm>>
    %dma_wait3A_972 = arith.constant 0 : i32
    %dma_wait3A_973 = arith.constant 0 : i32
    %dma_wait3A_974 = tpu.memref_slice %arg10[%dma_wait3A_972, %dma_wait3A_973] : memref<80x128xf32, #tpu.memory_space<vmem>> -> memref<80x128xf32, #tpu.memory_space<vmem>>
    tpu.wait_dma2 semaphore(%arg15 : memref<!tpu.dma_semaphore, #tpu.memory_space<semaphore_mem>>) src(%dma_wait3A_974 : memref<80x128xf32, #tpu.memory_space<vmem>>) dst(%dma_wait3A_971 : memref<80x128xf32, #tpu.memory_space<hbm>>)
    %mul3A_975 = arith.constant 624 : i32
    %mul3A_976 = arith.muli %arg1, %mul3A_975 : i32
    %add3A_977 = arith.constant 560 : i32
    %add3A_978 = arith.addi %mul3A_976, %add3A_977 : i32
    %dma_wait3A_979 = arith.constant 0 : i32
    %dma_wait3A_980 = arith.constant 0 : i32
    %dma_wait3A_981 = tpu.memref_slice %arg11[%dma_wait3A_979, %dma_wait3A_980] : memref<80x128xf32, #tpu.memory_space<vmem>> -> memref<64x128xf32, #tpu.memory_space<vmem>>
    %dma_wait3A_982 = arith.constant 0 : i32
    %dma_wait3A_983 = tpu.memref_slice %arg6[%arg0, %add3A_978, %dma_wait3A_982] : memref<2x10000x128xf32, #tpu.memory_space<hbm>> -> memref<1x64x128xf32, #tpu.memory_space<hbm>>
    %dma_wait3A_984 = tpu.memref_squeeze %dma_wait3A_983 : memref<1x64x128xf32, #tpu.memory_space<hbm>> -> memref<64x128xf32, #tpu.memory_space<hbm>>
    %dma_wait3A_985 = arith.constant 0 : i32
    %dma_wait3A_986 = tpu.memref_slice %arg6[%arg0, %add3A_978, %dma_wait3A_985] : memref<2x10000x128xf32, #tpu.memory_space<hbm>> -> memref<1x64x128xf32, #tpu.memory_space<hbm>>
    %dma_wait3A_987 = tpu.memref_squeeze %dma_wait3A_986 : memref<1x64x128xf32, #tpu.memory_space<hbm>> -> memref<64x128xf32, #tpu.memory_space<hbm>>
    %dma_wait3A_988 = arith.constant 0 : i32
    %dma_wait3A_989 = arith.constant 0 : i32
    %dma_wait3A_990 = tpu.memref_slice %arg11[%dma_wait3A_988, %dma_wait3A_989] : memref<80x128xf32, #tpu.memory_space<vmem>> -> memref<64x128xf32, #tpu.memory_space<vmem>>
    tpu.wait_dma2 semaphore(%arg16 : memref<!tpu.dma_semaphore, #tpu.memory_space<semaphore_mem>>) src(%dma_wait3A_990 : memref<64x128xf32, #tpu.memory_space<vmem>>) dst(%dma_wait3A_987 : memref<64x128xf32, #tpu.memory_space<hbm>>)
    %eq3A_991 = arith.constant 0 : i32
    %eq3A_992 = arith.cmpi eq, %arg1, %eq3A_991 : i32
    %convert_element_type3A_993 = arith.extui %eq3A_992 : i1 to i32
    %cond3A_994 = arith.constant 0 : i32
    %cond3A_995 = arith.cmpi ne, %convert_element_type3A_993, %cond3A_994 : i32
    scf.if %cond3A_995 {
      "tpu.region"() ({
        %run_scoped3A_998 = tpu.sem_alloc : memref<!tpu.dma_semaphore, #tpu.memory_space<semaphore_mem>>
        %dma_start3A_999 = arith.constant 0 : i32
        %dma_start3A_1000 = arith.constant 0 : i32
        %dma_start3A_1001 = tpu.memref_slice %arg10[%dma_start3A_999, %dma_start3A_1000] : memref<80x128xf32, #tpu.memory_space<vmem>> -> memref<16x128xf32, #tpu.memory_space<vmem>>
        %dma_start3A_1002 = arith.constant 9984 : i32
        %dma_start3A_1003 = arith.constant 0 : i32
        %dma_start3A_1004 = tpu.memref_slice %arg12[%dma_start3A_1002, %dma_start3A_1003] : memref<10000x128xf32, #tpu.memory_space<vmem_shared>> -> memref<16x128xf32, #tpu.memory_space<vmem_shared>>
        %dma_start3A_1005 = arith.constant 0 : i32
        %dma_start3A_1006 = arith.constant 0 : i32
        %dma_start3A_1007 = tpu.memref_slice %arg10[%dma_start3A_1005, %dma_start3A_1006] : memref<80x128xf32, #tpu.memory_space<vmem>> -> memref<16x128xf32, #tpu.memory_space<vmem>>
        %dma_start3A_1008 = arith.constant 9984 : i32
        %dma_start3A_1009 = arith.constant 0 : i32
        %dma_start3A_1010 = tpu.memref_slice %arg12[%dma_start3A_1008, %dma_start3A_1009] : memref<10000x128xf32, #tpu.memory_space<vmem_shared>> -> memref<16x128xf32, #tpu.memory_space<vmem_shared>>
        tpu.enqueue_dma source(%dma_start3A_1010 : memref<16x128xf32, #tpu.memory_space<vmem_shared>>) target(%dma_start3A_1007 : memref<16x128xf32, #tpu.memory_space<vmem>>) target_semaphore(%run_scoped3A_998 : memref<!tpu.dma_semaphore, #tpu.memory_space<semaphore_mem>>)
        %dma_wait3A_1011 = arith.constant 0 : i32
        %dma_wait3A_1012 = arith.constant 0 : i32
        %dma_wait3A_1013 = tpu.memref_slice %arg10[%dma_wait3A_1011, %dma_wait3A_1012] : memref<80x128xf32, #tpu.memory_space<vmem>> -> memref<16x128xf32, #tpu.memory_space<vmem>>
        %dma_wait3A_1014 = arith.constant 9984 : i32
        %dma_wait3A_1015 = arith.constant 0 : i32
        %dma_wait3A_1016 = tpu.memref_slice %arg12[%dma_wait3A_1014, %dma_wait3A_1015] : memref<10000x128xf32, #tpu.memory_space<vmem_shared>> -> memref<16x128xf32, #tpu.memory_space<vmem_shared>>
        %dma_wait3A_1017 = arith.constant 0 : i32
        %dma_wait3A_1018 = arith.constant 0 : i32
        %dma_wait3A_1019 = tpu.memref_slice %arg10[%dma_wait3A_1017, %dma_wait3A_1018] : memref<80x128xf32, #tpu.memory_space<vmem>> -> memref<16x128xf32, #tpu.memory_space<vmem>>
        %dma_wait3A_1020 = arith.constant 9984 : i32
        %dma_wait3A_1021 = arith.constant 0 : i32
        %dma_wait3A_1022 = tpu.memref_slice %arg12[%dma_wait3A_1020, %dma_wait3A_1021] : memref<10000x128xf32, #tpu.memory_space<vmem_shared>> -> memref<16x128xf32, #tpu.memory_space<vmem_shared>>
        tpu.wait_dma2 semaphore(%run_scoped3A_998 : memref<!tpu.dma_semaphore, #tpu.memory_space<semaphore_mem>>) src(%dma_wait3A_1022 : memref<16x128xf32, #tpu.memory_space<vmem_shared>>) dst(%dma_wait3A_1019 : memref<16x128xf32, #tpu.memory_space<vmem>>)
        tpu.yield
      }) : () -> ()
      "tpu.region"() ({
        %run_scoped3A_998 = tpu.sem_alloc : memref<!tpu.dma_semaphore, #tpu.memory_space<semaphore_mem>>
        %dma_start3A_999 = arith.constant 0 : i32
        %dma_start3A_1000 = arith.constant 0 : i32
        %dma_start3A_1001 = tpu.memref_slice %arg10[%dma_start3A_999, %dma_start3A_1000] : memref<80x128xf32, #tpu.memory_space<vmem>> -> memref<16x128xf32, #tpu.memory_space<vmem>>
        %dma_start3A_1002 = arith.constant 9984 : i32
        %dma_start3A_1003 = arith.constant 0 : i32
        %dma_start3A_1004 = tpu.memref_slice %arg6[%arg0, %dma_start3A_1002, %dma_start3A_1003] : memref<2x10000x128xf32, #tpu.memory_space<hbm>> -> memref<1x16x128xf32, #tpu.memory_space<hbm>>
        %dma_start3A_1005 = tpu.memref_squeeze %dma_start3A_1004 : memref<1x16x128xf32, #tpu.memory_space<hbm>> -> memref<16x128xf32, #tpu.memory_space<hbm>>
        %dma_start3A_1006 = arith.constant 9984 : i32
        %dma_start3A_1007 = arith.constant 0 : i32
        %dma_start3A_1008 = tpu.memref_slice %arg6[%arg0, %dma_start3A_1006, %dma_start3A_1007] : memref<2x10000x128xf32, #tpu.memory_space<hbm>> -> memref<1x16x128xf32, #tpu.memory_space<hbm>>
        %dma_start3A_1009 = tpu.memref_squeeze %dma_start3A_1008 : memref<1x16x128xf32, #tpu.memory_space<hbm>> -> memref<16x128xf32, #tpu.memory_space<hbm>>
        %dma_start3A_1010 = arith.constant 0 : i32
        %dma_start3A_1011 = arith.constant 0 : i32
        %dma_start3A_1012 = tpu.memref_slice %arg10[%dma_start3A_1010, %dma_start3A_1011] : memref<80x128xf32, #tpu.memory_space<vmem>> -> memref<16x128xf32, #tpu.memory_space<vmem>>
        tpu.enqueue_dma source(%dma_start3A_1012 : memref<16x128xf32, #tpu.memory_space<vmem>>) target(%dma_start3A_1009 : memref<16x128xf32, #tpu.memory_space<hbm>>) target_semaphore(%run_scoped3A_998 : memref<!tpu.dma_semaphore, #tpu.memory_space<semaphore_mem>>)
        %dma_wait3A_1013 = arith.constant 0 : i32
        %dma_wait3A_1014 = arith.constant 0 : i32
        %dma_wait3A_1015 = tpu.memref_slice %arg10[%dma_wait3A_1013, %dma_wait3A_1014] : memref<80x128xf32, #tpu.memory_space<vmem>> -> memref<16x128xf32, #tpu.memory_space<vmem>>
        %dma_wait3A_1016 = arith.constant 9984 : i32
        %dma_wait3A_1017 = arith.constant 0 : i32
        %dma_wait3A_1018 = tpu.memref_slice %arg6[%arg0, %dma_wait3A_1016, %dma_wait3A_1017] : memref<2x10000x128xf32, #tpu.memory_space<hbm>> -> memref<1x16x128xf32, #tpu.memory_space<hbm>>
        %dma_wait3A_1019 = tpu.memref_squeeze %dma_wait3A_1018 : memref<1x16x128xf32, #tpu.memory_space<hbm>> -> memref<16x128xf32, #tpu.memory_space<hbm>>
        %dma_wait3A_1020 = arith.constant 9984 : i32
        %dma_wait3A_1021 = arith.constant 0 : i32
        %dma_wait3A_1022 = tpu.memref_slice %arg6[%arg0, %dma_wait3A_1020, %dma_wait3A_1021] : memref<2x10000x128xf32, #tpu.memory_space<hbm>> -> memref<1x16x128xf32, #tpu.memory_space<hbm>>
        %dma_wait3A_1023 = tpu.memref_squeeze %dma_wait3A_1022 : memref<1x16x128xf32, #tpu.memory_space<hbm>> -> memref<16x128xf32, #tpu.memory_space<hbm>>
        %dma_wait3A_1024 = arith.constant 0 : i32
        %dma_wait3A_1025 = arith.constant 0 : i32
        %dma_wait3A_1026 = tpu.memref_slice %arg10[%dma_wait3A_1024, %dma_wait3A_1025] : memref<80x128xf32, #tpu.memory_space<vmem>> -> memref<16x128xf32, #tpu.memory_space<vmem>>
        tpu.wait_dma2 semaphore(%run_scoped3A_998 : memref<!tpu.dma_semaphore, #tpu.memory_space<semaphore_mem>>) src(%dma_wait3A_1026 : memref<16x128xf32, #tpu.memory_space<vmem>>) dst(%dma_wait3A_1023 : memref<16x128xf32, #tpu.memory_space<hbm>>)
        tpu.yield
      }) : () -> ()
    } else {
    }
    %mul3A_996 = arith.constant 10000 : i32
    %mul3A_997 = arith.muli %add3A, %mul3A_996 : i32
    "tpu.region"() ({
      %run_scoped3A_998 = tpu.sem_alloc : memref<!tpu.dma_semaphore, #tpu.memory_space<semaphore_mem>>
      %dma_start3A_999 = tpu.memref_slice %arg7[%mul3A_997] : memref<320000xf32, #tpu.memory_space<hbm>> -> memref<10000xf32, #tpu.memory_space<hbm>>
      %dma_start3A_1000 = tpu.memref_slice %arg7[%mul3A_997] : memref<320000xf32, #tpu.memory_space<hbm>> -> memref<10000xf32, #tpu.memory_space<hbm>>
      tpu.enqueue_dma source(%arg19 : memref<10000xf32, #tpu.memory_space<vmem>>) target(%dma_start3A_1000 : memref<10000xf32, #tpu.memory_space<hbm>>) target_semaphore(%run_scoped3A_998 : memref<!tpu.dma_semaphore, #tpu.memory_space<semaphore_mem>>)
      %dma_wait3A_1001 = tpu.memref_slice %arg7[%mul3A_997] : memref<320000xf32, #tpu.memory_space<hbm>> -> memref<10000xf32, #tpu.memory_space<hbm>>
      %dma_wait3A_1002 = tpu.memref_slice %arg7[%mul3A_997] : memref<320000xf32, #tpu.memory_space<hbm>> -> memref<10000xf32, #tpu.memory_space<hbm>>
      tpu.wait_dma2 semaphore(%run_scoped3A_998 : memref<!tpu.dma_semaphore, #tpu.memory_space<semaphore_mem>>) src(%arg19 : memref<10000xf32, #tpu.memory_space<vmem>>) dst(%dma_wait3A_1002 : memref<10000xf32, #tpu.memory_space<hbm>>)
      tpu.yield
    }) : () -> ()
    return
  }
}

module attributes {stable_mosaic.version = 14 : i64} {
  func.func @body(%arg0: i32, %arg1: memref<1000x128xf32, #tpu.memory_space<vmem>>, %arg2: memref<128x128xf32, #tpu.memory_space<vmem>>, %arg3: memref<128x128xf32, #tpu.memory_space<vmem>>, %arg4: memref<1x128xf32, #tpu.memory_space<vmem>>, %arg5: memref<1000x128xf32, #tpu.memory_space<vmem>>, %arg6: memref<1000x128xf32, #tpu.memory_space<vmem>>) attributes {dimension_semantics = [#tpu.dimension_semantics<arbitrary>], iteration_bounds = array<i64: 10>, scalar_prefetch = 0 : i64, scratch_operands = 0 : i64, tpu.core_type = #tpu.core_type<tc>, window_params = [{transform_indices = @transform_0, window_bounds = array<i64: 1000, 128>}, {pipeline_mode = #tpu.pipeline_mode<synchronous>, transform_indices = @transform_1, window_bounds = array<i64: 128, 128>}, {pipeline_mode = #tpu.pipeline_mode<synchronous>, transform_indices = @transform_2, window_bounds = array<i64: 128, 128>}, {pipeline_mode = #tpu.pipeline_mode<synchronous>, transform_indices = @transform_3, window_bounds = array<i64: 1, 128>}, {transform_indices = @transform_4, window_bounds = array<i64: 1000, 128>}, {transform_indices = @transform_5, window_bounds = array<i64: 1000, 128>}]} {
    %get3A = arith.constant 0 : index
    %get3A_0 = arith.constant 0 : index
    %get3A_1 = vector.load %arg1[%get3A, %get3A_0] : memref<1000x128xf32, #tpu.memory_space<vmem>>, vector<1000x128xf32>
    %get3A_2 = arith.constant 0 : index
    %get3A_3 = arith.constant 0 : index
    %get3A_4 = vector.load %arg2[%get3A_2, %get3A_3] : memref<128x128xf32, #tpu.memory_space<vmem>>, vector<128x128xf32>
    %dot_general3A = arith.constant dense<0.000000e+00> : vector<1000x128xf32>
    %dot_general3A_5 = tpu.matmul %get3A_1, %get3A_4, %dot_general3A {dimension_numbers = #tpu.dot_dimension_numbers<[1], [0], [0], [1], [0, 0, 1, 1], [], []>, transpose_lhs_hint = false} : vector<1000x128xf32>, vector<128x128xf32>, vector<1000x128xf32> -> vector<1000x128xf32>
    %swap3A = arith.constant 0 : index
    %swap3A_6 = arith.constant 0 : index
    %swap3A_7 = vector.load %arg5[%swap3A, %swap3A_6] : memref<1000x128xf32, #tpu.memory_space<vmem>>, vector<1000x128xf32>
    tpu.vector_store %arg5[%swap3A, %swap3A_6], %dot_general3A_5 {strides = array<i32>} : memref<1000x128xf32, #tpu.memory_space<vmem>>, vector<1000x128xf32>,
    %get3A_8 = arith.constant 0 : index
    %get3A_9 = arith.constant 0 : index
    %get3A_10 = vector.load %arg3[%get3A_8, %get3A_9] : memref<128x128xf32, #tpu.memory_space<vmem>>, vector<128x128xf32>
    %dot_general3A_11 = arith.constant dense<0.000000e+00> : vector<1000x128xf32>
    %dot_general3A_12 = tpu.matmul %get3A_1, %get3A_10, %dot_general3A_11 {dimension_numbers = #tpu.dot_dimension_numbers<[1], [0], [0], [1], [0, 0, 1, 1], [], []>, transpose_lhs_hint = false} : vector<1000x128xf32>, vector<128x128xf32>, vector<1000x128xf32> -> vector<1000x128xf32>
    %get3A_13 = arith.constant 0 : index
    %get3A_14 = arith.constant 0 : index
    %get3A_15 = vector.load %arg4[%get3A_13, %get3A_14] : memref<1x128xf32, #tpu.memory_space<vmem>>, vector<1x128xf32>
    %add3A = vector.broadcast %get3A_15 : vector<1x128xf32> to vector<1000x128xf32>
    %add3A_16 = arith.addf %dot_general3A_12, %add3A : vector<1000x128xf32>
    %swap3A_17 = arith.constant 0 : index
    %swap3A_18 = arith.constant 0 : index
    %swap3A_19 = vector.load %arg6[%swap3A_17, %swap3A_18] : memref<1000x128xf32, #tpu.memory_space<vmem>>, vector<1000x128xf32>
    tpu.vector_store %arg6[%swap3A_17, %swap3A_18], %add3A_16 {strides = array<i32>} : memref<1000x128xf32, #tpu.memory_space<vmem>>, vector<1000x128xf32>,
    return
  }
  func.func @transform_0(%arg0: i32) -> (i32, i32) {
    %c0_i32 = arith.constant 0 : i32
    %c0_i32_0 = arith.constant 0 : i32
    return %arg0, %c0_i32 : i32, i32
  }
  func.func @transform_1(%arg0: i32) -> (i32, i32) {
    %c0_i32 = arith.constant 0 : i32
    %c0_i32_0 = arith.constant 0 : i32
    %c0_i32_1 = arith.constant 0 : i32
    return %c0_i32, %c0_i32_0 : i32, i32
  }
  func.func @transform_2(%arg0: i32) -> (i32, i32) {
    %c0_i32 = arith.constant 0 : i32
    %c0_i32_0 = arith.constant 0 : i32
    %c0_i32_1 = arith.constant 0 : i32
    return %c0_i32, %c0_i32_0 : i32, i32
  }
  func.func @transform_3(%arg0: i32) -> (i32, i32) {
    %c0_i32 = arith.constant 0 : i32
    %c0_i32_0 = arith.constant 0 : i32
    %c0_i32_1 = arith.constant 0 : i32
    return %c0_i32, %c0_i32_0 : i32, i32
  }
  func.func @transform_4(%arg0: i32) -> (i32, i32) {
    %c0_i32 = arith.constant 0 : i32
    %c0_i32_0 = arith.constant 0 : i32
    return %arg0, %c0_i32 : i32, i32
  }
  func.func @transform_5(%arg0: i32) -> (i32, i32) {
    %c0_i32 = arith.constant 0 : i32
    %c0_i32_0 = arith.constant 0 : i32
    return %arg0, %c0_i32 : i32, i32
  }
}

module attributes {stable_mosaic.version = 14 : i64} {
  func.func @body(%arg0: i32, %arg1: memref<1000x128xf32, #tpu.memory_space<vmem>>, %arg2: memref<2x1000x128xf32, #tpu.memory_space<vmem>>, %arg3: memref<1000x32xf32, #tpu.memory_space<vmem>>, %arg4: memref<128x128xf32, #tpu.memory_space<vmem>>, %arg5: memref<128x128xf32, #tpu.memory_space<vmem>>, %arg6: memref<1x128xf32, #tpu.memory_space<vmem>>, %arg7: memref<1000x128xf32, #tpu.memory_space<vmem>>, %arg8: memref<1000x128xf32, #tpu.memory_space<vmem>>) attributes {dimension_semantics = [#tpu.dimension_semantics<arbitrary>], iteration_bounds = array<i64: 10>, scalar_prefetch = 0 : i64, scratch_operands = 0 : i64, tpu.core_type = #tpu.core_type<tc>, window_params = [{transform_indices = @transform_0, window_bounds = array<i64: 1000, 128>}, {transform_indices = @transform_1, window_bounds = array<i64: 2, 1000, 128>}, {transform_indices = @transform_2, window_bounds = array<i64: 1000, 32>}, {pipeline_mode = #tpu.pipeline_mode<synchronous>, transform_indices = @transform_3, window_bounds = array<i64: 128, 128>}, {pipeline_mode = #tpu.pipeline_mode<synchronous>, transform_indices = @transform_4, window_bounds = array<i64: 128, 128>}, {pipeline_mode = #tpu.pipeline_mode<synchronous>, transform_indices = @transform_5, window_bounds = array<i64: 1, 128>}, {transform_indices = @transform_6, window_bounds = array<i64: 1000, 128>}, {transform_indices = @transform_7, window_bounds = array<i64: 1000, 128>}]} {
    %get3A = arith.constant 0 : index
    %get3A_0 = arith.constant 0 : index
    %get3A_1 = arith.constant 0 : index
    %get3A_2 = vector.load %arg2[%get3A, %get3A_0, %get3A_1] : memref<2x1000x128xf32, #tpu.memory_space<vmem>>, vector<1x1000x128xf32>
    %get3A_3 = vector.shape_cast %get3A_2 : vector<1x1000x128xf32> to vector<1000x128xf32>
    %get3A_4 = arith.constant 1 : index
    %get3A_5 = arith.constant 0 : index
    %get3A_6 = arith.constant 0 : index
    %get3A_7 = vector.load %arg2[%get3A_4, %get3A_5, %get3A_6] : memref<2x1000x128xf32, #tpu.memory_space<vmem>>, vector<1x1000x128xf32>
    %get3A_8 = vector.shape_cast %get3A_7 : vector<1x1000x128xf32> to vector<1000x128xf32>
    %add3A = arith.addf %get3A_3, %get3A_8 : vector<1000x128xf32>
    %get3A_9 = arith.constant 0 : index
    %get3A_10 = arith.constant 0 : index
    %get3A_11 = vector.load %arg3[%get3A_9, %get3A_10] : memref<1000x32xf32, #tpu.memory_space<vmem>>, vector<1000x32xf32>
    %reduce_sum3A = arith.constant dense<0.000000e+00> : vector<1000xf32>
    %reduce_sum3A_12 = vector.multi_reduction <add>, %get3A_11, %reduce_sum3A [1] : vector<1000x32xf32> to vector<1000xf32>
    %broadcast_in_dim3A = vector.shape_cast %reduce_sum3A_12 : vector<1000xf32> to vector<1000x1xf32>
    %get3A_13 = arith.constant 0 : index
    %get3A_14 = arith.constant 0 : index
    %get3A_15 = vector.load %arg1[%get3A_13, %get3A_14] : memref<1000x128xf32, #tpu.memory_space<vmem>>, vector<1000x128xf32>
    %max3A = arith.constant 1.000000e+00 : f32
    %max3A_16 = vector.broadcast %max3A : f32 to vector<1000x1xf32>
    %max3A_17 = arith.maximumf %broadcast_in_dim3A, %max3A_16 : vector<1000x1xf32>
    %div3A = vector.broadcast %max3A_17 : vector<1000x1xf32> to vector<1000x128xf32>
    %div3A_18 = arith.divf %add3A, %div3A : vector<1000x128xf32>
    %add3A_19 = arith.addf %get3A_15, %div3A_18 : vector<1000x128xf32>
    %get3A_20 = arith.constant 0 : index
    %get3A_21 = arith.constant 0 : index
    %get3A_22 = vector.load %arg4[%get3A_20, %get3A_21] : memref<128x128xf32, #tpu.memory_space<vmem>>, vector<128x128xf32>
    %dot_general3A = arith.constant dense<0.000000e+00> : vector<1000x128xf32>
    %dot_general3A_23 = tpu.matmul %add3A_19, %get3A_22, %dot_general3A {dimension_numbers = #tpu.dot_dimension_numbers<[1], [0], [0], [1], [0, 0, 1, 1], [], []>, transpose_lhs_hint = false} : vector<1000x128xf32>, vector<128x128xf32>, vector<1000x128xf32> -> vector<1000x128xf32>
    %swap3A = arith.constant 0 : index
    %swap3A_24 = arith.constant 0 : index
    %swap3A_25 = vector.load %arg7[%swap3A, %swap3A_24] : memref<1000x128xf32, #tpu.memory_space<vmem>>, vector<1000x128xf32>
    tpu.vector_store %arg7[%swap3A, %swap3A_24], %dot_general3A_23 {strides = array<i32>} : memref<1000x128xf32, #tpu.memory_space<vmem>>, vector<1000x128xf32>,
    %get3A_26 = arith.constant 0 : index
    %get3A_27 = arith.constant 0 : index
    %get3A_28 = vector.load %arg5[%get3A_26, %get3A_27] : memref<128x128xf32, #tpu.memory_space<vmem>>, vector<128x128xf32>
    %dot_general3A_29 = arith.constant dense<0.000000e+00> : vector<1000x128xf32>
    %dot_general3A_30 = tpu.matmul %add3A_19, %get3A_28, %dot_general3A_29 {dimension_numbers = #tpu.dot_dimension_numbers<[1], [0], [0], [1], [0, 0, 1, 1], [], []>, transpose_lhs_hint = false} : vector<1000x128xf32>, vector<128x128xf32>, vector<1000x128xf32> -> vector<1000x128xf32>
    %get3A_31 = arith.constant 0 : index
    %get3A_32 = arith.constant 0 : index
    %get3A_33 = vector.load %arg6[%get3A_31, %get3A_32] : memref<1x128xf32, #tpu.memory_space<vmem>>, vector<1x128xf32>
    %add3A_34 = vector.broadcast %get3A_33 : vector<1x128xf32> to vector<1000x128xf32>
    %add3A_35 = arith.addf %dot_general3A_30, %add3A_34 : vector<1000x128xf32>
    %swap3A_36 = arith.constant 0 : index
    %swap3A_37 = arith.constant 0 : index
    %swap3A_38 = vector.load %arg8[%swap3A_36, %swap3A_37] : memref<1000x128xf32, #tpu.memory_space<vmem>>, vector<1000x128xf32>
    tpu.vector_store %arg8[%swap3A_36, %swap3A_37], %add3A_35 {strides = array<i32>} : memref<1000x128xf32, #tpu.memory_space<vmem>>, vector<1000x128xf32>,
    return
  }
  func.func @transform_0(%arg0: i32) -> (i32, i32) {
    %c0_i32 = arith.constant 0 : i32
    %c0_i32_0 = arith.constant 0 : i32
    return %arg0, %c0_i32 : i32, i32
  }
  func.func @transform_1(%arg0: i32) -> (i32, i32, i32) {
    %c0_i32 = arith.constant 0 : i32
    %c0_i32_0 = arith.constant 0 : i32
    %c0_i32_1 = arith.constant 0 : i32
    return %c0_i32, %arg0, %c0_i32_0 : i32, i32, i32
  }
  func.func @transform_2(%arg0: i32) -> (i32, i32) {
    %c0_i32 = arith.constant 0 : i32
    %c0_i32_0 = arith.constant 0 : i32
    return %arg0, %c0_i32 : i32, i32
  }
  func.func @transform_3(%arg0: i32) -> (i32, i32) {
    %c0_i32 = arith.constant 0 : i32
    %c0_i32_0 = arith.constant 0 : i32
    %c0_i32_1 = arith.constant 0 : i32
    return %c0_i32, %c0_i32_0 : i32, i32
  }
  func.func @transform_4(%arg0: i32) -> (i32, i32) {
    %c0_i32 = arith.constant 0 : i32
    %c0_i32_0 = arith.constant 0 : i32
    %c0_i32_1 = arith.constant 0 : i32
    return %c0_i32, %c0_i32_0 : i32, i32
  }
  func.func @transform_5(%arg0: i32) -> (i32, i32) {
    %c0_i32 = arith.constant 0 : i32
    %c0_i32_0 = arith.constant 0 : i32
    %c0_i32_1 = arith.constant 0 : i32
    return %c0_i32, %c0_i32_0 : i32, i32
  }
  func.func @transform_6(%arg0: i32) -> (i32, i32) {
    %c0_i32 = arith.constant 0 : i32
    %c0_i32_0 = arith.constant 0 : i32
    return %arg0, %c0_i32 : i32, i32
  }
  func.func @transform_7(%arg0: i32) -> (i32, i32) {
    %c0_i32 = arith.constant 0 : i32
    %c0_i32_0 = arith.constant 0 : i32
    return %arg0, %c0_i32 : i32, i32
  }
}

module attributes {stable_mosaic.version = 14 : i64} {
  func.func @body(%arg0: i32, %arg1: memref<1000x128xf32, #tpu.memory_space<vmem>>, %arg2: memref<2x1000x128xf32, #tpu.memory_space<vmem>>, %arg3: memref<1000x32xf32, #tpu.memory_space<vmem>>, %arg4: memref<1000x128xf32, #tpu.memory_space<vmem>>) attributes {dimension_semantics = [#tpu.dimension_semantics<arbitrary>], iteration_bounds = array<i64: 10>, scalar_prefetch = 0 : i64, scratch_operands = 0 : i64, tpu.core_type = #tpu.core_type<tc>, window_params = [{transform_indices = @transform_0, window_bounds = array<i64: 1000, 128>}, {transform_indices = @transform_1, window_bounds = array<i64: 2, 1000, 128>}, {transform_indices = @transform_2, window_bounds = array<i64: 1000, 32>}, {transform_indices = @transform_3, window_bounds = array<i64: 1000, 128>}]} {
    %get3A = arith.constant 0 : index
    %get3A_0 = arith.constant 0 : index
    %get3A_1 = arith.constant 0 : index
    %get3A_2 = vector.load %arg2[%get3A, %get3A_0, %get3A_1] : memref<2x1000x128xf32, #tpu.memory_space<vmem>>, vector<1x1000x128xf32>
    %get3A_3 = vector.shape_cast %get3A_2 : vector<1x1000x128xf32> to vector<1000x128xf32>
    %get3A_4 = arith.constant 1 : index
    %get3A_5 = arith.constant 0 : index
    %get3A_6 = arith.constant 0 : index
    %get3A_7 = vector.load %arg2[%get3A_4, %get3A_5, %get3A_6] : memref<2x1000x128xf32, #tpu.memory_space<vmem>>, vector<1x1000x128xf32>
    %get3A_8 = vector.shape_cast %get3A_7 : vector<1x1000x128xf32> to vector<1000x128xf32>
    %add3A = arith.addf %get3A_3, %get3A_8 : vector<1000x128xf32>
    %get3A_9 = arith.constant 0 : index
    %get3A_10 = arith.constant 0 : index
    %get3A_11 = vector.load %arg3[%get3A_9, %get3A_10] : memref<1000x32xf32, #tpu.memory_space<vmem>>, vector<1000x32xf32>
    %reduce_sum3A = arith.constant dense<0.000000e+00> : vector<1000xf32>
    %reduce_sum3A_12 = vector.multi_reduction <add>, %get3A_11, %reduce_sum3A [1] : vector<1000x32xf32> to vector<1000xf32>
    %broadcast_in_dim3A = vector.shape_cast %reduce_sum3A_12 : vector<1000xf32> to vector<1000x1xf32>
    %get3A_13 = arith.constant 0 : index
    %get3A_14 = arith.constant 0 : index
    %get3A_15 = vector.load %arg1[%get3A_13, %get3A_14] : memref<1000x128xf32, #tpu.memory_space<vmem>>, vector<1000x128xf32>
    %max3A = arith.constant 1.000000e+00 : f32
    %max3A_16 = vector.broadcast %max3A : f32 to vector<1000x1xf32>
    %max3A_17 = arith.maximumf %broadcast_in_dim3A, %max3A_16 : vector<1000x1xf32>
    %div3A = vector.broadcast %max3A_17 : vector<1000x1xf32> to vector<1000x128xf32>
    %div3A_18 = arith.divf %add3A, %div3A : vector<1000x128xf32>
    %add3A_19 = arith.addf %get3A_15, %div3A_18 : vector<1000x128xf32>
    %mul3A = arith.mulf %add3A_19, %add3A_19 : vector<1000x128xf32>
    %reduce_sum3A_20 = arith.constant dense<0.000000e+00> : vector<1000xf32>
    %reduce_sum3A_21 = vector.multi_reduction <add>, %mul3A, %reduce_sum3A_20 [1] : vector<1000x128xf32> to vector<1000xf32>
    %broadcast_in_dim3A_22 = vector.shape_cast %reduce_sum3A_21 : vector<1000xf32> to vector<1000x1xf32>
    %sqrt3A = math.sqrt %broadcast_in_dim3A_22 : vector<1000x1xf32>
    %max3A_23 = arith.constant 9.99999996E-13 : f32
    %max3A_24 = vector.broadcast %max3A_23 : f32 to vector<1000x1xf32>
    %max3A_25 = arith.maximumf %sqrt3A, %max3A_24 : vector<1000x1xf32>
    %div3A_26 = vector.broadcast %max3A_25 : vector<1000x1xf32> to vector<1000x128xf32>
    %div3A_27 = arith.divf %add3A_19, %div3A_26 : vector<1000x128xf32>
    %swap3A = arith.constant 0 : index
    %swap3A_28 = arith.constant 0 : index
    %swap3A_29 = vector.load %arg4[%swap3A, %swap3A_28] : memref<1000x128xf32, #tpu.memory_space<vmem>>, vector<1000x128xf32>
    tpu.vector_store %arg4[%swap3A, %swap3A_28], %div3A_27 {strides = array<i32>} : memref<1000x128xf32, #tpu.memory_space<vmem>>, vector<1000x128xf32>,
    return
  }
  func.func @transform_0(%arg0: i32) -> (i32, i32) {
    %c0_i32 = arith.constant 0 : i32
    %c0_i32_0 = arith.constant 0 : i32
    return %arg0, %c0_i32 : i32, i32
  }
  func.func @transform_1(%arg0: i32) -> (i32, i32, i32) {
    %c0_i32 = arith.constant 0 : i32
    %c0_i32_0 = arith.constant 0 : i32
    %c0_i32_1 = arith.constant 0 : i32
    return %c0_i32, %arg0, %c0_i32_0 : i32, i32, i32
  }
  func.func @transform_2(%arg0: i32) -> (i32, i32) {
    %c0_i32 = arith.constant 0 : i32
    %c0_i32_0 = arith.constant 0 : i32
    return %arg0, %c0_i32 : i32, i32
  }
  func.func @transform_3(%arg0: i32) -> (i32, i32) {
    %c0_i32 = arith.constant 0 : i32
    %c0_i32_0 = arith.constant 0 : i32
    return %arg0, %c0_i32 : i32, i32
  }
}

</mosaic_0001>

<sc_bundles>
// kernel: kernel.10.cloned.1.call-start
scs
__scs_entry_jumppad:
0x0: {  	(pc) =	sbr.rel $0x88, $3  }
0x1: {  	(tag) =	ssettag $0x0;
	lr =	simm.s32 $0x1  }
0x2: {  	[smem:$0x3F99] =	sst lr;
	_ =	strace $0xD0000000  }
0x3: {  	_ = 	snop  }
0x4: {  	_ = 	snop  }
0x5: {  	_ = 	snop  }
0x6: {  	_ = 	snop  }
0x7: {  	_ = 	snop  }
__scs_overlays_trampoline_lowered:
0x8: {  	[smem:$0x3FA8] =	sst s0  }
0x9: {  	[smem:$0x3FA9] =	sst s1  }
0xa: {  	[smem:$0x3FAA] =	sst s2  }
0xb: {  	[smem:$0x3FAB] =	sst s3  }
0xc: {  	[smem:$0x3FAC] =	sst s4  }
0xd: {  	[smem:$0x3FAD] =	sst s5  }
0xe: {  	[smem:$0x3FAE] =	sst s6  }
0xf: {  	[smem:$0x3FAF] =	sst s7  }
0x10: {  	[smem:$0x3FB0] =	sst s8  }
0x11: {  	[smem:$0x3FB1] =	sst s9;
	s0 =	simm.s32 @!p0 $0x0  }
0x12: {  	s1 =	sld [smem:$0x3F97];
	s0 =	simm.s32 @p0 $0x1  }
0x13: {  	[smem:$0x3FB2] =	sst s0;
	s0 =	simm.s32 @!p1 $0x0  }
0x14: {  	s2 =	sld [smem:$0x3F96];
	s0 =	simm.s32 @p1 $0x1  }
0x15: {  	[smem:$0x3FB3] =	sst s0;
	s0 =	simm.s32 @!p2 $0x0  }
0x16: {  	s3 =	sld [smem:$0x3FDB];
	s0 =	simm.s32 @p2 $0x1  }
0x17: {  	s4 =	simm.s32 $0x1BF5;
	[smem:$0x3FB5] =	sst s0  }
0x18: {  	s0 =	sld [smem:$0x3F98];
	_ =	swait.ge [sflag:s4], $0x0  }
0x19: {  	s7 =	sld [smem:$0x3F99]  }
0x1a: {  	s8 =	sadd.s32 $0xFFFFE003, lr  }
0x1b: {  	s9 =	sadd.s32 $0xFFFFFEF7, lr;
	s5 =	simm.s32 $0xFFFFFFFF;
	p2 =	slt.u32 s8, $0xFFFFF086  }
0x1c: {  	p1 =	slt.u32 s9, $0xF7A;
	s5 =	simm.s32 @!p2 $0x0  }
0x1d: {  	s5 =	simm.s32 @p1 $0x1;
	p0 =	seq.s32 s7, s2  }
0x1e: {  	s7 =	smul.u32 @!p0 $0xF7A, s2;
	p2 =	seq.s32 @!p0 s5, $0x0  }
0x1f: {  	s9 =	smul.u32 $0xF7A, s1;
	s8 =	simm.s32 @!p0 $0x1BF5;
	p2 =	por !p2, p0  }
0x20: {  	[sflag:s8] =	ssyncset.s32 @!p0 $0xFFFFF086;
	s6 =	sadd.s32 @!p0 s3, s7;
	s7 =	simm.s32 @!p0 $0x108  }
0x21: {  	s3 =	sadd.s32 s3, s9;
	s6 =	sadd.s32 @!p0 $0x88, s6;
	s7 =	simm.s32 @p2 $0x1082  }
0x22: {  	[simem:s7], [sflag:s8] =	dma.local @!p0 [hbm:s6], $0xF7A  }
0x23: {  	s9 =	sor.u32 $0xD0000000, s2;
	s6 =	simm.s32 $0x108;
	_ =	swait.ge @!p0 [sflag:s8], $0x0  }
0x24: {  	s3 =	sadd.s32 $0x88, s3;
	s6 =	simm.s32 @!p1 $0x1082;
	[sflag:s4] =	ssyncset.s32 $0xFFFFF086  }
0x25: {  	[simem:s6], [sflag:s4] =	dma.local [hbm:s3], $0xF7A  }
0x26: {  	[smem:$0x3F99] =	sst s1;
	(tag) =	ssettag s2;
	_ =	strace s9  }
0x27: {  	s1 =	sld [smem:$0x3FA9]  }
0x28: {  	s2 =	sld [smem:$0x3FAA]  }
0x29: {  	s4 =	sld [smem:$0x3FAC]  }
0x2a: {  	p0 =	seq.s32 s5, $0x0;
	s5 =	sld [smem:$0x3FAD]  }
0x2b: {  	s6 =	sld [smem:$0x3FAE]  }
0x2c: {  	s7 =	sld [smem:$0x3FAF]  }
0x2d: {  	s3 =	simm.s32 $0x108;
	s8 =	sld [smem:$0x3FB0]  }
0x2e: {  	s3 =	simm.s32 @!p0 $0x1082;
	s9 =	sld [smem:$0x3FB1]  }
0x2f: {  	lr =	sadd.s32 s0, s3;
	s0 =	sld [smem:$0x3FA8]  }
0x30: {  	s3 =	sld [smem:$0x3FAB]  }
0x31: {  	[smem:$0x3FB4] =	sst s10  }
0x32: {  	s10 =	sld [smem:$0x3FB2];
	_ =	sdelay $0x3  }
0x33: {  	p0 =	seq.s32 s10, $0x1;
	s10 =	sld [smem:$0x3FB4];
	_ =	sdelay $0x3  }
0x34: {  	[smem:$0x3FB4] =	sst s10  }
0x35: {  	s10 =	sld [smem:$0x3FB3];
	_ =	sdelay $0x3  }
0x36: {  	p1 =	seq.s32 s10, $0x1;
	s10 =	sld [smem:$0x3FB4];
	_ =	sdelay $0x3  }
0x37: {  	[smem:$0x3FB4] =	sst s10  }
0x38: {  	s10 =	sld [smem:$0x3FB5]  }
0x39: {  	_ = 	snop;
	(pc) =	sbr.ind lr, $3  }
0x3a: {  	_ = 	snop  }
0x3b: {  	_ = 	snop  }
0x3c: {  	p2 =	seq.s32 s10, $0x1;
	s10 =	sld [smem:$0x3FB4]  }
0x3d: {  	_ =	shalt  }
0x3e: {  	_ =	shalt  }
0x3f: {  	_ =	shalt  }
0x40: {  	_ =	shalt  }
0x41: {  	_ =	shalt  }
0x42: {  	_ =	shalt  }
0x43: {  	_ =	shalt  }
0x44: {  	_ =	shalt  }
0x45: {  	_ =	shalt  }
0x46: {  	_ =	shalt  }
0x47: {  	_ =	shalt  }
0x48: {  	_ =	shalt  }
0x49: {  	_ =	shalt  }
0x4a: {  	_ =	shalt  }
0x4b: {  	_ =	shalt  }
0x4c: {  	_ =	shalt  }
0x4d: {  	_ =	shalt  }
0x4e: {  	_ =	shalt  }
0x4f: {  	_ =	shalt  }
0x50: {  	_ =	shalt  }
0x51: {  	_ =	shalt  }
0x52: {  	_ =	shalt  }
0x53: {  	_ =	shalt  }
0x54: {  	_ =	shalt  }
0x55: {  	_ =	shalt  }
0x56: {  	_ =	shalt  }
0x57: {  	_ =	shalt  }
0x58: {  	_ =	shalt  }
0x59: {  	_ =	shalt  }
0x5a: {  	_ =	shalt  }
0x5b: {  	_ =	shalt  }
0x5c: {  	_ =	shalt  }
0x5d: {  	_ =	shalt  }
0x5e: {  	_ =	shalt  }
0x5f: {  	_ =	shalt  }
0x60: {  	_ =	shalt  }
0x61: {  	_ =	shalt  }
0x62: {  	_ =	shalt  }
0x63: {  	_ =	shalt  }
0x64: {  	_ =	shalt  }
0x65: {  	_ =	shalt  }
0x66: {  	_ =	shalt  }
0x67: {  	_ =	shalt  }
0x68: {  	_ =	shalt  }
0x69: {  	_ =	shalt  }
0x6a: {  	_ =	shalt  }
0x6b: {  	_ =	shalt  }
0x6c: {  	_ =	shalt  }
0x6d: {  	_ =	shalt  }
0x6e: {  	_ =	shalt  }
0x6f: {  	_ =	shalt  }
0x70: {  	_ =	shalt  }
0x71: {  	_ =	shalt  }
0x72: {  	_ =	shalt  }
0x73: {  	_ =	shalt  }
0x74: {  	_ =	shalt  }
0x75: {  	_ =	shalt  }
0x76: {  	_ =	shalt  }
0x77: {  	_ =	shalt  }
0x78: {  	_ =	shalt  }
0x79: {  	_ =	shalt  }
0x7a: {  	_ =	shalt  }
0x7b: {  	_ =	shalt  }
0x7c: {  	_ =	shalt  }
0x7d: {  	_ =	shalt  }
0x7e: {  	_ =	shalt  }
0x7f: {  	_ =	shalt  }
0x80: {  	_ =	shalt  }
0x81: {  	_ =	shalt  }
0x82: {  	_ =	shalt  }
0x83: {  	_ =	shalt  }
0x84: {  	_ =	shalt  }
0x85: {  	_ =	shalt  }
0x86: {  	_ =	shalt  }
0x87: {  	_ =	shalt  }
.Lfunc_end0:
.L_simem_size_0:
called_computation.1_lowered:
.L_overlay_start_0:
0x88: {  	s2 =	sld [smem:$0x3FD9]  }
0x89: {  	s3 =	sld [smem:$0x3FFE];
	_ =	sdelay $0x1  }
0x8a: {  	s1 =	srdreg.scid  }
0x8b: {  	s0 =	sand.u32 $0x1, s1  }
0x8c: {  	s17 =	sshll.u32 s0, $0xA;
	s2 =	sadd.s32 s3, s2  }
0x8d: {  	s2 =	sadd.s32 s2, s17  }
0x8e: {  	[smem:$0x3FC0] =	sst s2  }
0x8f: {  	_ = 	snop  }
0x90: {  	s2 =	sld [smem:$0x3FD0];
	(tm) =	ssettm $0x1  }
0x91: {  	s18 =	sld [smem:$0x3FFB];
	_ =	sdelay $0x3  }
0x92: {  	_ =	strace s18  }
0x93: {  	s3 =	sld [smem:$0x3FFC];
	_ =	sdelay $0x3  }
0x94: {  	_ =	strace s3  }
0x95: {  	s3 =	sld [smem:$0x3FFD];
	_ =	sdelay $0x3  }
0x96: {  	_ =	strace s3  }
0x97: {  	_ =	strace $0x8FFFFFFF  }
0x98: {  	s19 =	sld [smem:$0x3FDB];
	_ =	sdelay $0x1  }
0x99: {  	s4 =	simm.s32 $_scs_section_size  }
0x9a: {  	s5 =	simm.s32 $_size__tile_overlayer_lowered;
	s6 =	simm.s32 $_tile_overlayer_lowered  }
0x9b: {  	s22 =	simm.s32 $0x1BFF;
	s21 =	sshll.u32 s6, $0x1;
	s3 =	sadd.s32 s4, s19  }
0x9c: {  	s7 =	simm.s32 $0x0;
	s20 =	sshll.u32 s5, $0x1;
	s5 =	sadd.s32 s21, s3  }
0x9d: {  	[timem:s7], [sflag:s22] =	dma.local [hbm:s5], s20  }
0x9e: {  	_ =	swait.ge [sflag:s22], s20  }
0x9f: {  	s4 =	ssub.s32 $0x0, s20;
	[sflag:s22] =	ssyncset.done $0x0  }
0xa0: {  	[sflag:s22] =	ssyncadd.s32 s4;
	_ =	sdelay $0x1  }
0xa1: {  	s23 =	simm.s32 $0x1B8B  }
0xa2: {  	_ =	swait.ge [sflag:s23], $0x1  }
0xa3: {  	[sflag:s23] =	ssyncset.done $0x0  }
0xa4: {  	s25 =	simm.s32 $0x1B8E;
	s24 =	sld [smem:$0x3FFE];
	[sflag:s23] =	ssyncadd.s32 $0xFFFFFFFF  }
0xa5: {  	s26 =	simm.s32 $execute0_lowered;
	[smem:$0x3FD2] =	sst s25  }
0xa6: {  	s5 =	sshll.u32 s26, $0x1;
	_ =	strace $0x80000049;
	[dreg:$0x1] =	wrdreg $0xFFFFFFFF  }
0xa7: {  	s28 =	simm.s32 $_size_execute0_lowered;
	s3 =	sadd.s32 s3, s5;
	[dreg:$0x0] =	wrdreg $0x0  }
0xa8: {  	s5 =	sshll.u32 s28, $0x1;
	[dreg:$0x2] =	wrdreg s3  }
0xa9: {  	[dreg:$0x3] =	wrdreg s5  }
0xaa: {  	[dreg:$0x4] =	wrdreg $0xC0  }
0xab: {  	_ =	task [dreg:s7], $0x5FFFF  }
0xac: {  	[dreg:$0x1] =	wrdreg $0xFFFFFFFF  }
0xad: {  	[dreg:$0x0] =	wrdreg $0x60  }
0xae: {  	[dreg:$0x2] =	wrdreg s2  }
0xaf: {  	[dreg:$0x3] =	wrdreg s24  }
0xb0: {  	[dreg:$0x4] =	wrdreg $0x54000  }
0xb1: {  	[dreg:$0x5] =	wrdreg $0x9  }
0xb2: {  	_ =	task.clear_ibuf [dreg:s7], $0x6FFFF;
	_ =	strace $0x90000049  }
0xb3: {  	s29 =	simm.s32 $0x9;
	_ =	strace $0x8000004B  }
0xb4: {  	_ =	swait.ge [sflag:s29], $0x1  }
0xb5: {  	[sflag:s29] =	ssyncadd.s32 $0xFFFFFFFF  }
0xb6: {  	_ =	strace $0x9000004B  }
0xb7: {  	_ =	sfence  }
0xb8: {  	s30 =	sld [smem:$0x0];
	_ =	sdelay $0x2  }
0xb9: {  	s31 =	sshll.u32 s1, $0xD;
	s1 =	sshrl.u32 s1, $0x2  }
0xba: {  	s3 =	sand.u32 $0x4000, s31;
	s1 =	sadd.s32 s1, s30  }
0xbb: {  	s0 =	sor.u32 s3, s0;
	s1 =	sshll.u32 s1, $0x11  }
0xbc: {  	s0 =	sor.u32 s1, s0  }
0xbd: {  	s0 =	sadd.s32 $0x8F2B, s0  }
0xbe: {  	[sflag:s0] =	ssyncadd.remote.s32 $0x1  }
0xbf: {  	_ =	sfence.sel $0xFFFF  }
0xc0: {  	[dreg:$0x0] =	wrdreg $0xFFFFFFFF;
	(pc) =	sbr.abs _section_cstart, $3  }
0xc1: {  	[dreg:$0x1] =	wrdreg $0xFFFFFFFF  }
0xc2: {  	_ =	task.clear_ibuf [dreg:s7], $0x2FFFF;
	_ =	strace $0x9FFFFFFF  }
0xc3: {  	(tm) =	ssettm $0x7FFFFFFF  }
tec
execute0_lowered:
.L_overlay_start_1:
0x0: {  	(tag) =	ssettag $0x1  }
0x1: {  	s1 =	rddreg [dreg:$0x0]  }
0x2: {  	s6 =	rddreg [dreg:$0x1]  }
0x3: {  	s2 =	rddreg [dreg:$0x2];
	s3 =	simm.s32 $0x0;
	s0 =	srdreg.scid  }
0x4: {  	s8 =	stileid.u32;
	s28 =	simm.s32 $0x300;
	s29 =	simm.s32 $0x380  }
0x5: {  	[smem:$0x7FF] =	sst s3;
	s4 =	sadd.s32 $0xBA00, s6;
	s7 =	sand.u32 $0x1, s0  }
0x6: {  	s5 =	sadd.s32 $0x1C00, s6;
	s9 =	sadd.s32 $0x15E00, s6;
	s11 =	smul.u32 $0x13800, s8  }
0x7: {  	s25 =	sshll.u32 s8, $0x1;
	s14 =	smul.u32 $0x4E20, s8;
	s6 =	sadd.s32 $0x15800, s6  }
0x8: {  	_ =	strace $0x8000004A;
	s0 =	ssub.s32 $0x2, s7;
	s12 =	smul.u32 $0x138800, s7  }
0x9: {  	s10 =	sshrl.u32 s0, $0x1;
	s13 =	sadd.s32 $0x2800, s11;
	s15 =	sadd.s32 $0x5000, s11  }
0xa: {  	s16 =	sadd.s32 $0x7800, s11;
	s17 =	sadd.s32 $0xA000, s11;
	s18 =	sadd.s32 $0xC800, s11  }
0xb: {  	s19 =	sadd.s32 $0xF000, s11;
	s22 =	sadd.s32 $0x11800, s11;
	s0 =	ssub.s32 s0, s10  }
0xc: {  	s10 =	sor.u32 s7, s25;
	s7 =	smul.u32 $0x2710, s7;
	s11 =	sadd.s32 s11, s12  }
0xd: {  	[dreg:$0x12] =	wrdreg s6;
	s26 =	sadd.s32 s12, s13;
	s11 =	sshrl.u32 s11, $0x3  }
0xe: {  	s0 =	smax.u32 s0, $0x1;
	s7 =	sadd.s32 s7, s14;
	s11 =	sadd.s32 s9, s11  }
0xf: {  	s14 =	sshrl.u32 s26, $0x3;
	[smem:$0x7FB] =	sst s0;
	s20 =	sadd.s32 $0x1E0, s7  }
0x10: {  	[dreg:$0xa] =	wrdreg s11;
	s11 =	sadd.s32 s9, s14;
	s21 =	sshrl.u32 s20, $0x3  }
0x11: {  	s24 =	sadd.s32 $0x230, s7;
	[dreg:$0xb] =	wrdreg s11;
	s23 =	sadd.s32 s21, s5  }
0x12: {  	s26 =	sshrl.u32 s24, $0x3;
	s25 =	sadd.s32 s21, s4;
	[dreg:$0x4] =	wrdreg s23  }
0x13: {  	s30 =	simm.s32 $0x50;
	s20 =	sadd.s32 s26, s5;
	[dreg:$0x5] =	wrdreg s25  }
0x14: {  	s24 =	sadd.s32 s12, s15;
	s21 =	sadd.s32 $0x190, s7;
	[dreg:$0x6] =	wrdreg s20  }
0x15: {  	s23 =	sadd.s32 s26, s4;
	s14 =	sshrl.u32 s21, $0x3;
	s21 =	sadd.s32 s12, s16  }
0x16: {  	s26 =	sadd.s32 s12, s17;
	s20 =	sshrl.u32 s24, $0x3;
	s24 =	sadd.s32 s12, s18  }
0x17: {  	s18 =	sadd.s32 s18, s2;
	[dreg:$0x7] =	wrdreg s23;
	s25 =	sadd.s32 s14, s5  }
0x18: {  	s21 =	sshrl.u32 s21, $0x3;
	s11 =	sshrl.u32 s26, $0x3;
	[dreg:$0x18] =	wrdreg s18  }
0x19: {  	s20 =	sadd.s32 s9, s20;
	s26 =	sadd.s32 s12, s22;
	[dreg:$0x8] =	wrdreg s25  }
0x1a: {  	[dreg:$0xc] =	wrdreg s20;
	s23 =	sadd.s32 s9, s21;
	s11 =	sadd.s32 s9, s11  }
0x1b: {  	s25 =	sadd.s32 s12, s19;
	s21 =	sshrl.u32 s26, $0x3;
	[dreg:$0xd] =	wrdreg s23  }
0x1c: {  	[dreg:$0xe] =	wrdreg s11;
	s11 =	sshrl.u32 s24, $0x3;
	s23 =	sadd.s32 s9, s21  }
0x1d: {  	s20 =	sshrl.u32 s25, $0x3;
	s25 =	sadd.s32 s14, s4;
	[dreg:$0x11] =	wrdreg s23  }
0x1e: {  	s24 =	sshrl.u32 s12, $0x3;
	s21 =	sadd.s32 s13, s2;
	[dreg:$0x9] =	wrdreg s25  }
0x1f: {  	s12 =	smul.u32 $0x2710, s10;
	s10 =	sadd.s32 s16, s2;
	[dreg:$0x15] =	wrdreg s21  }
0x20: {  	s31 =	simm.s32 $0x2C00;
	s16 =	sadd.s32 s19, s2;
	[dreg:$0x14] =	wrdreg s10  }
0x21: {  	p0 =	sne.s32 s8, $0x0;
	s19 =	sadd.s32 s22, s2;
	[dreg:$0x19] =	wrdreg s16  }
0x22: {  	s26 =	smul.u32 $0x4E000, s8;
	s11 =	sadd.s32 s9, s11;
	[dreg:$0x1a] =	wrdreg s19  }
0x23: {  	s20 =	sadd.s32 s9, s20;
	s23 =	sadd.s32 s9, s24;
	[dreg:$0xf] =	wrdreg s11  }
0x24: {  	s24 =	sadd.s32 s15, s2;
	s9 =	sadd.s32 s17, s2;
	[dreg:$0x10] =	wrdreg s20  }
0x25: {  	s6 =	sshrl.u32 s12, $0x3;
	s22 =	smov.u32 s24;
	[dreg:$0x16] =	wrdreg s9  }
0x26: {  	s0 =	simm.s32 $0x4;
	s17 =	sadd.s32 s4, s6;
	[dreg:$0x13] =	wrdreg s22  }
0x27: {  	s20 =	sshrl.u32 s26, $0x2;
	s21 =	sadd.s32 s5, s6;
	[smem:$0x7F6] =	sst s17  }
0x28: {  	s20 =	sadd.s32 s20, s2;
	s25 =	sadd.s32 $0xA, s6;
	[smem:$0x7F7] =	sst s21  }
0x29: {  	s12 =	sadd.s32 $0x14, s6;
	s26 =	sadd.s32 s4, s25;
	[dreg:$0x17] =	wrdreg s20  }
0x2a: {  	s14 =	sadd.s32 $0x1E, s6;
	s8 =	sadd.s32 s5, s25;
	[dreg:$0x1b] =	wrdreg s26  }
0x2b: {  	s6 =	sadd.s32 $0x4D8, s6;
	s13 =	sadd.s32 s4, s12;
	[dreg:$0x1c] =	wrdreg s8  }
0x2c: {  	s11 =	sadd.s32 s5, s12;
	s15 =	sadd.s32 s4, s14;
	[dreg:$0x1d] =	wrdreg s13  }
0x2d: {  	s24 =	sadd.s32 s4, s6;
	s6 =	sadd.s32 s5, s6;
	[dreg:$0x1e] =	wrdreg s11  }
0x2e: {  	s25 =	sadd.s32 $0x27000, s23;
	s12 =	sadd.s32 $0x138000, s2;
	[dreg:$0x1f] =	wrdreg s15  }
0x2f: {  	s21 =	simm.s32 $0x7;
	s23 =	simm.s32 $0x100;
	[smem:$0x7F8] =	sst s24  }
0x30: {  	s17 =	simm.s32 $0x0;
	s8 =	sadd.s32 s5, s14;
	[smem:$0x7F9] =	sst s6  }
0x31: {  	[smem:$0x7FA] =	sst s25;
	s26 =	sadd.s32 $0x140, s7;
	s11 =	simm.s32 $0x400  }
0x32: {  	s13 =	simm.s32 $0x3;
	s14 =	simm.s32 $0x80;
	s24 =	simm.s32 $0x180  }
0x33: {  	s25 =	simm.s32 $0x200;
	s6 =	simm.s32 $0x2;
	[smem:$0x7FD] =	sst s12  }
0x34: {  	s7 =	simm.s32 $0x5;
	s15 =	simm.s32 $0x1;
	[smem:$0x7F5] =	sst s8  }
0x35: {  	[smem:$0x7FC] =	sst s26;
	s26 =	simm.s32 $0x280;
	s8 =	simm.s32 $0x6  }
.LBB2_1:
0x36: {  	[smem:$0x7F4] =	sst s17  }
0x37: {  	s17 =	rddreg [dreg:$0x12]  }
0x38: {  	[tilespmem:s11], [sflag:$0x7] =	stream.linear.gather [hbm4b:s17+s3], $0x2800, $0x38;
	[tilespmem:$0x18C80] =	vst v63  }
0x39: {  	_ =	swait.ge [sflag:s21], $0x2800  }
0x3a: {  	[sflag:s21] =	ssyncset.done $0x0  }
0x3b: {  	[sflag:s21] =	ssyncadd.s32 $0xFFFFD800  }
0x3c: {  	[spmem:s20] =	stream.linear.scatter [tilespmem:s11], [sflag:$0x3], $0x2800, $0x38;
	[tilespmem:$0x18C80] =	vst v63  }
0x3d: {  	s20 =	rddreg [dreg:$0x15]  }
0x3e: {  	[spmem:s20] =	stream.linear.scatter [tilespmem:s11], [sflag:$0x3], $0x2800, $0x38;
	[tilespmem:$0x18C80] =	vst v63  }
0x3f: {  	_ = 	snop  }
0x40: {  	[spmem:s22] =	stream.linear.scatter [tilespmem:s11], [sflag:$0x3], $0x2800, $0x38;
	[tilespmem:$0x18C80] =	vst v63  }
0x41: {  	_ = 	snop  }
0x42: {  	[spmem:s10] =	stream.linear.scatter [tilespmem:s11], [sflag:$0x3], $0x2800, $0x38;
	[tilespmem:$0x18C80] =	vst v63  }
0x43: {  	_ = 	snop  }
0x44: {  	[spmem:s9] =	stream.linear.scatter [tilespmem:s11], [sflag:$0x3], $0x2800, $0x38;
	[tilespmem:$0x18C80] =	vst v63  }
0x45: {  	_ = 	snop  }
0x46: {  	[spmem:s18] =	stream.linear.scatter [tilespmem:s11], [sflag:$0x3], $0x2800, $0x38;
	[tilespmem:$0x18C80] =	vst v63  }
0x47: {  	_ = 	snop  }
0x48: {  	[spmem:s16] =	stream.linear.scatter [tilespmem:s11], [sflag:$0x3], $0x2800, $0x38;
	[tilespmem:$0x18C80] =	vst v63  }
0x49: {  	_ = 	snop  }
0x4a: {  	[spmem:s19] =	stream.linear.scatter [tilespmem:s11], [sflag:$0x3], $0x2000, $0x38;
	[tilespmem:$0x18C80] =	vst v63  }
0x4b: {  	s17 =	simm.s32 @!p0 $0x400  }
0x4c: {  	[spmem:s12] =	stream.linear.scatter @!p0 [tilespmem:s17], [sflag:$0x3], $0x800, $0x38;
	[tilespmem:$0x18C80] =	vst v63  }
0x4d: {  	_ =	swait.ge [sflag:s13], $0x2800  }
0x4e: {  	[sflag:s13] =	ssyncset.done $0x0  }
0x4f: {  	[sflag:s13] =	ssyncadd.s32 $0xFFFFD800  }
0x50: {  	_ =	swait.ge [sflag:s13], $0x2800  }
0x51: {  	[sflag:s13] =	ssyncset.done $0x0  }
0x52: {  	[sflag:s13] =	ssyncadd.s32 $0xFFFFD800  }
0x53: {  	_ =	swait.ge [sflag:s13], $0x2800  }
0x54: {  	[sflag:s13] =	ssyncset.done $0x0  }
0x55: {  	[sflag:s13] =	ssyncadd.s32 $0xFFFFD800  }
0x56: {  	_ =	swait.ge [sflag:s13], $0x2800  }
0x57: {  	[sflag:s13] =	ssyncset.done $0x0  }
0x58: {  	[sflag:s13] =	ssyncadd.s32 $0xFFFFD800  }
0x59: {  	_ =	swait.ge [sflag:s13], $0x2800  }
0x5a: {  	[sflag:s13] =	ssyncset.done $0x0  }
0x5b: {  	[sflag:s13] =	ssyncadd.s32 $0xFFFFD800  }
0x5c: {  	_ =	swait.ge [sflag:s13], $0x2800  }
0x5d: {  	[sflag:s13] =	ssyncset.done $0x0  }
0x5e: {  	[sflag:s13] =	ssyncadd.s32 $0xFFFFD800  }
0x5f: {  	_ =	swait.ge [sflag:s13], $0x2800  }
0x60: {  	[sflag:s13] =	ssyncset.done $0x0  }
0x61: {  	[sflag:s13] =	ssyncadd.s32 $0xFFFFD800  }
0x62: {  	_ =	swait.ge [sflag:s13], $0x2000  }
0x63: {  	[sflag:s13] =	ssyncset.done $0x0  }
0x64: {  	s17 =	simm.s32 @!p0 $0x3;
	[sflag:s13] =	ssyncadd.s32 $0xFFFFE000  }
0x65: {  	_ =	swait.ge @!p0 [sflag:s17], $0x800  }
0x66: {  	[sflag:s17] =	ssyncset.done @!p0 $0x0  }
0x67: {  	[sflag:s17] =	ssyncadd.s32 @!p0 $0xFFFFF800  }
0x68: {  	[bflag:$0x0] =	sbarrier.arrive $0xFFFF  }
0x69: {  	s10 =	sld [smem:$0x7F6];
	_ =	sdelay $0x2  }
0x6a: {  	[tilespmem:s3], [sflag:$0x7] =	stream.linear.gather [hbm4b:s10+s3], $0x50, $0x38;
	[tilespmem:$0x18C80] =	vst v63  }
0x6b: {  	_ =	swait.ge [sflag:s21], $0x50  }
0x6c: {  	s12 =	sld [smem:$0x7F7]  }
0x6d: {  	[sflag:s21] =	ssyncset.done $0x0  }
0x6e: {  	[sflag:s21] =	ssyncadd.s32 $0xFFFFFFB0  }
0x6f: {  	[tilespmem:s14], [sflag:$0x7] =	stream.linear.gather [hbm4b:s12+s3], $0x50, $0x38;
	[tilespmem:$0x18C80] =	vst v63  }
0x70: {  	_ =	swait.ge [sflag:s21], $0x50  }
0x71: {  	[sflag:s21] =	ssyncset.done $0x0  }
0x72: {  	s16 =	rddreg [dreg:$0x1b];
	[sflag:s21] =	ssyncadd.s32 $0xFFFFFFB0  }
0x73: {  	[tilespmem:s23], [sflag:$0x7] =	stream.linear.gather [hbm4b:s16+s3], $0x50, $0x38;
	[tilespmem:$0x18C80] =	vst v63  }
0x74: {  	_ =	swait.ge [sflag:s21], $0x50  }
0x75: {  	[sflag:s21] =	ssyncset.done $0x0  }
0x76: {  	s17 =	rddreg [dreg:$0x1c];
	[sflag:s21] =	ssyncadd.s32 $0xFFFFFFB0  }
0x77: {  	[tilespmem:s24], [sflag:$0x7] =	stream.linear.gather [hbm4b:s17+s3], $0x50, $0x38;
	[tilespmem:$0x18C80] =	vst v63  }
0x78: {  	_ =	swait.ge [sflag:s21], $0x50  }
0x79: {  	[sflag:s21] =	ssyncset.done $0x0;
	s18 =	rddreg [dreg:$0x1d]  }
0x7a: {  	s19 =	rddreg [dreg:$0x1e];
	[sflag:s21] =	ssyncadd.s32 $0xFFFFFFB0  }
0x7b: {  	[tilespmem:s25], [sflag:$0x2] =	stream.linear.gather [hbm4b:s18+s3], $0x50, $0x38;
	[tilespmem:$0x18C80] =	vst v63  }
0x7c: {  	s20 =	rddreg [dreg:$0x1f]  }
0x7d: {  	[tilespmem:s26], [sflag:$0x2] =	stream.linear.gather [hbm4b:s19+s3], $0x50, $0x38;
	[tilespmem:$0x18C80] =	vst v63  }
0x7e: {  	s21 =	sld [smem:$0x7F5]  }
0x7f: {  	[tilespmem:s28], [sflag:$0x2] =	stream.linear.gather [hbm4b:s20+s3], $0x50, $0x38;
	[tilespmem:$0x18C80] =	vst v63  }
0x80: {  	_ = 	snop  }
0x81: {  	[tilespmem:s29], [sflag:$0x2] =	stream.linear.gather [hbm4b:s21+s3], $0x50, $0x38;
	[tilespmem:$0x18C80] =	vst v63  }
0x82: {  	_ = 	snop  }
0x83: {  	[tilespmem:s11], [sflag:$0x3] =	stream.indirect.gather [hbm4b:s1+s30], $0x80, s3, s30, $0xb8;
	[tilespmem:$0x18C80] =	vst v63  }
0x84: {  	_ = 	snop  }
0x85: {  	[tilespmem:s31], [sflag:$0x4] =	stream.indirect.gather [hbm4b:s1+s30], $0x80, s23, s30, $0xb8;
	[tilespmem:$0x18C80] =	vst v63  }
0x86: {  	_ =	swait.ge [sflag:s13], $0x2800  }
0x87: {  	[sflag:s13] =	ssyncset.done $0x0  }
0x88: {  	[sflag:s13] =	ssyncadd.s32 $0xFFFFD800  }
0x89: {  	[spmem:s2] =	stream.indirect.scatter.add.f32 [tilespmem:s11], [sflag:$0x5], $0x80, s14, s30, $0xb8;
	[tilespmem:$0x18C80] =	vst v63  }
0x8a: {  	_ =	swait.ge [sflag:s0], $0x2800  }
0x8b: {  	[sflag:s0] =	ssyncset.done $0x0  }
0x8c: {  	[sflag:s0] =	ssyncadd.s32 $0xFFFFD800  }
0x8d: {  	[spmem:s2] =	stream.indirect.scatter.add.f32 [tilespmem:s31], [sflag:$0x6], $0x80, s24, s30, $0xb8;
	[tilespmem:$0x18C80] =	vst v63  }
0x8e: {  	_ =	swait.ge [sflag:s6], $0x50  }
0x8f: {  	[sflag:s6] =	ssyncset.done $0x0  }
0x90: {  	[sflag:s6] =	ssyncadd.s32 $0xFFFFFFB0  }
0x91: {  	_ =	swait.ge [sflag:s6], $0x50  }
0x92: {  	[sflag:s6] =	ssyncset.done $0x0  }
0x93: {  	[sflag:s6] =	ssyncadd.s32 $0xFFFFFFB0  }
0x94: {  	_ =	swait.ge [sflag:s6], $0x50  }
0x95: {  	[sflag:s6] =	ssyncset.done $0x0  }
0x96: {  	[sflag:s6] =	ssyncadd.s32 $0xFFFFFFB0  }
0x97: {  	_ =	swait.ge [sflag:s6], $0x50  }
0x98: {  	[sflag:s6] =	ssyncset.done $0x0  }
0x99: {  	[sflag:s6] =	ssyncadd.s32 $0xFFFFFFB0  }
0x9a: {  	_ =	swait.ge [sflag:s7], $0x2800  }
0x9b: {  	[sflag:s7] =	ssyncset.done $0x0  }
0x9c: {  	[sflag:s7] =	ssyncadd.s32 $0xFFFFD800  }
0x9d: {  	_ =	swait.ge [sflag:s8], $0x2800  }
0x9e: {  	s9 =	sld [smem:$0x7FC];
	_ =	sdelay $0x2  }
0x9f: {  	[sflag:s8] =	ssyncset.done $0x0;
	s22 =	sshrl.u32 s9, $0x3  }
0xa0: {  	[sflag:s8] =	ssyncadd.s32 $0xFFFFD800;
	s10 =	sadd.s32 s4, s22  }
0xa1: {  	[tilespmem:s3], [sflag:$0x1] =	stream.linear.gather [hbm4b:s10+s3], $0x50, $0x38;
	[tilespmem:$0x18C80] =	vst v63  }
0xa2: {  	s12 =	rddreg [dreg:$0x9];
	s17 =	sadd.s32 s5, s22  }
0xa3: {  	[tilespmem:s14], [sflag:$0x1] =	stream.linear.gather [hbm4b:s17+s3], $0x50, $0x38;
	[tilespmem:$0x18C80] =	vst v63  }
0xa4: {  	s16 =	rddreg [dreg:$0x8];
	s18 =	sadd.s32 $0x0, s12  }
0xa5: {  	[tilespmem:s23], [sflag:$0x1] =	stream.linear.gather [hbm4b:s18+s3], $0x50, $0x38;
	[tilespmem:$0x18C80] =	vst v63  }
0xa6: {  	s17 =	sadd.s32 $0x0, s16  }
0xa7: {  	[tilespmem:s24], [sflag:$0x1] =	stream.linear.gather [hbm4b:s17+s3], $0x50, $0x38;
	[tilespmem:$0x18C80] =	vst v63  }
0xa8: {  	_ = 	snop  }
0xa9: {  	[tilespmem:s11], [sflag:$0x3] =	stream.indirect.gather [hbm4b:s1+s30], $0x80, s25, s30, $0xb8;
	[tilespmem:$0x18C80] =	vst v63  }
0xaa: {  	_ = 	snop  }
0xab: {  	[tilespmem:s31], [sflag:$0x4] =	stream.indirect.gather [hbm4b:s1+s30], $0x80, s28, s30, $0xb8;
	[tilespmem:$0x18C80] =	vst v63  }
0xac: {  	_ =	swait.ge [sflag:s13], $0x2800  }
0xad: {  	[sflag:s13] =	ssyncset.done $0x0  }
0xae: {  	[sflag:s13] =	ssyncadd.s32 $0xFFFFD800  }
0xaf: {  	[spmem:s2] =	stream.indirect.scatter.add.f32 [tilespmem:s11], [sflag:$0x5], $0x80, s26, s30, $0xb8;
	[tilespmem:$0x18C80] =	vst v63  }
0xb0: {  	_ =	swait.ge [sflag:s0], $0x2800  }
0xb1: {  	[sflag:s0] =	ssyncset.done $0x0  }
0xb2: {  	[sflag:s0] =	ssyncadd.s32 $0xFFFFD800  }
0xb3: {  	[spmem:s2] =	stream.indirect.scatter.add.f32 [tilespmem:s31], [sflag:$0x6], $0x80, s29, s30, $0xb8;
	[tilespmem:$0x18C80] =	vst v63  }
0xb4: {  	_ =	swait.ge [sflag:s15], $0x50  }
0xb5: {  	[sflag:s15] =	ssyncset.done $0x0  }
0xb6: {  	[sflag:s15] =	ssyncadd.s32 $0xFFFFFFB0  }
0xb7: {  	_ =	swait.ge [sflag:s15], $0x50  }
0xb8: {  	[sflag:s15] =	ssyncset.done $0x0  }
0xb9: {  	[sflag:s15] =	ssyncadd.s32 $0xFFFFFFB0  }
0xba: {  	_ =	swait.ge [sflag:s15], $0x50  }
0xbb: {  	[sflag:s15] =	ssyncset.done $0x0  }
0xbc: {  	[sflag:s15] =	ssyncadd.s32 $0xFFFFFFB0  }
0xbd: {  	_ =	swait.ge [sflag:s15], $0x50  }
0xbe: {  	[sflag:s15] =	ssyncset.done $0x0  }
0xbf: {  	[sflag:s15] =	ssyncadd.s32 $0xFFFFFFB0  }
0xc0: {  	_ =	swait.ge [sflag:s7], $0x2800  }
0xc1: {  	[sflag:s7] =	ssyncset.done $0x0  }
0xc2: {  	[sflag:s7] =	ssyncadd.s32 $0xFFFFD800  }
0xc3: {  	_ =	swait.ge [sflag:s8], $0x2800  }
0xc4: {  	s18 =	rddreg [dreg:$0x5];
	[sflag:s8] =	ssyncset.done $0x0  }
0xc5: {  	s19 =	rddreg [dreg:$0x4];
	[sflag:s8] =	ssyncadd.s32 $0xFFFFD800;
	s17 =	sadd.s32 $0x0, s18  }
0xc6: {  	[tilespmem:s25], [sflag:$0x2] =	stream.linear.gather [hbm4b:s17+s3], $0x50, $0x38;
	[tilespmem:$0x18C80] =	vst v63  }
0xc7: {  	s20 =	rddreg [dreg:$0x7];
	s18 =	sadd.s32 $0x0, s19  }
0xc8: {  	[tilespmem:s26], [sflag:$0x2] =	stream.linear.gather [hbm4b:s18+s3], $0x50, $0x38;
	[tilespmem:$0x18C80] =	vst v63  }
0xc9: {  	s21 =	rddreg [dreg:$0x6];
	s17 =	sadd.s32 $0x0, s20  }
0xca: {  	[tilespmem:s28], [sflag:$0x2] =	stream.linear.gather [hbm4b:s17+s3], $0x50, $0x38;
	[tilespmem:$0x18C80] =	vst v63  }
0xcb: {  	s22 =	sadd.s32 $0x0, s21  }
0xcc: {  	[tilespmem:s29], [sflag:$0x2] =	stream.linear.gather [hbm4b:s22+s3], $0x50, $0x38;
	[tilespmem:$0x18C80] =	vst v63  }
0xcd: {  	_ = 	snop  }
0xce: {  	[tilespmem:s11], [sflag:$0x3] =	stream.indirect.gather [hbm4b:s1+s30], $0x80, s3, s30, $0xb8;
	[tilespmem:$0x18C80] =	vst v63  }
0xcf: {  	_ = 	snop  }
0xd0: {  	[tilespmem:s31], [sflag:$0x4] =	stream.indirect.gather [hbm4b:s1+s30], $0x80, s23, s30, $0xb8;
	[tilespmem:$0x18C80] =	vst v63  }
0xd1: {  	_ =	swait.ge [sflag:s13], $0x2800  }
0xd2: {  	[sflag:s13] =	ssyncset.done $0x0  }
0xd3: {  	[sflag:s13] =	ssyncadd.s32 $0xFFFFD800  }
0xd4: {  	[spmem:s2] =	stream.indirect.scatter.add.f32 [tilespmem:s11], [sflag:$0x5], $0x80, s14, s30, $0xb8;
	[tilespmem:$0x18C80] =	vst v63  }
0xd5: {  	_ =	swait.ge [sflag:s0], $0x2800  }
0xd6: {  	[sflag:s0] =	ssyncset.done $0x0  }
0xd7: {  	s18 =	sadd.s32 $0x140, s9;
	s17 =	simm.s32 $0x28;
	[sflag:s0] =	ssyncadd.s32 $0xFFFFD800  }
.LBB2_2:
0xd8: {  	[spmem:s2] =	stream.indirect.scatter.add.f32 [tilespmem:s31], [sflag:$0x6], $0x80, s24, s30, $0xb8;
	[tilespmem:$0x18C80] =	vst v63  }
0xd9: {  	_ =	swait.ge [sflag:s6], $0x50  }
0xda: {  	[sflag:s6] =	ssyncset.done $0x0  }
0xdb: {  	[sflag:s6] =	ssyncadd.s32 $0xFFFFFFB0  }
0xdc: {  	_ =	swait.ge [sflag:s6], $0x50  }
0xdd: {  	[sflag:s6] =	ssyncset.done $0x0  }
0xde: {  	[sflag:s6] =	ssyncadd.s32 $0xFFFFFFB0  }
0xdf: {  	_ =	swait.ge [sflag:s6], $0x50  }
0xe0: {  	[sflag:s6] =	ssyncset.done $0x0  }
0xe1: {  	[sflag:s6] =	ssyncadd.s32 $0xFFFFFFB0  }
0xe2: {  	_ =	swait.ge [sflag:s6], $0x50  }
0xe3: {  	[sflag:s6] =	ssyncset.done $0x0  }
0xe4: {  	[sflag:s6] =	ssyncadd.s32 $0xFFFFFFB0  }
0xe5: {  	_ =	swait.ge [sflag:s7], $0x2800  }
0xe6: {  	[sflag:s7] =	ssyncset.done $0x0  }
0xe7: {  	[sflag:s7] =	ssyncadd.s32 $0xFFFFD800  }
0xe8: {  	_ =	swait.ge [sflag:s8], $0x2800  }
0xe9: {  	s20 =	sshrl.u32 s18, $0x3;
	[sflag:s8] =	ssyncset.done $0x0  }
0xea: {  	s21 =	sadd.s32 s4, s20;
	[sflag:s8] =	ssyncadd.s32 $0xFFFFD800  }
0xeb: {  	[tilespmem:s3], [sflag:$0x1] =	stream.linear.gather [hbm4b:s21+s3], $0x50, $0x38;
	[tilespmem:$0x18C80] =	vst v63  }
0xec: {  	s19 =	smov.u32 s17;
	s20 =	sadd.s32 s5, s20;
	s22 =	rddreg [dreg:$0x9]  }
0xed: {  	[tilespmem:s14], [sflag:$0x1] =	stream.linear.gather [hbm4b:s20+s3], $0x50, $0x38;
	[tilespmem:$0x18C80] =	vst v63  }
0xee: {  	s12 =	rddreg [dreg:$0x8];
	s16 =	sadd.s32 s19, s22  }
0xef: {  	[tilespmem:s23], [sflag:$0x1] =	stream.linear.gather [hbm4b:s16+s3], $0x50, $0x38;
	[tilespmem:$0x18C80] =	vst v63  }
0xf0: {  	s21 =	sadd.s32 s19, s12  }
0xf1: {  	[tilespmem:s24], [sflag:$0x1] =	stream.linear.gather [hbm4b:s21+s3], $0x50, $0x38;
	[tilespmem:$0x18C80] =	vst v63  }
0xf2: {  	_ = 	snop  }
0xf3: {  	[tilespmem:s11], [sflag:$0x3] =	stream.indirect.gather [hbm4b:s1+s30], $0x80, s25, s30, $0xb8;
	[tilespmem:$0x18C80] =	vst v63  }
0xf4: {  	_ = 	snop  }
0xf5: {  	[tilespmem:s31], [sflag:$0x4] =	stream.indirect.gather [hbm4b:s1+s30], $0x80, s28, s30, $0xb8;
	[tilespmem:$0x18C80] =	vst v63  }
0xf6: {  	_ =	swait.ge [sflag:s13], $0x2800  }
0xf7: {  	[sflag:s13] =	ssyncset.done $0x0  }
0xf8: {  	[sflag:s13] =	ssyncadd.s32 $0xFFFFD800  }
0xf9: {  	[spmem:s2] =	stream.indirect.scatter.add.f32 [tilespmem:s11], [sflag:$0x5], $0x80, s26, s30, $0xb8;
	[tilespmem:$0x18C80] =	vst v63  }
0xfa: {  	_ =	swait.ge [sflag:s0], $0x2800  }
0xfb: {  	[sflag:s0] =	ssyncset.done $0x0  }
0xfc: {  	[sflag:s0] =	ssyncadd.s32 $0xFFFFD800  }
0xfd: {  	[spmem:s2] =	stream.indirect.scatter.add.f32 [tilespmem:s31], [sflag:$0x6], $0x80, s29, s30, $0xb8;
	[tilespmem:$0x18C80] =	vst v63  }
0xfe: {  	_ =	swait.ge [sflag:s15], $0x50  }
0xff: {  	[sflag:s15] =	ssyncset.done $0x0  }
0x100: {  	[sflag:s15] =	ssyncadd.s32 $0xFFFFFFB0  }
0x101: {  	_ =	swait.ge [sflag:s15], $0x50  }
0x102: {  	[sflag:s15] =	ssyncset.done $0x0  }
0x103: {  	[sflag:s15] =	ssyncadd.s32 $0xFFFFFFB0  }
0x104: {  	_ =	swait.ge [sflag:s15], $0x50  }
0x105: {  	[sflag:s15] =	ssyncset.done $0x0  }
0x106: {  	[sflag:s15] =	ssyncadd.s32 $0xFFFFFFB0  }
0x107: {  	_ =	swait.ge [sflag:s15], $0x50  }
0x108: {  	[sflag:s15] =	ssyncset.done $0x0  }
0x109: {  	[sflag:s15] =	ssyncadd.s32 $0xFFFFFFB0  }
0x10a: {  	_ =	swait.ge [sflag:s7], $0x2800  }
0x10b: {  	[sflag:s7] =	ssyncset.done $0x0  }
0x10c: {  	[sflag:s7] =	ssyncadd.s32 $0xFFFFD800  }
0x10d: {  	_ =	swait.ge [sflag:s8], $0x2800  }
0x10e: {  	s22 =	rddreg [dreg:$0x5];
	[sflag:s8] =	ssyncset.done $0x0  }
0x10f: {  	s9 =	rddreg [dreg:$0x4];
	[sflag:s8] =	ssyncadd.s32 $0xFFFFD800;
	s20 =	sadd.s32 s19, s22  }
0x110: {  	[tilespmem:s25], [sflag:$0x2] =	stream.linear.gather [hbm4b:s20+s3], $0x50, $0x38;
	[tilespmem:$0x18C80] =	vst v63  }
0x111: {  	s10 =	rddreg [dreg:$0x7];
	s12 =	sadd.s32 s19, s9  }
0x112: {  	[tilespmem:s26], [sflag:$0x2] =	stream.linear.gather [hbm4b:s12+s3], $0x50, $0x38;
	[tilespmem:$0x18C80] =	vst v63  }
0x113: {  	s16 =	rddreg [dreg:$0x6];
	s22 =	sadd.s32 s19, s10  }
0x114: {  	[tilespmem:s28], [sflag:$0x2] =	stream.linear.gather [hbm4b:s22+s3], $0x50, $0x38;
	[tilespmem:$0x18C80] =	vst v63  }
0x115: {  	s19 =	sadd.s32 s19, s16  }
0x116: {  	[tilespmem:s29], [sflag:$0x2] =	stream.linear.gather [hbm4b:s19+s3], $0x50, $0x38;
	[tilespmem:$0x18C80] =	vst v63  }
0x117: {  	_ = 	snop  }
0x118: {  	[tilespmem:s11], [sflag:$0x3] =	stream.indirect.gather [hbm4b:s1+s30], $0x80, s3, s30, $0xb8;
	[tilespmem:$0x18C80] =	vst v63  }
0x119: {  	_ = 	snop  }
0x11a: {  	[tilespmem:s31], [sflag:$0x4] =	stream.indirect.gather [hbm4b:s1+s30], $0x80, s23, s30, $0xb8;
	[tilespmem:$0x18C80] =	vst v63  }
0x11b: {  	_ =	swait.ge [sflag:s13], $0x2800  }
0x11c: {  	p1 =	sne.s32 s17, $0x488;
	[sflag:s13] =	ssyncset.done $0x0  }
.Ltmp0:
0x11d: {  	[sflag:s13] =	ssyncadd.s32 $0xFFFFD800;
	(pc) =	sbr.rel @p1 .LBB2_2-.Ltmp0, $4  }
0x11e: {  	[spmem:s2] =	stream.indirect.scatter.add.f32 [tilespmem:s11], [sflag:$0x5], $0x80, s14, s30, $0xb8;
	[tilespmem:$0x18C80] =	vst v63  }
0x11f: {  	_ =	swait.ge [sflag:s0], $0x2800  }
0x120: {  	[sflag:s0] =	ssyncset.done $0x0  }
0x121: {  	s17 =	sadd.s32 $0x28, s17;
	s18 =	sadd.s32 $0x140, s18;
	[sflag:s0] =	ssyncadd.s32 $0xFFFFD800  }
0x122: {  	[spmem:s2] =	stream.indirect.scatter.add.f32 [tilespmem:s31], [sflag:$0x6], $0x80, s24, s30, $0xb8;
	[tilespmem:$0x18C80] =	vst v63  }
0x123: {  	_ =	swait.ge [sflag:s6], $0x50  }
0x124: {  	[sflag:s6] =	ssyncset.done $0x0  }
0x125: {  	[sflag:s6] =	ssyncadd.s32 $0xFFFFFFB0  }
0x126: {  	_ =	swait.ge [sflag:s6], $0x50  }
0x127: {  	[sflag:s6] =	ssyncset.done $0x0  }
0x128: {  	[sflag:s6] =	ssyncadd.s32 $0xFFFFFFB0  }
0x129: {  	_ =	swait.ge [sflag:s6], $0x50  }
0x12a: {  	[sflag:s6] =	ssyncset.done $0x0  }
0x12b: {  	[sflag:s6] =	ssyncadd.s32 $0xFFFFFFB0  }
0x12c: {  	_ =	swait.ge [sflag:s6], $0x50  }
0x12d: {  	[sflag:s6] =	ssyncset.done $0x0  }
0x12e: {  	[sflag:s6] =	ssyncadd.s32 $0xFFFFFFB0  }
0x12f: {  	_ =	swait.ge [sflag:s7], $0x2800  }
0x130: {  	[sflag:s7] =	ssyncset.done $0x0  }
0x131: {  	[sflag:s7] =	ssyncadd.s32 $0xFFFFD800  }
0x132: {  	_ =	swait.ge [sflag:s8], $0x2800  }
0x133: {  	s9 =	sld [smem:$0x7F8]  }
0x134: {  	[sflag:s8] =	ssyncset.done $0x0  }
0x135: {  	s18 =	sld [smem:$0x7F9];
	[sflag:s8] =	ssyncadd.s32 $0xFFFFD800  }
0x136: {  	[tilespmem:s3], [sflag:$0x1] =	stream.linear.gather [hbm4b:s9+s3], $0x50, $0x38;
	[tilespmem:$0x18C80] =	vst v63  }
0x137: {  	_ = 	snop  }
0x138: {  	[tilespmem:s14], [sflag:$0x1] =	stream.linear.gather [hbm4b:s18+s3], $0x50, $0x38;
	[tilespmem:$0x18C80] =	vst v63  }
0x139: {  	_ = 	snop  }
0x13a: {  	[tilespmem:s11], [sflag:$0x3] =	stream.indirect.gather [hbm4b:s1+s30], $0x80, s25, s30, $0xb8;
	[tilespmem:$0x18C80] =	vst v63  }
0x13b: {  	_ = 	snop  }
0x13c: {  	[tilespmem:s31], [sflag:$0x4] =	stream.indirect.gather [hbm4b:s1+s30], $0x80, s28, s30, $0xb8;
	[tilespmem:$0x18C80] =	vst v63  }
0x13d: {  	_ =	swait.ge [sflag:s13], $0x2800  }
0x13e: {  	[sflag:s13] =	ssyncset.done $0x0  }
0x13f: {  	[sflag:s13] =	ssyncadd.s32 $0xFFFFD800  }
0x140: {  	[spmem:s2] =	stream.indirect.scatter.add.f32 [tilespmem:s11], [sflag:$0x5], $0x80, s26, s30, $0xb8;
	[tilespmem:$0x18C80] =	vst v63  }
0x141: {  	_ =	swait.ge [sflag:s0], $0x2800  }
0x142: {  	[sflag:s0] =	ssyncset.done $0x0  }
0x143: {  	[sflag:s0] =	ssyncadd.s32 $0xFFFFD800  }
0x144: {  	[spmem:s2] =	stream.indirect.scatter.add.f32 [tilespmem:s31], [sflag:$0x6], $0x80, s29, s30, $0xb8;
	[tilespmem:$0x18C80] =	vst v63  }
0x145: {  	_ =	swait.ge [sflag:s15], $0x50  }
0x146: {  	[sflag:s15] =	ssyncset.done $0x0  }
0x147: {  	[sflag:s15] =	ssyncadd.s32 $0xFFFFFFB0  }
0x148: {  	_ =	swait.ge [sflag:s15], $0x50  }
0x149: {  	[sflag:s15] =	ssyncset.done $0x0  }
0x14a: {  	[sflag:s15] =	ssyncadd.s32 $0xFFFFFFB0  }
0x14b: {  	_ =	swait.ge [sflag:s7], $0x2800  }
0x14c: {  	[sflag:s7] =	ssyncset.done $0x0  }
0x14d: {  	[sflag:s7] =	ssyncadd.s32 $0xFFFFD800  }
0x14e: {  	[tilespmem:s11], [sflag:$0x3] =	stream.indirect.gather [hbm4b:s1+s30], $0x80, s3, s30, $0xb8;
	[tilespmem:$0x18C80] =	vst v63  }
0x14f: {  	_ =	swait.ge [sflag:s13], $0x2800  }
0x150: {  	[sflag:s13] =	ssyncset.done $0x0  }
0x151: {  	[sflag:s13] =	ssyncadd.s32 $0xFFFFD800  }
0x152: {  	[spmem:s2] =	stream.indirect.scatter.add.f32 [tilespmem:s11], [sflag:$0x5], $0x80, s14, s30, $0xb8;
	[tilespmem:$0x18C80] =	vst v63  }
0x153: {  	_ =	swait.ge [sflag:s7], $0x2800  }
0x154: {  	[sflag:s7] =	ssyncset.done $0x0  }
0x155: {  	[sflag:s7] =	ssyncadd.s32 $0xFFFFD800  }
0x156: {  	_ =	swait.ge [sflag:s8], $0x2800  }
0x157: {  	[sflag:s8] =	ssyncset.done $0x0  }
0x158: {  	[sflag:s8] =	ssyncadd.s32 $0xFFFFD800  }
0x159: {  	[bflag:$0x0] =	sbarrier.arrive $0xFFFF  }
0x15a: {  	s18 =	simm.s32 $0x7;
	s19 =	rddreg [dreg:$0x17]  }
0x15b: {  	[tilespmem:s11], [sflag:$0x7] =	stream.linear.gather [spmem:s19], $0x2800, $0x38;
	[tilespmem:$0x18C80] =	vst v63  }
0x15c: {  	_ =	swait.ge [sflag:s18], $0x2800  }
0x15d: {  	[sflag:s18] =	ssyncset.done $0x0  }
0x15e: {  	s17 =	rddreg [dreg:$0xa];
	[sflag:s18] =	ssyncadd.s32 $0xFFFFD800  }
0x15f: {  	[hbm4b:s17+s3] =	stream.linear.scatter [tilespmem:s11], [sflag:$0x3], $0x2800, $0x38;
	[tilespmem:$0x18C80] =	vst v63  }
0x160: {  	s20 =	rddreg [dreg:$0x15]  }
0x161: {  	[tilespmem:s31], [sflag:$0x7] =	stream.linear.gather [spmem:s20], $0x2800, $0x38;
	[tilespmem:$0x18C80] =	vst v63  }
0x162: {  	_ =	swait.ge [sflag:s18], $0x2800  }
0x163: {  	[sflag:s18] =	ssyncset.done $0x0  }
0x164: {  	s21 =	rddreg [dreg:$0xb];
	[sflag:s18] =	ssyncadd.s32 $0xFFFFD800  }
0x165: {  	[hbm4b:s21+s3] =	stream.linear.scatter [tilespmem:s31], [sflag:$0x4], $0x2800, $0x38;
	[tilespmem:$0x18C80] =	vst v63  }
0x166: {  	_ =	swait.ge [sflag:s13], $0x2800  }
0x167: {  	[sflag:s13] =	ssyncset.done $0x0  }
0x168: {  	s22 =	rddreg [dreg:$0x13];
	[sflag:s13] =	ssyncadd.s32 $0xFFFFD800  }
0x169: {  	[tilespmem:s11], [sflag:$0x7] =	stream.linear.gather [spmem:s22], $0x2800, $0x38;
	[tilespmem:$0x18C80] =	vst v63  }
0x16a: {  	_ =	swait.ge [sflag:s18], $0x2800  }
0x16b: {  	[sflag:s18] =	ssyncset.done $0x0  }
0x16c: {  	s10 =	rddreg [dreg:$0xc];
	[sflag:s18] =	ssyncadd.s32 $0xFFFFD800  }
0x16d: {  	[hbm4b:s10+s3] =	stream.linear.scatter [tilespmem:s11], [sflag:$0x3], $0x2800, $0x38;
	[tilespmem:$0x18C80] =	vst v63  }
0x16e: {  	_ =	swait.ge [sflag:s0], $0x2800  }
0x16f: {  	[sflag:s0] =	ssyncset.done $0x0  }
0x170: {  	s10 =	rddreg [dreg:$0x14];
	[sflag:s0] =	ssyncadd.s32 $0xFFFFD800  }
0x171: {  	[tilespmem:s31], [sflag:$0x7] =	stream.linear.gather [spmem:s10], $0x2800, $0x38;
	[tilespmem:$0x18C80] =	vst v63  }
0x172: {  	_ =	swait.ge [sflag:s18], $0x2800  }
0x173: {  	[sflag:s18] =	ssyncset.done $0x0  }
0x174: {  	s12 =	rddreg [dreg:$0xd];
	[sflag:s18] =	ssyncadd.s32 $0xFFFFD800  }
0x175: {  	[hbm4b:s12+s3] =	stream.linear.scatter [tilespmem:s31], [sflag:$0x4], $0x2800, $0x38;
	[tilespmem:$0x18C80] =	vst v63  }
0x176: {  	_ =	swait.ge [sflag:s13], $0x2800  }
0x177: {  	[sflag:s13] =	ssyncset.done $0x0  }
0x178: {  	s9 =	rddreg [dreg:$0x16];
	[sflag:s13] =	ssyncadd.s32 $0xFFFFD800  }
0x179: {  	[tilespmem:s11], [sflag:$0x7] =	stream.linear.gather [spmem:s9], $0x2800, $0x38;
	[tilespmem:$0x18C80] =	vst v63  }
0x17a: {  	_ =	swait.ge [sflag:s18], $0x2800  }
0x17b: {  	[sflag:s18] =	ssyncset.done $0x0  }
0x17c: {  	s16 =	rddreg [dreg:$0xe];
	[sflag:s18] =	ssyncadd.s32 $0xFFFFD800  }
0x17d: {  	[hbm4b:s16+s3] =	stream.linear.scatter [tilespmem:s11], [sflag:$0x3], $0x2800, $0x38;
	[tilespmem:$0x18C80] =	vst v63  }
0x17e: {  	_ =	swait.ge [sflag:s0], $0x2800  }
0x17f: {  	[sflag:s0] =	ssyncset.done $0x0  }
0x180: {  	s20 =	rddreg [dreg:$0x18];
	[sflag:s0] =	ssyncadd.s32 $0xFFFFD800  }
0x181: {  	[tilespmem:s31], [sflag:$0x7] =	stream.linear.gather [spmem:s20], $0x2800, $0x38;
	[tilespmem:$0x18C80] =	vst v63  }
0x182: {  	_ =	swait.ge [sflag:s18], $0x2800  }
0x183: {  	[sflag:s18] =	ssyncset.done $0x0  }
0x184: {  	s19 =	rddreg [dreg:$0xf];
	[sflag:s18] =	ssyncadd.s32 $0xFFFFD800  }
0x185: {  	[hbm4b:s19+s3] =	stream.linear.scatter [tilespmem:s31], [sflag:$0x4], $0x2800, $0x38;
	[tilespmem:$0x18C80] =	vst v63  }
0x186: {  	_ =	swait.ge [sflag:s13], $0x2800  }
0x187: {  	[sflag:s13] =	ssyncset.done $0x0  }
0x188: {  	s16 =	rddreg [dreg:$0x19];
	[sflag:s13] =	ssyncadd.s32 $0xFFFFD800  }
0x189: {  	[tilespmem:s11], [sflag:$0x7] =	stream.linear.gather [spmem:s16], $0x2800, $0x38;
	[tilespmem:$0x18C80] =	vst v63  }
0x18a: {  	_ =	swait.ge [sflag:s18], $0x2800  }
0x18b: {  	[sflag:s18] =	ssyncset.done $0x0  }
0x18c: {  	s21 =	rddreg [dreg:$0x10];
	[sflag:s18] =	ssyncadd.s32 $0xFFFFD800  }
0x18d: {  	[hbm4b:s21+s3] =	stream.linear.scatter [tilespmem:s11], [sflag:$0x3], $0x2800, $0x38;
	[tilespmem:$0x18C80] =	vst v63  }
0x18e: {  	_ =	swait.ge [sflag:s0], $0x2800  }
0x18f: {  	[sflag:s0] =	ssyncset.done $0x0  }
0x190: {  	s12 =	rddreg [dreg:$0x1a];
	[sflag:s0] =	ssyncadd.s32 $0xFFFFD800  }
0x191: {  	[tilespmem:s31], [sflag:$0x7] =	stream.linear.gather [spmem:s12], $0x2000, $0x38;
	[tilespmem:$0x18C80] =	vst v63  }
0x192: {  	_ =	swait.ge [sflag:s18], $0x2000  }
0x193: {  	[sflag:s18] =	ssyncset.done $0x0  }
0x194: {  	s22 =	rddreg [dreg:$0x11];
	[sflag:s18] =	ssyncadd.s32 $0xFFFFE000  }
0x195: {  	[hbm4b:s22+s3] =	stream.linear.scatter [tilespmem:s31], [sflag:$0x4], $0x2000, $0x38;
	[tilespmem:$0x18C80] =	vst v63  }
0x196: {  	_ =	swait.ge [sflag:s13], $0x2800  }
0x197: {  	[sflag:s13] =	ssyncset.done $0x0  }
0x198: {  	[sflag:s13] =	ssyncadd.s32 $0xFFFFD800  }
0x199: {  	_ =	swait.ge [sflag:s0], $0x2000  }
0x19a: {  	s22 =	sld [smem:$0x7FD]  }
0x19b: {  	[sflag:s0] =	ssyncset.done $0x0  }
0x19c: {  	s17 =	simm.s32 @!p0 $0x400;
	s18 =	simm.s32 @!p0 $0x7;
	[sflag:s0] =	ssyncadd.s32 $0xFFFFE000  }
0x19d: {  	[tilespmem:s17], [sflag:$0x7] =	stream.linear.gather @!p0 [spmem:s22], $0x800, $0x38;
	[tilespmem:$0x18C80] =	vst v63  }
0x19e: {  	_ =	swait.ge @!p0 [sflag:s18], $0x800  }
0x19f: {  	s21 =	sld [smem:$0x7FA]  }
0x1a0: {  	[sflag:s18] =	ssyncset.done @!p0 $0x0  }
0x1a1: {  	s19 =	simm.s32 @!p0 $0x0;
	[sflag:s18] =	ssyncadd.s32 @!p0 $0xFFFFF800  }
0x1a2: {  	[hbm4b:s21+s19] =	stream.linear.scatter @!p0 [tilespmem:s17], [sflag:$0x7], $0x800, $0x38;
	[tilespmem:$0x18C80] =	vst v63  }
0x1a3: {  	_ =	swait.ge @!p0 [sflag:s18], $0x800  }
0x1a4: {  	s19 =	smov.u32 s12;
	s12 =	sld [smem:$0x7F4];
	_ =	sdelay $0x2  }
0x1a5: {  	s17 =	sadd.s32 $0x1, s12;
	s12 =	sld [smem:$0x7FB];
	_ =	sdelay $0x2  }
0x1a6: {  	p1 =	sne.s32 s17, s12  }
.Ltmp1:
0x1a7: {  	_ = 	snop;
	(pc) =	sbr.rel @p1 .LBB2_1-.Ltmp1, $4  }
0x1a8: {  	_ = 	snop  }
0x1a9: {  	[sflag:s18] =	ssyncset.done @!p0 $0x0  }
0x1aa: {  	[sflag:s18] =	ssyncadd.s32 @!p0 $0xFFFFF800;
	s18 =	smov.u32 s20;
	s20 =	rddreg [dreg:$0x17]  }
0x1ab: {  	s21 =	simm.s32 $0x7;
	s12 =	smov.u32 s22;
	s22 =	rddreg [dreg:$0x13]  }
0x1ac: {  	_ =	sfence.sel $0x180000  }
0x1ad: {  	[bflag:$0x0] =	sbarrier.arrive $0xFFFF  }
0x1ae: {  	_ =	strace $0x9000004A  }
0x1af: {  	[bflag:$0x2] =	sbarrier.arrive $0xFFFF  }
0x1b0: {  	s0 =	rddreg [dreg:$0x3]  }
0x1b1: {  	s0 =	sadd.s32 @!p0 $0x100000, s0  }
0x1b2: {  	[sflag:s0] =	ssyncadd.tile.s32 @!p0 $0x1;
	_ =	shalt  }
.Lfunc_end2:
_tile_overlayer_lowered:
.L_overlay_start_2:
0x1b3: {  	(tag) =	ssettag $0x2  }
0x1b4: {  	s0 =	rddreg [dreg:$0x0];
	s2 =	stileid.u32  }
0x1b5: {  	s1 =	rddreg [dreg:$0x1];
	p0 =	sne.s32 s2, $0x0  }
0x1b6: {  	s3 =	rddreg [dreg:$0x2];
	[bflag:$0x3] =	sbarrier.arrive $0xFFFF;
	s2 =	simm.s32 @!p0 $0x1C07  }
0x1b7: {  	[timem:s3], [sflag:s2] =	dma.local @!p0 [hbm:s0], s1  }
0x1b8: {  	s0 =	simm.s32 @!p0 $0x7  }
0x1b9: {  	_ =	swait.ge @!p0 [sflag:s0], s1  }
0x1ba: {  	s1 =	ssub.s32 @!p0 $0x0, s1;
	[sflag:s0] =	ssyncset.done @!p0 $0x0  }
0x1bb: {  	[sflag:s0] =	ssyncadd.s32 @!p0 s1  }
0x1bc: {  	[bflag:$0x3] =	sbarrier.arrive $0xFFFF  }
0x1bd: {  	_ =	shalt  }

// kernel: kernel.7.cloned.1.call-start
scs
__scs_entry_jumppad:
0x0: {  	(pc) =	sbr.rel $0x88, $3  }
0x1: {  	(tag) =	ssettag $0x0;
	lr =	simm.s32 $0x1  }
0x2: {  	[smem:$0x3F99] =	sst lr;
	_ =	strace $0xD0000000  }
0x3: {  	_ = 	snop  }
0x4: {  	_ = 	snop  }
0x5: {  	_ = 	snop  }
0x6: {  	_ = 	snop  }
0x7: {  	_ = 	snop  }
__scs_overlays_trampoline_lowered:
0x8: {  	[smem:$0x3FA8] =	sst s0  }
0x9: {  	[smem:$0x3FA9] =	sst s1  }
0xa: {  	[smem:$0x3FAA] =	sst s2  }
0xb: {  	[smem:$0x3FAB] =	sst s3  }
0xc: {  	[smem:$0x3FAC] =	sst s4  }
0xd: {  	[smem:$0x3FAD] =	sst s5  }
0xe: {  	[smem:$0x3FAE] =	sst s6  }
0xf: {  	[smem:$0x3FAF] =	sst s7  }
0x10: {  	[smem:$0x3FB0] =	sst s8  }
0x11: {  	[smem:$0x3FB1] =	sst s9;
	s0 =	simm.s32 @!p0 $0x0  }
0x12: {  	s1 =	sld [smem:$0x3F97];
	s0 =	simm.s32 @p0 $0x1  }
0x13: {  	[smem:$0x3FB2] =	sst s0;
	s0 =	simm.s32 @!p1 $0x0  }
0x14: {  	s2 =	sld [smem:$0x3F96];
	s0 =	simm.s32 @p1 $0x1  }
0x15: {  	[smem:$0x3FB3] =	sst s0;
	s0 =	simm.s32 @!p2 $0x0  }
0x16: {  	s3 =	sld [smem:$0x3FDB];
	s0 =	simm.s32 @p2 $0x1  }
0x17: {  	s4 =	simm.s32 $0x1BF5;
	[smem:$0x3FB5] =	sst s0  }
0x18: {  	s0 =	sld [smem:$0x3F98];
	_ =	swait.ge [sflag:s4], $0x0  }
0x19: {  	s7 =	sld [smem:$0x3F99]  }
0x1a: {  	s8 =	sadd.s32 $0xFFFFE003, lr  }
0x1b: {  	s9 =	sadd.s32 $0xFFFFFEF7, lr;
	s5 =	simm.s32 $0xFFFFFFFF;
	p2 =	slt.u32 s8, $0xFFFFF086  }
0x1c: {  	p1 =	slt.u32 s9, $0xF7A;
	s5 =	simm.s32 @!p2 $0x0  }
0x1d: {  	s5 =	simm.s32 @p1 $0x1;
	p0 =	seq.s32 s7, s2  }
0x1e: {  	s7 =	smul.u32 @!p0 $0xF7A, s2;
	p2 =	seq.s32 @!p0 s5, $0x0  }
0x1f: {  	s9 =	smul.u32 $0xF7A, s1;
	s8 =	simm.s32 @!p0 $0x1BF5;
	p2 =	por !p2, p0  }
0x20: {  	[sflag:s8] =	ssyncset.s32 @!p0 $0xFFFFF086;
	s6 =	sadd.s32 @!p0 s3, s7;
	s7 =	simm.s32 @!p0 $0x108  }
0x21: {  	s3 =	sadd.s32 s3, s9;
	s6 =	sadd.s32 @!p0 $0x88, s6;
	s7 =	simm.s32 @p2 $0x1082  }
0x22: {  	[simem:s7], [sflag:s8] =	dma.local @!p0 [hbm:s6], $0xF7A  }
0x23: {  	s9 =	sor.u32 $0xD0000000, s2;
	s6 =	simm.s32 $0x108;
	_ =	swait.ge @!p0 [sflag:s8], $0x0  }
0x24: {  	s3 =	sadd.s32 $0x88, s3;
	s6 =	simm.s32 @!p1 $0x1082;
	[sflag:s4] =	ssyncset.s32 $0xFFFFF086  }
0x25: {  	[simem:s6], [sflag:s4] =	dma.local [hbm:s3], $0xF7A  }
0x26: {  	[smem:$0x3F99] =	sst s1;
	(tag) =	ssettag s2;
	_ =	strace s9  }
0x27: {  	s1 =	sld [smem:$0x3FA9]  }
0x28: {  	s2 =	sld [smem:$0x3FAA]  }
0x29: {  	s4 =	sld [smem:$0x3FAC]  }
0x2a: {  	p0 =	seq.s32 s5, $0x0;
	s5 =	sld [smem:$0x3FAD]  }
0x2b: {  	s6 =	sld [smem:$0x3FAE]  }
0x2c: {  	s7 =	sld [smem:$0x3FAF]  }
0x2d: {  	s3 =	simm.s32 $0x108;
	s8 =	sld [smem:$0x3FB0]  }
0x2e: {  	s3 =	simm.s32 @!p0 $0x1082;
	s9 =	sld [smem:$0x3FB1]  }
0x2f: {  	lr =	sadd.s32 s0, s3;
	s0 =	sld [smem:$0x3FA8]  }
0x30: {  	s3 =	sld [smem:$0x3FAB]  }
0x31: {  	[smem:$0x3FB4] =	sst s10  }
0x32: {  	s10 =	sld [smem:$0x3FB2];
	_ =	sdelay $0x3  }
0x33: {  	p0 =	seq.s32 s10, $0x1;
	s10 =	sld [smem:$0x3FB4];
	_ =	sdelay $0x3  }
0x34: {  	[smem:$0x3FB4] =	sst s10  }
0x35: {  	s10 =	sld [smem:$0x3FB3];
	_ =	sdelay $0x3  }
0x36: {  	p1 =	seq.s32 s10, $0x1;
	s10 =	sld [smem:$0x3FB4];
	_ =	sdelay $0x3  }
0x37: {  	[smem:$0x3FB4] =	sst s10  }
0x38: {  	s10 =	sld [smem:$0x3FB5]  }
0x39: {  	_ = 	snop;
	(pc) =	sbr.ind lr, $3  }
0x3a: {  	_ = 	snop  }
0x3b: {  	_ = 	snop  }
0x3c: {  	p2 =	seq.s32 s10, $0x1;
	s10 =	sld [smem:$0x3FB4]  }
0x3d: {  	_ =	shalt  }
0x3e: {  	_ =	shalt  }
0x3f: {  	_ =	shalt  }
0x40: {  	_ =	shalt  }
0x41: {  	_ =	shalt  }
0x42: {  	_ =	shalt  }
0x43: {  	_ =	shalt  }
0x44: {  	_ =	shalt  }
0x45: {  	_ =	shalt  }
0x46: {  	_ =	shalt  }
0x47: {  	_ =	shalt  }
0x48: {  	_ =	shalt  }
0x49: {  	_ =	shalt  }
0x4a: {  	_ =	shalt  }
0x4b: {  	_ =	shalt  }
0x4c: {  	_ =	shalt  }
0x4d: {  	_ =	shalt  }
0x4e: {  	_ =	shalt  }
0x4f: {  	_ =	shalt  }
0x50: {  	_ =	shalt  }
0x51: {  	_ =	shalt  }
0x52: {  	_ =	shalt  }
0x53: {  	_ =	shalt  }
0x54: {  	_ =	shalt  }
0x55: {  	_ =	shalt  }
0x56: {  	_ =	shalt  }
0x57: {  	_ =	shalt  }
0x58: {  	_ =	shalt  }
0x59: {  	_ =	shalt  }
0x5a: {  	_ =	shalt  }
0x5b: {  	_ =	shalt  }
0x5c: {  	_ =	shalt  }
0x5d: {  	_ =	shalt  }
0x5e: {  	_ =	shalt  }
0x5f: {  	_ =	shalt  }
0x60: {  	_ =	shalt  }
0x61: {  	_ =	shalt  }
0x62: {  	_ =	shalt  }
0x63: {  	_ =	shalt  }
0x64: {  	_ =	shalt  }
0x65: {  	_ =	shalt  }
0x66: {  	_ =	shalt  }
0x67: {  	_ =	shalt  }
0x68: {  	_ =	shalt  }
0x69: {  	_ =	shalt  }
0x6a: {  	_ =	shalt  }
0x6b: {  	_ =	shalt  }
0x6c: {  	_ =	shalt  }
0x6d: {  	_ =	shalt  }
0x6e: {  	_ =	shalt  }
0x6f: {  	_ =	shalt  }
0x70: {  	_ =	shalt  }
0x71: {  	_ =	shalt  }
0x72: {  	_ =	shalt  }
0x73: {  	_ =	shalt  }
0x74: {  	_ =	shalt  }
0x75: {  	_ =	shalt  }
0x76: {  	_ =	shalt  }
0x77: {  	_ =	shalt  }
0x78: {  	_ =	shalt  }
0x79: {  	_ =	shalt  }
0x7a: {  	_ =	shalt  }
0x7b: {  	_ =	shalt  }
0x7c: {  	_ =	shalt  }
0x7d: {  	_ =	shalt  }
0x7e: {  	_ =	shalt  }
0x7f: {  	_ =	shalt  }
0x80: {  	_ =	shalt  }
0x81: {  	_ =	shalt  }
0x82: {  	_ =	shalt  }
0x83: {  	_ =	shalt  }
0x84: {  	_ =	shalt  }
0x85: {  	_ =	shalt  }
0x86: {  	_ =	shalt  }
0x87: {  	_ =	shalt  }
.Lfunc_end0:
.L_simem_size_0:
called_computation_lowered:
.L_overlay_start_0:
0x88: {  	s2 =	sld [smem:$0x3FD9]  }
0x89: {  	s3 =	sld [smem:$0x3FFE];
	_ =	sdelay $0x1  }
0x8a: {  	s1 =	srdreg.scid  }
0x8b: {  	s0 =	sand.u32 $0x1, s1  }
0x8c: {  	s17 =	sshll.u32 s0, $0xA;
	s2 =	sadd.s32 s3, s2  }
0x8d: {  	s2 =	sadd.s32 s2, s17  }
0x8e: {  	[smem:$0x3FC0] =	sst s2  }
0x8f: {  	_ = 	snop  }
0x90: {  	s2 =	sld [smem:$0x3FD0];
	(tm) =	ssettm $0x1  }
0x91: {  	s18 =	sld [smem:$0x3FFB];
	_ =	sdelay $0x3  }
0x92: {  	_ =	strace s18  }
0x93: {  	s3 =	sld [smem:$0x3FFC];
	_ =	sdelay $0x3  }
0x94: {  	_ =	strace s3  }
0x95: {  	s3 =	sld [smem:$0x3FFD];
	_ =	sdelay $0x3  }
0x96: {  	_ =	strace s3  }
0x97: {  	_ =	strace $0x8FFFFFFF  }
0x98: {  	s19 =	sld [smem:$0x3FDB];
	_ =	sdelay $0x1  }
0x99: {  	s4 =	simm.s32 $_scs_section_size  }
0x9a: {  	s5 =	simm.s32 $_size__tile_overlayer_lowered;
	s6 =	simm.s32 $_tile_overlayer_lowered  }
0x9b: {  	s22 =	simm.s32 $0x1BFF;
	s21 =	sshll.u32 s6, $0x1;
	s3 =	sadd.s32 s4, s19  }
0x9c: {  	s7 =	simm.s32 $0x0;
	s20 =	sshll.u32 s5, $0x1;
	s5 =	sadd.s32 s21, s3  }
0x9d: {  	[timem:s7], [sflag:s22] =	dma.local [hbm:s5], s20  }
0x9e: {  	_ =	swait.ge [sflag:s22], s20  }
0x9f: {  	s4 =	ssub.s32 $0x0, s20;
	[sflag:s22] =	ssyncset.done $0x0  }
0xa0: {  	[sflag:s22] =	ssyncadd.s32 s4;
	_ =	sdelay $0x1  }
0xa1: {  	s23 =	simm.s32 $0x1B8B  }
0xa2: {  	_ =	swait.ge [sflag:s23], $0x1  }
0xa3: {  	[sflag:s23] =	ssyncset.done $0x0  }
0xa4: {  	s25 =	simm.s32 $0x1B8E;
	s24 =	sld [smem:$0x3FFE];
	[sflag:s23] =	ssyncadd.s32 $0xFFFFFFFF  }
0xa5: {  	s26 =	simm.s32 $execute0_lowered;
	[smem:$0x3FD2] =	sst s25  }
0xa6: {  	s5 =	sshll.u32 s26, $0x1;
	_ =	strace $0x80000046;
	[dreg:$0x1] =	wrdreg $0xFFFFFFFF  }
0xa7: {  	s28 =	simm.s32 $_size_execute0_lowered;
	s3 =	sadd.s32 s3, s5;
	[dreg:$0x0] =	wrdreg $0x0  }
0xa8: {  	s5 =	sshll.u32 s28, $0x1;
	[dreg:$0x2] =	wrdreg s3  }
0xa9: {  	[dreg:$0x3] =	wrdreg s5  }
0xaa: {  	[dreg:$0x4] =	wrdreg $0xC0  }
0xab: {  	_ =	task [dreg:s7], $0x5FFFF  }
0xac: {  	[dreg:$0x1] =	wrdreg $0xFFFFFFFF  }
0xad: {  	[dreg:$0x0] =	wrdreg $0x60  }
0xae: {  	[dreg:$0x2] =	wrdreg s2  }
0xaf: {  	[dreg:$0x3] =	wrdreg s24  }
0xb0: {  	[dreg:$0x4] =	wrdreg $0x54000  }
0xb1: {  	[dreg:$0x5] =	wrdreg $0x9  }
0xb2: {  	_ =	task.clear_ibuf [dreg:s7], $0x6FFFF;
	_ =	strace $0x90000046  }
0xb3: {  	s29 =	simm.s32 $0x9;
	_ =	strace $0x80000048  }
0xb4: {  	_ =	swait.ge [sflag:s29], $0x1  }
0xb5: {  	[sflag:s29] =	ssyncadd.s32 $0xFFFFFFFF  }
0xb6: {  	_ =	strace $0x90000048  }
0xb7: {  	_ =	sfence  }
0xb8: {  	s30 =	sld [smem:$0x0];
	_ =	sdelay $0x2  }
0xb9: {  	s31 =	sshll.u32 s1, $0xD;
	s1 =	sshrl.u32 s1, $0x2  }
0xba: {  	s3 =	sand.u32 $0x4000, s31;
	s1 =	sadd.s32 s1, s30  }
0xbb: {  	s0 =	sor.u32 s3, s0;
	s1 =	sshll.u32 s1, $0x11  }
0xbc: {  	s0 =	sor.u32 s1, s0  }
0xbd: {  	s0 =	sadd.s32 $0x8F2B, s0  }
0xbe: {  	[sflag:s0] =	ssyncadd.remote.s32 $0x1  }
0xbf: {  	_ =	sfence.sel $0xFFFF  }
0xc0: {  	[dreg:$0x0] =	wrdreg $0xFFFFFFFF;
	(pc) =	sbr.abs _section_cstart, $3  }
0xc1: {  	[dreg:$0x1] =	wrdreg $0xFFFFFFFF  }
0xc2: {  	_ =	task.clear_ibuf [dreg:s7], $0x2FFFF;
	_ =	strace $0x9FFFFFFF  }
0xc3: {  	(tm) =	ssettm $0x7FFFFFFF  }
tec
execute0_lowered:
.L_overlay_start_1:
0x0: {  	(tag) =	ssettag $0x1  }
0x1: {  	s1 =	rddreg [dreg:$0x0]  }
0x2: {  	s6 =	rddreg [dreg:$0x1]  }
0x3: {  	s2 =	rddreg [dreg:$0x2];
	s3 =	simm.s32 $0x0  }
0x4: {  	s0 =	srdreg.scid;
	s8 =	stileid.u32;
	s28 =	simm.s32 $0x280  }
0x5: {  	s29 =	simm.s32 $0x300;
	[smem:$0x7FF] =	sst s3;
	s10 =	smul.u32 $0x13800, s8  }
0x6: {  	s21 =	sadd.s32 $0xBA00, s6;
	s7 =	sand.u32 $0x1, s0;
	s16 =	smul.u32 $0x4E20, s8  }
0x7: {  	s5 =	sadd.s32 $0x1C00, s6;
	s17 =	sshll.u32 s8, $0x1;
	s13 =	smul.u32 $0x138800, s7  }
0x8: {  	s0 =	sor.u32 s7, s17;
	s9 =	ssub.s32 $0x2, s7;
	s7 =	smul.u32 $0x2710, s7  }
0x9: {  	s4 =	sadd.s32 $0x1FC00, s6;
	_ =	strace $0x80000047;
	s12 =	smul.u32 $0x2710, s0  }
0xa: {  	s18 =	sshrl.u32 s9, $0x1;
	s14 =	sadd.s32 $0x5000, s10;
	s15 =	sadd.s32 $0x7800, s10  }
0xb: {  	s17 =	sadd.s32 $0xA000, s10;
	s23 =	sadd.s32 $0xF000, s10;
	s24 =	sadd.s32 $0x11800, s10  }
0xc: {  	s0 =	ssub.s32 s9, s18;
	s9 =	sadd.s32 $0x2800, s10;
	s18 =	sadd.s32 $0xC800, s10  }
0xd: {  	s10 =	sadd.s32 s10, s13;
	s7 =	sadd.s32 s7, s16;
	s20 =	sadd.s32 s13, s14  }
0xe: {  	s10 =	sshrl.u32 s10, $0x3;
	s19 =	sadd.s32 s13, s9;
	s16 =	sadd.s32 $0x1E0, s7  }
0xf: {  	s11 =	sadd.s32 $0x190, s7;
	s0 =	smax.u32 s0, $0x1;
	s10 =	sadd.s32 s4, s10  }
0x10: {  	s19 =	sshrl.u32 s19, $0x3;
	s16 =	sshrl.u32 s16, $0x3;
	[smem:$0x7FC] =	sst s0  }
0x11: {  	[dreg:$0xa] =	wrdreg s10;
	s10 =	sadd.s32 s4, s19;
	s22 =	sadd.s32 s16, s5  }
0x12: {  	s16 =	sadd.s32 s16, s21;
	s19 =	sshrl.u32 s11, $0x3;
	[dreg:$0xb] =	wrdreg s10  }
0x13: {  	s10 =	sshrl.u32 s20, $0x3;
	s20 =	sadd.s32 $0x230, s7;
	[dreg:$0x4] =	wrdreg s22  }
0x14: {  	[dreg:$0x5] =	wrdreg s16;
	s25 =	sshrl.u32 s20, $0x3;
	s10 =	sadd.s32 s4, s10  }
0x15: {  	s11 =	sadd.s32 s13, s17;
	s26 =	sadd.s32 s25, s5;
	[dreg:$0xc] =	wrdreg s10  }
0x16: {  	s22 =	sadd.s32 s25, s21;
	s25 =	sadd.s32 s13, s15;
	[dreg:$0x6] =	wrdreg s26  }
0x17: {  	[dreg:$0x7] =	wrdreg s22;
	s26 =	sadd.s32 s19, s5;
	s20 =	sshrl.u32 s25, $0x3  }
0x18: {  	s25 =	sadd.s32 s13, s18;
	s18 =	sadd.s32 s18, s2;
	[dreg:$0x8] =	wrdreg s26  }
0x19: {  	s22 =	sshrl.u32 s11, $0x3;
	s20 =	sadd.s32 s4, s20;
	[dreg:$0x15] =	wrdreg s18  }
0x1a: {  	p0 =	sne.s32 s8, $0x0;
	s10 =	sadd.s32 s4, s22;
	[dreg:$0xd] =	wrdreg s20  }
0x1b: {  	[dreg:$0xe] =	wrdreg s10;
	s10 =	sshrl.u32 s25, $0x3;
	s25 =	sadd.s32 s19, s21  }
0x1c: {  	s26 =	sadd.s32 s13, s23;
	s20 =	sadd.s32 s15, s2;
	[dreg:$0x9] =	wrdreg s25  }
0x1d: {  	s16 =	sshrl.u32 s26, $0x3;
	s19 =	sadd.s32 s9, s2;
	[smem:$0x7F6] =	sst s20  }
0x1e: {  	s26 =	smul.u32 $0x4E000, s8;
	s10 =	sadd.s32 s4, s10;
	[dreg:$0x13] =	wrdreg s19  }
0x1f: {  	s8 =	sshrl.u32 s12, $0x3;
	s16 =	sadd.s32 s4, s16;
	[dreg:$0xf] =	wrdreg s10  }
0x20: {  	s11 =	sadd.s32 s13, s24;
	s15 =	sadd.s32 s21, s8;
	[dreg:$0x10] =	wrdreg s16  }
0x21: {  	s22 =	sshrl.u32 s11, $0x3;
	s20 =	sadd.s32 s23, s2;
	[dreg:$0x1d] =	wrdreg s15  }
0x22: {  	s30 =	simm.s32 $0x380;
	s10 =	sadd.s32 s4, s22;
	[dreg:$0x17] =	wrdreg s20  }
0x23: {  	s31 =	simm.s32 $0x50;
	s16 =	sadd.s32 s14, s2;
	[dreg:$0x11] =	wrdreg s10  }
0x24: {  	s25 =	sadd.s32 $0xA, s8;
	s22 =	sadd.s32 s17, s2;
	[smem:$0x7F5] =	sst s16  }
0x25: {  	s13 =	sshrl.u32 s13, $0x3;
	s9 =	sadd.s32 s5, s25;
	[dreg:$0x14] =	wrdreg s22  }
0x26: {  	s11 =	sshrl.u32 s26, $0x2;
	s17 =	sadd.s32 s5, s8;
	[dreg:$0x1a] =	wrdreg s9  }
0x27: {  	s10 =	sadd.s32 s4, s13;
	s13 =	sadd.s32 $0x15800, s6;
	[dreg:$0x1e] =	wrdreg s17  }
0x28: {  	s26 =	sadd.s32 $0x14, s8;
	s4 =	sadd.s32 s21, s25;
	[dreg:$0x12] =	wrdreg s13  }
0x29: {  	s0 =	simm.s32 $0x2C00;
	s14 =	sadd.s32 s5, s26;
	[dreg:$0x19] =	wrdreg s4  }
0x2a: {  	s12 =	simm.s32 $0x400;
	s11 =	sadd.s32 s11, s2;
	[dreg:$0x1c] =	wrdreg s14  }
0x2b: {  	s15 =	simm.s32 $0x1;
	s22 =	sadd.s32 s24, s2;
	[dreg:$0x16] =	wrdreg s11  }
0x2c: {  	s16 =	sadd.s32 $0x1E, s8;
	s13 =	sadd.s32 s21, s26;
	[dreg:$0x18] =	wrdreg s22  }
0x2d: {  	s6 =	sadd.s32 s8, s6;
	s23 =	sadd.s32 s21, s16;
	[dreg:$0x1b] =	wrdreg s13  }
0x2e: {  	s8 =	sadd.s32 $0x4D8, s8;
	s9 =	sadd.s32 s5, s16;
	[dreg:$0x1f] =	wrdreg s23  }
0x2f: {  	s24 =	sadd.s32 s21, s8;
	s8 =	sadd.s32 s5, s8;
	[smem:$0x7F7] =	sst s9  }
0x30: {  	s25 =	sadd.s32 $0x27000, s10;
	s6 =	sadd.s32 $0x15E00, s6;
	[smem:$0x7F8] =	sst s24  }
0x31: {  	s26 =	sadd.s32 $0x140, s7;
	s4 =	simm.s32 $0x7;
	[smem:$0x7F9] =	sst s8  }
0x32: {  	s14 =	simm.s32 $0x3;
	s7 =	simm.s32 $0x4;
	[smem:$0x7FA] =	sst s25  }
0x33: {  	s10 =	simm.s32 $0x6;
	s16 =	simm.s32 $0x0;
	[smem:$0x7FB] =	sst s6  }
0x34: {  	[smem:$0x7FD] =	sst s26;
	s13 =	sadd.s32 $0x138000, s2;
	s23 =	simm.s32 $0x80  }
0x35: {  	s24 =	simm.s32 $0x100;
	s25 =	simm.s32 $0x180;
	s26 =	simm.s32 $0x200  }
0x36: {  	v0 =	vimm.f32 $0.0e+00;
	v1 =	vimm.f32 $1.000000000e+00;
	s6 =	simm.s32 $0x18C80;
	s8 =	simm.s32 $0x2;
	s9 =	simm.s32 $0x5  }
.LBB2_1:
0x37: {  	[smem:$0x7F4] =	sst s16  }
0x38: {  	s17 =	rddreg [dreg:$0x12]  }
0x39: {  	[tilespmem:s12], [sflag:$0x7] =	stream.linear.gather [hbm4b:s17+s3], $0x2800, $0x38;
	[tilespmem:$0x1B400] =	vst v63  }
0x3a: {  	_ =	swait.ge [sflag:s4], $0x2800  }
0x3b: {  	[sflag:s4] =	ssyncset.done $0x0  }
0x3c: {  	[sflag:s4] =	ssyncadd.s32 $0xFFFFD800  }
0x3d: {  	[spmem:s11] =	stream.linear.scatter [tilespmem:s12], [sflag:$0x3], $0x2800, $0x38;
	[tilespmem:$0x1B400] =	vst v63  }
0x3e: {  	s4 =	sld [smem:$0x7F5]  }
0x3f: {  	[spmem:s19] =	stream.linear.scatter [tilespmem:s12], [sflag:$0x3], $0x2800, $0x38;
	[tilespmem:$0x1B400] =	vst v63  }
0x40: {  	s11 =	sld [smem:$0x7F6]  }
0x41: {  	[spmem:s4] =	stream.linear.scatter [tilespmem:s12], [sflag:$0x3], $0x2800, $0x38;
	[tilespmem:$0x1B400] =	vst v63  }
0x42: {  	_ = 	snop  }
0x43: {  	[spmem:s11] =	stream.linear.scatter [tilespmem:s12], [sflag:$0x3], $0x2800, $0x38;
	[tilespmem:$0x1B400] =	vst v63  }
0x44: {  	s19 =	rddreg [dreg:$0x14]  }
0x45: {  	[spmem:s19] =	stream.linear.scatter [tilespmem:s12], [sflag:$0x3], $0x2800, $0x38;
	[tilespmem:$0x1B400] =	vst v63  }
0x46: {  	_ = 	snop  }
0x47: {  	[spmem:s18] =	stream.linear.scatter [tilespmem:s12], [sflag:$0x3], $0x2800, $0x38;
	[tilespmem:$0x1B400] =	vst v63  }
0x48: {  	_ = 	snop  }
0x49: {  	[spmem:s20] =	stream.linear.scatter [tilespmem:s12], [sflag:$0x3], $0x2800, $0x38;
	[tilespmem:$0x1B400] =	vst v63  }
0x4a: {  	_ = 	snop  }
0x4b: {  	[spmem:s22] =	stream.linear.scatter [tilespmem:s12], [sflag:$0x3], $0x2000, $0x38;
	[tilespmem:$0x1B400] =	vst v63  }
0x4c: {  	s17 =	simm.s32 @!p0 $0x400  }
0x4d: {  	[spmem:s13] =	stream.linear.scatter @!p0 [tilespmem:s17], [sflag:$0x3], $0x800, $0x38;
	[tilespmem:$0x1B400] =	vst v63  }
0x4e: {  	s18 =	simm.s32 $0x0;
	s17 =	simm.s32 $0x40  }
.LBB2_2:
0x4f: {  	p1 =	sne.s32 s17, $0x9C00;
	[tilespmem:s18+$0x18C80] =	vst v0;
	s18 =	smov.u32 s17;
	s17 =	sadd.s32 $0x40, s17  }
.Ltmp0:
0x50: {  	(pc) =	sbr.rel @p1 .LBB2_2-.Ltmp0, $2  }
0x51: {  	_ =	sdelay $0x2  }
0x52: {  	s18 =	sshra.s32 s18, $0x2  }
0x53: {  	[tilespmem:s18+$0x18C80] =	vst v0  }
0x54: {  	_ =	swait.ge [sflag:s14], $0x2800  }
0x55: {  	[sflag:s14] =	ssyncset.done $0x0  }
0x56: {  	[sflag:s14] =	ssyncadd.s32 $0xFFFFD800  }
0x57: {  	_ =	swait.ge [sflag:s14], $0x2800  }
0x58: {  	[sflag:s14] =	ssyncset.done $0x0  }
0x59: {  	[sflag:s14] =	ssyncadd.s32 $0xFFFFD800  }
0x5a: {  	_ =	swait.ge [sflag:s14], $0x2800  }
0x5b: {  	[sflag:s14] =	ssyncset.done $0x0  }
0x5c: {  	[sflag:s14] =	ssyncadd.s32 $0xFFFFD800  }
0x5d: {  	_ =	swait.ge [sflag:s14], $0x2800  }
0x5e: {  	[sflag:s14] =	ssyncset.done $0x0  }
0x5f: {  	[sflag:s14] =	ssyncadd.s32 $0xFFFFD800  }
0x60: {  	_ =	swait.ge [sflag:s14], $0x2800  }
0x61: {  	[sflag:s14] =	ssyncset.done $0x0  }
0x62: {  	[sflag:s14] =	ssyncadd.s32 $0xFFFFD800  }
0x63: {  	_ =	swait.ge [sflag:s14], $0x2800  }
0x64: {  	[sflag:s14] =	ssyncset.done $0x0  }
0x65: {  	[sflag:s14] =	ssyncadd.s32 $0xFFFFD800  }
0x66: {  	_ =	swait.ge [sflag:s14], $0x2800  }
0x67: {  	[sflag:s14] =	ssyncset.done $0x0  }
0x68: {  	[sflag:s14] =	ssyncadd.s32 $0xFFFFD800  }
0x69: {  	_ =	swait.ge [sflag:s14], $0x2000  }
0x6a: {  	[sflag:s14] =	ssyncset.done $0x0  }
0x6b: {  	s17 =	simm.s32 @!p0 $0x3;
	[sflag:s14] =	ssyncadd.s32 $0xFFFFE000  }
0x6c: {  	_ =	swait.ge @!p0 [sflag:s17], $0x800  }
0x6d: {  	[sflag:s17] =	ssyncset.done @!p0 $0x0  }
0x6e: {  	[sflag:s17] =	ssyncadd.s32 @!p0 $0xFFFFF800  }
0x6f: {  	s22 =	smov.u32 s11;
	[bflag:$0x0] =	sbarrier.arrive $0xFFFF  }
0x70: {  	s11 =	simm.s32 $0x7;
	s17 =	simm.s32 $0x0;
	s16 =	rddreg [dreg:$0x1d]  }
0x71: {  	[tilespmem:s17], [sflag:$0x7] =	stream.linear.gather [hbm4b:s16+s17], $0x50, $0x38;
	[tilespmem:$0x1B400] =	vst v63  }
0x72: {  	_ =	swait.ge [sflag:s11], $0x50  }
0x73: {  	[sflag:s11] =	ssyncset.done $0x0  }
0x74: {  	s18 =	rddreg [dreg:$0x1e];
	[sflag:s11] =	ssyncadd.s32 $0xFFFFFFB0  }
0x75: {  	[tilespmem:s23], [sflag:$0x7] =	stream.linear.gather [hbm4b:s18+s17], $0x50, $0x38;
	[tilespmem:$0x1B400] =	vst v63  }
0x76: {  	_ =	swait.ge [sflag:s11], $0x50  }
0x77: {  	[sflag:s11] =	ssyncset.done $0x0  }
0x78: {  	s19 =	rddreg [dreg:$0x19];
	[sflag:s11] =	ssyncadd.s32 $0xFFFFFFB0  }
0x79: {  	[tilespmem:s24], [sflag:$0x7] =	stream.linear.gather [hbm4b:s19+s17], $0x50, $0x38;
	[tilespmem:$0x1B400] =	vst v63  }
0x7a: {  	_ =	swait.ge [sflag:s11], $0x50  }
0x7b: {  	[sflag:s11] =	ssyncset.done $0x0  }
0x7c: {  	s20 =	rddreg [dreg:$0x1a];
	[sflag:s11] =	ssyncadd.s32 $0xFFFFFFB0  }
0x7d: {  	[tilespmem:s25], [sflag:$0x7] =	stream.linear.gather [hbm4b:s20+s17], $0x50, $0x38;
	[tilespmem:$0x1B400] =	vst v63  }
0x7e: {  	_ =	swait.ge [sflag:s11], $0x50  }
0x7f: {  	[sflag:s11] =	ssyncset.done $0x0;
	s18 =	rddreg [dreg:$0x1c]  }
0x80: {  	[sflag:s11] =	ssyncadd.s32 $0xFFFFFFB0;
	s11 =	rddreg [dreg:$0x1b]  }
0x81: {  	[tilespmem:s26], [sflag:$0x2] =	stream.linear.gather [hbm4b:s11+s17], $0x50, $0x38;
	[tilespmem:$0x1B400] =	vst v63  }
0x82: {  	s19 =	rddreg [dreg:$0x1f]  }
0x83: {  	[tilespmem:s28], [sflag:$0x2] =	stream.linear.gather [hbm4b:s18+s17], $0x50, $0x38;
	[tilespmem:$0x1B400] =	vst v63  }
0x84: {  	s20 =	sld [smem:$0x7F7]  }
0x85: {  	[tilespmem:s29], [sflag:$0x2] =	stream.linear.gather [hbm4b:s19+s17], $0x50, $0x38;
	[tilespmem:$0x1B400] =	vst v63  }
0x86: {  	_ = 	snop  }
0x87: {  	[tilespmem:s30], [sflag:$0x2] =	stream.linear.gather [hbm4b:s20+s17], $0x50, $0x38;
	[tilespmem:$0x1B400] =	vst v63  }
0x88: {  	_ = 	snop  }
0x89: {  	[tilespmem:s12], [sflag:$0x3] =	stream.indirect.gather [hbm4b:s1+s31], $0x80, s17, s31, $0xb8;
	[tilespmem:$0x1B400] =	vst v63  }
0x8a: {  	_ = 	snop  }
0x8b: {  	[tilespmem:s0], [sflag:$0x4] =	stream.indirect.gather [hbm4b:s1+s31], $0x80, s24, s31, $0xb8;
	[tilespmem:$0x1B400] =	vst v63  }
0x8c: {  	v2 =	vld [tilespmem:$0x80];
	_ =	sdelay $0x7  }
0x8d: {  	[tilespmem:v2+s6+$0x0] =	vst.idx.add.f32.msk $0xffff, v1  }
0x8e: {  	v2 =	vld [tilespmem:$0x90];
	_ =	sdelay $0x7  }
0x8f: {  	[tilespmem:v2+s6+$0x0] =	vst.idx.add.f32.msk $0xffff, v1  }
0x90: {  	v2 =	vld [tilespmem:$0xA0];
	_ =	sdelay $0x7  }
0x91: {  	[tilespmem:v2+s6+$0x0] =	vst.idx.add.f32.msk $0xffff, v1  }
0x92: {  	v2 =	vld [tilespmem:$0xB0];
	_ =	sdelay $0x7  }
0x93: {  	[tilespmem:v2+s6+$0x0] =	vst.idx.add.f32.msk $0xffff, v1  }
0x94: {  	v2 =	vld [tilespmem:$0xC0];
	_ =	sdelay $0x7  }
0x95: {  	[tilespmem:v2+s6+$0x0] =	vst.idx.add.f32.msk $0xffff, v1  }
0x96: {  	v2 =	vld [tilespmem:$0x180];
	_ =	sdelay $0x7  }
0x97: {  	[tilespmem:v2+s6+$0x0] =	vst.idx.add.f32.msk $0xffff, v1  }
0x98: {  	v2 =	vld [tilespmem:$0x190];
	_ =	sdelay $0x7  }
0x99: {  	[tilespmem:v2+s6+$0x0] =	vst.idx.add.f32.msk $0xffff, v1  }
0x9a: {  	v2 =	vld [tilespmem:$0x1A0];
	_ =	sdelay $0x7  }
0x9b: {  	[tilespmem:v2+s6+$0x0] =	vst.idx.add.f32.msk $0xffff, v1  }
0x9c: {  	v2 =	vld [tilespmem:$0x1B0];
	_ =	sdelay $0x7  }
0x9d: {  	[tilespmem:v2+s6+$0x0] =	vst.idx.add.f32.msk $0xffff, v1  }
0x9e: {  	v2 =	vld [tilespmem:$0x1C0];
	_ =	sdelay $0x7  }
0x9f: {  	[tilespmem:v2+s6+$0x0] =	vst.idx.add.f32.msk $0xffff, v1  }
0xa0: {  	_ =	swait.ge [sflag:s14], $0x2800  }
0xa1: {  	[sflag:s14] =	ssyncset.done $0x0  }
0xa2: {  	[sflag:s14] =	ssyncadd.s32 $0xFFFFD800  }
0xa3: {  	[spmem:s2] =	stream.indirect.scatter.add.f32 [tilespmem:s12], [sflag:$0x5], $0x80, s23, s31, $0xb8;
	[tilespmem:$0x1B400] =	vst v63  }
0xa4: {  	_ =	swait.ge [sflag:s7], $0x2800  }
0xa5: {  	[sflag:s7] =	ssyncset.done $0x0  }
0xa6: {  	s18 =	sld [smem:$0x7FD];
	[sflag:s7] =	ssyncadd.s32 $0xFFFFD800  }
0xa7: {  	[spmem:s2] =	stream.indirect.scatter.add.f32 [tilespmem:s0], [sflag:$0x6], $0x80, s25, s31, $0xb8;
	[tilespmem:$0x1B400] =	vst v63  }
.LBB2_4:
0xa8: {  	_ =	swait.ge [sflag:s8], $0x50  }
0xa9: {  	[sflag:s8] =	ssyncset.done $0x0  }
0xaa: {  	[sflag:s8] =	ssyncadd.s32 $0xFFFFFFB0  }
0xab: {  	_ =	swait.ge [sflag:s8], $0x50  }
0xac: {  	[sflag:s8] =	ssyncset.done $0x0  }
0xad: {  	[sflag:s8] =	ssyncadd.s32 $0xFFFFFFB0  }
0xae: {  	_ =	swait.ge [sflag:s8], $0x50  }
0xaf: {  	[sflag:s8] =	ssyncset.done $0x0  }
0xb0: {  	[sflag:s8] =	ssyncadd.s32 $0xFFFFFFB0  }
0xb1: {  	_ =	swait.ge [sflag:s8], $0x50  }
0xb2: {  	[sflag:s8] =	ssyncset.done $0x0  }
0xb3: {  	[sflag:s8] =	ssyncadd.s32 $0xFFFFFFB0  }
0xb4: {  	_ =	swait.ge [sflag:s9], $0x2800  }
0xb5: {  	[sflag:s9] =	ssyncset.done $0x0  }
0xb6: {  	[sflag:s9] =	ssyncadd.s32 $0xFFFFD800  }
0xb7: {  	_ =	swait.ge [sflag:s10], $0x2800  }
0xb8: {  	s19 =	sshrl.u32 s18, $0x3;
	[sflag:s10] =	ssyncset.done $0x0  }
0xb9: {  	s20 =	sadd.s32 s21, s19;
	[sflag:s10] =	ssyncadd.s32 $0xFFFFD800  }
0xba: {  	[tilespmem:s3], [sflag:$0x1] =	stream.linear.gather [hbm4b:s20+s3], $0x50, $0x38;
	[tilespmem:$0x1B400] =	vst v63  }
0xbb: {  	s19 =	sadd.s32 s5, s19;
	s11 =	rddreg [dreg:$0x9]  }
0xbc: {  	[tilespmem:s23], [sflag:$0x1] =	stream.linear.gather [hbm4b:s19+s3], $0x50, $0x38;
	[tilespmem:$0x1B400] =	vst v63  }
0xbd: {  	s16 =	rddreg [dreg:$0x8];
	s20 =	sadd.s32 s17, s11  }
0xbe: {  	[tilespmem:s24], [sflag:$0x1] =	stream.linear.gather [hbm4b:s20+s3], $0x50, $0x38;
	[tilespmem:$0x1B400] =	vst v63  }
0xbf: {  	s19 =	sadd.s32 s17, s16  }
0xc0: {  	[tilespmem:s25], [sflag:$0x1] =	stream.linear.gather [hbm4b:s19+s3], $0x50, $0x38;
	[tilespmem:$0x1B400] =	vst v63  }
0xc1: {  	_ = 	snop  }
0xc2: {  	[tilespmem:s12], [sflag:$0x3] =	stream.indirect.gather [hbm4b:s1+s31], $0x80, s26, s31, $0xb8;
	[tilespmem:$0x1B400] =	vst v63  }
0xc3: {  	_ = 	snop  }
0xc4: {  	[tilespmem:s0], [sflag:$0x4] =	stream.indirect.gather [hbm4b:s1+s31], $0x80, s29, s31, $0xb8;
	[tilespmem:$0x1B400] =	vst v63  }
0xc5: {  	v2 =	vld [tilespmem:$0x280];
	_ =	sdelay $0x7  }
0xc6: {  	[tilespmem:v2+s6+$0x0] =	vst.idx.add.f32.msk $0xffff, v1  }
0xc7: {  	v2 =	vld [tilespmem:$0x290];
	_ =	sdelay $0x7  }
0xc8: {  	[tilespmem:v2+s6+$0x0] =	vst.idx.add.f32.msk $0xffff, v1  }
0xc9: {  	v2 =	vld [tilespmem:$0x2A0];
	_ =	sdelay $0x7  }
0xca: {  	[tilespmem:v2+s6+$0x0] =	vst.idx.add.f32.msk $0xffff, v1  }
0xcb: {  	v2 =	vld [tilespmem:$0x2B0];
	_ =	sdelay $0x7  }
0xcc: {  	[tilespmem:v2+s6+$0x0] =	vst.idx.add.f32.msk $0xffff, v1  }
0xcd: {  	v2 =	vld [tilespmem:$0x2C0];
	_ =	sdelay $0x7  }
0xce: {  	[tilespmem:v2+s6+$0x0] =	vst.idx.add.f32.msk $0xffff, v1  }
0xcf: {  	v2 =	vld [tilespmem:$0x380];
	_ =	sdelay $0x7  }
0xd0: {  	[tilespmem:v2+s6+$0x0] =	vst.idx.add.f32.msk $0xffff, v1  }
0xd1: {  	v2 =	vld [tilespmem:$0x390];
	_ =	sdelay $0x7  }
0xd2: {  	[tilespmem:v2+s6+$0x0] =	vst.idx.add.f32.msk $0xffff, v1  }
0xd3: {  	v2 =	vld [tilespmem:$0x3A0];
	_ =	sdelay $0x7  }
0xd4: {  	[tilespmem:v2+s6+$0x0] =	vst.idx.add.f32.msk $0xffff, v1  }
0xd5: {  	v2 =	vld [tilespmem:$0x3B0];
	_ =	sdelay $0x7  }
0xd6: {  	[tilespmem:v2+s6+$0x0] =	vst.idx.add.f32.msk $0xffff, v1  }
0xd7: {  	v2 =	vld [tilespmem:$0x3C0];
	_ =	sdelay $0x7  }
0xd8: {  	[tilespmem:v2+s6+$0x0] =	vst.idx.add.f32.msk $0xffff, v1  }
0xd9: {  	_ =	swait.ge [sflag:s14], $0x2800  }
0xda: {  	[sflag:s14] =	ssyncset.done $0x0  }
0xdb: {  	[sflag:s14] =	ssyncadd.s32 $0xFFFFD800  }
0xdc: {  	[spmem:s2] =	stream.indirect.scatter.add.f32 [tilespmem:s12], [sflag:$0x5], $0x80, s28, s31, $0xb8;
	[tilespmem:$0x1B400] =	vst v63  }
0xdd: {  	_ =	swait.ge [sflag:s7], $0x2800  }
0xde: {  	[sflag:s7] =	ssyncset.done $0x0  }
0xdf: {  	[sflag:s7] =	ssyncadd.s32 $0xFFFFD800  }
0xe0: {  	[spmem:s2] =	stream.indirect.scatter.add.f32 [tilespmem:s0], [sflag:$0x6], $0x80, s30, s31, $0xb8;
	[tilespmem:$0x1B400] =	vst v63  }
0xe1: {  	_ =	swait.ge [sflag:s15], $0x50  }
0xe2: {  	[sflag:s15] =	ssyncset.done $0x0  }
0xe3: {  	[sflag:s15] =	ssyncadd.s32 $0xFFFFFFB0  }
0xe4: {  	_ =	swait.ge [sflag:s15], $0x50  }
0xe5: {  	[sflag:s15] =	ssyncset.done $0x0  }
0xe6: {  	[sflag:s15] =	ssyncadd.s32 $0xFFFFFFB0  }
0xe7: {  	_ =	swait.ge [sflag:s15], $0x50  }
0xe8: {  	[sflag:s15] =	ssyncset.done $0x0  }
0xe9: {  	[sflag:s15] =	ssyncadd.s32 $0xFFFFFFB0  }
0xea: {  	_ =	swait.ge [sflag:s15], $0x50  }
0xeb: {  	[sflag:s15] =	ssyncset.done $0x0  }
0xec: {  	[sflag:s15] =	ssyncadd.s32 $0xFFFFFFB0  }
0xed: {  	_ =	swait.ge [sflag:s9], $0x2800  }
0xee: {  	[sflag:s9] =	ssyncset.done $0x0  }
0xef: {  	[sflag:s9] =	ssyncadd.s32 $0xFFFFD800  }
0xf0: {  	_ =	swait.ge [sflag:s10], $0x2800  }
0xf1: {  	s11 =	rddreg [dreg:$0x5];
	[sflag:s10] =	ssyncset.done $0x0  }
0xf2: {  	s16 =	rddreg [dreg:$0x4];
	[sflag:s10] =	ssyncadd.s32 $0xFFFFD800;
	s19 =	sadd.s32 s17, s11  }
0xf3: {  	[tilespmem:s26], [sflag:$0x2] =	stream.linear.gather [hbm4b:s19+s3], $0x50, $0x38;
	[tilespmem:$0x1B400] =	vst v63  }
0xf4: {  	s20 =	sadd.s32 s17, s16;
	s11 =	rddreg [dreg:$0x7]  }
0xf5: {  	[tilespmem:s28], [sflag:$0x2] =	stream.linear.gather [hbm4b:s20+s3], $0x50, $0x38;
	[tilespmem:$0x1B400] =	vst v63  }
0xf6: {  	s16 =	rddreg [dreg:$0x6];
	s20 =	sadd.s32 s17, s11  }
0xf7: {  	[tilespmem:s29], [sflag:$0x2] =	stream.linear.gather [hbm4b:s20+s3], $0x50, $0x38;
	[tilespmem:$0x1B400] =	vst v63  }
0xf8: {  	s19 =	sadd.s32 s17, s16  }
0xf9: {  	[tilespmem:s30], [sflag:$0x2] =	stream.linear.gather [hbm4b:s19+s3], $0x50, $0x38;
	[tilespmem:$0x1B400] =	vst v63  }
0xfa: {  	_ = 	snop  }
0xfb: {  	[tilespmem:s12], [sflag:$0x3] =	stream.indirect.gather [hbm4b:s1+s31], $0x80, s3, s31, $0xb8;
	[tilespmem:$0x1B400] =	vst v63  }
0xfc: {  	_ = 	snop  }
0xfd: {  	[tilespmem:s0], [sflag:$0x4] =	stream.indirect.gather [hbm4b:s1+s31], $0x80, s24, s31, $0xb8;
	[tilespmem:$0x1B400] =	vst v63  }
0xfe: {  	v2 =	vld [tilespmem:$0x80];
	_ =	sdelay $0x7  }
0xff: {  	[tilespmem:v2+s6+$0x0] =	vst.idx.add.f32.msk $0xffff, v1  }
0x100: {  	v2 =	vld [tilespmem:$0x90];
	_ =	sdelay $0x7  }
0x101: {  	[tilespmem:v2+s6+$0x0] =	vst.idx.add.f32.msk $0xffff, v1  }
0x102: {  	v2 =	vld [tilespmem:$0xA0];
	_ =	sdelay $0x7  }
0x103: {  	[tilespmem:v2+s6+$0x0] =	vst.idx.add.f32.msk $0xffff, v1  }
0x104: {  	v2 =	vld [tilespmem:$0xB0];
	_ =	sdelay $0x7  }
0x105: {  	[tilespmem:v2+s6+$0x0] =	vst.idx.add.f32.msk $0xffff, v1  }
0x106: {  	v2 =	vld [tilespmem:$0xC0];
	_ =	sdelay $0x7  }
0x107: {  	[tilespmem:v2+s6+$0x0] =	vst.idx.add.f32.msk $0xffff, v1  }
0x108: {  	v2 =	vld [tilespmem:$0x180];
	_ =	sdelay $0x7  }
0x109: {  	[tilespmem:v2+s6+$0x0] =	vst.idx.add.f32.msk $0xffff, v1  }
0x10a: {  	v2 =	vld [tilespmem:$0x190];
	_ =	sdelay $0x7  }
0x10b: {  	[tilespmem:v2+s6+$0x0] =	vst.idx.add.f32.msk $0xffff, v1  }
0x10c: {  	v2 =	vld [tilespmem:$0x1A0];
	_ =	sdelay $0x7  }
0x10d: {  	[tilespmem:v2+s6+$0x0] =	vst.idx.add.f32.msk $0xffff, v1  }
0x10e: {  	v2 =	vld [tilespmem:$0x1B0];
	_ =	sdelay $0x7  }
0x10f: {  	[tilespmem:v2+s6+$0x0] =	vst.idx.add.f32.msk $0xffff, v1  }
0x110: {  	v2 =	vld [tilespmem:$0x1C0];
	_ =	sdelay $0x7  }
0x111: {  	[tilespmem:v2+s6+$0x0] =	vst.idx.add.f32.msk $0xffff, v1  }
0x112: {  	_ =	swait.ge [sflag:s14], $0x2800  }
0x113: {  	[sflag:s14] =	ssyncset.done $0x0  }
0x114: {  	p1 =	sne.s32 s17, $0x488;
	[sflag:s14] =	ssyncadd.s32 $0xFFFFD800  }
0x115: {  	[spmem:s2] =	stream.indirect.scatter.add.f32 [tilespmem:s12], [sflag:$0x5], $0x80, s23, s31, $0xb8;
	[tilespmem:$0x1B400] =	vst v63  }
.Ltmp1:
0x116: {  	_ = 	snop;
	(pc) =	sbr.rel @p1 .LBB2_4-.Ltmp1, $4  }
0x117: {  	_ =	swait.ge [sflag:s7], $0x2800  }
0x118: {  	[sflag:s7] =	ssyncset.done $0x0  }
0x119: {  	s18 =	sadd.s32 $0x140, s18;
	s17 =	sadd.s32 $0x28, s17;
	[sflag:s7] =	ssyncadd.s32 $0xFFFFD800  }
0x11a: {  	[spmem:s2] =	stream.indirect.scatter.add.f32 [tilespmem:s0], [sflag:$0x6], $0x80, s25, s31, $0xb8;
	[tilespmem:$0x1B400] =	vst v63  }
0x11b: {  	_ =	swait.ge [sflag:s8], $0x50  }
0x11c: {  	[sflag:s8] =	ssyncset.done $0x0  }
0x11d: {  	[sflag:s8] =	ssyncadd.s32 $0xFFFFFFB0  }
0x11e: {  	_ =	swait.ge [sflag:s8], $0x50  }
0x11f: {  	[sflag:s8] =	ssyncset.done $0x0  }
0x120: {  	[sflag:s8] =	ssyncadd.s32 $0xFFFFFFB0  }
0x121: {  	_ =	swait.ge [sflag:s8], $0x50  }
0x122: {  	[sflag:s8] =	ssyncset.done $0x0  }
0x123: {  	[sflag:s8] =	ssyncadd.s32 $0xFFFFFFB0  }
0x124: {  	_ =	swait.ge [sflag:s8], $0x50  }
0x125: {  	[sflag:s8] =	ssyncset.done $0x0  }
0x126: {  	[sflag:s8] =	ssyncadd.s32 $0xFFFFFFB0  }
0x127: {  	_ =	swait.ge [sflag:s9], $0x2800  }
0x128: {  	[sflag:s9] =	ssyncset.done $0x0  }
0x129: {  	[sflag:s9] =	ssyncadd.s32 $0xFFFFD800  }
0x12a: {  	_ =	swait.ge [sflag:s10], $0x2800  }
0x12b: {  	s16 =	sld [smem:$0x7F8]  }
0x12c: {  	[sflag:s10] =	ssyncset.done $0x0  }
0x12d: {  	s18 =	sld [smem:$0x7F9];
	[sflag:s10] =	ssyncadd.s32 $0xFFFFD800  }
0x12e: {  	[tilespmem:s3], [sflag:$0x1] =	stream.linear.gather [hbm4b:s16+s3], $0x50, $0x38;
	[tilespmem:$0x1B400] =	vst v63  }
0x12f: {  	_ = 	snop  }
0x130: {  	[tilespmem:s23], [sflag:$0x1] =	stream.linear.gather [hbm4b:s18+s3], $0x50, $0x38;
	[tilespmem:$0x1B400] =	vst v63  }
0x131: {  	_ = 	snop  }
0x132: {  	[tilespmem:s12], [sflag:$0x3] =	stream.indirect.gather [hbm4b:s1+s31], $0x80, s26, s31, $0xb8;
	[tilespmem:$0x1B400] =	vst v63  }
0x133: {  	_ = 	snop  }
0x134: {  	[tilespmem:s0], [sflag:$0x4] =	stream.indirect.gather [hbm4b:s1+s31], $0x80, s29, s31, $0xb8;
	[tilespmem:$0x1B400] =	vst v63  }
0x135: {  	v2 =	vld [tilespmem:$0x280];
	_ =	sdelay $0x7  }
0x136: {  	[tilespmem:v2+s6+$0x0] =	vst.idx.add.f32.msk $0xffff, v1  }
0x137: {  	v2 =	vld [tilespmem:$0x290];
	_ =	sdelay $0x7  }
0x138: {  	[tilespmem:v2+s6+$0x0] =	vst.idx.add.f32.msk $0xffff, v1  }
0x139: {  	v2 =	vld [tilespmem:$0x2A0];
	_ =	sdelay $0x7  }
0x13a: {  	[tilespmem:v2+s6+$0x0] =	vst.idx.add.f32.msk $0xffff, v1  }
0x13b: {  	v2 =	vld [tilespmem:$0x2B0];
	_ =	sdelay $0x7  }
0x13c: {  	[tilespmem:v2+s6+$0x0] =	vst.idx.add.f32.msk $0xffff, v1  }
0x13d: {  	v2 =	vld [tilespmem:$0x2C0];
	_ =	sdelay $0x7  }
0x13e: {  	[tilespmem:v2+s6+$0x0] =	vst.idx.add.f32.msk $0xffff, v1  }
0x13f: {  	v2 =	vld [tilespmem:$0x380];
	_ =	sdelay $0x7  }
0x140: {  	[tilespmem:v2+s6+$0x0] =	vst.idx.add.f32.msk $0xffff, v1  }
0x141: {  	v2 =	vld [tilespmem:$0x390];
	_ =	sdelay $0x7  }
0x142: {  	[tilespmem:v2+s6+$0x0] =	vst.idx.add.f32.msk $0xffff, v1  }
0x143: {  	v2 =	vld [tilespmem:$0x3A0];
	_ =	sdelay $0x7  }
0x144: {  	[tilespmem:v2+s6+$0x0] =	vst.idx.add.f32.msk $0xffff, v1  }
0x145: {  	v2 =	vld [tilespmem:$0x3B0];
	_ =	sdelay $0x7  }
0x146: {  	[tilespmem:v2+s6+$0x0] =	vst.idx.add.f32.msk $0xffff, v1  }
0x147: {  	v2 =	vld [tilespmem:$0x3C0];
	_ =	sdelay $0x7  }
0x148: {  	[tilespmem:v2+s6+$0x0] =	vst.idx.add.f32.msk $0xffff, v1  }
0x149: {  	_ =	swait.ge [sflag:s14], $0x2800  }
0x14a: {  	[sflag:s14] =	ssyncset.done $0x0  }
0x14b: {  	[sflag:s14] =	ssyncadd.s32 $0xFFFFD800  }
0x14c: {  	[spmem:s2] =	stream.indirect.scatter.add.f32 [tilespmem:s12], [sflag:$0x5], $0x80, s28, s31, $0xb8;
	[tilespmem:$0x1B400] =	vst v63  }
0x14d: {  	_ =	swait.ge [sflag:s7], $0x2800  }
0x14e: {  	[sflag:s7] =	ssyncset.done $0x0  }
0x14f: {  	[sflag:s7] =	ssyncadd.s32 $0xFFFFD800  }
0x150: {  	[spmem:s2] =	stream.indirect.scatter.add.f32 [tilespmem:s0], [sflag:$0x6], $0x80, s30, s31, $0xb8;
	[tilespmem:$0x1B400] =	vst v63  }
0x151: {  	_ =	swait.ge [sflag:s15], $0x50  }
0x152: {  	[sflag:s15] =	ssyncset.done $0x0  }
0x153: {  	[sflag:s15] =	ssyncadd.s32 $0xFFFFFFB0  }
0x154: {  	_ =	swait.ge [sflag:s15], $0x50  }
0x155: {  	[sflag:s15] =	ssyncset.done $0x0  }
0x156: {  	[sflag:s15] =	ssyncadd.s32 $0xFFFFFFB0  }
0x157: {  	_ =	swait.ge [sflag:s9], $0x2800  }
0x158: {  	[sflag:s9] =	ssyncset.done $0x0  }
0x159: {  	[sflag:s9] =	ssyncadd.s32 $0xFFFFD800  }
0x15a: {  	[tilespmem:s12], [sflag:$0x3] =	stream.indirect.gather [hbm4b:s1+s31], $0x80, s3, s31, $0xb8;
	[tilespmem:$0x1B400] =	vst v63  }
0x15b: {  	v2 =	vld [tilespmem:$0x80];
	_ =	sdelay $0x7  }
0x15c: {  	[tilespmem:v2+s6+$0x0] =	vst.idx.add.f32.msk $0xffff, v1  }
0x15d: {  	v2 =	vld [tilespmem:$0x90];
	_ =	sdelay $0x7  }
0x15e: {  	[tilespmem:v2+s6+$0x0] =	vst.idx.add.f32.msk $0xffff, v1  }
0x15f: {  	v2 =	vld [tilespmem:$0xA0];
	_ =	sdelay $0x7  }
0x160: {  	[tilespmem:v2+s6+$0x0] =	vst.idx.add.f32.msk $0xffff, v1  }
0x161: {  	v2 =	vld [tilespmem:$0xB0];
	_ =	sdelay $0x7  }
0x162: {  	[tilespmem:v2+s6+$0x0] =	vst.idx.add.f32.msk $0xffff, v1  }
0x163: {  	v2 =	vld [tilespmem:$0xC0];
	_ =	sdelay $0x7  }
0x164: {  	[tilespmem:v2+s6+$0x0] =	vst.idx.add.f32.msk $0xffff, v1  }
0x165: {  	_ =	swait.ge [sflag:s14], $0x2800  }
0x166: {  	[sflag:s14] =	ssyncset.done $0x0  }
0x167: {  	[sflag:s14] =	ssyncadd.s32 $0xFFFFD800  }
0x168: {  	[spmem:s2] =	stream.indirect.scatter.add.f32 [tilespmem:s12], [sflag:$0x5], $0x80, s23, s31, $0xb8;
	[tilespmem:$0x1B400] =	vst v63  }
0x169: {  	_ =	swait.ge [sflag:s9], $0x2800  }
0x16a: {  	[sflag:s9] =	ssyncset.done $0x0  }
0x16b: {  	[sflag:s9] =	ssyncadd.s32 $0xFFFFD800  }
0x16c: {  	_ =	swait.ge [sflag:s10], $0x2800  }
0x16d: {  	[sflag:s10] =	ssyncset.done $0x0  }
0x16e: {  	[sflag:s10] =	ssyncadd.s32 $0xFFFFD800  }
0x16f: {  	[bflag:$0x0] =	sbarrier.arrive $0xFFFF  }
0x170: {  	s11 =	rddreg [dreg:$0x16]  }
0x171: {  	[tilespmem:s12], [sflag:$0x7] =	stream.linear.gather [spmem:s11], $0x2800, $0x38;
	[tilespmem:$0x1B400] =	vst v63  }
0x172: {  	s11 =	simm.s32 $0x7  }
0x173: {  	_ =	swait.ge [sflag:s11], $0x2800  }
0x174: {  	[sflag:s11] =	ssyncset.done $0x0  }
0x175: {  	s17 =	rddreg [dreg:$0xa];
	[sflag:s11] =	ssyncadd.s32 $0xFFFFD800  }
0x176: {  	[hbm4b:s17+s3] =	stream.linear.scatter [tilespmem:s12], [sflag:$0x3], $0x2800, $0x38;
	[tilespmem:$0x1B400] =	vst v63  }
0x177: {  	s19 =	rddreg [dreg:$0x13]  }
0x178: {  	[tilespmem:s0], [sflag:$0x7] =	stream.linear.gather [spmem:s19], $0x2800, $0x38;
	[tilespmem:$0x1B400] =	vst v63  }
0x179: {  	_ =	swait.ge [sflag:s11], $0x2800  }
0x17a: {  	[sflag:s11] =	ssyncset.done $0x0  }
0x17b: {  	s20 =	rddreg [dreg:$0xb];
	[sflag:s11] =	ssyncadd.s32 $0xFFFFD800  }
0x17c: {  	[hbm4b:s20+s3] =	stream.linear.scatter [tilespmem:s0], [sflag:$0x4], $0x2800, $0x38;
	[tilespmem:$0x1B400] =	vst v63  }
0x17d: {  	_ =	swait.ge [sflag:s14], $0x2800  }
0x17e: {  	[sflag:s14] =	ssyncset.done $0x0  }
0x17f: {  	[sflag:s14] =	ssyncadd.s32 $0xFFFFD800  }
0x180: {  	[tilespmem:s12], [sflag:$0x7] =	stream.linear.gather [spmem:s4], $0x2800, $0x38;
	[tilespmem:$0x1B400] =	vst v63  }
0x181: {  	_ =	swait.ge [sflag:s11], $0x2800  }
0x182: {  	[sflag:s11] =	ssyncset.done $0x0  }
0x183: {  	s4 =	rddreg [dreg:$0xc];
	[sflag:s11] =	ssyncadd.s32 $0xFFFFD800  }
0x184: {  	[hbm4b:s4+s3] =	stream.linear.scatter [tilespmem:s12], [sflag:$0x3], $0x2800, $0x38;
	[tilespmem:$0x1B400] =	vst v63  }
0x185: {  	_ =	swait.ge [sflag:s7], $0x2800  }
0x186: {  	[sflag:s7] =	ssyncset.done $0x0  }
0x187: {  	[sflag:s7] =	ssyncadd.s32 $0xFFFFD800  }
0x188: {  	[tilespmem:s0], [sflag:$0x7] =	stream.linear.gather [spmem:s22], $0x2800, $0x38;
	[tilespmem:$0x1B400] =	vst v63  }
0x189: {  	_ =	swait.ge [sflag:s11], $0x2800  }
0x18a: {  	[sflag:s11] =	ssyncset.done $0x0  }
0x18b: {  	s16 =	rddreg [dreg:$0xd];
	[sflag:s11] =	ssyncadd.s32 $0xFFFFD800  }
0x18c: {  	[hbm4b:s16+s3] =	stream.linear.scatter [tilespmem:s0], [sflag:$0x4], $0x2800, $0x38;
	[tilespmem:$0x1B400] =	vst v63  }
0x18d: {  	_ =	swait.ge [sflag:s14], $0x2800  }
0x18e: {  	[sflag:s14] =	ssyncset.done $0x0  }
0x18f: {  	s18 =	rddreg [dreg:$0x14];
	[sflag:s14] =	ssyncadd.s32 $0xFFFFD800  }
0x190: {  	[tilespmem:s12], [sflag:$0x7] =	stream.linear.gather [spmem:s18], $0x2800, $0x38;
	[tilespmem:$0x1B400] =	vst v63  }
0x191: {  	_ =	swait.ge [sflag:s11], $0x2800  }
0x192: {  	[sflag:s11] =	ssyncset.done $0x0  }
0x193: {  	s19 =	rddreg [dreg:$0xe];
	[sflag:s11] =	ssyncadd.s32 $0xFFFFD800  }
0x194: {  	[hbm4b:s19+s3] =	stream.linear.scatter [tilespmem:s12], [sflag:$0x3], $0x2800, $0x38;
	[tilespmem:$0x1B400] =	vst v63  }
0x195: {  	_ =	swait.ge [sflag:s7], $0x2800  }
0x196: {  	[sflag:s7] =	ssyncset.done $0x0  }
0x197: {  	s16 =	rddreg [dreg:$0x15];
	[sflag:s7] =	ssyncadd.s32 $0xFFFFD800  }
0x198: {  	[tilespmem:s0], [sflag:$0x7] =	stream.linear.gather [spmem:s16], $0x2800, $0x38;
	[tilespmem:$0x1B400] =	vst v63  }
0x199: {  	_ =	swait.ge [sflag:s11], $0x2800  }
0x19a: {  	[sflag:s11] =	ssyncset.done $0x0  }
0x19b: {  	s20 =	rddreg [dreg:$0xf];
	[sflag:s11] =	ssyncadd.s32 $0xFFFFD800  }
0x19c: {  	[hbm4b:s20+s3] =	stream.linear.scatter [tilespmem:s0], [sflag:$0x4], $0x2800, $0x38;
	[tilespmem:$0x1B400] =	vst v63  }
0x19d: {  	_ =	swait.ge [sflag:s14], $0x2800  }
0x19e: {  	[sflag:s14] =	ssyncset.done $0x0  }
0x19f: {  	s20 =	rddreg [dreg:$0x17];
	[sflag:s14] =	ssyncadd.s32 $0xFFFFD800  }
0x1a0: {  	[tilespmem:s12], [sflag:$0x7] =	stream.linear.gather [spmem:s20], $0x2800, $0x38;
	[tilespmem:$0x1B400] =	vst v63  }
0x1a1: {  	_ =	swait.ge [sflag:s11], $0x2800  }
0x1a2: {  	[sflag:s11] =	ssyncset.done $0x0  }
0x1a3: {  	s22 =	rddreg [dreg:$0x10];
	[sflag:s11] =	ssyncadd.s32 $0xFFFFD800  }
0x1a4: {  	[hbm4b:s22+s3] =	stream.linear.scatter [tilespmem:s12], [sflag:$0x3], $0x2800, $0x38;
	[tilespmem:$0x1B400] =	vst v63  }
0x1a5: {  	_ =	swait.ge [sflag:s7], $0x2800  }
0x1a6: {  	[sflag:s7] =	ssyncset.done $0x0  }
0x1a7: {  	s22 =	rddreg [dreg:$0x18];
	[sflag:s7] =	ssyncadd.s32 $0xFFFFD800  }
0x1a8: {  	[tilespmem:s0], [sflag:$0x7] =	stream.linear.gather [spmem:s22], $0x2000, $0x38;
	[tilespmem:$0x1B400] =	vst v63  }
0x1a9: {  	_ =	swait.ge [sflag:s11], $0x2000  }
0x1aa: {  	[sflag:s11] =	ssyncset.done $0x0  }
0x1ab: {  	s4 =	rddreg [dreg:$0x11];
	[sflag:s11] =	ssyncadd.s32 $0xFFFFE000  }
0x1ac: {  	[hbm4b:s4+s3] =	stream.linear.scatter [tilespmem:s0], [sflag:$0x4], $0x2000, $0x38;
	[tilespmem:$0x1B400] =	vst v63  }
0x1ad: {  	_ =	swait.ge [sflag:s14], $0x2800  }
0x1ae: {  	[sflag:s14] =	ssyncset.done $0x0  }
0x1af: {  	[sflag:s14] =	ssyncadd.s32 $0xFFFFD800  }
0x1b0: {  	_ =	swait.ge [sflag:s7], $0x2000  }
0x1b1: {  	[sflag:s7] =	ssyncset.done $0x0  }
0x1b2: {  	s17 =	simm.s32 @!p0 $0x400;
	s18 =	simm.s32 @!p0 $0x7;
	[sflag:s7] =	ssyncadd.s32 $0xFFFFE000  }
0x1b3: {  	[tilespmem:s17], [sflag:$0x7] =	stream.linear.gather @!p0 [spmem:s13], $0x800, $0x38;
	[tilespmem:$0x1B400] =	vst v63  }
0x1b4: {  	_ =	swait.ge @!p0 [sflag:s18], $0x800  }
0x1b5: {  	s4 =	smov.u32 s13;
	s13 =	sld [smem:$0x7FA]  }
0x1b6: {  	[sflag:s18] =	ssyncset.done @!p0 $0x0  }
0x1b7: {  	s19 =	simm.s32 @!p0 $0x0;
	[sflag:s18] =	ssyncadd.s32 @!p0 $0xFFFFF800  }
0x1b8: {  	[hbm4b:s13+s19] =	stream.linear.scatter @!p0 [tilespmem:s17], [sflag:$0x7], $0x800, $0x38;
	[tilespmem:$0x1B400] =	vst v63  }
0x1b9: {  	s19 =	rddreg [dreg:$0x13];
	_ =	swait.ge @!p0 [sflag:s18], $0x800  }
0x1ba: {  	s17 =	sld [smem:$0x7FB]  }
0x1bb: {  	[sflag:s18] =	ssyncset.done @!p0 $0x0  }
0x1bc: {  	[sflag:s18] =	ssyncadd.s32 @!p0 $0xFFFFF800  }
0x1bd: {  	[hbm4b:s17+s3] =	stream.linear.scatter [tilespmem:s6], [sflag:$0x7], $0x2710, $0x38;
	[tilespmem:$0x1B400] =	vst v63  }
0x1be: {  	_ =	swait.ge [sflag:s11], $0x2710  }
0x1bf: {  	s13 =	sld [smem:$0x7F4]  }
0x1c0: {  	s17 =	sld [smem:$0x7FC];
	_ =	sdelay $0x1  }
0x1c1: {  	s18 =	smov.u32 s16;
	s16 =	sadd.s32 $0x1, s13  }
0x1c2: {  	p1 =	sne.s32 s16, s17  }
.Ltmp2:
0x1c3: {  	_ = 	snop;
	(pc) =	sbr.rel @p1 .LBB2_1-.Ltmp2, $3  }
0x1c4: {  	_ =	sdelay $0x1  }
0x1c5: {  	[sflag:s11] =	ssyncset.done $0x0;
	s13 =	smov.u32 s4;
	s4 =	simm.s32 $0x7  }
0x1c6: {  	s11 =	rddreg [dreg:$0x16];
	[sflag:s4] =	ssyncadd.s32 $0xFFFFD8F0  }
0x1c7: {  	_ =	sfence.sel $0x180000  }
0x1c8: {  	[bflag:$0x0] =	sbarrier.arrive $0xFFFF  }
0x1c9: {  	_ =	strace $0x90000047  }
0x1ca: {  	[bflag:$0x2] =	sbarrier.arrive $0xFFFF  }
0x1cb: {  	s0 =	rddreg [dreg:$0x3]  }
0x1cc: {  	s0 =	sadd.s32 @!p0 $0x100000, s0  }
0x1cd: {  	[sflag:s0] =	ssyncadd.tile.s32 @!p0 $0x1;
	_ =	shalt  }
.Lfunc_end2:
_tile_overlayer_lowered:
.L_overlay_start_2:
0x1ce: {  	(tag) =	ssettag $0x2  }
0x1cf: {  	s0 =	rddreg [dreg:$0x0];
	s2 =	stileid.u32  }
0x1d0: {  	s1 =	rddreg [dreg:$0x1];
	p0 =	sne.s32 s2, $0x0  }
0x1d1: {  	s3 =	rddreg [dreg:$0x2];
	[bflag:$0x3] =	sbarrier.arrive $0xFFFF;
	s2 =	simm.s32 @!p0 $0x1C07  }
0x1d2: {  	[timem:s3], [sflag:s2] =	dma.local @!p0 [hbm:s0], s1  }
0x1d3: {  	s0 =	simm.s32 @!p0 $0x7  }
0x1d4: {  	_ =	swait.ge @!p0 [sflag:s0], s1  }
0x1d5: {  	s1 =	ssub.s32 @!p0 $0x0, s1;
	[sflag:s0] =	ssyncset.done @!p0 $0x0  }
0x1d6: {  	[sflag:s0] =	ssyncadd.s32 @!p0 s1  }
0x1d7: {  	[bflag:$0x3] =	sbarrier.arrive $0xFFFF  }
0x1d8: {  	_ =	shalt  }

</sc_bundles>
